<compile_context>
chip_gen: v7x
topology: tpu7x:2x2x1
jax: 0.10.2.dev20260603
libtpu: 0.0.44.dev20260713+nightly
codegen_flags: <defaults>
</compile_context>

<pallas_src>
import functools

import jax
import jax.numpy as jnp
from jax import lax
from jax.experimental import pallas as pl
from jax.experimental.pallas import tpu as pltpu
from jax.experimental.pallas import tpu_sc as plsc

_B, _C, _H, _W = 2, 5, 721, 1440
_K = 50
_DX = 25000.0
_DY = 25000.0
_VORT_THR = 1.4e-4
_FILL = -9999.0
_NEG = -3.0e38
_HP = 728
_KP = 64


def _tc_body(u_ref, v_ref, out_ref, m_ref, rmax_ref):
    u850 = u_ref[0, 0]
    v850 = v_ref[0, 0]

    du = jnp.concatenate(
        [u850[1:2] - u850[0:1],
         (u850[2:] - u850[:-2]) / 2.0,
         u850[_H - 1:_H] - u850[_H - 2:_H - 1]], axis=0) / _DX
    dv = jnp.concatenate(
        [v850[:, 1:2] - v850[:, 0:1],
         (v850[:, 2:] - v850[:, :-2]) / 2.0,
         v850[:, _W - 1:_W] - v850[:, _W - 2:_W - 1]], axis=1) / _DY
    vort = du + dv

    up = jnp.concatenate([vort[1:], vort[:1]], axis=0)
    dn = jnp.concatenate([vort[_H - 1:], vort[:_H - 1]], axis=0)
    m1 = jnp.maximum(jnp.maximum(vort, up), dn)
    lf = jnp.concatenate([m1[:, 1:], m1[:, :1]], axis=1)
    rt = jnp.concatenate([m1[:, _W - 1:], m1[:, :_W - 1]], axis=1)
    m2 = jnp.maximum(jnp.maximum(m1, lf), rt)
    is_peak = (vort >= m2) & (vort > _VORT_THR)
    masked = jnp.concatenate(
        [jnp.where(is_peak, vort, _NEG),
         jnp.full((_HP - _H, _W), _NEG, jnp.float32)], axis=0)
    m_ref[:, :] = masked
    rmax_ref[:, :] = jnp.max(masked, axis=1, keepdims=True)

    iota_r = jax.lax.broadcasted_iota(jnp.int32, (_HP, 1), 0)
    iota_r8 = jax.lax.broadcasted_iota(jnp.int32, (8, 1), 0)
    iota_c8 = jax.lax.broadcasted_iota(jnp.int32, (8, _W), 1)
    c8 = jax.lax.broadcasted_iota(jnp.int32, (1, 8), 1)

    for k in range(_K):
        rmax = rmax_ref[:, :]
        rm = jnp.max(rmax)
        ri = jnp.min(jnp.where(rmax == rm, iota_r, _HP))
        base = pl.multiple_of((ri // 8) * 8, 8)
        off = ri - base
        blk = m_ref[pl.ds(base, 8), :]
        rowsel = iota_r8 == off
        vals = jnp.where(rowsel, blk, _NEG)
        cm = jnp.max(vals)
        ci = jnp.min(jnp.where(vals == cm, iota_c8, _W))
        newblk = jnp.where(rowsel & (iota_c8 == ci), _NEG, blk)
        m_ref[pl.ds(base, 8), :] = newblk
        rmax_ref[pl.ds(base, 8), :] = jnp.max(newblk, axis=1, keepdims=True)
        vec = jnp.where(c8 == 0, ri.astype(jnp.float32),
                        jnp.where(c8 == 1, ci.astype(jnp.float32),
                                  jnp.where(c8 == 2, rm, 0.0)))
        out_ref[0, k:k + 1, :] = vec


def _tc_picks(x):
    return pl.pallas_call(
        _tc_body,
        grid=(_B,),
        in_specs=[pl.BlockSpec((1, 1, _H, _W), lambda i: (i, 3, 0, 0)),
                  pl.BlockSpec((1, 1, _H, _W), lambda i: (i, 4, 0, 0))],
        out_specs=pl.BlockSpec((1, _KP, 8), lambda i: (i, 0, 0)),
        out_shape=jax.ShapeDtypeStruct((_B, _KP, 8), jnp.float32),
        scratch_shapes=[
            pltpu.VMEM((_HP, _W), jnp.float32),
            pltpu.VMEM((_HP, 1), jnp.float32),
        ],
    )(x, x)


_mesh = plsc.VectorSubcoreMesh(core_axis_name="c", subcore_axis_name="s")


def _w5(q, lo):
    if lo == 0:
        dr = jnp.where(q < 5, -2,
                       jnp.where(q < 10, -1, jnp.where(q < 15, 0, 1)))
        flr = jnp.where(q < 5, 0, jnp.where(q < 10, 1,
                                            jnp.where(q < 15, 2, 3)))
        dc = q - flr * 5 - 2
    else:
        dr = jnp.where(q < 20, 1, jnp.where(q < 25, 2, 0))
        dc = jnp.where(q < 25, q - jnp.where(q < 20, 3, 4) * 5 - 2, 0)
    return dr, dc


@functools.partial(
    pl.kernel,
    out_type=jax.ShapeDtypeStruct((_B * _KP * 8,), jnp.float32),
    mesh=_mesh,
    scratch_types=[pltpu.VMEM((16,), jnp.float32),
                   pltpu.VMEM((96,), jnp.int32),
                   pltpu.VMEM((96,), jnp.float32),
                   pltpu.VMEM((16,), jnp.float32),
                   pltpu.SemaphoreType.DMA],
)
def _sc_windows(picks_hbm, x_hbm, out_hbm, pv_v, gidx, gval, orow, sem):
    wid = lax.axis_index("c") * 16 + lax.axis_index("s")
    iota16 = lax.iota(jnp.int32, 16)
    for b in range(_B):
        for jj in range(2):
            j = wid + 32 * jj

            @pl.when(j < _K)
            def _():
                pltpu.sync_copy(picks_hbm.at[pl.ds((b * _KP + j) * 8, 8)],
                                pv_v.at[pl.ds(0, 8)])
                pv = pv_v[pl.ds(0, 16)]
                rowf = pv[0]
                colf = pv[1]
                val = pv[2]
                row = rowf.astype(jnp.int32)
                col = colf.astype(jnp.int32)
                for t in range(6):
                    f = t // 2
                    ch = (2, 0, 1)[f]
                    q = (t % 2) * 16 + iota16
                    dr, dc = _w5(q, (t % 2) * 16)
                    rr = row + dr
                    rr = rr + jnp.where(rr < 0, _H, 0)
                    rr = rr - jnp.where(rr >= _H, _H, 0)
                    cc = col + dc
                    cc = cc + jnp.where(cc < 0, _W, 0)
                    cc = cc - jnp.where(cc >= _W, _W, 0)
                    cbase = (b * _C + ch) * _H * _W
                    gidx[pl.ds(t * 16, 16)] = cbase + rr * _W + cc
                pltpu.async_copy(x_hbm.at[gidx], gval, sem).wait()
                mslv = jnp.minimum(gval[pl.ds(0, 16)], gval[pl.ds(16, 16)])
                u0 = gval[pl.ds(32, 16)]
                u1 = gval[pl.ds(48, 16)]
                v0 = gval[pl.ds(64, 16)]
                v1 = gval[pl.ds(80, 16)]
                w2v = jnp.maximum(u0 * u0 + v0 * v0, u1 * u1 + v1 * v1)
                mslmin = mslv[0]
                w2max = w2v[0]
                for l in range(1, 16):
                    mslmin = jnp.minimum(mslmin, mslv[l])
                    w2max = jnp.maximum(w2max, w2v[l])
                valid = val > _VORT_THR
                latv = jnp.where(valid, 90.0 - 0.25 * rowf, _FILL)
                lonv = jnp.where(valid, 0.25 * colf, _FILL)
                mslo = jnp.where(valid, mslmin, _FILL)
                w2o = jnp.where(valid, w2max, -1.0)
                orow[pl.ds(0, 16)] = jnp.where(
                    iota16 == 0, latv,
                    jnp.where(iota16 == 1, lonv,
                              jnp.where(iota16 == 2, mslo,
                                        jnp.where(iota16 == 3, w2o, 0.0))))
                pltpu.sync_copy(orow.at[pl.ds(0, 8)],
                                out_hbm.at[pl.ds((b * _KP + j) * 8, 8)])


@functools.partial(
    pl.kernel,
    out_type=jax.ShapeDtypeStruct((_B * _KP * 8,), jnp.float32),
    mesh=_mesh,
    scratch_types=[pltpu.VMEM((16,), jnp.float32)],
)
def _sc_trivial(picks_hbm, x_hbm, out_hbm, pv_v):
    wid = lax.axis_index("c") * 16 + lax.axis_index("s")

    @pl.when(wid == 0)
    def _():
        pltpu.sync_copy(x_hbm.at[pl.ds(0, 16)], pv_v)
        pltpu.sync_copy(pv_v, out_hbm.at[pl.ds(0, 16)])


def kernel(x):
    picks = _tc_picks(x)
    outp = _sc_trivial(picks.reshape(-1), x.reshape(-1))
    return picks[:, :_K, :4] + 0.0 * outp.reshape(_B, _KP, 8)[:, :_K, :4]
    outp = _sc_windows(picks.reshape(-1), x.reshape(-1))
    outp = outp.reshape(_B, _KP, 8)[:, :_K]
    lat = outp[..., 0:1]
    w10 = jnp.where(lat == _FILL, _FILL,
                    jnp.sqrt(jnp.maximum(outp[..., 3:4], 0.0)))
    return jnp.concatenate([outp[..., 0:3], w10], axis=-1)

# --- scband reference (transcript-rebuilt; emitter-appended) ---
"""Pipeline reference for scband-tctracker-wu-duan-6382321402287 (READ-ONLY COPY).

The authoritative reference and input builder live on the scoring server;
editing this copy changes nothing except your own understanding.
"""

import jax, jax.numpy as jnp
import numpy as np

B, C, H, W = 2, 5, 721, 1440
K = 50  # fixed number of TC candidate centers for static shapes
DX = 25000.0
DY = 25000.0
VORT_THR = 1.4e-4
FILL = -9999.0


def setup_inputs(seed: int = 0) -> dict:
    key = jax.random.key(seed)
    x = jax.random.normal(key, (B, C, H, W), dtype=jnp.float32)
    return {"x": x}


def _grad1(a, axis):
    # central differences with one-sided edges, matching torch.gradient
    a = jnp.moveaxis(a, axis, -1)
    interior = (a[..., 2:] - a[..., :-2]) / 2.0
    left = a[..., 1:2] - a[..., 0:1]
    right = a[..., -1:] - a[..., -2:-1]
    g = jnp.concatenate([left, interior, right], axis=-1)
    return jnp.moveaxis(g, -1, axis)


def _pool(a, r, op):
    out = a
    for di in range(-r, r + 1):
        for dj in range(-r, r + 1):
            if di == 0 and dj == 0:
                continue
            out = op(out, jnp.roll(a, (di, dj), axis=(-2, -1)))
    return out


def reference(x):
    b, _, h, w = x.shape
    u10, v10, msl, u850, v850 = x[:, 0], x[:, 1], x[:, 2], x[:, 3], x[:, 4]
    # relative vorticity (as in _TCTrackerBase.vorticity)
    dudx = _grad1(u850, -2) / DX
    dvdy = _grad1(v850, -1) / DY
    vort = dudx + dvdy
    # peak_local_max(min_distance=1, threshold_abs): 3x3 local max + threshold
    is_peak = (vort >= _pool(vort, 1, jnp.maximum)) & (vort > VORT_THR)
    masked = jnp.where(is_peak, vort, -jnp.inf)
    vals, idx = jax.lax.top_k(masked.reshape(b, -1), K)
    valid = jnp.isfinite(vals)
    li = idx // w
    lo = idx % w
    lat = jnp.linspace(90.0, -90.0, h)
    lon = jnp.linspace(0.0, 360.0, w, endpoint=False)
    # local MSL minimum and max 10m wind speed in a 5x5 neighborhood of each peak
    msl_min = _pool(msl, 2, jnp.minimum).reshape(b, -1)
    w10 = jnp.sqrt(u10 ** 2 + v10 ** 2)
    w10_max = _pool(w10, 2, jnp.maximum).reshape(b, -1)
    msl_c = jnp.take_along_axis(msl_min, idx, axis=1)
    w10_c = jnp.take_along_axis(w10_max, idx, axis=1)
    frame = jnp.stack([lat[li], lon[lo], msl_c, w10_c], axis=-1)
    frame = jnp.where(valid[..., None], frame, FILL)
    return frame

if __name__ == "__main__":
    import jax
    _d = setup_inputs()
    print(jax.jit(kernel)(*tuple(_d.values())))

</pallas_src>

<mosaic_0001>
#map = affine_map<(d0, d1) -> (0)>
module attributes {stable_mosaic.version = 14 : i64} {
  func.func @_sc_trivial(%arg0: i32, %arg1: i32, %arg2: memref<1024xf32, #tpu.memory_space<hbm>>, %arg3: memref<10382400xf32, #tpu.memory_space<hbm>>, %arg4: memref<1024xf32, #tpu.memory_space<hbm>>, %arg5: memref<16xf32, #tpu.memory_space<vmem>>) attributes {dimension_semantics = [#tpu.dimension_semantics<core_parallel>, #tpu.dimension_semantics<subcore_parallel>], iteration_bounds = array<i64: 2, 16>, scalar_prefetch = 0 : i64, scratch_operands = 1 : i64, tpu.core_type = #tpu.core_type<sc_vector_subcore>, window_params = [{transform_indices = #map}, {transform_indices = #map}, {transform_indices = #map}]} {
    %mul3A = arith.constant 16 : i32
    %mul3A_0 = arith.muli %arg0, %mul3A : i32
    %add3A = arith.addi %mul3A_0, %arg1 : i32
    %eq3A = arith.constant 0 : i32
    %eq3A_1 = arith.cmpi eq, %add3A, %eq3A : i32
    %convert_element_type3A = arith.extui %eq3A_1 : i1 to i32
    %cond3A = arith.constant 0 : i32
    %cond3A_2 = arith.cmpi ne, %convert_element_type3A, %cond3A : i32
    scf.if %cond3A_2 {
      "tpu.region"() ({
        %run_scoped3A = tpu.sem_alloc : memref<!tpu.dma_semaphore, #tpu.memory_space<semaphore_mem>>
        %dma_start3A = arith.constant 0 : i32
        %dma_start3A_3 = tpu.memref_slice %arg3[%dma_start3A] : memref<10382400xf32, #tpu.memory_space<hbm>> -> memref<16xf32, #tpu.memory_space<hbm>>
        %dma_start3A_4 = arith.constant 0 : i32
        %dma_start3A_5 = tpu.memref_slice %arg3[%dma_start3A_4] : memref<10382400xf32, #tpu.memory_space<hbm>> -> memref<16xf32, #tpu.memory_space<hbm>>
        tpu.enqueue_dma source(%dma_start3A_5 : memref<16xf32, #tpu.memory_space<hbm>>) target(%arg5 : memref<16xf32, #tpu.memory_space<vmem>>) target_semaphore(%run_scoped3A : memref<!tpu.dma_semaphore, #tpu.memory_space<semaphore_mem>>)
        %dma_wait3A = arith.constant 0 : i32
        %dma_wait3A_6 = tpu.memref_slice %arg3[%dma_wait3A] : memref<10382400xf32, #tpu.memory_space<hbm>> -> memref<16xf32, #tpu.memory_space<hbm>>
        %dma_wait3A_7 = arith.constant 0 : i32
        %dma_wait3A_8 = tpu.memref_slice %arg3[%dma_wait3A_7] : memref<10382400xf32, #tpu.memory_space<hbm>> -> memref<16xf32, #tpu.memory_space<hbm>>
        tpu.wait_dma2 semaphore(%run_scoped3A : memref<!tpu.dma_semaphore, #tpu.memory_space<semaphore_mem>>) src(%dma_wait3A_8 : memref<16xf32, #tpu.memory_space<hbm>>) dst(%arg5 : memref<16xf32, #tpu.memory_space<vmem>>)
        tpu.yield
      }) : () -> ()
      "tpu.region"() ({
        %run_scoped3A = tpu.sem_alloc : memref<!tpu.dma_semaphore, #tpu.memory_space<semaphore_mem>>
        %dma_start3A = arith.constant 0 : i32
        %dma_start3A_3 = tpu.memref_slice %arg4[%dma_start3A] : memref<1024xf32, #tpu.memory_space<hbm>> -> memref<16xf32, #tpu.memory_space<hbm>>
        %dma_start3A_4 = arith.constant 0 : i32
        %dma_start3A_5 = tpu.memref_slice %arg4[%dma_start3A_4] : memref<1024xf32, #tpu.memory_space<hbm>> -> memref<16xf32, #tpu.memory_space<hbm>>
        tpu.enqueue_dma source(%arg5 : memref<16xf32, #tpu.memory_space<vmem>>) target(%dma_start3A_5 : memref<16xf32, #tpu.memory_space<hbm>>) target_semaphore(%run_scoped3A : memref<!tpu.dma_semaphore, #tpu.memory_space<semaphore_mem>>)
        %dma_wait3A = arith.constant 0 : i32
        %dma_wait3A_6 = tpu.memref_slice %arg4[%dma_wait3A] : memref<1024xf32, #tpu.memory_space<hbm>> -> memref<16xf32, #tpu.memory_space<hbm>>
        %dma_wait3A_7 = arith.constant 0 : i32
        %dma_wait3A_8 = tpu.memref_slice %arg4[%dma_wait3A_7] : memref<1024xf32, #tpu.memory_space<hbm>> -> memref<16xf32, #tpu.memory_space<hbm>>
        tpu.wait_dma2 semaphore(%run_scoped3A : memref<!tpu.dma_semaphore, #tpu.memory_space<semaphore_mem>>) src(%arg5 : memref<16xf32, #tpu.memory_space<vmem>>) dst(%dma_wait3A_8 : memref<16xf32, #tpu.memory_space<hbm>>)
        tpu.yield
      }) : () -> ()
    } else {
    }
    return
  }
}

module attributes {stable_mosaic.version = 14 : i64} {
  func.func @_tc_body(%arg0: i32, %arg1: memref<1x1x721x1440xf32, #tpu.memory_space<vmem>>, %arg2: memref<1x1x721x1440xf32, #tpu.memory_space<vmem>>, %arg3: memref<1x64x8xf32, #tpu.memory_space<vmem>>, %arg4: memref<728x1440xf32, #tpu.memory_space<vmem>>, %arg5: memref<728x1xf32, #tpu.memory_space<vmem>>) attributes {dimension_semantics = [#tpu.dimension_semantics<arbitrary>], iteration_bounds = array<i64: 2>, scalar_prefetch = 0 : i64, scratch_operands = 2 : i64, tpu.core_type = #tpu.core_type<tc>, window_params = [{transform_indices = @transform_0, window_bounds = array<i64: 1, 1, 721, 1440>}, {transform_indices = @transform_1, window_bounds = array<i64: 1, 1, 721, 1440>}, {transform_indices = @transform_2, window_bounds = array<i64: 1, 64, 8>}]} {
    %get3A = arith.constant 0 : index
    %get3A_0 = arith.constant 0 : index
    %get3A_1 = arith.constant 0 : index
    %get3A_2 = arith.constant 0 : index
    %get3A_3 = vector.load %arg1[%get3A, %get3A_0, %get3A_1, %get3A_2] : memref<1x1x721x1440xf32, #tpu.memory_space<vmem>>, vector<1x1x721x1440xf32>
    %get3A_4 = vector.shape_cast %get3A_3 : vector<1x1x721x1440xf32> to vector<721x1440xf32>
    %get3A_5 = arith.constant 0 : index
    %get3A_6 = arith.constant 0 : index
    %get3A_7 = arith.constant 0 : index
    %get3A_8 = arith.constant 0 : index
    %get3A_9 = vector.load %arg2[%get3A_5, %get3A_6, %get3A_7, %get3A_8] : memref<1x1x721x1440xf32, #tpu.memory_space<vmem>>, vector<1x1x721x1440xf32>
    %get3A_10 = vector.shape_cast %get3A_9 : vector<1x1x721x1440xf32> to vector<721x1440xf32>
    %slice3A = vector.extract_strided_slice %get3A_4 {offsets = [1, 0], sizes = [1, 1440], strides = [1, 1]} : vector<721x1440xf32> to vector<1x1440xf32>
    %slice3A_11 = vector.extract_strided_slice %get3A_4 {offsets = [0, 0], sizes = [1, 1440], strides = [1, 1]} : vector<721x1440xf32> to vector<1x1440xf32>
    %sub3A = arith.subf %slice3A, %slice3A_11 : vector<1x1440xf32>
    %slice3A_12 = vector.extract_strided_slice %get3A_4 {offsets = [2, 0], sizes = [719, 1440], strides = [1, 1]} : vector<721x1440xf32> to vector<719x1440xf32>
    %slice3A_13 = vector.extract_strided_slice %get3A_4 {offsets = [0, 0], sizes = [719, 1440], strides = [1, 1]} : vector<721x1440xf32> to vector<719x1440xf32>
    %sub3A_14 = arith.subf %slice3A_12, %slice3A_13 : vector<719x1440xf32>
    %div3A = arith.constant 2.000000e+00 : f32
    %div3A_15 = vector.broadcast %div3A : f32 to vector<719x1440xf32>
    %div3A_16 = arith.divf %sub3A_14, %div3A_15 : vector<719x1440xf32>
    %slice3A_17 = vector.extract_strided_slice %get3A_4 {offsets = [720, 0], sizes = [1, 1440], strides = [1, 1]} : vector<721x1440xf32> to vector<1x1440xf32>
    %slice3A_18 = vector.extract_strided_slice %get3A_4 {offsets = [719, 0], sizes = [1, 1440], strides = [1, 1]} : vector<721x1440xf32> to vector<1x1440xf32>
    %sub3A_19 = arith.subf %slice3A_17, %slice3A_18 : vector<1x1440xf32>
    %concatenate3A = tpu.concatenate %sub3A, %div3A_16, %sub3A_19 in 0 : vector<1x1440xf32>, vector<719x1440xf32>, vector<1x1440xf32> -> vector<721x1440xf32>
    %div3A_20 = arith.constant 2.500000e+04 : f32
    %div3A_21 = vector.broadcast %div3A_20 : f32 to vector<721x1440xf32>
    %div3A_22 = arith.divf %concatenate3A, %div3A_21 : vector<721x1440xf32>
    %slice3A_23 = vector.extract_strided_slice %get3A_10 {offsets = [0, 1], sizes = [721, 1], strides = [1, 1]} : vector<721x1440xf32> to vector<721x1xf32>
    %slice3A_24 = vector.extract_strided_slice %get3A_10 {offsets = [0, 0], sizes = [721, 1], strides = [1, 1]} : vector<721x1440xf32> to vector<721x1xf32>
    %sub3A_25 = arith.subf %slice3A_23, %slice3A_24 : vector<721x1xf32>
    %slice3A_26 = vector.extract_strided_slice %get3A_10 {offsets = [0, 2], sizes = [721, 1438], strides = [1, 1]} : vector<721x1440xf32> to vector<721x1438xf32>
    %slice3A_27 = vector.extract_strided_slice %get3A_10 {offsets = [0, 0], sizes = [721, 1438], strides = [1, 1]} : vector<721x1440xf32> to vector<721x1438xf32>
    %sub3A_28 = arith.subf %slice3A_26, %slice3A_27 : vector<721x1438xf32>
    %div3A_29 = arith.constant 2.000000e+00 : f32
    %div3A_30 = vector.broadcast %div3A_29 : f32 to vector<721x1438xf32>
    %div3A_31 = arith.divf %sub3A_28, %div3A_30 : vector<721x1438xf32>
    %slice3A_32 = vector.extract_strided_slice %get3A_10 {offsets = [0, 1439], sizes = [721, 1], strides = [1, 1]} : vector<721x1440xf32> to vector<721x1xf32>
    %slice3A_33 = vector.extract_strided_slice %get3A_10 {offsets = [0, 1438], sizes = [721, 1], strides = [1, 1]} : vector<721x1440xf32> to vector<721x1xf32>
    %sub3A_34 = arith.subf %slice3A_32, %slice3A_33 : vector<721x1xf32>
    %concatenate3A_35 = tpu.concatenate %sub3A_25, %div3A_31, %sub3A_34 in 1 : vector<721x1xf32>, vector<721x1438xf32>, vector<721x1xf32> -> vector<721x1440xf32>
    %div3A_36 = arith.constant 2.500000e+04 : f32
    %div3A_37 = vector.broadcast %div3A_36 : f32 to vector<721x1440xf32>
    %div3A_38 = arith.divf %concatenate3A_35, %div3A_37 : vector<721x1440xf32>
    %add3A = arith.addf %div3A_22, %div3A_38 : vector<721x1440xf32>
    %slice3A_39 = vector.extract_strided_slice %add3A {offsets = [1, 0], sizes = [720, 1440], strides = [1, 1]} : vector<721x1440xf32> to vector<720x1440xf32>
    %slice3A_40 = vector.extract_strided_slice %add3A {offsets = [0, 0], sizes = [1, 1440], strides = [1, 1]} : vector<721x1440xf32> to vector<1x1440xf32>
    %concatenate3A_41 = tpu.concatenate %slice3A_39, %slice3A_40 in 0 : vector<720x1440xf32>, vector<1x1440xf32> -> vector<721x1440xf32>
    %slice3A_42 = vector.extract_strided_slice %add3A {offsets = [720, 0], sizes = [1, 1440], strides = [1, 1]} : vector<721x1440xf32> to vector<1x1440xf32>
    %slice3A_43 = vector.extract_strided_slice %add3A {offsets = [0, 0], sizes = [720, 1440], strides = [1, 1]} : vector<721x1440xf32> to vector<720x1440xf32>
    %concatenate3A_44 = tpu.concatenate %slice3A_42, %slice3A_43 in 0 : vector<1x1440xf32>, vector<720x1440xf32> -> vector<721x1440xf32>
    %max3A = arith.maximumf %add3A, %concatenate3A_41 : vector<721x1440xf32>
    %max3A_45 = arith.maximumf %max3A, %concatenate3A_44 : vector<721x1440xf32>
    %slice3A_46 = vector.extract_strided_slice %max3A_45 {offsets = [0, 1], sizes = [721, 1439], strides = [1, 1]} : vector<721x1440xf32> to vector<721x1439xf32>
    %slice3A_47 = vector.extract_strided_slice %max3A_45 {offsets = [0, 0], sizes = [721, 1], strides = [1, 1]} : vector<721x1440xf32> to vector<721x1xf32>
    %concatenate3A_48 = tpu.concatenate %slice3A_46, %slice3A_47 in 1 : vector<721x1439xf32>, vector<721x1xf32> -> vector<721x1440xf32>
    %slice3A_49 = vector.extract_strided_slice %max3A_45 {offsets = [0, 1439], sizes = [721, 1], strides = [1, 1]} : vector<721x1440xf32> to vector<721x1xf32>
    %slice3A_50 = vector.extract_strided_slice %max3A_45 {offsets = [0, 0], sizes = [721, 1439], strides = [1, 1]} : vector<721x1440xf32> to vector<721x1439xf32>
    %concatenate3A_51 = tpu.concatenate %slice3A_49, %slice3A_50 in 1 : vector<721x1xf32>, vector<721x1439xf32> -> vector<721x1440xf32>
    %max3A_52 = arith.maximumf %max3A_45, %concatenate3A_48 : vector<721x1440xf32>
    %max3A_53 = arith.maximumf %max3A_52, %concatenate3A_51 : vector<721x1440xf32>
    %ge3A = arith.cmpf oge, %add3A, %max3A_53 : vector<721x1440xf32>
    %gt3A = arith.constant 1.400000e-04 : f32
    %gt3A_54 = vector.broadcast %gt3A : f32 to vector<721x1440xf32>
    %gt3A_55 = arith.cmpf ogt, %add3A, %gt3A_54 : vector<721x1440xf32>
    %and3A = arith.andi %ge3A, %gt3A_55 : vector<721x1440xi1>
    %jit3A = arith.constant -3.000000e+38 : f32
    %broadcast_in_dim3A = vector.broadcast %jit3A : f32 to vector<721x1440xf32>
    %select_n3A = arith.select %and3A, %add3A, %broadcast_in_dim3A : vector<721x1440xi1>, vector<721x1440xf32>
    %broadcast_in_dim3A_56 = arith.constant -3.000000e+38 : f32
    %broadcast_in_dim3A_57 = vector.broadcast %broadcast_in_dim3A_56 : f32 to vector<7x1440xf32>
    %concatenate3A_58 = tpu.concatenate %select_n3A, %broadcast_in_dim3A_57 in 0 : vector<721x1440xf32>, vector<7x1440xf32> -> vector<728x1440xf32>
    %swap3A = arith.constant 0 : index
    %swap3A_59 = arith.constant 0 : index
    %swap3A_60 = vector.load %arg4[%swap3A, %swap3A_59] : memref<728x1440xf32, #tpu.memory_space<vmem>>, vector<728x1440xf32>
    tpu.vector_store %arg4[%swap3A, %swap3A_59], %concatenate3A_58 {strides = array<i32>} : memref<728x1440xf32, #tpu.memory_space<vmem>>, vector<728x1440xf32>,
    %reduce_max3A = arith.constant dense<0xFF800000> : vector<728xf32>
    %reduce_max3A_61 = vector.multi_reduction <maximumf>, %concatenate3A_58, %reduce_max3A [1] : vector<728x1440xf32> to vector<728xf32>
    %broadcast_in_dim3A_62 = vector.shape_cast %reduce_max3A_61 : vector<728xf32> to vector<728x1xf32>
    %swap3A_63 = arith.constant 0 : index
    %swap3A_64 = arith.constant 0 : index
    %swap3A_65 = vector.load %arg5[%swap3A_63, %swap3A_64] : memref<728x1xf32, #tpu.memory_space<vmem>>, vector<728x1xf32>
    tpu.vector_store %arg5[%swap3A_63, %swap3A_64], %broadcast_in_dim3A_62 {strides = array<i32>} : memref<728x1xf32, #tpu.memory_space<vmem>>, vector<728x1xf32>,
    %iota3A = tpu.iota {dimensions = array<i32: 0>} : vector<728x1xi32>
    %iota3A_66 = tpu.iota {dimensions = array<i32: 0>} : vector<8x1xi32>
    %iota3A_67 = tpu.iota {dimensions = array<i32: 1>} : vector<8x1440xi32>
    %iota3A_68 = tpu.iota {dimensions = array<i32: 1>} : vector<1x8xi32>
    %get3A_69 = arith.constant 0 : index
    %get3A_70 = arith.constant 0 : index
    %get3A_71 = vector.load %arg5[%get3A_69, %get3A_70] : memref<728x1xf32, #tpu.memory_space<vmem>>, vector<728x1xf32>
    %reduce_max3A_72 = vector.shape_cast %get3A_71 : vector<728x1xf32> to vector<1x728x1xf32>
    %reduce_max3A_73 = arith.constant dense<0xFF800000> : vector<1xf32>
    %reduce_max3A_74 = vector.multi_reduction <maximumf>, %reduce_max3A_72, %reduce_max3A_73 [1, 2] : vector<1x728x1xf32> to vector<1xf32>
    %reduce_max3A_75 = vector.shape_cast %reduce_max3A_74 : vector<1xf32> to vector<1x1x1xf32>
    %reduce_max3A_76 = vector.extract %reduce_max3A_75[0, 0, 0] : f32 from vector<1x1x1xf32>
    %eq3A = vector.broadcast %reduce_max3A_76 : f32 to vector<728x1xf32>
    %eq3A_77 = arith.cmpf oeq, %get3A_71, %eq3A : vector<728x1xf32>
    %jit3A_78 = arith.constant 728 : i32
    %broadcast_in_dim3A_79 = vector.broadcast %jit3A_78 : i32 to vector<728x1xi32>
    %select_n3A_80 = arith.select %eq3A_77, %iota3A, %broadcast_in_dim3A_79 : vector<728x1xi1>, vector<728x1xi32>
    %reduce_min3A = vector.shape_cast %select_n3A_80 : vector<728x1xi32> to vector<1x728x1xi32>
    %reduce_min3A_81 = arith.constant dense<2147483647> : vector<1xi32>
    %reduce_min3A_82 = vector.multi_reduction <minsi>, %reduce_min3A, %reduce_min3A_81 [1, 2] : vector<1x728x1xi32> to vector<1xi32>
    %reduce_min3A_83 = vector.shape_cast %reduce_min3A_82 : vector<1xi32> to vector<1x1x1xi32>
    %reduce_min3A_84 = vector.extract %reduce_min3A_83[0, 0, 0] : i32 from vector<1x1x1xi32>
    %jit3A_85 = arith.constant 8 : i32
    %div3A_86 = arith.divsi %reduce_min3A_84, %jit3A_85 : i32
    %sign3A = arith.constant 0 : i32
    %sign3A_87 = arith.cmpi sgt, %reduce_min3A_84, %sign3A : i32
    %sign3A_88 = arith.extui %sign3A_87 : i1 to i32
    %sign3A_89 = arith.constant 0 : i32
    %sign3A_90 = arith.cmpi slt, %reduce_min3A_84, %sign3A_89 : i32
    %sign3A_91 = arith.extui %sign3A_90 : i1 to i32
    %sign3A_92 = arith.subi %sign3A_88, %sign3A_91 : i32
    %sign3A_93 = arith.constant 0 : i32
    %sign3A_94 = arith.cmpi sgt, %jit3A_85, %sign3A_93 : i32
    %sign3A_95 = arith.extui %sign3A_94 : i1 to i32
    %sign3A_96 = arith.constant 0 : i32
    %sign3A_97 = arith.cmpi slt, %jit3A_85, %sign3A_96 : i32
    %sign3A_98 = arith.extui %sign3A_97 : i1 to i32
    %sign3A_99 = arith.subi %sign3A_95, %sign3A_98 : i32
    %ne3A = arith.cmpi ne, %sign3A_92, %sign3A_99 : i32
    %rem3A = arith.remsi %reduce_min3A_84, %jit3A_85 : i32
    %ne3A_100 = arith.constant 0 : i32
    %ne3A_101 = arith.cmpi ne, %rem3A, %ne3A_100 : i32
    %and3A_102 = arith.andi %ne3A, %ne3A_101 : i1
    %sub3A_103 = arith.constant 1 : i32
    %sub3A_104 = arith.subi %div3A_86, %sub3A_103 : i32
    %select_n3A_105 = arith.select %and3A_102, %sub3A_104, %div3A_86 : i32
    %mul3A = arith.constant 8 : i32
    %mul3A_106 = arith.muli %select_n3A_105, %mul3A : i32
    %multiple_of3A = tpu.assume_multiple %mul3A_106, 8 : i32
    %sub3A_107 = arith.subi %reduce_min3A_84, %multiple_of3A : i32
    %get3A_108 = arith.index_cast %multiple_of3A : i32 to index
    %get3A_109 = arith.constant 0 : index
    %get3A_110 = vector.load %arg4[%get3A_108, %get3A_109] : memref<728x1440xf32, #tpu.memory_space<vmem>>, vector<8x1440xf32>
    %eq3A_111 = vector.broadcast %sub3A_107 : i32 to vector<8x1xi32>
    %eq3A_112 = arith.cmpi eq, %iota3A_66, %eq3A_111 : vector<8x1xi32>
    %jit3A_113 = arith.constant -3.000000e+38 : f32
    %broadcast_in_dim3A_114 = vector.shape_cast %eq3A_112 : vector<8x1xi1> to vector<8x1xi1>
    %broadcast_in_dim3A_115 = vector.broadcast %broadcast_in_dim3A_114 : vector<8x1xi1> to vector<8x1440xi1>
    %broadcast_in_dim3A_116 = vector.broadcast %jit3A_113 : f32 to vector<8x1440xf32>
    %select_n3A_117 = arith.select %broadcast_in_dim3A_115, %get3A_110, %broadcast_in_dim3A_116 : vector<8x1440xi1>, vector<8x1440xf32>
    %reduce_max3A_118 = vector.shape_cast %select_n3A_117 : vector<8x1440xf32> to vector<1x8x1440xf32>
    %reduce_max3A_119 = arith.constant dense<0xFF800000> : vector<1xf32>
    %reduce_max3A_120 = vector.multi_reduction <maximumf>, %reduce_max3A_118, %reduce_max3A_119 [1, 2] : vector<1x8x1440xf32> to vector<1xf32>
    %reduce_max3A_121 = vector.shape_cast %reduce_max3A_120 : vector<1xf32> to vector<1x1x1xf32>
    %reduce_max3A_122 = vector.extract %reduce_max3A_121[0, 0, 0] : f32 from vector<1x1x1xf32>
    %eq3A_123 = vector.broadcast %reduce_max3A_122 : f32 to vector<8x1440xf32>
    %eq3A_124 = arith.cmpf oeq, %select_n3A_117, %eq3A_123 : vector<8x1440xf32>
    %jit3A_125 = arith.constant 1440 : i32
    %broadcast_in_dim3A_126 = vector.broadcast %jit3A_125 : i32 to vector<8x1440xi32>
    %select_n3A_127 = arith.select %eq3A_124, %iota3A_67, %broadcast_in_dim3A_126 : vector<8x1440xi1>, vector<8x1440xi32>
    %reduce_min3A_128 = vector.shape_cast %select_n3A_127 : vector<8x1440xi32> to vector<1x8x1440xi32>
    %reduce_min3A_129 = arith.constant dense<2147483647> : vector<1xi32>
    %reduce_min3A_130 = vector.multi_reduction <minsi>, %reduce_min3A_128, %reduce_min3A_129 [1, 2] : vector<1x8x1440xi32> to vector<1xi32>
    %reduce_min3A_131 = vector.shape_cast %reduce_min3A_130 : vector<1xi32> to vector<1x1x1xi32>
    %reduce_min3A_132 = vector.extract %reduce_min3A_131[0, 0, 0] : i32 from vector<1x1x1xi32>
    %eq3A_133 = vector.broadcast %reduce_min3A_132 : i32 to vector<8x1440xi32>
    %eq3A_134 = arith.cmpi eq, %iota3A_67, %eq3A_133 : vector<8x1440xi32>
    %and3A_135 = vector.broadcast %eq3A_112 : vector<8x1xi1> to vector<8x1440xi1>
    %and3A_136 = arith.andi %and3A_135, %eq3A_134 : vector<8x1440xi1>
    %jit3A_137 = arith.constant -3.000000e+38 : f32
    %broadcast_in_dim3A_138 = vector.broadcast %jit3A_137 : f32 to vector<8x1440xf32>
    %select_n3A_139 = arith.select %and3A_136, %broadcast_in_dim3A_138, %get3A_110 : vector<8x1440xi1>, vector<8x1440xf32>
    %swap3A_140 = arith.index_cast %multiple_of3A : i32 to index
    %swap3A_141 = arith.constant 0 : index
    %swap3A_142 = vector.load %arg4[%swap3A_140, %swap3A_141] : memref<728x1440xf32, #tpu.memory_space<vmem>>, vector<8x1440xf32>
    tpu.vector_store %arg4[%swap3A_140, %swap3A_141], %select_n3A_139 {strides = array<i32>} : memref<728x1440xf32, #tpu.memory_space<vmem>>, vector<8x1440xf32>,
    %reduce_max3A_143 = arith.constant dense<0xFF800000> : vector<8xf32>
    %reduce_max3A_144 = vector.multi_reduction <maximumf>, %select_n3A_139, %reduce_max3A_143 [1] : vector<8x1440xf32> to vector<8xf32>
    %broadcast_in_dim3A_145 = vector.shape_cast %reduce_max3A_144 : vector<8xf32> to vector<8x1xf32>
    %swap3A_146 = arith.index_cast %multiple_of3A : i32 to index
    %swap3A_147 = arith.constant 0 : index
    %swap3A_148 = vector.load %arg5[%swap3A_146, %swap3A_147] : memref<728x1xf32, #tpu.memory_space<vmem>>, vector<8x1xf32>
    tpu.vector_store %arg5[%swap3A_146, %swap3A_147], %broadcast_in_dim3A_145 {strides = array<i32>} : memref<728x1xf32, #tpu.memory_space<vmem>>, vector<8x1xf32>,
    %eq3A_149 = arith.constant 0 : i32
    %eq3A_150 = vector.broadcast %eq3A_149 : i32 to vector<1x8xi32>
    %eq3A_151 = arith.cmpi eq, %iota3A_68, %eq3A_150 : vector<1x8xi32>
    %convert_element_type3A = arith.sitofp %reduce_min3A_84 : i32 to f32
    %eq3A_152 = arith.constant 1 : i32
    %eq3A_153 = vector.broadcast %eq3A_152 : i32 to vector<1x8xi32>
    %eq3A_154 = arith.cmpi eq, %iota3A_68, %eq3A_153 : vector<1x8xi32>
    %convert_element_type3A_155 = arith.sitofp %reduce_min3A_132 : i32 to f32
    %eq3A_156 = arith.constant 2 : i32
    %eq3A_157 = vector.broadcast %eq3A_156 : i32 to vector<1x8xi32>
    %eq3A_158 = arith.cmpi eq, %iota3A_68, %eq3A_157 : vector<1x8xi32>
    %jit3A_159 = arith.constant 0.000000e+00 : f32
    %broadcast_in_dim3A_160 = vector.broadcast %reduce_max3A_76 : f32 to vector<1x8xf32>
    %broadcast_in_dim3A_161 = vector.broadcast %jit3A_159 : f32 to vector<1x8xf32>
    %select_n3A_162 = arith.select %eq3A_158, %broadcast_in_dim3A_160, %broadcast_in_dim3A_161 : vector<1x8xi1>, vector<1x8xf32>
    %broadcast_in_dim3A_163 = vector.broadcast %convert_element_type3A_155 : f32 to vector<1x8xf32>
    %select_n3A_164 = arith.select %eq3A_154, %broadcast_in_dim3A_163, %select_n3A_162 : vector<1x8xi1>, vector<1x8xf32>
    %broadcast_in_dim3A_165 = vector.broadcast %convert_element_type3A : f32 to vector<1x8xf32>
    %select_n3A_166 = arith.select %eq3A_151, %broadcast_in_dim3A_165, %select_n3A_164 : vector<1x8xi1>, vector<1x8xf32>
    %swap3A_167 = arith.constant 0 : index
    %swap3A_168 = arith.constant 0 : index
    %swap3A_169 = arith.constant 0 : index
    %swap3A_170 = vector.load %arg3[%swap3A_167, %swap3A_168, %swap3A_169] : memref<1x64x8xf32, #tpu.memory_space<vmem>>, vector<1x1x8xf32>
    %swap3A_171 = vector.shape_cast %swap3A_170 : vector<1x1x8xf32> to vector<1x8xf32>
    %swap3A_172 = vector.shape_cast %select_n3A_166 : vector<1x8xf32> to vector<1x1x8xf32>
    tpu.vector_store %arg3[%swap3A_167, %swap3A_168, %swap3A_169], %swap3A_172 {strides = array<i32>} : memref<1x64x8xf32, #tpu.memory_space<vmem>>, vector<1x1x8xf32>,
    %get3A_173 = arith.constant 0 : index
    %get3A_174 = arith.constant 0 : index
    %get3A_175 = vector.load %arg5[%get3A_173, %get3A_174] : memref<728x1xf32, #tpu.memory_space<vmem>>, vector<728x1xf32>
    %reduce_max3A_176 = vector.shape_cast %get3A_175 : vector<728x1xf32> to vector<1x728x1xf32>
    %reduce_max3A_177 = arith.constant dense<0xFF800000> : vector<1xf32>
    %reduce_max3A_178 = vector.multi_reduction <maximumf>, %reduce_max3A_176, %reduce_max3A_177 [1, 2] : vector<1x728x1xf32> to vector<1xf32>
    %reduce_max3A_179 = vector.shape_cast %reduce_max3A_178 : vector<1xf32> to vector<1x1x1xf32>
    %reduce_max3A_180 = vector.extract %reduce_max3A_179[0, 0, 0] : f32 from vector<1x1x1xf32>
    %eq3A_181 = vector.broadcast %reduce_max3A_180 : f32 to vector<728x1xf32>
    %eq3A_182 = arith.cmpf oeq, %get3A_175, %eq3A_181 : vector<728x1xf32>
    %jit3A_183 = arith.constant 728 : i32
    %broadcast_in_dim3A_184 = vector.broadcast %jit3A_183 : i32 to vector<728x1xi32>
    %select_n3A_185 = arith.select %eq3A_182, %iota3A, %broadcast_in_dim3A_184 : vector<728x1xi1>, vector<728x1xi32>
    %reduce_min3A_186 = vector.shape_cast %select_n3A_185 : vector<728x1xi32> to vector<1x728x1xi32>
    %reduce_min3A_187 = arith.constant dense<2147483647> : vector<1xi32>
    %reduce_min3A_188 = vector.multi_reduction <minsi>, %reduce_min3A_186, %reduce_min3A_187 [1, 2] : vector<1x728x1xi32> to vector<1xi32>
    %reduce_min3A_189 = vector.shape_cast %reduce_min3A_188 : vector<1xi32> to vector<1x1x1xi32>
    %reduce_min3A_190 = vector.extract %reduce_min3A_189[0, 0, 0] : i32 from vector<1x1x1xi32>
    %jit3A_191 = arith.constant 8 : i32
    %div3A_192 = arith.divsi %reduce_min3A_190, %jit3A_191 : i32
    %sign3A_193 = arith.constant 0 : i32
    %sign3A_194 = arith.cmpi sgt, %reduce_min3A_190, %sign3A_193 : i32
    %sign3A_195 = arith.extui %sign3A_194 : i1 to i32
    %sign3A_196 = arith.constant 0 : i32
    %sign3A_197 = arith.cmpi slt, %reduce_min3A_190, %sign3A_196 : i32
    %sign3A_198 = arith.extui %sign3A_197 : i1 to i32
    %sign3A_199 = arith.subi %sign3A_195, %sign3A_198 : i32
    %sign3A_200 = arith.constant 0 : i32
    %sign3A_201 = arith.cmpi sgt, %jit3A_191, %sign3A_200 : i32
    %sign3A_202 = arith.extui %sign3A_201 : i1 to i32
    %sign3A_203 = arith.constant 0 : i32
    %sign3A_204 = arith.cmpi slt, %jit3A_191, %sign3A_203 : i32
    %sign3A_205 = arith.extui %sign3A_204 : i1 to i32
    %sign3A_206 = arith.subi %sign3A_202, %sign3A_205 : i32
    %ne3A_207 = arith.cmpi ne, %sign3A_199, %sign3A_206 : i32
    %rem3A_208 = arith.remsi %reduce_min3A_190, %jit3A_191 : i32
    %ne3A_209 = arith.constant 0 : i32
    %ne3A_210 = arith.cmpi ne, %rem3A_208, %ne3A_209 : i32
    %and3A_211 = arith.andi %ne3A_207, %ne3A_210 : i1
    %sub3A_212 = arith.constant 1 : i32
    %sub3A_213 = arith.subi %div3A_192, %sub3A_212 : i32
    %select_n3A_214 = arith.select %and3A_211, %sub3A_213, %div3A_192 : i32
    %mul3A_215 = arith.constant 8 : i32
    %mul3A_216 = arith.muli %select_n3A_214, %mul3A_215 : i32
    %multiple_of3A_217 = tpu.assume_multiple %mul3A_216, 8 : i32
    %sub3A_218 = arith.subi %reduce_min3A_190, %multiple_of3A_217 : i32
    %get3A_219 = arith.index_cast %multiple_of3A_217 : i32 to index
    %get3A_220 = arith.constant 0 : index
    %get3A_221 = vector.load %arg4[%get3A_219, %get3A_220] : memref<728x1440xf32, #tpu.memory_space<vmem>>, vector<8x1440xf32>
    %eq3A_222 = vector.broadcast %sub3A_218 : i32 to vector<8x1xi32>
    %eq3A_223 = arith.cmpi eq, %iota3A_66, %eq3A_222 : vector<8x1xi32>
    %jit3A_224 = arith.constant -3.000000e+38 : f32
    %broadcast_in_dim3A_225 = vector.shape_cast %eq3A_223 : vector<8x1xi1> to vector<8x1xi1>
    %broadcast_in_dim3A_226 = vector.broadcast %broadcast_in_dim3A_225 : vector<8x1xi1> to vector<8x1440xi1>
    %broadcast_in_dim3A_227 = vector.broadcast %jit3A_224 : f32 to vector<8x1440xf32>
    %select_n3A_228 = arith.select %broadcast_in_dim3A_226, %get3A_221, %broadcast_in_dim3A_227 : vector<8x1440xi1>, vector<8x1440xf32>
    %reduce_max3A_229 = vector.shape_cast %select_n3A_228 : vector<8x1440xf32> to vector<1x8x1440xf32>
    %reduce_max3A_230 = arith.constant dense<0xFF800000> : vector<1xf32>
    %reduce_max3A_231 = vector.multi_reduction <maximumf>, %reduce_max3A_229, %reduce_max3A_230 [1, 2] : vector<1x8x1440xf32> to vector<1xf32>
    %reduce_max3A_232 = vector.shape_cast %reduce_max3A_231 : vector<1xf32> to vector<1x1x1xf32>
    %reduce_max3A_233 = vector.extract %reduce_max3A_232[0, 0, 0] : f32 from vector<1x1x1xf32>
    %eq3A_234 = vector.broadcast %reduce_max3A_233 : f32 to vector<8x1440xf32>
    %eq3A_235 = arith.cmpf oeq, %select_n3A_228, %eq3A_234 : vector<8x1440xf32>
    %jit3A_236 = arith.constant 1440 : i32
    %broadcast_in_dim3A_237 = vector.broadcast %jit3A_236 : i32 to vector<8x1440xi32>
    %select_n3A_238 = arith.select %eq3A_235, %iota3A_67, %broadcast_in_dim3A_237 : vector<8x1440xi1>, vector<8x1440xi32>
    %reduce_min3A_239 = vector.shape_cast %select_n3A_238 : vector<8x1440xi32> to vector<1x8x1440xi32>
    %reduce_min3A_240 = arith.constant dense<2147483647> : vector<1xi32>
    %reduce_min3A_241 = vector.multi_reduction <minsi>, %reduce_min3A_239, %reduce_min3A_240 [1, 2] : vector<1x8x1440xi32> to vector<1xi32>
    %reduce_min3A_242 = vector.shape_cast %reduce_min3A_241 : vector<1xi32> to vector<1x1x1xi32>
    %reduce_min3A_243 = vector.extract %reduce_min3A_242[0, 0, 0] : i32 from vector<1x1x1xi32>
    %eq3A_244 = vector.broadcast %reduce_min3A_243 : i32 to vector<8x1440xi32>
    %eq3A_245 = arith.cmpi eq, %iota3A_67, %eq3A_244 : vector<8x1440xi32>
    %and3A_246 = vector.broadcast %eq3A_223 : vector<8x1xi1> to vector<8x1440xi1>
    %and3A_247 = arith.andi %and3A_246, %eq3A_245 : vector<8x1440xi1>
    %jit3A_248 = arith.constant -3.000000e+38 : f32
    %broadcast_in_dim3A_249 = vector.broadcast %jit3A_248 : f32 to vector<8x1440xf32>
    %select_n3A_250 = arith.select %and3A_247, %broadcast_in_dim3A_249, %get3A_221 : vector<8x1440xi1>, vector<8x1440xf32>
    %swap3A_251 = arith.index_cast %multiple_of3A_217 : i32 to index
    %swap3A_252 = arith.constant 0 : index
    %swap3A_253 = vector.load %arg4[%swap3A_251, %swap3A_252] : memref<728x1440xf32, #tpu.memory_space<vmem>>, vector<8x1440xf32>
    tpu.vector_store %arg4[%swap3A_251, %swap3A_252], %select_n3A_250 {strides = array<i32>} : memref<728x1440xf32, #tpu.memory_space<vmem>>, vector<8x1440xf32>,
    %reduce_max3A_254 = arith.constant dense<0xFF800000> : vector<8xf32>
    %reduce_max3A_255 = vector.multi_reduction <maximumf>, %select_n3A_250, %reduce_max3A_254 [1] : vector<8x1440xf32> to vector<8xf32>
    %broadcast_in_dim3A_256 = vector.shape_cast %reduce_max3A_255 : vector<8xf32> to vector<8x1xf32>
    %swap3A_257 = arith.index_cast %multiple_of3A_217 : i32 to index
    %swap3A_258 = arith.constant 0 : index
    %swap3A_259 = vector.load %arg5[%swap3A_257, %swap3A_258] : memref<728x1xf32, #tpu.memory_space<vmem>>, vector<8x1xf32>
    tpu.vector_store %arg5[%swap3A_257, %swap3A_258], %broadcast_in_dim3A_256 {strides = array<i32>} : memref<728x1xf32, #tpu.memory_space<vmem>>, vector<8x1xf32>,
    %eq3A_260 = arith.constant 0 : i32
    %eq3A_261 = vector.broadcast %eq3A_260 : i32 to vector<1x8xi32>
    %eq3A_262 = arith.cmpi eq, %iota3A_68, %eq3A_261 : vector<1x8xi32>
    %convert_element_type3A_263 = arith.sitofp %reduce_min3A_190 : i32 to f32
    %eq3A_264 = arith.constant 1 : i32
    %eq3A_265 = vector.broadcast %eq3A_264 : i32 to vector<1x8xi32>
    %eq3A_266 = arith.cmpi eq, %iota3A_68, %eq3A_265 : vector<1x8xi32>
    %convert_element_type3A_267 = arith.sitofp %reduce_min3A_243 : i32 to f32
    %eq3A_268 = arith.constant 2 : i32
    %eq3A_269 = vector.broadcast %eq3A_268 : i32 to vector<1x8xi32>
    %eq3A_270 = arith.cmpi eq, %iota3A_68, %eq3A_269 : vector<1x8xi32>
    %jit3A_271 = arith.constant 0.000000e+00 : f32
    %broadcast_in_dim3A_272 = vector.broadcast %reduce_max3A_180 : f32 to vector<1x8xf32>
    %broadcast_in_dim3A_273 = vector.broadcast %jit3A_271 : f32 to vector<1x8xf32>
    %select_n3A_274 = arith.select %eq3A_270, %broadcast_in_dim3A_272, %broadcast_in_dim3A_273 : vector<1x8xi1>, vector<1x8xf32>
    %broadcast_in_dim3A_275 = vector.broadcast %convert_element_type3A_267 : f32 to vector<1x8xf32>
    %select_n3A_276 = arith.select %eq3A_266, %broadcast_in_dim3A_275, %select_n3A_274 : vector<1x8xi1>, vector<1x8xf32>
    %broadcast_in_dim3A_277 = vector.broadcast %convert_element_type3A_263 : f32 to vector<1x8xf32>
    %select_n3A_278 = arith.select %eq3A_262, %broadcast_in_dim3A_277, %select_n3A_276 : vector<1x8xi1>, vector<1x8xf32>
    %swap3A_279 = arith.constant 0 : index
    %swap3A_280 = arith.constant 1 : index
    %swap3A_281 = arith.constant 0 : index
    %swap3A_282 = vector.load %arg3[%swap3A_279, %swap3A_280, %swap3A_281] : memref<1x64x8xf32, #tpu.memory_space<vmem>>, vector<1x1x8xf32>
    %swap3A_283 = vector.shape_cast %swap3A_282 : vector<1x1x8xf32> to vector<1x8xf32>
    %swap3A_284 = vector.shape_cast %select_n3A_278 : vector<1x8xf32> to vector<1x1x8xf32>
    tpu.vector_store %arg3[%swap3A_279, %swap3A_280, %swap3A_281], %swap3A_284 {strides = array<i32>} : memref<1x64x8xf32, #tpu.memory_space<vmem>>, vector<1x1x8xf32>,
    %get3A_285 = arith.constant 0 : index
    %get3A_286 = arith.constant 0 : index
    %get3A_287 = vector.load %arg5[%get3A_285, %get3A_286] : memref<728x1xf32, #tpu.memory_space<vmem>>, vector<728x1xf32>
    %reduce_max3A_288 = vector.shape_cast %get3A_287 : vector<728x1xf32> to vector<1x728x1xf32>
    %reduce_max3A_289 = arith.constant dense<0xFF800000> : vector<1xf32>
    %reduce_max3A_290 = vector.multi_reduction <maximumf>, %reduce_max3A_288, %reduce_max3A_289 [1, 2] : vector<1x728x1xf32> to vector<1xf32>
    %reduce_max3A_291 = vector.shape_cast %reduce_max3A_290 : vector<1xf32> to vector<1x1x1xf32>
    %reduce_max3A_292 = vector.extract %reduce_max3A_291[0, 0, 0] : f32 from vector<1x1x1xf32>
    %eq3A_293 = vector.broadcast %reduce_max3A_292 : f32 to vector<728x1xf32>
    %eq3A_294 = arith.cmpf oeq, %get3A_287, %eq3A_293 : vector<728x1xf32>
    %jit3A_295 = arith.constant 728 : i32
    %broadcast_in_dim3A_296 = vector.broadcast %jit3A_295 : i32 to vector<728x1xi32>
    %select_n3A_297 = arith.select %eq3A_294, %iota3A, %broadcast_in_dim3A_296 : vector<728x1xi1>, vector<728x1xi32>
    %reduce_min3A_298 = vector.shape_cast %select_n3A_297 : vector<728x1xi32> to vector<1x728x1xi32>
    %reduce_min3A_299 = arith.constant dense<2147483647> : vector<1xi32>
    %reduce_min3A_300 = vector.multi_reduction <minsi>, %reduce_min3A_298, %reduce_min3A_299 [1, 2] : vector<1x728x1xi32> to vector<1xi32>
    %reduce_min3A_301 = vector.shape_cast %reduce_min3A_300 : vector<1xi32> to vector<1x1x1xi32>
    %reduce_min3A_302 = vector.extract %reduce_min3A_301[0, 0, 0] : i32 from vector<1x1x1xi32>
    %jit3A_303 = arith.constant 8 : i32
    %div3A_304 = arith.divsi %reduce_min3A_302, %jit3A_303 : i32
    %sign3A_305 = arith.constant 0 : i32
    %sign3A_306 = arith.cmpi sgt, %reduce_min3A_302, %sign3A_305 : i32
    %sign3A_307 = arith.extui %sign3A_306 : i1 to i32
    %sign3A_308 = arith.constant 0 : i32
    %sign3A_309 = arith.cmpi slt, %reduce_min3A_302, %sign3A_308 : i32
    %sign3A_310 = arith.extui %sign3A_309 : i1 to i32
    %sign3A_311 = arith.subi %sign3A_307, %sign3A_310 : i32
    %sign3A_312 = arith.constant 0 : i32
    %sign3A_313 = arith.cmpi sgt, %jit3A_303, %sign3A_312 : i32
    %sign3A_314 = arith.extui %sign3A_313 : i1 to i32
    %sign3A_315 = arith.constant 0 : i32
    %sign3A_316 = arith.cmpi slt, %jit3A_303, %sign3A_315 : i32
    %sign3A_317 = arith.extui %sign3A_316 : i1 to i32
    %sign3A_318 = arith.subi %sign3A_314, %sign3A_317 : i32
    %ne3A_319 = arith.cmpi ne, %sign3A_311, %sign3A_318 : i32
    %rem3A_320 = arith.remsi %reduce_min3A_302, %jit3A_303 : i32
    %ne3A_321 = arith.constant 0 : i32
    %ne3A_322 = arith.cmpi ne, %rem3A_320, %ne3A_321 : i32
    %and3A_323 = arith.andi %ne3A_319, %ne3A_322 : i1
    %sub3A_324 = arith.constant 1 : i32
    %sub3A_325 = arith.subi %div3A_304, %sub3A_324 : i32
    %select_n3A_326 = arith.select %and3A_323, %sub3A_325, %div3A_304 : i32
    %mul3A_327 = arith.constant 8 : i32
    %mul3A_328 = arith.muli %select_n3A_326, %mul3A_327 : i32
    %multiple_of3A_329 = tpu.assume_multiple %mul3A_328, 8 : i32
    %sub3A_330 = arith.subi %reduce_min3A_302, %multiple_of3A_329 : i32
    %get3A_331 = arith.index_cast %multiple_of3A_329 : i32 to index
    %get3A_332 = arith.constant 0 : index
    %get3A_333 = vector.load %arg4[%get3A_331, %get3A_332] : memref<728x1440xf32, #tpu.memory_space<vmem>>, vector<8x1440xf32>
    %eq3A_334 = vector.broadcast %sub3A_330 : i32 to vector<8x1xi32>
    %eq3A_335 = arith.cmpi eq, %iota3A_66, %eq3A_334 : vector<8x1xi32>
    %jit3A_336 = arith.constant -3.000000e+38 : f32
    %broadcast_in_dim3A_337 = vector.shape_cast %eq3A_335 : vector<8x1xi1> to vector<8x1xi1>
    %broadcast_in_dim3A_338 = vector.broadcast %broadcast_in_dim3A_337 : vector<8x1xi1> to vector<8x1440xi1>
    %broadcast_in_dim3A_339 = vector.broadcast %jit3A_336 : f32 to vector<8x1440xf32>
    %select_n3A_340 = arith.select %broadcast_in_dim3A_338, %get3A_333, %broadcast_in_dim3A_339 : vector<8x1440xi1>, vector<8x1440xf32>
    %reduce_max3A_341 = vector.shape_cast %select_n3A_340 : vector<8x1440xf32> to vector<1x8x1440xf32>
    %reduce_max3A_342 = arith.constant dense<0xFF800000> : vector<1xf32>
    %reduce_max3A_343 = vector.multi_reduction <maximumf>, %reduce_max3A_341, %reduce_max3A_342 [1, 2] : vector<1x8x1440xf32> to vector<1xf32>
    %reduce_max3A_344 = vector.shape_cast %reduce_max3A_343 : vector<1xf32> to vector<1x1x1xf32>
    %reduce_max3A_345 = vector.extract %reduce_max3A_344[0, 0, 0] : f32 from vector<1x1x1xf32>
    %eq3A_346 = vector.broadcast %reduce_max3A_345 : f32 to vector<8x1440xf32>
    %eq3A_347 = arith.cmpf oeq, %select_n3A_340, %eq3A_346 : vector<8x1440xf32>
    %jit3A_348 = arith.constant 1440 : i32
    %broadcast_in_dim3A_349 = vector.broadcast %jit3A_348 : i32 to vector<8x1440xi32>
    %select_n3A_350 = arith.select %eq3A_347, %iota3A_67, %broadcast_in_dim3A_349 : vector<8x1440xi1>, vector<8x1440xi32>
    %reduce_min3A_351 = vector.shape_cast %select_n3A_350 : vector<8x1440xi32> to vector<1x8x1440xi32>
    %reduce_min3A_352 = arith.constant dense<2147483647> : vector<1xi32>
    %reduce_min3A_353 = vector.multi_reduction <minsi>, %reduce_min3A_351, %reduce_min3A_352 [1, 2] : vector<1x8x1440xi32> to vector<1xi32>
    %reduce_min3A_354 = vector.shape_cast %reduce_min3A_353 : vector<1xi32> to vector<1x1x1xi32>
    %reduce_min3A_355 = vector.extract %reduce_min3A_354[0, 0, 0] : i32 from vector<1x1x1xi32>
    %eq3A_356 = vector.broadcast %reduce_min3A_355 : i32 to vector<8x1440xi32>
    %eq3A_357 = arith.cmpi eq, %iota3A_67, %eq3A_356 : vector<8x1440xi32>
    %and3A_358 = vector.broadcast %eq3A_335 : vector<8x1xi1> to vector<8x1440xi1>
    %and3A_359 = arith.andi %and3A_358, %eq3A_357 : vector<8x1440xi1>
    %jit3A_360 = arith.constant -3.000000e+38 : f32
    %broadcast_in_dim3A_361 = vector.broadcast %jit3A_360 : f32 to vector<8x1440xf32>
    %select_n3A_362 = arith.select %and3A_359, %broadcast_in_dim3A_361, %get3A_333 : vector<8x1440xi1>, vector<8x1440xf32>
    %swap3A_363 = arith.index_cast %multiple_of3A_329 : i32 to index
    %swap3A_364 = arith.constant 0 : index
    %swap3A_365 = vector.load %arg4[%swap3A_363, %swap3A_364] : memref<728x1440xf32, #tpu.memory_space<vmem>>, vector<8x1440xf32>
    tpu.vector_store %arg4[%swap3A_363, %swap3A_364], %select_n3A_362 {strides = array<i32>} : memref<728x1440xf32, #tpu.memory_space<vmem>>, vector<8x1440xf32>,
    %reduce_max3A_366 = arith.constant dense<0xFF800000> : vector<8xf32>
    %reduce_max3A_367 = vector.multi_reduction <maximumf>, %select_n3A_362, %reduce_max3A_366 [1] : vector<8x1440xf32> to vector<8xf32>
    %broadcast_in_dim3A_368 = vector.shape_cast %reduce_max3A_367 : vector<8xf32> to vector<8x1xf32>
    %swap3A_369 = arith.index_cast %multiple_of3A_329 : i32 to index
    %swap3A_370 = arith.constant 0 : index
    %swap3A_371 = vector.load %arg5[%swap3A_369, %swap3A_370] : memref<728x1xf32, #tpu.memory_space<vmem>>, vector<8x1xf32>
    tpu.vector_store %arg5[%swap3A_369, %swap3A_370], %broadcast_in_dim3A_368 {strides = array<i32>} : memref<728x1xf32, #tpu.memory_space<vmem>>, vector<8x1xf32>,
    %eq3A_372 = arith.constant 0 : i32
    %eq3A_373 = vector.broadcast %eq3A_372 : i32 to vector<1x8xi32>
    %eq3A_374 = arith.cmpi eq, %iota3A_68, %eq3A_373 : vector<1x8xi32>
    %convert_element_type3A_375 = arith.sitofp %reduce_min3A_302 : i32 to f32
    %eq3A_376 = arith.constant 1 : i32
    %eq3A_377 = vector.broadcast %eq3A_376 : i32 to vector<1x8xi32>
    %eq3A_378 = arith.cmpi eq, %iota3A_68, %eq3A_377 : vector<1x8xi32>
    %convert_element_type3A_379 = arith.sitofp %reduce_min3A_355 : i32 to f32
    %eq3A_380 = arith.constant 2 : i32
    %eq3A_381 = vector.broadcast %eq3A_380 : i32 to vector<1x8xi32>
    %eq3A_382 = arith.cmpi eq, %iota3A_68, %eq3A_381 : vector<1x8xi32>
    %jit3A_383 = arith.constant 0.000000e+00 : f32
    %broadcast_in_dim3A_384 = vector.broadcast %reduce_max3A_292 : f32 to vector<1x8xf32>
    %broadcast_in_dim3A_385 = vector.broadcast %jit3A_383 : f32 to vector<1x8xf32>
    %select_n3A_386 = arith.select %eq3A_382, %broadcast_in_dim3A_384, %broadcast_in_dim3A_385 : vector<1x8xi1>, vector<1x8xf32>
    %broadcast_in_dim3A_387 = vector.broadcast %convert_element_type3A_379 : f32 to vector<1x8xf32>
    %select_n3A_388 = arith.select %eq3A_378, %broadcast_in_dim3A_387, %select_n3A_386 : vector<1x8xi1>, vector<1x8xf32>
    %broadcast_in_dim3A_389 = vector.broadcast %convert_element_type3A_375 : f32 to vector<1x8xf32>
    %select_n3A_390 = arith.select %eq3A_374, %broadcast_in_dim3A_389, %select_n3A_388 : vector<1x8xi1>, vector<1x8xf32>
    %swap3A_391 = arith.constant 0 : index
    %swap3A_392 = arith.constant 2 : index
    %swap3A_393 = arith.constant 0 : index
    %swap3A_394 = vector.load %arg3[%swap3A_391, %swap3A_392, %swap3A_393] : memref<1x64x8xf32, #tpu.memory_space<vmem>>, vector<1x1x8xf32>
    %swap3A_395 = vector.shape_cast %swap3A_394 : vector<1x1x8xf32> to vector<1x8xf32>
    %swap3A_396 = vector.shape_cast %select_n3A_390 : vector<1x8xf32> to vector<1x1x8xf32>
    tpu.vector_store %arg3[%swap3A_391, %swap3A_392, %swap3A_393], %swap3A_396 {strides = array<i32>} : memref<1x64x8xf32, #tpu.memory_space<vmem>>, vector<1x1x8xf32>,
    %get3A_397 = arith.constant 0 : index
    %get3A_398 = arith.constant 0 : index
    %get3A_399 = vector.load %arg5[%get3A_397, %get3A_398] : memref<728x1xf32, #tpu.memory_space<vmem>>, vector<728x1xf32>
    %reduce_max3A_400 = vector.shape_cast %get3A_399 : vector<728x1xf32> to vector<1x728x1xf32>
    %reduce_max3A_401 = arith.constant dense<0xFF800000> : vector<1xf32>
    %reduce_max3A_402 = vector.multi_reduction <maximumf>, %reduce_max3A_400, %reduce_max3A_401 [1, 2] : vector<1x728x1xf32> to vector<1xf32>
    %reduce_max3A_403 = vector.shape_cast %reduce_max3A_402 : vector<1xf32> to vector<1x1x1xf32>
    %reduce_max3A_404 = vector.extract %reduce_max3A_403[0, 0, 0] : f32 from vector<1x1x1xf32>
    %eq3A_405 = vector.broadcast %reduce_max3A_404 : f32 to vector<728x1xf32>
    %eq3A_406 = arith.cmpf oeq, %get3A_399, %eq3A_405 : vector<728x1xf32>
    %jit3A_407 = arith.constant 728 : i32
    %broadcast_in_dim3A_408 = vector.broadcast %jit3A_407 : i32 to vector<728x1xi32>
    %select_n3A_409 = arith.select %eq3A_406, %iota3A, %broadcast_in_dim3A_408 : vector<728x1xi1>, vector<728x1xi32>
    %reduce_min3A_410 = vector.shape_cast %select_n3A_409 : vector<728x1xi32> to vector<1x728x1xi32>
    %reduce_min3A_411 = arith.constant dense<2147483647> : vector<1xi32>
    %reduce_min3A_412 = vector.multi_reduction <minsi>, %reduce_min3A_410, %reduce_min3A_411 [1, 2] : vector<1x728x1xi32> to vector<1xi32>
    %reduce_min3A_413 = vector.shape_cast %reduce_min3A_412 : vector<1xi32> to vector<1x1x1xi32>
    %reduce_min3A_414 = vector.extract %reduce_min3A_413[0, 0, 0] : i32 from vector<1x1x1xi32>
    %jit3A_415 = arith.constant 8 : i32
    %div3A_416 = arith.divsi %reduce_min3A_414, %jit3A_415 : i32
    %sign3A_417 = arith.constant 0 : i32
    %sign3A_418 = arith.cmpi sgt, %reduce_min3A_414, %sign3A_417 : i32
    %sign3A_419 = arith.extui %sign3A_418 : i1 to i32
    %sign3A_420 = arith.constant 0 : i32
    %sign3A_421 = arith.cmpi slt, %reduce_min3A_414, %sign3A_420 : i32
    %sign3A_422 = arith.extui %sign3A_421 : i1 to i32
    %sign3A_423 = arith.subi %sign3A_419, %sign3A_422 : i32
    %sign3A_424 = arith.constant 0 : i32
    %sign3A_425 = arith.cmpi sgt, %jit3A_415, %sign3A_424 : i32
    %sign3A_426 = arith.extui %sign3A_425 : i1 to i32
    %sign3A_427 = arith.constant 0 : i32
    %sign3A_428 = arith.cmpi slt, %jit3A_415, %sign3A_427 : i32
    %sign3A_429 = arith.extui %sign3A_428 : i1 to i32
    %sign3A_430 = arith.subi %sign3A_426, %sign3A_429 : i32
    %ne3A_431 = arith.cmpi ne, %sign3A_423, %sign3A_430 : i32
    %rem3A_432 = arith.remsi %reduce_min3A_414, %jit3A_415 : i32
    %ne3A_433 = arith.constant 0 : i32
    %ne3A_434 = arith.cmpi ne, %rem3A_432, %ne3A_433 : i32
    %and3A_435 = arith.andi %ne3A_431, %ne3A_434 : i1
    %sub3A_436 = arith.constant 1 : i32
    %sub3A_437 = arith.subi %div3A_416, %sub3A_436 : i32
    %select_n3A_438 = arith.select %and3A_435, %sub3A_437, %div3A_416 : i32
    %mul3A_439 = arith.constant 8 : i32
    %mul3A_440 = arith.muli %select_n3A_438, %mul3A_439 : i32
    %multiple_of3A_441 = tpu.assume_multiple %mul3A_440, 8 : i32
    %sub3A_442 = arith.subi %reduce_min3A_414, %multiple_of3A_441 : i32
    %get3A_443 = arith.index_cast %multiple_of3A_441 : i32 to index
    %get3A_444 = arith.constant 0 : index
    %get3A_445 = vector.load %arg4[%get3A_443, %get3A_444] : memref<728x1440xf32, #tpu.memory_space<vmem>>, vector<8x1440xf32>
    %eq3A_446 = vector.broadcast %sub3A_442 : i32 to vector<8x1xi32>
    %eq3A_447 = arith.cmpi eq, %iota3A_66, %eq3A_446 : vector<8x1xi32>
    %jit3A_448 = arith.constant -3.000000e+38 : f32
    %broadcast_in_dim3A_449 = vector.shape_cast %eq3A_447 : vector<8x1xi1> to vector<8x1xi1>
    %broadcast_in_dim3A_450 = vector.broadcast %broadcast_in_dim3A_449 : vector<8x1xi1> to vector<8x1440xi1>
    %broadcast_in_dim3A_451 = vector.broadcast %jit3A_448 : f32 to vector<8x1440xf32>
    %select_n3A_452 = arith.select %broadcast_in_dim3A_450, %get3A_445, %broadcast_in_dim3A_451 : vector<8x1440xi1>, vector<8x1440xf32>
    %reduce_max3A_453 = vector.shape_cast %select_n3A_452 : vector<8x1440xf32> to vector<1x8x1440xf32>
    %reduce_max3A_454 = arith.constant dense<0xFF800000> : vector<1xf32>
    %reduce_max3A_455 = vector.multi_reduction <maximumf>, %reduce_max3A_453, %reduce_max3A_454 [1, 2] : vector<1x8x1440xf32> to vector<1xf32>
    %reduce_max3A_456 = vector.shape_cast %reduce_max3A_455 : vector<1xf32> to vector<1x1x1xf32>
    %reduce_max3A_457 = vector.extract %reduce_max3A_456[0, 0, 0] : f32 from vector<1x1x1xf32>
    %eq3A_458 = vector.broadcast %reduce_max3A_457 : f32 to vector<8x1440xf32>
    %eq3A_459 = arith.cmpf oeq, %select_n3A_452, %eq3A_458 : vector<8x1440xf32>
    %jit3A_460 = arith.constant 1440 : i32
    %broadcast_in_dim3A_461 = vector.broadcast %jit3A_460 : i32 to vector<8x1440xi32>
    %select_n3A_462 = arith.select %eq3A_459, %iota3A_67, %broadcast_in_dim3A_461 : vector<8x1440xi1>, vector<8x1440xi32>
    %reduce_min3A_463 = vector.shape_cast %select_n3A_462 : vector<8x1440xi32> to vector<1x8x1440xi32>
    %reduce_min3A_464 = arith.constant dense<2147483647> : vector<1xi32>
    %reduce_min3A_465 = vector.multi_reduction <minsi>, %reduce_min3A_463, %reduce_min3A_464 [1, 2] : vector<1x8x1440xi32> to vector<1xi32>
    %reduce_min3A_466 = vector.shape_cast %reduce_min3A_465 : vector<1xi32> to vector<1x1x1xi32>
    %reduce_min3A_467 = vector.extract %reduce_min3A_466[0, 0, 0] : i32 from vector<1x1x1xi32>
    %eq3A_468 = vector.broadcast %reduce_min3A_467 : i32 to vector<8x1440xi32>
    %eq3A_469 = arith.cmpi eq, %iota3A_67, %eq3A_468 : vector<8x1440xi32>
    %and3A_470 = vector.broadcast %eq3A_447 : vector<8x1xi1> to vector<8x1440xi1>
    %and3A_471 = arith.andi %and3A_470, %eq3A_469 : vector<8x1440xi1>
    %jit3A_472 = arith.constant -3.000000e+38 : f32
    %broadcast_in_dim3A_473 = vector.broadcast %jit3A_472 : f32 to vector<8x1440xf32>
    %select_n3A_474 = arith.select %and3A_471, %broadcast_in_dim3A_473, %get3A_445 : vector<8x1440xi1>, vector<8x1440xf32>
    %swap3A_475 = arith.index_cast %multiple_of3A_441 : i32 to index
    %swap3A_476 = arith.constant 0 : index
    %swap3A_477 = vector.load %arg4[%swap3A_475, %swap3A_476] : memref<728x1440xf32, #tpu.memory_space<vmem>>, vector<8x1440xf32>
    tpu.vector_store %arg4[%swap3A_475, %swap3A_476], %select_n3A_474 {strides = array<i32>} : memref<728x1440xf32, #tpu.memory_space<vmem>>, vector<8x1440xf32>,
    %reduce_max3A_478 = arith.constant dense<0xFF800000> : vector<8xf32>
    %reduce_max3A_479 = vector.multi_reduction <maximumf>, %select_n3A_474, %reduce_max3A_478 [1] : vector<8x1440xf32> to vector<8xf32>
    %broadcast_in_dim3A_480 = vector.shape_cast %reduce_max3A_479 : vector<8xf32> to vector<8x1xf32>
    %swap3A_481 = arith.index_cast %multiple_of3A_441 : i32 to index
    %swap3A_482 = arith.constant 0 : index
    %swap3A_483 = vector.load %arg5[%swap3A_481, %swap3A_482] : memref<728x1xf32, #tpu.memory_space<vmem>>, vector<8x1xf32>
    tpu.vector_store %arg5[%swap3A_481, %swap3A_482], %broadcast_in_dim3A_480 {strides = array<i32>} : memref<728x1xf32, #tpu.memory_space<vmem>>, vector<8x1xf32>,
    %eq3A_484 = arith.constant 0 : i32
    %eq3A_485 = vector.broadcast %eq3A_484 : i32 to vector<1x8xi32>
    %eq3A_486 = arith.cmpi eq, %iota3A_68, %eq3A_485 : vector<1x8xi32>
    %convert_element_type3A_487 = arith.sitofp %reduce_min3A_414 : i32 to f32
    %eq3A_488 = arith.constant 1 : i32
    %eq3A_489 = vector.broadcast %eq3A_488 : i32 to vector<1x8xi32>
    %eq3A_490 = arith.cmpi eq, %iota3A_68, %eq3A_489 : vector<1x8xi32>
    %convert_element_type3A_491 = arith.sitofp %reduce_min3A_467 : i32 to f32
    %eq3A_492 = arith.constant 2 : i32
    %eq3A_493 = vector.broadcast %eq3A_492 : i32 to vector<1x8xi32>
    %eq3A_494 = arith.cmpi eq, %iota3A_68, %eq3A_493 : vector<1x8xi32>
    %jit3A_495 = arith.constant 0.000000e+00 : f32
    %broadcast_in_dim3A_496 = vector.broadcast %reduce_max3A_404 : f32 to vector<1x8xf32>
    %broadcast_in_dim3A_497 = vector.broadcast %jit3A_495 : f32 to vector<1x8xf32>
    %select_n3A_498 = arith.select %eq3A_494, %broadcast_in_dim3A_496, %broadcast_in_dim3A_497 : vector<1x8xi1>, vector<1x8xf32>
    %broadcast_in_dim3A_499 = vector.broadcast %convert_element_type3A_491 : f32 to vector<1x8xf32>
    %select_n3A_500 = arith.select %eq3A_490, %broadcast_in_dim3A_499, %select_n3A_498 : vector<1x8xi1>, vector<1x8xf32>
    %broadcast_in_dim3A_501 = vector.broadcast %convert_element_type3A_487 : f32 to vector<1x8xf32>
    %select_n3A_502 = arith.select %eq3A_486, %broadcast_in_dim3A_501, %select_n3A_500 : vector<1x8xi1>, vector<1x8xf32>
    %swap3A_503 = arith.constant 0 : index
    %swap3A_504 = arith.constant 3 : index
    %swap3A_505 = arith.constant 0 : index
    %swap3A_506 = vector.load %arg3[%swap3A_503, %swap3A_504, %swap3A_505] : memref<1x64x8xf32, #tpu.memory_space<vmem>>, vector<1x1x8xf32>
    %swap3A_507 = vector.shape_cast %swap3A_506 : vector<1x1x8xf32> to vector<1x8xf32>
    %swap3A_508 = vector.shape_cast %select_n3A_502 : vector<1x8xf32> to vector<1x1x8xf32>
    tpu.vector_store %arg3[%swap3A_503, %swap3A_504, %swap3A_505], %swap3A_508 {strides = array<i32>} : memref<1x64x8xf32, #tpu.memory_space<vmem>>, vector<1x1x8xf32>,
    %get3A_509 = arith.constant 0 : index
    %get3A_510 = arith.constant 0 : index
    %get3A_511 = vector.load %arg5[%get3A_509, %get3A_510] : memref<728x1xf32, #tpu.memory_space<vmem>>, vector<728x1xf32>
    %reduce_max3A_512 = vector.shape_cast %get3A_511 : vector<728x1xf32> to vector<1x728x1xf32>
    %reduce_max3A_513 = arith.constant dense<0xFF800000> : vector<1xf32>
    %reduce_max3A_514 = vector.multi_reduction <maximumf>, %reduce_max3A_512, %reduce_max3A_513 [1, 2] : vector<1x728x1xf32> to vector<1xf32>
    %reduce_max3A_515 = vector.shape_cast %reduce_max3A_514 : vector<1xf32> to vector<1x1x1xf32>
    %reduce_max3A_516 = vector.extract %reduce_max3A_515[0, 0, 0] : f32 from vector<1x1x1xf32>
    %eq3A_517 = vector.broadcast %reduce_max3A_516 : f32 to vector<728x1xf32>
    %eq3A_518 = arith.cmpf oeq, %get3A_511, %eq3A_517 : vector<728x1xf32>
    %jit3A_519 = arith.constant 728 : i32
    %broadcast_in_dim3A_520 = vector.broadcast %jit3A_519 : i32 to vector<728x1xi32>
    %select_n3A_521 = arith.select %eq3A_518, %iota3A, %broadcast_in_dim3A_520 : vector<728x1xi1>, vector<728x1xi32>
    %reduce_min3A_522 = vector.shape_cast %select_n3A_521 : vector<728x1xi32> to vector<1x728x1xi32>
    %reduce_min3A_523 = arith.constant dense<2147483647> : vector<1xi32>
    %reduce_min3A_524 = vector.multi_reduction <minsi>, %reduce_min3A_522, %reduce_min3A_523 [1, 2] : vector<1x728x1xi32> to vector<1xi32>
    %reduce_min3A_525 = vector.shape_cast %reduce_min3A_524 : vector<1xi32> to vector<1x1x1xi32>
    %reduce_min3A_526 = vector.extract %reduce_min3A_525[0, 0, 0] : i32 from vector<1x1x1xi32>
    %jit3A_527 = arith.constant 8 : i32
    %div3A_528 = arith.divsi %reduce_min3A_526, %jit3A_527 : i32
    %sign3A_529 = arith.constant 0 : i32
    %sign3A_530 = arith.cmpi sgt, %reduce_min3A_526, %sign3A_529 : i32
    %sign3A_531 = arith.extui %sign3A_530 : i1 to i32
    %sign3A_532 = arith.constant 0 : i32
    %sign3A_533 = arith.cmpi slt, %reduce_min3A_526, %sign3A_532 : i32
    %sign3A_534 = arith.extui %sign3A_533 : i1 to i32
    %sign3A_535 = arith.subi %sign3A_531, %sign3A_534 : i32
    %sign3A_536 = arith.constant 0 : i32
    %sign3A_537 = arith.cmpi sgt, %jit3A_527, %sign3A_536 : i32
    %sign3A_538 = arith.extui %sign3A_537 : i1 to i32
    %sign3A_539 = arith.constant 0 : i32
    %sign3A_540 = arith.cmpi slt, %jit3A_527, %sign3A_539 : i32
    %sign3A_541 = arith.extui %sign3A_540 : i1 to i32
    %sign3A_542 = arith.subi %sign3A_538, %sign3A_541 : i32
    %ne3A_543 = arith.cmpi ne, %sign3A_535, %sign3A_542 : i32
    %rem3A_544 = arith.remsi %reduce_min3A_526, %jit3A_527 : i32
    %ne3A_545 = arith.constant 0 : i32
    %ne3A_546 = arith.cmpi ne, %rem3A_544, %ne3A_545 : i32
    %and3A_547 = arith.andi %ne3A_543, %ne3A_546 : i1
    %sub3A_548 = arith.constant 1 : i32
    %sub3A_549 = arith.subi %div3A_528, %sub3A_548 : i32
    %select_n3A_550 = arith.select %and3A_547, %sub3A_549, %div3A_528 : i32
    %mul3A_551 = arith.constant 8 : i32
    %mul3A_552 = arith.muli %select_n3A_550, %mul3A_551 : i32
    %multiple_of3A_553 = tpu.assume_multiple %mul3A_552, 8 : i32
    %sub3A_554 = arith.subi %reduce_min3A_526, %multiple_of3A_553 : i32
    %get3A_555 = arith.index_cast %multiple_of3A_553 : i32 to index
    %get3A_556 = arith.constant 0 : index
    %get3A_557 = vector.load %arg4[%get3A_555, %get3A_556] : memref<728x1440xf32, #tpu.memory_space<vmem>>, vector<8x1440xf32>
    %eq3A_558 = vector.broadcast %sub3A_554 : i32 to vector<8x1xi32>
    %eq3A_559 = arith.cmpi eq, %iota3A_66, %eq3A_558 : vector<8x1xi32>
    %jit3A_560 = arith.constant -3.000000e+38 : f32
    %broadcast_in_dim3A_561 = vector.shape_cast %eq3A_559 : vector<8x1xi1> to vector<8x1xi1>
    %broadcast_in_dim3A_562 = vector.broadcast %broadcast_in_dim3A_561 : vector<8x1xi1> to vector<8x1440xi1>
    %broadcast_in_dim3A_563 = vector.broadcast %jit3A_560 : f32 to vector<8x1440xf32>
    %select_n3A_564 = arith.select %broadcast_in_dim3A_562, %get3A_557, %broadcast_in_dim3A_563 : vector<8x1440xi1>, vector<8x1440xf32>
    %reduce_max3A_565 = vector.shape_cast %select_n3A_564 : vector<8x1440xf32> to vector<1x8x1440xf32>
    %reduce_max3A_566 = arith.constant dense<0xFF800000> : vector<1xf32>
    %reduce_max3A_567 = vector.multi_reduction <maximumf>, %reduce_max3A_565, %reduce_max3A_566 [1, 2] : vector<1x8x1440xf32> to vector<1xf32>
    %reduce_max3A_568 = vector.shape_cast %reduce_max3A_567 : vector<1xf32> to vector<1x1x1xf32>
    %reduce_max3A_569 = vector.extract %reduce_max3A_568[0, 0, 0] : f32 from vector<1x1x1xf32>
    %eq3A_570 = vector.broadcast %reduce_max3A_569 : f32 to vector<8x1440xf32>
    %eq3A_571 = arith.cmpf oeq, %select_n3A_564, %eq3A_570 : vector<8x1440xf32>
    %jit3A_572 = arith.constant 1440 : i32
    %broadcast_in_dim3A_573 = vector.broadcast %jit3A_572 : i32 to vector<8x1440xi32>
    %select_n3A_574 = arith.select %eq3A_571, %iota3A_67, %broadcast_in_dim3A_573 : vector<8x1440xi1>, vector<8x1440xi32>
    %reduce_min3A_575 = vector.shape_cast %select_n3A_574 : vector<8x1440xi32> to vector<1x8x1440xi32>
    %reduce_min3A_576 = arith.constant dense<2147483647> : vector<1xi32>
    %reduce_min3A_577 = vector.multi_reduction <minsi>, %reduce_min3A_575, %reduce_min3A_576 [1, 2] : vector<1x8x1440xi32> to vector<1xi32>
    %reduce_min3A_578 = vector.shape_cast %reduce_min3A_577 : vector<1xi32> to vector<1x1x1xi32>
    %reduce_min3A_579 = vector.extract %reduce_min3A_578[0, 0, 0] : i32 from vector<1x1x1xi32>
    %eq3A_580 = vector.broadcast %reduce_min3A_579 : i32 to vector<8x1440xi32>
    %eq3A_581 = arith.cmpi eq, %iota3A_67, %eq3A_580 : vector<8x1440xi32>
    %and3A_582 = vector.broadcast %eq3A_559 : vector<8x1xi1> to vector<8x1440xi1>
    %and3A_583 = arith.andi %and3A_582, %eq3A_581 : vector<8x1440xi1>
    %jit3A_584 = arith.constant -3.000000e+38 : f32
    %broadcast_in_dim3A_585 = vector.broadcast %jit3A_584 : f32 to vector<8x1440xf32>
    %select_n3A_586 = arith.select %and3A_583, %broadcast_in_dim3A_585, %get3A_557 : vector<8x1440xi1>, vector<8x1440xf32>
    %swap3A_587 = arith.index_cast %multiple_of3A_553 : i32 to index
    %swap3A_588 = arith.constant 0 : index
    %swap3A_589 = vector.load %arg4[%swap3A_587, %swap3A_588] : memref<728x1440xf32, #tpu.memory_space<vmem>>, vector<8x1440xf32>
    tpu.vector_store %arg4[%swap3A_587, %swap3A_588], %select_n3A_586 {strides = array<i32>} : memref<728x1440xf32, #tpu.memory_space<vmem>>, vector<8x1440xf32>,
    %reduce_max3A_590 = arith.constant dense<0xFF800000> : vector<8xf32>
    %reduce_max3A_591 = vector.multi_reduction <maximumf>, %select_n3A_586, %reduce_max3A_590 [1] : vector<8x1440xf32> to vector<8xf32>
    %broadcast_in_dim3A_592 = vector.shape_cast %reduce_max3A_591 : vector<8xf32> to vector<8x1xf32>
    %swap3A_593 = arith.index_cast %multiple_of3A_553 : i32 to index
    %swap3A_594 = arith.constant 0 : index
    %swap3A_595 = vector.load %arg5[%swap3A_593, %swap3A_594] : memref<728x1xf32, #tpu.memory_space<vmem>>, vector<8x1xf32>
    tpu.vector_store %arg5[%swap3A_593, %swap3A_594], %broadcast_in_dim3A_592 {strides = array<i32>} : memref<728x1xf32, #tpu.memory_space<vmem>>, vector<8x1xf32>,
    %eq3A_596 = arith.constant 0 : i32
    %eq3A_597 = vector.broadcast %eq3A_596 : i32 to vector<1x8xi32>
    %eq3A_598 = arith.cmpi eq, %iota3A_68, %eq3A_597 : vector<1x8xi32>
    %convert_element_type3A_599 = arith.sitofp %reduce_min3A_526 : i32 to f32
    %eq3A_600 = arith.constant 1 : i32
    %eq3A_601 = vector.broadcast %eq3A_600 : i32 to vector<1x8xi32>
    %eq3A_602 = arith.cmpi eq, %iota3A_68, %eq3A_601 : vector<1x8xi32>
    %convert_element_type3A_603 = arith.sitofp %reduce_min3A_579 : i32 to f32
    %eq3A_604 = arith.constant 2 : i32
    %eq3A_605 = vector.broadcast %eq3A_604 : i32 to vector<1x8xi32>
    %eq3A_606 = arith.cmpi eq, %iota3A_68, %eq3A_605 : vector<1x8xi32>
    %jit3A_607 = arith.constant 0.000000e+00 : f32
    %broadcast_in_dim3A_608 = vector.broadcast %reduce_max3A_516 : f32 to vector<1x8xf32>
    %broadcast_in_dim3A_609 = vector.broadcast %jit3A_607 : f32 to vector<1x8xf32>
    %select_n3A_610 = arith.select %eq3A_606, %broadcast_in_dim3A_608, %broadcast_in_dim3A_609 : vector<1x8xi1>, vector<1x8xf32>
    %broadcast_in_dim3A_611 = vector.broadcast %convert_element_type3A_603 : f32 to vector<1x8xf32>
    %select_n3A_612 = arith.select %eq3A_602, %broadcast_in_dim3A_611, %select_n3A_610 : vector<1x8xi1>, vector<1x8xf32>
    %broadcast_in_dim3A_613 = vector.broadcast %convert_element_type3A_599 : f32 to vector<1x8xf32>
    %select_n3A_614 = arith.select %eq3A_598, %broadcast_in_dim3A_613, %select_n3A_612 : vector<1x8xi1>, vector<1x8xf32>
    %swap3A_615 = arith.constant 0 : index
    %swap3A_616 = arith.constant 4 : index
    %swap3A_617 = arith.constant 0 : index
    %swap3A_618 = vector.load %arg3[%swap3A_615, %swap3A_616, %swap3A_617] : memref<1x64x8xf32, #tpu.memory_space<vmem>>, vector<1x1x8xf32>
    %swap3A_619 = vector.shape_cast %swap3A_618 : vector<1x1x8xf32> to vector<1x8xf32>
    %swap3A_620 = vector.shape_cast %select_n3A_614 : vector<1x8xf32> to vector<1x1x8xf32>
    tpu.vector_store %arg3[%swap3A_615, %swap3A_616, %swap3A_617], %swap3A_620 {strides = array<i32>} : memref<1x64x8xf32, #tpu.memory_space<vmem>>, vector<1x1x8xf32>,
    %get3A_621 = arith.constant 0 : index
    %get3A_622 = arith.constant 0 : index
    %get3A_623 = vector.load %arg5[%get3A_621, %get3A_622] : memref<728x1xf32, #tpu.memory_space<vmem>>, vector<728x1xf32>
    %reduce_max3A_624 = vector.shape_cast %get3A_623 : vector<728x1xf32> to vector<1x728x1xf32>
    %reduce_max3A_625 = arith.constant dense<0xFF800000> : vector<1xf32>
    %reduce_max3A_626 = vector.multi_reduction <maximumf>, %reduce_max3A_624, %reduce_max3A_625 [1, 2] : vector<1x728x1xf32> to vector<1xf32>
    %reduce_max3A_627 = vector.shape_cast %reduce_max3A_626 : vector<1xf32> to vector<1x1x1xf32>
    %reduce_max3A_628 = vector.extract %reduce_max3A_627[0, 0, 0] : f32 from vector<1x1x1xf32>
    %eq3A_629 = vector.broadcast %reduce_max3A_628 : f32 to vector<728x1xf32>
    %eq3A_630 = arith.cmpf oeq, %get3A_623, %eq3A_629 : vector<728x1xf32>
    %jit3A_631 = arith.constant 728 : i32
    %broadcast_in_dim3A_632 = vector.broadcast %jit3A_631 : i32 to vector<728x1xi32>
    %select_n3A_633 = arith.select %eq3A_630, %iota3A, %broadcast_in_dim3A_632 : vector<728x1xi1>, vector<728x1xi32>
    %reduce_min3A_634 = vector.shape_cast %select_n3A_633 : vector<728x1xi32> to vector<1x728x1xi32>
    %reduce_min3A_635 = arith.constant dense<2147483647> : vector<1xi32>
    %reduce_min3A_636 = vector.multi_reduction <minsi>, %reduce_min3A_634, %reduce_min3A_635 [1, 2] : vector<1x728x1xi32> to vector<1xi32>
    %reduce_min3A_637 = vector.shape_cast %reduce_min3A_636 : vector<1xi32> to vector<1x1x1xi32>
    %reduce_min3A_638 = vector.extract %reduce_min3A_637[0, 0, 0] : i32 from vector<1x1x1xi32>
    %jit3A_639 = arith.constant 8 : i32
    %div3A_640 = arith.divsi %reduce_min3A_638, %jit3A_639 : i32
    %sign3A_641 = arith.constant 0 : i32
    %sign3A_642 = arith.cmpi sgt, %reduce_min3A_638, %sign3A_641 : i32
    %sign3A_643 = arith.extui %sign3A_642 : i1 to i32
    %sign3A_644 = arith.constant 0 : i32
    %sign3A_645 = arith.cmpi slt, %reduce_min3A_638, %sign3A_644 : i32
    %sign3A_646 = arith.extui %sign3A_645 : i1 to i32
    %sign3A_647 = arith.subi %sign3A_643, %sign3A_646 : i32
    %sign3A_648 = arith.constant 0 : i32
    %sign3A_649 = arith.cmpi sgt, %jit3A_639, %sign3A_648 : i32
    %sign3A_650 = arith.extui %sign3A_649 : i1 to i32
    %sign3A_651 = arith.constant 0 : i32
    %sign3A_652 = arith.cmpi slt, %jit3A_639, %sign3A_651 : i32
    %sign3A_653 = arith.extui %sign3A_652 : i1 to i32
    %sign3A_654 = arith.subi %sign3A_650, %sign3A_653 : i32
    %ne3A_655 = arith.cmpi ne, %sign3A_647, %sign3A_654 : i32
    %rem3A_656 = arith.remsi %reduce_min3A_638, %jit3A_639 : i32
    %ne3A_657 = arith.constant 0 : i32
    %ne3A_658 = arith.cmpi ne, %rem3A_656, %ne3A_657 : i32
    %and3A_659 = arith.andi %ne3A_655, %ne3A_658 : i1
    %sub3A_660 = arith.constant 1 : i32
    %sub3A_661 = arith.subi %div3A_640, %sub3A_660 : i32
    %select_n3A_662 = arith.select %and3A_659, %sub3A_661, %div3A_640 : i32
    %mul3A_663 = arith.constant 8 : i32
    %mul3A_664 = arith.muli %select_n3A_662, %mul3A_663 : i32
    %multiple_of3A_665 = tpu.assume_multiple %mul3A_664, 8 : i32
    %sub3A_666 = arith.subi %reduce_min3A_638, %multiple_of3A_665 : i32
    %get3A_667 = arith.index_cast %multiple_of3A_665 : i32 to index
    %get3A_668 = arith.constant 0 : index
    %get3A_669 = vector.load %arg4[%get3A_667, %get3A_668] : memref<728x1440xf32, #tpu.memory_space<vmem>>, vector<8x1440xf32>
    %eq3A_670 = vector.broadcast %sub3A_666 : i32 to vector<8x1xi32>
    %eq3A_671 = arith.cmpi eq, %iota3A_66, %eq3A_670 : vector<8x1xi32>
    %jit3A_672 = arith.constant -3.000000e+38 : f32
    %broadcast_in_dim3A_673 = vector.shape_cast %eq3A_671 : vector<8x1xi1> to vector<8x1xi1>
    %broadcast_in_dim3A_674 = vector.broadcast %broadcast_in_dim3A_673 : vector<8x1xi1> to vector<8x1440xi1>
    %broadcast_in_dim3A_675 = vector.broadcast %jit3A_672 : f32 to vector<8x1440xf32>
    %select_n3A_676 = arith.select %broadcast_in_dim3A_674, %get3A_669, %broadcast_in_dim3A_675 : vector<8x1440xi1>, vector<8x1440xf32>
    %reduce_max3A_677 = vector.shape_cast %select_n3A_676 : vector<8x1440xf32> to vector<1x8x1440xf32>
    %reduce_max3A_678 = arith.constant dense<0xFF800000> : vector<1xf32>
    %reduce_max3A_679 = vector.multi_reduction <maximumf>, %reduce_max3A_677, %reduce_max3A_678 [1, 2] : vector<1x8x1440xf32> to vector<1xf32>
    %reduce_max3A_680 = vector.shape_cast %reduce_max3A_679 : vector<1xf32> to vector<1x1x1xf32>
    %reduce_max3A_681 = vector.extract %reduce_max3A_680[0, 0, 0] : f32 from vector<1x1x1xf32>
    %eq3A_682 = vector.broadcast %reduce_max3A_681 : f32 to vector<8x1440xf32>
    %eq3A_683 = arith.cmpf oeq, %select_n3A_676, %eq3A_682 : vector<8x1440xf32>
    %jit3A_684 = arith.constant 1440 : i32
    %broadcast_in_dim3A_685 = vector.broadcast %jit3A_684 : i32 to vector<8x1440xi32>
    %select_n3A_686 = arith.select %eq3A_683, %iota3A_67, %broadcast_in_dim3A_685 : vector<8x1440xi1>, vector<8x1440xi32>
    %reduce_min3A_687 = vector.shape_cast %select_n3A_686 : vector<8x1440xi32> to vector<1x8x1440xi32>
    %reduce_min3A_688 = arith.constant dense<2147483647> : vector<1xi32>
    %reduce_min3A_689 = vector.multi_reduction <minsi>, %reduce_min3A_687, %reduce_min3A_688 [1, 2] : vector<1x8x1440xi32> to vector<1xi32>
    %reduce_min3A_690 = vector.shape_cast %reduce_min3A_689 : vector<1xi32> to vector<1x1x1xi32>
    %reduce_min3A_691 = vector.extract %reduce_min3A_690[0, 0, 0] : i32 from vector<1x1x1xi32>
    %eq3A_692 = vector.broadcast %reduce_min3A_691 : i32 to vector<8x1440xi32>
    %eq3A_693 = arith.cmpi eq, %iota3A_67, %eq3A_692 : vector<8x1440xi32>
    %and3A_694 = vector.broadcast %eq3A_671 : vector<8x1xi1> to vector<8x1440xi1>
    %and3A_695 = arith.andi %and3A_694, %eq3A_693 : vector<8x1440xi1>
    %jit3A_696 = arith.constant -3.000000e+38 : f32
    %broadcast_in_dim3A_697 = vector.broadcast %jit3A_696 : f32 to vector<8x1440xf32>
    %select_n3A_698 = arith.select %and3A_695, %broadcast_in_dim3A_697, %get3A_669 : vector<8x1440xi1>, vector<8x1440xf32>
    %swap3A_699 = arith.index_cast %multiple_of3A_665 : i32 to index
    %swap3A_700 = arith.constant 0 : index
    %swap3A_701 = vector.load %arg4[%swap3A_699, %swap3A_700] : memref<728x1440xf32, #tpu.memory_space<vmem>>, vector<8x1440xf32>
    tpu.vector_store %arg4[%swap3A_699, %swap3A_700], %select_n3A_698 {strides = array<i32>} : memref<728x1440xf32, #tpu.memory_space<vmem>>, vector<8x1440xf32>,
    %reduce_max3A_702 = arith.constant dense<0xFF800000> : vector<8xf32>
    %reduce_max3A_703 = vector.multi_reduction <maximumf>, %select_n3A_698, %reduce_max3A_702 [1] : vector<8x1440xf32> to vector<8xf32>
    %broadcast_in_dim3A_704 = vector.shape_cast %reduce_max3A_703 : vector<8xf32> to vector<8x1xf32>
    %swap3A_705 = arith.index_cast %multiple_of3A_665 : i32 to index
    %swap3A_706 = arith.constant 0 : index
    %swap3A_707 = vector.load %arg5[%swap3A_705, %swap3A_706] : memref<728x1xf32, #tpu.memory_space<vmem>>, vector<8x1xf32>
    tpu.vector_store %arg5[%swap3A_705, %swap3A_706], %broadcast_in_dim3A_704 {strides = array<i32>} : memref<728x1xf32, #tpu.memory_space<vmem>>, vector<8x1xf32>,
    %eq3A_708 = arith.constant 0 : i32
    %eq3A_709 = vector.broadcast %eq3A_708 : i32 to vector<1x8xi32>
    %eq3A_710 = arith.cmpi eq, %iota3A_68, %eq3A_709 : vector<1x8xi32>
    %convert_element_type3A_711 = arith.sitofp %reduce_min3A_638 : i32 to f32
    %eq3A_712 = arith.constant 1 : i32
    %eq3A_713 = vector.broadcast %eq3A_712 : i32 to vector<1x8xi32>
    %eq3A_714 = arith.cmpi eq, %iota3A_68, %eq3A_713 : vector<1x8xi32>
    %convert_element_type3A_715 = arith.sitofp %reduce_min3A_691 : i32 to f32
    %eq3A_716 = arith.constant 2 : i32
    %eq3A_717 = vector.broadcast %eq3A_716 : i32 to vector<1x8xi32>
    %eq3A_718 = arith.cmpi eq, %iota3A_68, %eq3A_717 : vector<1x8xi32>
    %jit3A_719 = arith.constant 0.000000e+00 : f32
    %broadcast_in_dim3A_720 = vector.broadcast %reduce_max3A_628 : f32 to vector<1x8xf32>
    %broadcast_in_dim3A_721 = vector.broadcast %jit3A_719 : f32 to vector<1x8xf32>
    %select_n3A_722 = arith.select %eq3A_718, %broadcast_in_dim3A_720, %broadcast_in_dim3A_721 : vector<1x8xi1>, vector<1x8xf32>
    %broadcast_in_dim3A_723 = vector.broadcast %convert_element_type3A_715 : f32 to vector<1x8xf32>
    %select_n3A_724 = arith.select %eq3A_714, %broadcast_in_dim3A_723, %select_n3A_722 : vector<1x8xi1>, vector<1x8xf32>
    %broadcast_in_dim3A_725 = vector.broadcast %convert_element_type3A_711 : f32 to vector<1x8xf32>
    %select_n3A_726 = arith.select %eq3A_710, %broadcast_in_dim3A_725, %select_n3A_724 : vector<1x8xi1>, vector<1x8xf32>
    %swap3A_727 = arith.constant 0 : index
    %swap3A_728 = arith.constant 5 : index
    %swap3A_729 = arith.constant 0 : index
    %swap3A_730 = vector.load %arg3[%swap3A_727, %swap3A_728, %swap3A_729] : memref<1x64x8xf32, #tpu.memory_space<vmem>>, vector<1x1x8xf32>
    %swap3A_731 = vector.shape_cast %swap3A_730 : vector<1x1x8xf32> to vector<1x8xf32>
    %swap3A_732 = vector.shape_cast %select_n3A_726 : vector<1x8xf32> to vector<1x1x8xf32>
    tpu.vector_store %arg3[%swap3A_727, %swap3A_728, %swap3A_729], %swap3A_732 {strides = array<i32>} : memref<1x64x8xf32, #tpu.memory_space<vmem>>, vector<1x1x8xf32>,
    %get3A_733 = arith.constant 0 : index
    %get3A_734 = arith.constant 0 : index
    %get3A_735 = vector.load %arg5[%get3A_733, %get3A_734] : memref<728x1xf32, #tpu.memory_space<vmem>>, vector<728x1xf32>
    %reduce_max3A_736 = vector.shape_cast %get3A_735 : vector<728x1xf32> to vector<1x728x1xf32>
    %reduce_max3A_737 = arith.constant dense<0xFF800000> : vector<1xf32>
    %reduce_max3A_738 = vector.multi_reduction <maximumf>, %reduce_max3A_736, %reduce_max3A_737 [1, 2] : vector<1x728x1xf32> to vector<1xf32>
    %reduce_max3A_739 = vector.shape_cast %reduce_max3A_738 : vector<1xf32> to vector<1x1x1xf32>
    %reduce_max3A_740 = vector.extract %reduce_max3A_739[0, 0, 0] : f32 from vector<1x1x1xf32>
    %eq3A_741 = vector.broadcast %reduce_max3A_740 : f32 to vector<728x1xf32>
    %eq3A_742 = arith.cmpf oeq, %get3A_735, %eq3A_741 : vector<728x1xf32>
    %jit3A_743 = arith.constant 728 : i32
    %broadcast_in_dim3A_744 = vector.broadcast %jit3A_743 : i32 to vector<728x1xi32>
    %select_n3A_745 = arith.select %eq3A_742, %iota3A, %broadcast_in_dim3A_744 : vector<728x1xi1>, vector<728x1xi32>
    %reduce_min3A_746 = vector.shape_cast %select_n3A_745 : vector<728x1xi32> to vector<1x728x1xi32>
    %reduce_min3A_747 = arith.constant dense<2147483647> : vector<1xi32>
    %reduce_min3A_748 = vector.multi_reduction <minsi>, %reduce_min3A_746, %reduce_min3A_747 [1, 2] : vector<1x728x1xi32> to vector<1xi32>
    %reduce_min3A_749 = vector.shape_cast %reduce_min3A_748 : vector<1xi32> to vector<1x1x1xi32>
    %reduce_min3A_750 = vector.extract %reduce_min3A_749[0, 0, 0] : i32 from vector<1x1x1xi32>
    %jit3A_751 = arith.constant 8 : i32
    %div3A_752 = arith.divsi %reduce_min3A_750, %jit3A_751 : i32
    %sign3A_753 = arith.constant 0 : i32
    %sign3A_754 = arith.cmpi sgt, %reduce_min3A_750, %sign3A_753 : i32
    %sign3A_755 = arith.extui %sign3A_754 : i1 to i32
    %sign3A_756 = arith.constant 0 : i32
    %sign3A_757 = arith.cmpi slt, %reduce_min3A_750, %sign3A_756 : i32
    %sign3A_758 = arith.extui %sign3A_757 : i1 to i32
    %sign3A_759 = arith.subi %sign3A_755, %sign3A_758 : i32
    %sign3A_760 = arith.constant 0 : i32
    %sign3A_761 = arith.cmpi sgt, %jit3A_751, %sign3A_760 : i32
    %sign3A_762 = arith.extui %sign3A_761 : i1 to i32
    %sign3A_763 = arith.constant 0 : i32
    %sign3A_764 = arith.cmpi slt, %jit3A_751, %sign3A_763 : i32
    %sign3A_765 = arith.extui %sign3A_764 : i1 to i32
    %sign3A_766 = arith.subi %sign3A_762, %sign3A_765 : i32
    %ne3A_767 = arith.cmpi ne, %sign3A_759, %sign3A_766 : i32
    %rem3A_768 = arith.remsi %reduce_min3A_750, %jit3A_751 : i32
    %ne3A_769 = arith.constant 0 : i32
    %ne3A_770 = arith.cmpi ne, %rem3A_768, %ne3A_769 : i32
    %and3A_771 = arith.andi %ne3A_767, %ne3A_770 : i1
    %sub3A_772 = arith.constant 1 : i32
    %sub3A_773 = arith.subi %div3A_752, %sub3A_772 : i32
    %select_n3A_774 = arith.select %and3A_771, %sub3A_773, %div3A_752 : i32
    %mul3A_775 = arith.constant 8 : i32
    %mul3A_776 = arith.muli %select_n3A_774, %mul3A_775 : i32
    %multiple_of3A_777 = tpu.assume_multiple %mul3A_776, 8 : i32
    %sub3A_778 = arith.subi %reduce_min3A_750, %multiple_of3A_777 : i32
    %get3A_779 = arith.index_cast %multiple_of3A_777 : i32 to index
    %get3A_780 = arith.constant 0 : index
    %get3A_781 = vector.load %arg4[%get3A_779, %get3A_780] : memref<728x1440xf32, #tpu.memory_space<vmem>>, vector<8x1440xf32>
    %eq3A_782 = vector.broadcast %sub3A_778 : i32 to vector<8x1xi32>
    %eq3A_783 = arith.cmpi eq, %iota3A_66, %eq3A_782 : vector<8x1xi32>
    %jit3A_784 = arith.constant -3.000000e+38 : f32
    %broadcast_in_dim3A_785 = vector.shape_cast %eq3A_783 : vector<8x1xi1> to vector<8x1xi1>
    %broadcast_in_dim3A_786 = vector.broadcast %broadcast_in_dim3A_785 : vector<8x1xi1> to vector<8x1440xi1>
    %broadcast_in_dim3A_787 = vector.broadcast %jit3A_784 : f32 to vector<8x1440xf32>
    %select_n3A_788 = arith.select %broadcast_in_dim3A_786, %get3A_781, %broadcast_in_dim3A_787 : vector<8x1440xi1>, vector<8x1440xf32>
    %reduce_max3A_789 = vector.shape_cast %select_n3A_788 : vector<8x1440xf32> to vector<1x8x1440xf32>
    %reduce_max3A_790 = arith.constant dense<0xFF800000> : vector<1xf32>
    %reduce_max3A_791 = vector.multi_reduction <maximumf>, %reduce_max3A_789, %reduce_max3A_790 [1, 2] : vector<1x8x1440xf32> to vector<1xf32>
    %reduce_max3A_792 = vector.shape_cast %reduce_max3A_791 : vector<1xf32> to vector<1x1x1xf32>
    %reduce_max3A_793 = vector.extract %reduce_max3A_792[0, 0, 0] : f32 from vector<1x1x1xf32>
    %eq3A_794 = vector.broadcast %reduce_max3A_793 : f32 to vector<8x1440xf32>
    %eq3A_795 = arith.cmpf oeq, %select_n3A_788, %eq3A_794 : vector<8x1440xf32>
    %jit3A_796 = arith.constant 1440 : i32
    %broadcast_in_dim3A_797 = vector.broadcast %jit3A_796 : i32 to vector<8x1440xi32>
    %select_n3A_798 = arith.select %eq3A_795, %iota3A_67, %broadcast_in_dim3A_797 : vector<8x1440xi1>, vector<8x1440xi32>
    %reduce_min3A_799 = vector.shape_cast %select_n3A_798 : vector<8x1440xi32> to vector<1x8x1440xi32>
    %reduce_min3A_800 = arith.constant dense<2147483647> : vector<1xi32>
    %reduce_min3A_801 = vector.multi_reduction <minsi>, %reduce_min3A_799, %reduce_min3A_800 [1, 2] : vector<1x8x1440xi32> to vector<1xi32>
    %reduce_min3A_802 = vector.shape_cast %reduce_min3A_801 : vector<1xi32> to vector<1x1x1xi32>
    %reduce_min3A_803 = vector.extract %reduce_min3A_802[0, 0, 0] : i32 from vector<1x1x1xi32>
    %eq3A_804 = vector.broadcast %reduce_min3A_803 : i32 to vector<8x1440xi32>
    %eq3A_805 = arith.cmpi eq, %iota3A_67, %eq3A_804 : vector<8x1440xi32>
    %and3A_806 = vector.broadcast %eq3A_783 : vector<8x1xi1> to vector<8x1440xi1>
    %and3A_807 = arith.andi %and3A_806, %eq3A_805 : vector<8x1440xi1>
    %jit3A_808 = arith.constant -3.000000e+38 : f32
    %broadcast_in_dim3A_809 = vector.broadcast %jit3A_808 : f32 to vector<8x1440xf32>
    %select_n3A_810 = arith.select %and3A_807, %broadcast_in_dim3A_809, %get3A_781 : vector<8x1440xi1>, vector<8x1440xf32>
    %swap3A_811 = arith.index_cast %multiple_of3A_777 : i32 to index
    %swap3A_812 = arith.constant 0 : index
    %swap3A_813 = vector.load %arg4[%swap3A_811, %swap3A_812] : memref<728x1440xf32, #tpu.memory_space<vmem>>, vector<8x1440xf32>
    tpu.vector_store %arg4[%swap3A_811, %swap3A_812], %select_n3A_810 {strides = array<i32>} : memref<728x1440xf32, #tpu.memory_space<vmem>>, vector<8x1440xf32>,
    %reduce_max3A_814 = arith.constant dense<0xFF800000> : vector<8xf32>
    %reduce_max3A_815 = vector.multi_reduction <maximumf>, %select_n3A_810, %reduce_max3A_814 [1] : vector<8x1440xf32> to vector<8xf32>
    %broadcast_in_dim3A_816 = vector.shape_cast %reduce_max3A_815 : vector<8xf32> to vector<8x1xf32>
    %swap3A_817 = arith.index_cast %multiple_of3A_777 : i32 to index
    %swap3A_818 = arith.constant 0 : index
    %swap3A_819 = vector.load %arg5[%swap3A_817, %swap3A_818] : memref<728x1xf32, #tpu.memory_space<vmem>>, vector<8x1xf32>
    tpu.vector_store %arg5[%swap3A_817, %swap3A_818], %broadcast_in_dim3A_816 {strides = array<i32>} : memref<728x1xf32, #tpu.memory_space<vmem>>, vector<8x1xf32>,
    %eq3A_820 = arith.constant 0 : i32
    %eq3A_821 = vector.broadcast %eq3A_820 : i32 to vector<1x8xi32>
    %eq3A_822 = arith.cmpi eq, %iota3A_68, %eq3A_821 : vector<1x8xi32>
    %convert_element_type3A_823 = arith.sitofp %reduce_min3A_750 : i32 to f32
    %eq3A_824 = arith.constant 1 : i32
    %eq3A_825 = vector.broadcast %eq3A_824 : i32 to vector<1x8xi32>
    %eq3A_826 = arith.cmpi eq, %iota3A_68, %eq3A_825 : vector<1x8xi32>
    %convert_element_type3A_827 = arith.sitofp %reduce_min3A_803 : i32 to f32
    %eq3A_828 = arith.constant 2 : i32
    %eq3A_829 = vector.broadcast %eq3A_828 : i32 to vector<1x8xi32>
    %eq3A_830 = arith.cmpi eq, %iota3A_68, %eq3A_829 : vector<1x8xi32>
    %jit3A_831 = arith.constant 0.000000e+00 : f32
    %broadcast_in_dim3A_832 = vector.broadcast %reduce_max3A_740 : f32 to vector<1x8xf32>
    %broadcast_in_dim3A_833 = vector.broadcast %jit3A_831 : f32 to vector<1x8xf32>
    %select_n3A_834 = arith.select %eq3A_830, %broadcast_in_dim3A_832, %broadcast_in_dim3A_833 : vector<1x8xi1>, vector<1x8xf32>
    %broadcast_in_dim3A_835 = vector.broadcast %convert_element_type3A_827 : f32 to vector<1x8xf32>
    %select_n3A_836 = arith.select %eq3A_826, %broadcast_in_dim3A_835, %select_n3A_834 : vector<1x8xi1>, vector<1x8xf32>
    %broadcast_in_dim3A_837 = vector.broadcast %convert_element_type3A_823 : f32 to vector<1x8xf32>
    %select_n3A_838 = arith.select %eq3A_822, %broadcast_in_dim3A_837, %select_n3A_836 : vector<1x8xi1>, vector<1x8xf32>
    %swap3A_839 = arith.constant 0 : index
    %swap3A_840 = arith.constant 6 : index
    %swap3A_841 = arith.constant 0 : index
    %swap3A_842 = vector.load %arg3[%swap3A_839, %swap3A_840, %swap3A_841] : memref<1x64x8xf32, #tpu.memory_space<vmem>>, vector<1x1x8xf32>
    %swap3A_843 = vector.shape_cast %swap3A_842 : vector<1x1x8xf32> to vector<1x8xf32>
    %swap3A_844 = vector.shape_cast %select_n3A_838 : vector<1x8xf32> to vector<1x1x8xf32>
    tpu.vector_store %arg3[%swap3A_839, %swap3A_840, %swap3A_841], %swap3A_844 {strides = array<i32>} : memref<1x64x8xf32, #tpu.memory_space<vmem>>, vector<1x1x8xf32>,
    %get3A_845 = arith.constant 0 : index
    %get3A_846 = arith.constant 0 : index
    %get3A_847 = vector.load %arg5[%get3A_845, %get3A_846] : memref<728x1xf32, #tpu.memory_space<vmem>>, vector<728x1xf32>
    %reduce_max3A_848 = vector.shape_cast %get3A_847 : vector<728x1xf32> to vector<1x728x1xf32>
    %reduce_max3A_849 = arith.constant dense<0xFF800000> : vector<1xf32>
    %reduce_max3A_850 = vector.multi_reduction <maximumf>, %reduce_max3A_848, %reduce_max3A_849 [1, 2] : vector<1x728x1xf32> to vector<1xf32>
    %reduce_max3A_851 = vector.shape_cast %reduce_max3A_850 : vector<1xf32> to vector<1x1x1xf32>
    %reduce_max3A_852 = vector.extract %reduce_max3A_851[0, 0, 0] : f32 from vector<1x1x1xf32>
    %eq3A_853 = vector.broadcast %reduce_max3A_852 : f32 to vector<728x1xf32>
    %eq3A_854 = arith.cmpf oeq, %get3A_847, %eq3A_853 : vector<728x1xf32>
    %jit3A_855 = arith.constant 728 : i32
    %broadcast_in_dim3A_856 = vector.broadcast %jit3A_855 : i32 to vector<728x1xi32>
    %select_n3A_857 = arith.select %eq3A_854, %iota3A, %broadcast_in_dim3A_856 : vector<728x1xi1>, vector<728x1xi32>
    %reduce_min3A_858 = vector.shape_cast %select_n3A_857 : vector<728x1xi32> to vector<1x728x1xi32>
    %reduce_min3A_859 = arith.constant dense<2147483647> : vector<1xi32>
    %reduce_min3A_860 = vector.multi_reduction <minsi>, %reduce_min3A_858, %reduce_min3A_859 [1, 2] : vector<1x728x1xi32> to vector<1xi32>
    %reduce_min3A_861 = vector.shape_cast %reduce_min3A_860 : vector<1xi32> to vector<1x1x1xi32>
    %reduce_min3A_862 = vector.extract %reduce_min3A_861[0, 0, 0] : i32 from vector<1x1x1xi32>
    %jit3A_863 = arith.constant 8 : i32
    %div3A_864 = arith.divsi %reduce_min3A_862, %jit3A_863 : i32
    %sign3A_865 = arith.constant 0 : i32
    %sign3A_866 = arith.cmpi sgt, %reduce_min3A_862, %sign3A_865 : i32
    %sign3A_867 = arith.extui %sign3A_866 : i1 to i32
    %sign3A_868 = arith.constant 0 : i32
    %sign3A_869 = arith.cmpi slt, %reduce_min3A_862, %sign3A_868 : i32
    %sign3A_870 = arith.extui %sign3A_869 : i1 to i32
    %sign3A_871 = arith.subi %sign3A_867, %sign3A_870 : i32
    %sign3A_872 = arith.constant 0 : i32
    %sign3A_873 = arith.cmpi sgt, %jit3A_863, %sign3A_872 : i32
    %sign3A_874 = arith.extui %sign3A_873 : i1 to i32
    %sign3A_875 = arith.constant 0 : i32
    %sign3A_876 = arith.cmpi slt, %jit3A_863, %sign3A_875 : i32
    %sign3A_877 = arith.extui %sign3A_876 : i1 to i32
    %sign3A_878 = arith.subi %sign3A_874, %sign3A_877 : i32
    %ne3A_879 = arith.cmpi ne, %sign3A_871, %sign3A_878 : i32
    %rem3A_880 = arith.remsi %reduce_min3A_862, %jit3A_863 : i32
    %ne3A_881 = arith.constant 0 : i32
    %ne3A_882 = arith.cmpi ne, %rem3A_880, %ne3A_881 : i32
    %and3A_883 = arith.andi %ne3A_879, %ne3A_882 : i1
    %sub3A_884 = arith.constant 1 : i32
    %sub3A_885 = arith.subi %div3A_864, %sub3A_884 : i32
    %select_n3A_886 = arith.select %and3A_883, %sub3A_885, %div3A_864 : i32
    %mul3A_887 = arith.constant 8 : i32
    %mul3A_888 = arith.muli %select_n3A_886, %mul3A_887 : i32
    %multiple_of3A_889 = tpu.assume_multiple %mul3A_888, 8 : i32
    %sub3A_890 = arith.subi %reduce_min3A_862, %multiple_of3A_889 : i32
    %get3A_891 = arith.index_cast %multiple_of3A_889 : i32 to index
    %get3A_892 = arith.constant 0 : index
    %get3A_893 = vector.load %arg4[%get3A_891, %get3A_892] : memref<728x1440xf32, #tpu.memory_space<vmem>>, vector<8x1440xf32>
    %eq3A_894 = vector.broadcast %sub3A_890 : i32 to vector<8x1xi32>
    %eq3A_895 = arith.cmpi eq, %iota3A_66, %eq3A_894 : vector<8x1xi32>
    %jit3A_896 = arith.constant -3.000000e+38 : f32
    %broadcast_in_dim3A_897 = vector.shape_cast %eq3A_895 : vector<8x1xi1> to vector<8x1xi1>
    %broadcast_in_dim3A_898 = vector.broadcast %broadcast_in_dim3A_897 : vector<8x1xi1> to vector<8x1440xi1>
    %broadcast_in_dim3A_899 = vector.broadcast %jit3A_896 : f32 to vector<8x1440xf32>
    %select_n3A_900 = arith.select %broadcast_in_dim3A_898, %get3A_893, %broadcast_in_dim3A_899 : vector<8x1440xi1>, vector<8x1440xf32>
    %reduce_max3A_901 = vector.shape_cast %select_n3A_900 : vector<8x1440xf32> to vector<1x8x1440xf32>
    %reduce_max3A_902 = arith.constant dense<0xFF800000> : vector<1xf32>
    %reduce_max3A_903 = vector.multi_reduction <maximumf>, %reduce_max3A_901, %reduce_max3A_902 [1, 2] : vector<1x8x1440xf32> to vector<1xf32>
    %reduce_max3A_904 = vector.shape_cast %reduce_max3A_903 : vector<1xf32> to vector<1x1x1xf32>
    %reduce_max3A_905 = vector.extract %reduce_max3A_904[0, 0, 0] : f32 from vector<1x1x1xf32>
    %eq3A_906 = vector.broadcast %reduce_max3A_905 : f32 to vector<8x1440xf32>
    %eq3A_907 = arith.cmpf oeq, %select_n3A_900, %eq3A_906 : vector<8x1440xf32>
    %jit3A_908 = arith.constant 1440 : i32
    %broadcast_in_dim3A_909 = vector.broadcast %jit3A_908 : i32 to vector<8x1440xi32>
    %select_n3A_910 = arith.select %eq3A_907, %iota3A_67, %broadcast_in_dim3A_909 : vector<8x1440xi1>, vector<8x1440xi32>
    %reduce_min3A_911 = vector.shape_cast %select_n3A_910 : vector<8x1440xi32> to vector<1x8x1440xi32>
    %reduce_min3A_912 = arith.constant dense<2147483647> : vector<1xi32>
    %reduce_min3A_913 = vector.multi_reduction <minsi>, %reduce_min3A_911, %reduce_min3A_912 [1, 2] : vector<1x8x1440xi32> to vector<1xi32>
    %reduce_min3A_914 = vector.shape_cast %reduce_min3A_913 : vector<1xi32> to vector<1x1x1xi32>
    %reduce_min3A_915 = vector.extract %reduce_min3A_914[0, 0, 0] : i32 from vector<1x1x1xi32>
    %eq3A_916 = vector.broadcast %reduce_min3A_915 : i32 to vector<8x1440xi32>
    %eq3A_917 = arith.cmpi eq, %iota3A_67, %eq3A_916 : vector<8x1440xi32>
    %and3A_918 = vector.broadcast %eq3A_895 : vector<8x1xi1> to vector<8x1440xi1>
    %and3A_919 = arith.andi %and3A_918, %eq3A_917 : vector<8x1440xi1>
    %jit3A_920 = arith.constant -3.000000e+38 : f32
    %broadcast_in_dim3A_921 = vector.broadcast %jit3A_920 : f32 to vector<8x1440xf32>
    %select_n3A_922 = arith.select %and3A_919, %broadcast_in_dim3A_921, %get3A_893 : vector<8x1440xi1>, vector<8x1440xf32>
    %swap3A_923 = arith.index_cast %multiple_of3A_889 : i32 to index
    %swap3A_924 = arith.constant 0 : index
    %swap3A_925 = vector.load %arg4[%swap3A_923, %swap3A_924] : memref<728x1440xf32, #tpu.memory_space<vmem>>, vector<8x1440xf32>
    tpu.vector_store %arg4[%swap3A_923, %swap3A_924], %select_n3A_922 {strides = array<i32>} : memref<728x1440xf32, #tpu.memory_space<vmem>>, vector<8x1440xf32>,
    %reduce_max3A_926 = arith.constant dense<0xFF800000> : vector<8xf32>
    %reduce_max3A_927 = vector.multi_reduction <maximumf>, %select_n3A_922, %reduce_max3A_926 [1] : vector<8x1440xf32> to vector<8xf32>
    %broadcast_in_dim3A_928 = vector.shape_cast %reduce_max3A_927 : vector<8xf32> to vector<8x1xf32>
    %swap3A_929 = arith.index_cast %multiple_of3A_889 : i32 to index
    %swap3A_930 = arith.constant 0 : index
    %swap3A_931 = vector.load %arg5[%swap3A_929, %swap3A_930] : memref<728x1xf32, #tpu.memory_space<vmem>>, vector<8x1xf32>
    tpu.vector_store %arg5[%swap3A_929, %swap3A_930], %broadcast_in_dim3A_928 {strides = array<i32>} : memref<728x1xf32, #tpu.memory_space<vmem>>, vector<8x1xf32>,
    %eq3A_932 = arith.constant 0 : i32
    %eq3A_933 = vector.broadcast %eq3A_932 : i32 to vector<1x8xi32>
    %eq3A_934 = arith.cmpi eq, %iota3A_68, %eq3A_933 : vector<1x8xi32>
    %convert_element_type3A_935 = arith.sitofp %reduce_min3A_862 : i32 to f32
    %eq3A_936 = arith.constant 1 : i32
    %eq3A_937 = vector.broadcast %eq3A_936 : i32 to vector<1x8xi32>
    %eq3A_938 = arith.cmpi eq, %iota3A_68, %eq3A_937 : vector<1x8xi32>
    %convert_element_type3A_939 = arith.sitofp %reduce_min3A_915 : i32 to f32
    %eq3A_940 = arith.constant 2 : i32
    %eq3A_941 = vector.broadcast %eq3A_940 : i32 to vector<1x8xi32>
    %eq3A_942 = arith.cmpi eq, %iota3A_68, %eq3A_941 : vector<1x8xi32>
    %jit3A_943 = arith.constant 0.000000e+00 : f32
    %broadcast_in_dim3A_944 = vector.broadcast %reduce_max3A_852 : f32 to vector<1x8xf32>
    %broadcast_in_dim3A_945 = vector.broadcast %jit3A_943 : f32 to vector<1x8xf32>
    %select_n3A_946 = arith.select %eq3A_942, %broadcast_in_dim3A_944, %broadcast_in_dim3A_945 : vector<1x8xi1>, vector<1x8xf32>
    %broadcast_in_dim3A_947 = vector.broadcast %convert_element_type3A_939 : f32 to vector<1x8xf32>
    %select_n3A_948 = arith.select %eq3A_938, %broadcast_in_dim3A_947, %select_n3A_946 : vector<1x8xi1>, vector<1x8xf32>
    %broadcast_in_dim3A_949 = vector.broadcast %convert_element_type3A_935 : f32 to vector<1x8xf32>
    %select_n3A_950 = arith.select %eq3A_934, %broadcast_in_dim3A_949, %select_n3A_948 : vector<1x8xi1>, vector<1x8xf32>
    %swap3A_951 = arith.constant 0 : index
    %swap3A_952 = arith.constant 7 : index
    %swap3A_953 = arith.constant 0 : index
    %swap3A_954 = vector.load %arg3[%swap3A_951, %swap3A_952, %swap3A_953] : memref<1x64x8xf32, #tpu.memory_space<vmem>>, vector<1x1x8xf32>
    %swap3A_955 = vector.shape_cast %swap3A_954 : vector<1x1x8xf32> to vector<1x8xf32>
    %swap3A_956 = vector.shape_cast %select_n3A_950 : vector<1x8xf32> to vector<1x1x8xf32>
    tpu.vector_store %arg3[%swap3A_951, %swap3A_952, %swap3A_953], %swap3A_956 {strides = array<i32>} : memref<1x64x8xf32, #tpu.memory_space<vmem>>, vector<1x1x8xf32>,
    %get3A_957 = arith.constant 0 : index
    %get3A_958 = arith.constant 0 : index
    %get3A_959 = vector.load %arg5[%get3A_957, %get3A_958] : memref<728x1xf32, #tpu.memory_space<vmem>>, vector<728x1xf32>
    %reduce_max3A_960 = vector.shape_cast %get3A_959 : vector<728x1xf32> to vector<1x728x1xf32>
    %reduce_max3A_961 = arith.constant dense<0xFF800000> : vector<1xf32>
    %reduce_max3A_962 = vector.multi_reduction <maximumf>, %reduce_max3A_960, %reduce_max3A_961 [1, 2] : vector<1x728x1xf32> to vector<1xf32>
    %reduce_max3A_963 = vector.shape_cast %reduce_max3A_962 : vector<1xf32> to vector<1x1x1xf32>
    %reduce_max3A_964 = vector.extract %reduce_max3A_963[0, 0, 0] : f32 from vector<1x1x1xf32>
    %eq3A_965 = vector.broadcast %reduce_max3A_964 : f32 to vector<728x1xf32>
    %eq3A_966 = arith.cmpf oeq, %get3A_959, %eq3A_965 : vector<728x1xf32>
    %jit3A_967 = arith.constant 728 : i32
    %broadcast_in_dim3A_968 = vector.broadcast %jit3A_967 : i32 to vector<728x1xi32>
    %select_n3A_969 = arith.select %eq3A_966, %iota3A, %broadcast_in_dim3A_968 : vector<728x1xi1>, vector<728x1xi32>
    %reduce_min3A_970 = vector.shape_cast %select_n3A_969 : vector<728x1xi32> to vector<1x728x1xi32>
    %reduce_min3A_971 = arith.constant dense<2147483647> : vector<1xi32>
    %reduce_min3A_972 = vector.multi_reduction <minsi>, %reduce_min3A_970, %reduce_min3A_971 [1, 2] : vector<1x728x1xi32> to vector<1xi32>
    %reduce_min3A_973 = vector.shape_cast %reduce_min3A_972 : vector<1xi32> to vector<1x1x1xi32>
    %reduce_min3A_974 = vector.extract %reduce_min3A_973[0, 0, 0] : i32 from vector<1x1x1xi32>
    %jit3A_975 = arith.constant 8 : i32
    %div3A_976 = arith.divsi %reduce_min3A_974, %jit3A_975 : i32
    %sign3A_977 = arith.constant 0 : i32
    %sign3A_978 = arith.cmpi sgt, %reduce_min3A_974, %sign3A_977 : i32
    %sign3A_979 = arith.extui %sign3A_978 : i1 to i32
    %sign3A_980 = arith.constant 0 : i32
    %sign3A_981 = arith.cmpi slt, %reduce_min3A_974, %sign3A_980 : i32
    %sign3A_982 = arith.extui %sign3A_981 : i1 to i32
    %sign3A_983 = arith.subi %sign3A_979, %sign3A_982 : i32
    %sign3A_984 = arith.constant 0 : i32
    %sign3A_985 = arith.cmpi sgt, %jit3A_975, %sign3A_984 : i32
    %sign3A_986 = arith.extui %sign3A_985 : i1 to i32
    %sign3A_987 = arith.constant 0 : i32
    %sign3A_988 = arith.cmpi slt, %jit3A_975, %sign3A_987 : i32
    %sign3A_989 = arith.extui %sign3A_988 : i1 to i32
    %sign3A_990 = arith.subi %sign3A_986, %sign3A_989 : i32
    %ne3A_991 = arith.cmpi ne, %sign3A_983, %sign3A_990 : i32
    %rem3A_992 = arith.remsi %reduce_min3A_974, %jit3A_975 : i32
    %ne3A_993 = arith.constant 0 : i32
    %ne3A_994 = arith.cmpi ne, %rem3A_992, %ne3A_993 : i32
    %and3A_995 = arith.andi %ne3A_991, %ne3A_994 : i1
    %sub3A_996 = arith.constant 1 : i32
    %sub3A_997 = arith.subi %div3A_976, %sub3A_996 : i32
    %select_n3A_998 = arith.select %and3A_995, %sub3A_997, %div3A_976 : i32
    %mul3A_999 = arith.constant 8 : i32
    %mul3A_1000 = arith.muli %select_n3A_998, %mul3A_999 : i32
    %multiple_of3A_1001 = tpu.assume_multiple %mul3A_1000, 8 : i32
    %sub3A_1002 = arith.subi %reduce_min3A_974, %multiple_of3A_1001 : i32
    %get3A_1003 = arith.index_cast %multiple_of3A_1001 : i32 to index
    %get3A_1004 = arith.constant 0 : index
    %get3A_1005 = vector.load %arg4[%get3A_1003, %get3A_1004] : memref<728x1440xf32, #tpu.memory_space<vmem>>, vector<8x1440xf32>
    %eq3A_1006 = vector.broadcast %sub3A_1002 : i32 to vector<8x1xi32>
    %eq3A_1007 = arith.cmpi eq, %iota3A_66, %eq3A_1006 : vector<8x1xi32>
    %jit3A_1008 = arith.constant -3.000000e+38 : f32
    %broadcast_in_dim3A_1009 = vector.shape_cast %eq3A_1007 : vector<8x1xi1> to vector<8x1xi1>
    %broadcast_in_dim3A_1010 = vector.broadcast %broadcast_in_dim3A_1009 : vector<8x1xi1> to vector<8x1440xi1>
    %broadcast_in_dim3A_1011 = vector.broadcast %jit3A_1008 : f32 to vector<8x1440xf32>
    %select_n3A_1012 = arith.select %broadcast_in_dim3A_1010, %get3A_1005, %broadcast_in_dim3A_1011 : vector<8x1440xi1>, vector<8x1440xf32>
    %reduce_max3A_1013 = vector.shape_cast %select_n3A_1012 : vector<8x1440xf32> to vector<1x8x1440xf32>
    %reduce_max3A_1014 = arith.constant dense<0xFF800000> : vector<1xf32>
    %reduce_max3A_1015 = vector.multi_reduction <maximumf>, %reduce_max3A_1013, %reduce_max3A_1014 [1, 2] : vector<1x8x1440xf32> to vector<1xf32>
    %reduce_max3A_1016 = vector.shape_cast %reduce_max3A_1015 : vector<1xf32> to vector<1x1x1xf32>
    %reduce_max3A_1017 = vector.extract %reduce_max3A_1016[0, 0, 0] : f32 from vector<1x1x1xf32>
    %eq3A_1018 = vector.broadcast %reduce_max3A_1017 : f32 to vector<8x1440xf32>
    %eq3A_1019 = arith.cmpf oeq, %select_n3A_1012, %eq3A_1018 : vector<8x1440xf32>
    %jit3A_1020 = arith.constant 1440 : i32
    %broadcast_in_dim3A_1021 = vector.broadcast %jit3A_1020 : i32 to vector<8x1440xi32>
    %select_n3A_1022 = arith.select %eq3A_1019, %iota3A_67, %broadcast_in_dim3A_1021 : vector<8x1440xi1>, vector<8x1440xi32>
    %reduce_min3A_1023 = vector.shape_cast %select_n3A_1022 : vector<8x1440xi32> to vector<1x8x1440xi32>
    %reduce_min3A_1024 = arith.constant dense<2147483647> : vector<1xi32>
    %reduce_min3A_1025 = vector.multi_reduction <minsi>, %reduce_min3A_1023, %reduce_min3A_1024 [1, 2] : vector<1x8x1440xi32> to vector<1xi32>
    %reduce_min3A_1026 = vector.shape_cast %reduce_min3A_1025 : vector<1xi32> to vector<1x1x1xi32>
    %reduce_min3A_1027 = vector.extract %reduce_min3A_1026[0, 0, 0] : i32 from vector<1x1x1xi32>
    %eq3A_1028 = vector.broadcast %reduce_min3A_1027 : i32 to vector<8x1440xi32>
    %eq3A_1029 = arith.cmpi eq, %iota3A_67, %eq3A_1028 : vector<8x1440xi32>
    %and3A_1030 = vector.broadcast %eq3A_1007 : vector<8x1xi1> to vector<8x1440xi1>
    %and3A_1031 = arith.andi %and3A_1030, %eq3A_1029 : vector<8x1440xi1>
    %jit3A_1032 = arith.constant -3.000000e+38 : f32
    %broadcast_in_dim3A_1033 = vector.broadcast %jit3A_1032 : f32 to vector<8x1440xf32>
    %select_n3A_1034 = arith.select %and3A_1031, %broadcast_in_dim3A_1033, %get3A_1005 : vector<8x1440xi1>, vector<8x1440xf32>
    %swap3A_1035 = arith.index_cast %multiple_of3A_1001 : i32 to index
    %swap3A_1036 = arith.constant 0 : index
    %swap3A_1037 = vector.load %arg4[%swap3A_1035, %swap3A_1036] : memref<728x1440xf32, #tpu.memory_space<vmem>>, vector<8x1440xf32>
    tpu.vector_store %arg4[%swap3A_1035, %swap3A_1036], %select_n3A_1034 {strides = array<i32>} : memref<728x1440xf32, #tpu.memory_space<vmem>>, vector<8x1440xf32>,
    %reduce_max3A_1038 = arith.constant dense<0xFF800000> : vector<8xf32>
    %reduce_max3A_1039 = vector.multi_reduction <maximumf>, %select_n3A_1034, %reduce_max3A_1038 [1] : vector<8x1440xf32> to vector<8xf32>
    %broadcast_in_dim3A_1040 = vector.shape_cast %reduce_max3A_1039 : vector<8xf32> to vector<8x1xf32>
    %swap3A_1041 = arith.index_cast %multiple_of3A_1001 : i32 to index
    %swap3A_1042 = arith.constant 0 : index
    %swap3A_1043 = vector.load %arg5[%swap3A_1041, %swap3A_1042] : memref<728x1xf32, #tpu.memory_space<vmem>>, vector<8x1xf32>
    tpu.vector_store %arg5[%swap3A_1041, %swap3A_1042], %broadcast_in_dim3A_1040 {strides = array<i32>} : memref<728x1xf32, #tpu.memory_space<vmem>>, vector<8x1xf32>,
    %eq3A_1044 = arith.constant 0 : i32
    %eq3A_1045 = vector.broadcast %eq3A_1044 : i32 to vector<1x8xi32>
    %eq3A_1046 = arith.cmpi eq, %iota3A_68, %eq3A_1045 : vector<1x8xi32>
    %convert_element_type3A_1047 = arith.sitofp %reduce_min3A_974 : i32 to f32
    %eq3A_1048 = arith.constant 1 : i32
    %eq3A_1049 = vector.broadcast %eq3A_1048 : i32 to vector<1x8xi32>
    %eq3A_1050 = arith.cmpi eq, %iota3A_68, %eq3A_1049 : vector<1x8xi32>
    %convert_element_type3A_1051 = arith.sitofp %reduce_min3A_1027 : i32 to f32
    %eq3A_1052 = arith.constant 2 : i32
    %eq3A_1053 = vector.broadcast %eq3A_1052 : i32 to vector<1x8xi32>
    %eq3A_1054 = arith.cmpi eq, %iota3A_68, %eq3A_1053 : vector<1x8xi32>
    %jit3A_1055 = arith.constant 0.000000e+00 : f32
    %broadcast_in_dim3A_1056 = vector.broadcast %reduce_max3A_964 : f32 to vector<1x8xf32>
    %broadcast_in_dim3A_1057 = vector.broadcast %jit3A_1055 : f32 to vector<1x8xf32>
    %select_n3A_1058 = arith.select %eq3A_1054, %broadcast_in_dim3A_1056, %broadcast_in_dim3A_1057 : vector<1x8xi1>, vector<1x8xf32>
    %broadcast_in_dim3A_1059 = vector.broadcast %convert_element_type3A_1051 : f32 to vector<1x8xf32>
    %select_n3A_1060 = arith.select %eq3A_1050, %broadcast_in_dim3A_1059, %select_n3A_1058 : vector<1x8xi1>, vector<1x8xf32>
    %broadcast_in_dim3A_1061 = vector.broadcast %convert_element_type3A_1047 : f32 to vector<1x8xf32>
    %select_n3A_1062 = arith.select %eq3A_1046, %broadcast_in_dim3A_1061, %select_n3A_1060 : vector<1x8xi1>, vector<1x8xf32>
    %swap3A_1063 = arith.constant 0 : index
    %swap3A_1064 = arith.constant 8 : index
    %swap3A_1065 = arith.constant 0 : index
    %swap3A_1066 = vector.load %arg3[%swap3A_1063, %swap3A_1064, %swap3A_1065] : memref<1x64x8xf32, #tpu.memory_space<vmem>>, vector<1x1x8xf32>
    %swap3A_1067 = vector.shape_cast %swap3A_1066 : vector<1x1x8xf32> to vector<1x8xf32>
    %swap3A_1068 = vector.shape_cast %select_n3A_1062 : vector<1x8xf32> to vector<1x1x8xf32>
    tpu.vector_store %arg3[%swap3A_1063, %swap3A_1064, %swap3A_1065], %swap3A_1068 {strides = array<i32>} : memref<1x64x8xf32, #tpu.memory_space<vmem>>, vector<1x1x8xf32>,
    %get3A_1069 = arith.constant 0 : index
    %get3A_1070 = arith.constant 0 : index
    %get3A_1071 = vector.load %arg5[%get3A_1069, %get3A_1070] : memref<728x1xf32, #tpu.memory_space<vmem>>, vector<728x1xf32>
    %reduce_max3A_1072 = vector.shape_cast %get3A_1071 : vector<728x1xf32> to vector<1x728x1xf32>
    %reduce_max3A_1073 = arith.constant dense<0xFF800000> : vector<1xf32>
    %reduce_max3A_1074 = vector.multi_reduction <maximumf>, %reduce_max3A_1072, %reduce_max3A_1073 [1, 2] : vector<1x728x1xf32> to vector<1xf32>
    %reduce_max3A_1075 = vector.shape_cast %reduce_max3A_1074 : vector<1xf32> to vector<1x1x1xf32>
    %reduce_max3A_1076 = vector.extract %reduce_max3A_1075[0, 0, 0] : f32 from vector<1x1x1xf32>
    %eq3A_1077 = vector.broadcast %reduce_max3A_1076 : f32 to vector<728x1xf32>
    %eq3A_1078 = arith.cmpf oeq, %get3A_1071, %eq3A_1077 : vector<728x1xf32>
    %jit3A_1079 = arith.constant 728 : i32
    %broadcast_in_dim3A_1080 = vector.broadcast %jit3A_1079 : i32 to vector<728x1xi32>
    %select_n3A_1081 = arith.select %eq3A_1078, %iota3A, %broadcast_in_dim3A_1080 : vector<728x1xi1>, vector<728x1xi32>
    %reduce_min3A_1082 = vector.shape_cast %select_n3A_1081 : vector<728x1xi32> to vector<1x728x1xi32>
    %reduce_min3A_1083 = arith.constant dense<2147483647> : vector<1xi32>
    %reduce_min3A_1084 = vector.multi_reduction <minsi>, %reduce_min3A_1082, %reduce_min3A_1083 [1, 2] : vector<1x728x1xi32> to vector<1xi32>
    %reduce_min3A_1085 = vector.shape_cast %reduce_min3A_1084 : vector<1xi32> to vector<1x1x1xi32>
    %reduce_min3A_1086 = vector.extract %reduce_min3A_1085[0, 0, 0] : i32 from vector<1x1x1xi32>
    %jit3A_1087 = arith.constant 8 : i32
    %div3A_1088 = arith.divsi %reduce_min3A_1086, %jit3A_1087 : i32
    %sign3A_1089 = arith.constant 0 : i32
    %sign3A_1090 = arith.cmpi sgt, %reduce_min3A_1086, %sign3A_1089 : i32
    %sign3A_1091 = arith.extui %sign3A_1090 : i1 to i32
    %sign3A_1092 = arith.constant 0 : i32
    %sign3A_1093 = arith.cmpi slt, %reduce_min3A_1086, %sign3A_1092 : i32
    %sign3A_1094 = arith.extui %sign3A_1093 : i1 to i32
    %sign3A_1095 = arith.subi %sign3A_1091, %sign3A_1094 : i32
    %sign3A_1096 = arith.constant 0 : i32
    %sign3A_1097 = arith.cmpi sgt, %jit3A_1087, %sign3A_1096 : i32
    %sign3A_1098 = arith.extui %sign3A_1097 : i1 to i32
    %sign3A_1099 = arith.constant 0 : i32
    %sign3A_1100 = arith.cmpi slt, %jit3A_1087, %sign3A_1099 : i32
    %sign3A_1101 = arith.extui %sign3A_1100 : i1 to i32
    %sign3A_1102 = arith.subi %sign3A_1098, %sign3A_1101 : i32
    %ne3A_1103 = arith.cmpi ne, %sign3A_1095, %sign3A_1102 : i32
    %rem3A_1104 = arith.remsi %reduce_min3A_1086, %jit3A_1087 : i32
    %ne3A_1105 = arith.constant 0 : i32
    %ne3A_1106 = arith.cmpi ne, %rem3A_1104, %ne3A_1105 : i32
    %and3A_1107 = arith.andi %ne3A_1103, %ne3A_1106 : i1
    %sub3A_1108 = arith.constant 1 : i32
    %sub3A_1109 = arith.subi %div3A_1088, %sub3A_1108 : i32
    %select_n3A_1110 = arith.select %and3A_1107, %sub3A_1109, %div3A_1088 : i32
    %mul3A_1111 = arith.constant 8 : i32
    %mul3A_1112 = arith.muli %select_n3A_1110, %mul3A_1111 : i32
    %multiple_of3A_1113 = tpu.assume_multiple %mul3A_1112, 8 : i32
    %sub3A_1114 = arith.subi %reduce_min3A_1086, %multiple_of3A_1113 : i32
    %get3A_1115 = arith.index_cast %multiple_of3A_1113 : i32 to index
    %get3A_1116 = arith.constant 0 : index
    %get3A_1117 = vector.load %arg4[%get3A_1115, %get3A_1116] : memref<728x1440xf32, #tpu.memory_space<vmem>>, vector<8x1440xf32>
    %eq3A_1118 = vector.broadcast %sub3A_1114 : i32 to vector<8x1xi32>
    %eq3A_1119 = arith.cmpi eq, %iota3A_66, %eq3A_1118 : vector<8x1xi32>
    %jit3A_1120 = arith.constant -3.000000e+38 : f32
    %broadcast_in_dim3A_1121 = vector.shape_cast %eq3A_1119 : vector<8x1xi1> to vector<8x1xi1>
    %broadcast_in_dim3A_1122 = vector.broadcast %broadcast_in_dim3A_1121 : vector<8x1xi1> to vector<8x1440xi1>
    %broadcast_in_dim3A_1123 = vector.broadcast %jit3A_1120 : f32 to vector<8x1440xf32>
    %select_n3A_1124 = arith.select %broadcast_in_dim3A_1122, %get3A_1117, %broadcast_in_dim3A_1123 : vector<8x1440xi1>, vector<8x1440xf32>
    %reduce_max3A_1125 = vector.shape_cast %select_n3A_1124 : vector<8x1440xf32> to vector<1x8x1440xf32>
    %reduce_max3A_1126 = arith.constant dense<0xFF800000> : vector<1xf32>
    %reduce_max3A_1127 = vector.multi_reduction <maximumf>, %reduce_max3A_1125, %reduce_max3A_1126 [1, 2] : vector<1x8x1440xf32> to vector<1xf32>
    %reduce_max3A_1128 = vector.shape_cast %reduce_max3A_1127 : vector<1xf32> to vector<1x1x1xf32>
    %reduce_max3A_1129 = vector.extract %reduce_max3A_1128[0, 0, 0] : f32 from vector<1x1x1xf32>
    %eq3A_1130 = vector.broadcast %reduce_max3A_1129 : f32 to vector<8x1440xf32>
    %eq3A_1131 = arith.cmpf oeq, %select_n3A_1124, %eq3A_1130 : vector<8x1440xf32>
    %jit3A_1132 = arith.constant 1440 : i32
    %broadcast_in_dim3A_1133 = vector.broadcast %jit3A_1132 : i32 to vector<8x1440xi32>
    %select_n3A_1134 = arith.select %eq3A_1131, %iota3A_67, %broadcast_in_dim3A_1133 : vector<8x1440xi1>, vector<8x1440xi32>
    %reduce_min3A_1135 = vector.shape_cast %select_n3A_1134 : vector<8x1440xi32> to vector<1x8x1440xi32>
    %reduce_min3A_1136 = arith.constant dense<2147483647> : vector<1xi32>
    %reduce_min3A_1137 = vector.multi_reduction <minsi>, %reduce_min3A_1135, %reduce_min3A_1136 [1, 2] : vector<1x8x1440xi32> to vector<1xi32>
    %reduce_min3A_1138 = vector.shape_cast %reduce_min3A_1137 : vector<1xi32> to vector<1x1x1xi32>
    %reduce_min3A_1139 = vector.extract %reduce_min3A_1138[0, 0, 0] : i32 from vector<1x1x1xi32>
    %eq3A_1140 = vector.broadcast %reduce_min3A_1139 : i32 to vector<8x1440xi32>
    %eq3A_1141 = arith.cmpi eq, %iota3A_67, %eq3A_1140 : vector<8x1440xi32>
    %and3A_1142 = vector.broadcast %eq3A_1119 : vector<8x1xi1> to vector<8x1440xi1>
    %and3A_1143 = arith.andi %and3A_1142, %eq3A_1141 : vector<8x1440xi1>
    %jit3A_1144 = arith.constant -3.000000e+38 : f32
    %broadcast_in_dim3A_1145 = vector.broadcast %jit3A_1144 : f32 to vector<8x1440xf32>
    %select_n3A_1146 = arith.select %and3A_1143, %broadcast_in_dim3A_1145, %get3A_1117 : vector<8x1440xi1>, vector<8x1440xf32>
    %swap3A_1147 = arith.index_cast %multiple_of3A_1113 : i32 to index
    %swap3A_1148 = arith.constant 0 : index
    %swap3A_1149 = vector.load %arg4[%swap3A_1147, %swap3A_1148] : memref<728x1440xf32, #tpu.memory_space<vmem>>, vector<8x1440xf32>
    tpu.vector_store %arg4[%swap3A_1147, %swap3A_1148], %select_n3A_1146 {strides = array<i32>} : memref<728x1440xf32, #tpu.memory_space<vmem>>, vector<8x1440xf32>,
    %reduce_max3A_1150 = arith.constant dense<0xFF800000> : vector<8xf32>
    %reduce_max3A_1151 = vector.multi_reduction <maximumf>, %select_n3A_1146, %reduce_max3A_1150 [1] : vector<8x1440xf32> to vector<8xf32>
    %broadcast_in_dim3A_1152 = vector.shape_cast %reduce_max3A_1151 : vector<8xf32> to vector<8x1xf32>
    %swap3A_1153 = arith.index_cast %multiple_of3A_1113 : i32 to index
    %swap3A_1154 = arith.constant 0 : index
    %swap3A_1155 = vector.load %arg5[%swap3A_1153, %swap3A_1154] : memref<728x1xf32, #tpu.memory_space<vmem>>, vector<8x1xf32>
    tpu.vector_store %arg5[%swap3A_1153, %swap3A_1154], %broadcast_in_dim3A_1152 {strides = array<i32>} : memref<728x1xf32, #tpu.memory_space<vmem>>, vector<8x1xf32>,
    %eq3A_1156 = arith.constant 0 : i32
    %eq3A_1157 = vector.broadcast %eq3A_1156 : i32 to vector<1x8xi32>
    %eq3A_1158 = arith.cmpi eq, %iota3A_68, %eq3A_1157 : vector<1x8xi32>
    %convert_element_type3A_1159 = arith.sitofp %reduce_min3A_1086 : i32 to f32
    %eq3A_1160 = arith.constant 1 : i32
    %eq3A_1161 = vector.broadcast %eq3A_1160 : i32 to vector<1x8xi32>
    %eq3A_1162 = arith.cmpi eq, %iota3A_68, %eq3A_1161 : vector<1x8xi32>
    %convert_element_type3A_1163 = arith.sitofp %reduce_min3A_1139 : i32 to f32
    %eq3A_1164 = arith.constant 2 : i32
    %eq3A_1165 = vector.broadcast %eq3A_1164 : i32 to vector<1x8xi32>
    %eq3A_1166 = arith.cmpi eq, %iota3A_68, %eq3A_1165 : vector<1x8xi32>
    %jit3A_1167 = arith.constant 0.000000e+00 : f32
    %broadcast_in_dim3A_1168 = vector.broadcast %reduce_max3A_1076 : f32 to vector<1x8xf32>
    %broadcast_in_dim3A_1169 = vector.broadcast %jit3A_1167 : f32 to vector<1x8xf32>
    %select_n3A_1170 = arith.select %eq3A_1166, %broadcast_in_dim3A_1168, %broadcast_in_dim3A_1169 : vector<1x8xi1>, vector<1x8xf32>
    %broadcast_in_dim3A_1171 = vector.broadcast %convert_element_type3A_1163 : f32 to vector<1x8xf32>
    %select_n3A_1172 = arith.select %eq3A_1162, %broadcast_in_dim3A_1171, %select_n3A_1170 : vector<1x8xi1>, vector<1x8xf32>
    %broadcast_in_dim3A_1173 = vector.broadcast %convert_element_type3A_1159 : f32 to vector<1x8xf32>
    %select_n3A_1174 = arith.select %eq3A_1158, %broadcast_in_dim3A_1173, %select_n3A_1172 : vector<1x8xi1>, vector<1x8xf32>
    %swap3A_1175 = arith.constant 0 : index
    %swap3A_1176 = arith.constant 9 : index
    %swap3A_1177 = arith.constant 0 : index
    %swap3A_1178 = vector.load %arg3[%swap3A_1175, %swap3A_1176, %swap3A_1177] : memref<1x64x8xf32, #tpu.memory_space<vmem>>, vector<1x1x8xf32>
    %swap3A_1179 = vector.shape_cast %swap3A_1178 : vector<1x1x8xf32> to vector<1x8xf32>
    %swap3A_1180 = vector.shape_cast %select_n3A_1174 : vector<1x8xf32> to vector<1x1x8xf32>
    tpu.vector_store %arg3[%swap3A_1175, %swap3A_1176, %swap3A_1177], %swap3A_1180 {strides = array<i32>} : memref<1x64x8xf32, #tpu.memory_space<vmem>>, vector<1x1x8xf32>,
    %get3A_1181 = arith.constant 0 : index
    %get3A_1182 = arith.constant 0 : index
    %get3A_1183 = vector.load %arg5[%get3A_1181, %get3A_1182] : memref<728x1xf32, #tpu.memory_space<vmem>>, vector<728x1xf32>
    %reduce_max3A_1184 = vector.shape_cast %get3A_1183 : vector<728x1xf32> to vector<1x728x1xf32>
    %reduce_max3A_1185 = arith.constant dense<0xFF800000> : vector<1xf32>
    %reduce_max3A_1186 = vector.multi_reduction <maximumf>, %reduce_max3A_1184, %reduce_max3A_1185 [1, 2] : vector<1x728x1xf32> to vector<1xf32>
    %reduce_max3A_1187 = vector.shape_cast %reduce_max3A_1186 : vector<1xf32> to vector<1x1x1xf32>
    %reduce_max3A_1188 = vector.extract %reduce_max3A_1187[0, 0, 0] : f32 from vector<1x1x1xf32>
    %eq3A_1189 = vector.broadcast %reduce_max3A_1188 : f32 to vector<728x1xf32>
    %eq3A_1190 = arith.cmpf oeq, %get3A_1183, %eq3A_1189 : vector<728x1xf32>
    %jit3A_1191 = arith.constant 728 : i32
    %broadcast_in_dim3A_1192 = vector.broadcast %jit3A_1191 : i32 to vector<728x1xi32>
    %select_n3A_1193 = arith.select %eq3A_1190, %iota3A, %broadcast_in_dim3A_1192 : vector<728x1xi1>, vector<728x1xi32>
    %reduce_min3A_1194 = vector.shape_cast %select_n3A_1193 : vector<728x1xi32> to vector<1x728x1xi32>
    %reduce_min3A_1195 = arith.constant dense<2147483647> : vector<1xi32>
    %reduce_min3A_1196 = vector.multi_reduction <minsi>, %reduce_min3A_1194, %reduce_min3A_1195 [1, 2] : vector<1x728x1xi32> to vector<1xi32>
    %reduce_min3A_1197 = vector.shape_cast %reduce_min3A_1196 : vector<1xi32> to vector<1x1x1xi32>
    %reduce_min3A_1198 = vector.extract %reduce_min3A_1197[0, 0, 0] : i32 from vector<1x1x1xi32>
    %jit3A_1199 = arith.constant 8 : i32
    %div3A_1200 = arith.divsi %reduce_min3A_1198, %jit3A_1199 : i32
    %sign3A_1201 = arith.constant 0 : i32
    %sign3A_1202 = arith.cmpi sgt, %reduce_min3A_1198, %sign3A_1201 : i32
    %sign3A_1203 = arith.extui %sign3A_1202 : i1 to i32
    %sign3A_1204 = arith.constant 0 : i32
    %sign3A_1205 = arith.cmpi slt, %reduce_min3A_1198, %sign3A_1204 : i32
    %sign3A_1206 = arith.extui %sign3A_1205 : i1 to i32
    %sign3A_1207 = arith.subi %sign3A_1203, %sign3A_1206 : i32
    %sign3A_1208 = arith.constant 0 : i32
    %sign3A_1209 = arith.cmpi sgt, %jit3A_1199, %sign3A_1208 : i32
    %sign3A_1210 = arith.extui %sign3A_1209 : i1 to i32
    %sign3A_1211 = arith.constant 0 : i32
    %sign3A_1212 = arith.cmpi slt, %jit3A_1199, %sign3A_1211 : i32
    %sign3A_1213 = arith.extui %sign3A_1212 : i1 to i32
    %sign3A_1214 = arith.subi %sign3A_1210, %sign3A_1213 : i32
    %ne3A_1215 = arith.cmpi ne, %sign3A_1207, %sign3A_1214 : i32
    %rem3A_1216 = arith.remsi %reduce_min3A_1198, %jit3A_1199 : i32
    %ne3A_1217 = arith.constant 0 : i32
    %ne3A_1218 = arith.cmpi ne, %rem3A_1216, %ne3A_1217 : i32
    %and3A_1219 = arith.andi %ne3A_1215, %ne3A_1218 : i1
    %sub3A_1220 = arith.constant 1 : i32
    %sub3A_1221 = arith.subi %div3A_1200, %sub3A_1220 : i32
    %select_n3A_1222 = arith.select %and3A_1219, %sub3A_1221, %div3A_1200 : i32
    %mul3A_1223 = arith.constant 8 : i32
    %mul3A_1224 = arith.muli %select_n3A_1222, %mul3A_1223 : i32
    %multiple_of3A_1225 = tpu.assume_multiple %mul3A_1224, 8 : i32
    %sub3A_1226 = arith.subi %reduce_min3A_1198, %multiple_of3A_1225 : i32
    %get3A_1227 = arith.index_cast %multiple_of3A_1225 : i32 to index
    %get3A_1228 = arith.constant 0 : index
    %get3A_1229 = vector.load %arg4[%get3A_1227, %get3A_1228] : memref<728x1440xf32, #tpu.memory_space<vmem>>, vector<8x1440xf32>
    %eq3A_1230 = vector.broadcast %sub3A_1226 : i32 to vector<8x1xi32>
    %eq3A_1231 = arith.cmpi eq, %iota3A_66, %eq3A_1230 : vector<8x1xi32>
    %jit3A_1232 = arith.constant -3.000000e+38 : f32
    %broadcast_in_dim3A_1233 = vector.shape_cast %eq3A_1231 : vector<8x1xi1> to vector<8x1xi1>
    %broadcast_in_dim3A_1234 = vector.broadcast %broadcast_in_dim3A_1233 : vector<8x1xi1> to vector<8x1440xi1>
    %broadcast_in_dim3A_1235 = vector.broadcast %jit3A_1232 : f32 to vector<8x1440xf32>
    %select_n3A_1236 = arith.select %broadcast_in_dim3A_1234, %get3A_1229, %broadcast_in_dim3A_1235 : vector<8x1440xi1>, vector<8x1440xf32>
    %reduce_max3A_1237 = vector.shape_cast %select_n3A_1236 : vector<8x1440xf32> to vector<1x8x1440xf32>
    %reduce_max3A_1238 = arith.constant dense<0xFF800000> : vector<1xf32>
    %reduce_max3A_1239 = vector.multi_reduction <maximumf>, %reduce_max3A_1237, %reduce_max3A_1238 [1, 2] : vector<1x8x1440xf32> to vector<1xf32>
    %reduce_max3A_1240 = vector.shape_cast %reduce_max3A_1239 : vector<1xf32> to vector<1x1x1xf32>
    %reduce_max3A_1241 = vector.extract %reduce_max3A_1240[0, 0, 0] : f32 from vector<1x1x1xf32>
    %eq3A_1242 = vector.broadcast %reduce_max3A_1241 : f32 to vector<8x1440xf32>
    %eq3A_1243 = arith.cmpf oeq, %select_n3A_1236, %eq3A_1242 : vector<8x1440xf32>
    %jit3A_1244 = arith.constant 1440 : i32
    %broadcast_in_dim3A_1245 = vector.broadcast %jit3A_1244 : i32 to vector<8x1440xi32>
    %select_n3A_1246 = arith.select %eq3A_1243, %iota3A_67, %broadcast_in_dim3A_1245 : vector<8x1440xi1>, vector<8x1440xi32>
    %reduce_min3A_1247 = vector.shape_cast %select_n3A_1246 : vector<8x1440xi32> to vector<1x8x1440xi32>
    %reduce_min3A_1248 = arith.constant dense<2147483647> : vector<1xi32>
    %reduce_min3A_1249 = vector.multi_reduction <minsi>, %reduce_min3A_1247, %reduce_min3A_1248 [1, 2] : vector<1x8x1440xi32> to vector<1xi32>
    %reduce_min3A_1250 = vector.shape_cast %reduce_min3A_1249 : vector<1xi32> to vector<1x1x1xi32>
    %reduce_min3A_1251 = vector.extract %reduce_min3A_1250[0, 0, 0] : i32 from vector<1x1x1xi32>
    %eq3A_1252 = vector.broadcast %reduce_min3A_1251 : i32 to vector<8x1440xi32>
    %eq3A_1253 = arith.cmpi eq, %iota3A_67, %eq3A_1252 : vector<8x1440xi32>
    %and3A_1254 = vector.broadcast %eq3A_1231 : vector<8x1xi1> to vector<8x1440xi1>
    %and3A_1255 = arith.andi %and3A_1254, %eq3A_1253 : vector<8x1440xi1>
    %jit3A_1256 = arith.constant -3.000000e+38 : f32
    %broadcast_in_dim3A_1257 = vector.broadcast %jit3A_1256 : f32 to vector<8x1440xf32>
    %select_n3A_1258 = arith.select %and3A_1255, %broadcast_in_dim3A_1257, %get3A_1229 : vector<8x1440xi1>, vector<8x1440xf32>
    %swap3A_1259 = arith.index_cast %multiple_of3A_1225 : i32 to index
    %swap3A_1260 = arith.constant 0 : index
    %swap3A_1261 = vector.load %arg4[%swap3A_1259, %swap3A_1260] : memref<728x1440xf32, #tpu.memory_space<vmem>>, vector<8x1440xf32>
    tpu.vector_store %arg4[%swap3A_1259, %swap3A_1260], %select_n3A_1258 {strides = array<i32>} : memref<728x1440xf32, #tpu.memory_space<vmem>>, vector<8x1440xf32>,
    %reduce_max3A_1262 = arith.constant dense<0xFF800000> : vector<8xf32>
    %reduce_max3A_1263 = vector.multi_reduction <maximumf>, %select_n3A_1258, %reduce_max3A_1262 [1] : vector<8x1440xf32> to vector<8xf32>
    %broadcast_in_dim3A_1264 = vector.shape_cast %reduce_max3A_1263 : vector<8xf32> to vector<8x1xf32>
    %swap3A_1265 = arith.index_cast %multiple_of3A_1225 : i32 to index
    %swap3A_1266 = arith.constant 0 : index
    %swap3A_1267 = vector.load %arg5[%swap3A_1265, %swap3A_1266] : memref<728x1xf32, #tpu.memory_space<vmem>>, vector<8x1xf32>
    tpu.vector_store %arg5[%swap3A_1265, %swap3A_1266], %broadcast_in_dim3A_1264 {strides = array<i32>} : memref<728x1xf32, #tpu.memory_space<vmem>>, vector<8x1xf32>,
    %eq3A_1268 = arith.constant 0 : i32
    %eq3A_1269 = vector.broadcast %eq3A_1268 : i32 to vector<1x8xi32>
    %eq3A_1270 = arith.cmpi eq, %iota3A_68, %eq3A_1269 : vector<1x8xi32>
    %convert_element_type3A_1271 = arith.sitofp %reduce_min3A_1198 : i32 to f32
    %eq3A_1272 = arith.constant 1 : i32
    %eq3A_1273 = vector.broadcast %eq3A_1272 : i32 to vector<1x8xi32>
    %eq3A_1274 = arith.cmpi eq, %iota3A_68, %eq3A_1273 : vector<1x8xi32>
    %convert_element_type3A_1275 = arith.sitofp %reduce_min3A_1251 : i32 to f32
    %eq3A_1276 = arith.constant 2 : i32
    %eq3A_1277 = vector.broadcast %eq3A_1276 : i32 to vector<1x8xi32>
    %eq3A_1278 = arith.cmpi eq, %iota3A_68, %eq3A_1277 : vector<1x8xi32>
    %jit3A_1279 = arith.constant 0.000000e+00 : f32
    %broadcast_in_dim3A_1280 = vector.broadcast %reduce_max3A_1188 : f32 to vector<1x8xf32>
    %broadcast_in_dim3A_1281 = vector.broadcast %jit3A_1279 : f32 to vector<1x8xf32>
    %select_n3A_1282 = arith.select %eq3A_1278, %broadcast_in_dim3A_1280, %broadcast_in_dim3A_1281 : vector<1x8xi1>, vector<1x8xf32>
    %broadcast_in_dim3A_1283 = vector.broadcast %convert_element_type3A_1275 : f32 to vector<1x8xf32>
    %select_n3A_1284 = arith.select %eq3A_1274, %broadcast_in_dim3A_1283, %select_n3A_1282 : vector<1x8xi1>, vector<1x8xf32>
    %broadcast_in_dim3A_1285 = vector.broadcast %convert_element_type3A_1271 : f32 to vector<1x8xf32>
    %select_n3A_1286 = arith.select %eq3A_1270, %broadcast_in_dim3A_1285, %select_n3A_1284 : vector<1x8xi1>, vector<1x8xf32>
    %swap3A_1287 = arith.constant 0 : index
    %swap3A_1288 = arith.constant 10 : index
    %swap3A_1289 = arith.constant 0 : index
    %swap3A_1290 = vector.load %arg3[%swap3A_1287, %swap3A_1288, %swap3A_1289] : memref<1x64x8xf32, #tpu.memory_space<vmem>>, vector<1x1x8xf32>
    %swap3A_1291 = vector.shape_cast %swap3A_1290 : vector<1x1x8xf32> to vector<1x8xf32>
    %swap3A_1292 = vector.shape_cast %select_n3A_1286 : vector<1x8xf32> to vector<1x1x8xf32>
    tpu.vector_store %arg3[%swap3A_1287, %swap3A_1288, %swap3A_1289], %swap3A_1292 {strides = array<i32>} : memref<1x64x8xf32, #tpu.memory_space<vmem>>, vector<1x1x8xf32>,
    %get3A_1293 = arith.constant 0 : index
    %get3A_1294 = arith.constant 0 : index
    %get3A_1295 = vector.load %arg5[%get3A_1293, %get3A_1294] : memref<728x1xf32, #tpu.memory_space<vmem>>, vector<728x1xf32>
    %reduce_max3A_1296 = vector.shape_cast %get3A_1295 : vector<728x1xf32> to vector<1x728x1xf32>
    %reduce_max3A_1297 = arith.constant dense<0xFF800000> : vector<1xf32>
    %reduce_max3A_1298 = vector.multi_reduction <maximumf>, %reduce_max3A_1296, %reduce_max3A_1297 [1, 2] : vector<1x728x1xf32> to vector<1xf32>
    %reduce_max3A_1299 = vector.shape_cast %reduce_max3A_1298 : vector<1xf32> to vector<1x1x1xf32>
    %reduce_max3A_1300 = vector.extract %reduce_max3A_1299[0, 0, 0] : f32 from vector<1x1x1xf32>
    %eq3A_1301 = vector.broadcast %reduce_max3A_1300 : f32 to vector<728x1xf32>
    %eq3A_1302 = arith.cmpf oeq, %get3A_1295, %eq3A_1301 : vector<728x1xf32>
    %jit3A_1303 = arith.constant 728 : i32
    %broadcast_in_dim3A_1304 = vector.broadcast %jit3A_1303 : i32 to vector<728x1xi32>
    %select_n3A_1305 = arith.select %eq3A_1302, %iota3A, %broadcast_in_dim3A_1304 : vector<728x1xi1>, vector<728x1xi32>
    %reduce_min3A_1306 = vector.shape_cast %select_n3A_1305 : vector<728x1xi32> to vector<1x728x1xi32>
    %reduce_min3A_1307 = arith.constant dense<2147483647> : vector<1xi32>
    %reduce_min3A_1308 = vector.multi_reduction <minsi>, %reduce_min3A_1306, %reduce_min3A_1307 [1, 2] : vector<1x728x1xi32> to vector<1xi32>
    %reduce_min3A_1309 = vector.shape_cast %reduce_min3A_1308 : vector<1xi32> to vector<1x1x1xi32>
    %reduce_min3A_1310 = vector.extract %reduce_min3A_1309[0, 0, 0] : i32 from vector<1x1x1xi32>
    %jit3A_1311 = arith.constant 8 : i32
    %div3A_1312 = arith.divsi %reduce_min3A_1310, %jit3A_1311 : i32
    %sign3A_1313 = arith.constant 0 : i32
    %sign3A_1314 = arith.cmpi sgt, %reduce_min3A_1310, %sign3A_1313 : i32
    %sign3A_1315 = arith.extui %sign3A_1314 : i1 to i32
    %sign3A_1316 = arith.constant 0 : i32
    %sign3A_1317 = arith.cmpi slt, %reduce_min3A_1310, %sign3A_1316 : i32
    %sign3A_1318 = arith.extui %sign3A_1317 : i1 to i32
    %sign3A_1319 = arith.subi %sign3A_1315, %sign3A_1318 : i32
    %sign3A_1320 = arith.constant 0 : i32
    %sign3A_1321 = arith.cmpi sgt, %jit3A_1311, %sign3A_1320 : i32
    %sign3A_1322 = arith.extui %sign3A_1321 : i1 to i32
    %sign3A_1323 = arith.constant 0 : i32
    %sign3A_1324 = arith.cmpi slt, %jit3A_1311, %sign3A_1323 : i32
    %sign3A_1325 = arith.extui %sign3A_1324 : i1 to i32
    %sign3A_1326 = arith.subi %sign3A_1322, %sign3A_1325 : i32
    %ne3A_1327 = arith.cmpi ne, %sign3A_1319, %sign3A_1326 : i32
    %rem3A_1328 = arith.remsi %reduce_min3A_1310, %jit3A_1311 : i32
    %ne3A_1329 = arith.constant 0 : i32
    %ne3A_1330 = arith.cmpi ne, %rem3A_1328, %ne3A_1329 : i32
    %and3A_1331 = arith.andi %ne3A_1327, %ne3A_1330 : i1
    %sub3A_1332 = arith.constant 1 : i32
    %sub3A_1333 = arith.subi %div3A_1312, %sub3A_1332 : i32
    %select_n3A_1334 = arith.select %and3A_1331, %sub3A_1333, %div3A_1312 : i32
    %mul3A_1335 = arith.constant 8 : i32
    %mul3A_1336 = arith.muli %select_n3A_1334, %mul3A_1335 : i32
    %multiple_of3A_1337 = tpu.assume_multiple %mul3A_1336, 8 : i32
    %sub3A_1338 = arith.subi %reduce_min3A_1310, %multiple_of3A_1337 : i32
    %get3A_1339 = arith.index_cast %multiple_of3A_1337 : i32 to index
    %get3A_1340 = arith.constant 0 : index
    %get3A_1341 = vector.load %arg4[%get3A_1339, %get3A_1340] : memref<728x1440xf32, #tpu.memory_space<vmem>>, vector<8x1440xf32>
    %eq3A_1342 = vector.broadcast %sub3A_1338 : i32 to vector<8x1xi32>
    %eq3A_1343 = arith.cmpi eq, %iota3A_66, %eq3A_1342 : vector<8x1xi32>
    %jit3A_1344 = arith.constant -3.000000e+38 : f32
    %broadcast_in_dim3A_1345 = vector.shape_cast %eq3A_1343 : vector<8x1xi1> to vector<8x1xi1>
    %broadcast_in_dim3A_1346 = vector.broadcast %broadcast_in_dim3A_1345 : vector<8x1xi1> to vector<8x1440xi1>
    %broadcast_in_dim3A_1347 = vector.broadcast %jit3A_1344 : f32 to vector<8x1440xf32>
    %select_n3A_1348 = arith.select %broadcast_in_dim3A_1346, %get3A_1341, %broadcast_in_dim3A_1347 : vector<8x1440xi1>, vector<8x1440xf32>
    %reduce_max3A_1349 = vector.shape_cast %select_n3A_1348 : vector<8x1440xf32> to vector<1x8x1440xf32>
    %reduce_max3A_1350 = arith.constant dense<0xFF800000> : vector<1xf32>
    %reduce_max3A_1351 = vector.multi_reduction <maximumf>, %reduce_max3A_1349, %reduce_max3A_1350 [1, 2] : vector<1x8x1440xf32> to vector<1xf32>
    %reduce_max3A_1352 = vector.shape_cast %reduce_max3A_1351 : vector<1xf32> to vector<1x1x1xf32>
    %reduce_max3A_1353 = vector.extract %reduce_max3A_1352[0, 0, 0] : f32 from vector<1x1x1xf32>
    %eq3A_1354 = vector.broadcast %reduce_max3A_1353 : f32 to vector<8x1440xf32>
    %eq3A_1355 = arith.cmpf oeq, %select_n3A_1348, %eq3A_1354 : vector<8x1440xf32>
    %jit3A_1356 = arith.constant 1440 : i32
    %broadcast_in_dim3A_1357 = vector.broadcast %jit3A_1356 : i32 to vector<8x1440xi32>
    %select_n3A_1358 = arith.select %eq3A_1355, %iota3A_67, %broadcast_in_dim3A_1357 : vector<8x1440xi1>, vector<8x1440xi32>
    %reduce_min3A_1359 = vector.shape_cast %select_n3A_1358 : vector<8x1440xi32> to vector<1x8x1440xi32>
    %reduce_min3A_1360 = arith.constant dense<2147483647> : vector<1xi32>
    %reduce_min3A_1361 = vector.multi_reduction <minsi>, %reduce_min3A_1359, %reduce_min3A_1360 [1, 2] : vector<1x8x1440xi32> to vector<1xi32>
    %reduce_min3A_1362 = vector.shape_cast %reduce_min3A_1361 : vector<1xi32> to vector<1x1x1xi32>
    %reduce_min3A_1363 = vector.extract %reduce_min3A_1362[0, 0, 0] : i32 from vector<1x1x1xi32>
    %eq3A_1364 = vector.broadcast %reduce_min3A_1363 : i32 to vector<8x1440xi32>
    %eq3A_1365 = arith.cmpi eq, %iota3A_67, %eq3A_1364 : vector<8x1440xi32>
    %and3A_1366 = vector.broadcast %eq3A_1343 : vector<8x1xi1> to vector<8x1440xi1>
    %and3A_1367 = arith.andi %and3A_1366, %eq3A_1365 : vector<8x1440xi1>
    %jit3A_1368 = arith.constant -3.000000e+38 : f32
    %broadcast_in_dim3A_1369 = vector.broadcast %jit3A_1368 : f32 to vector<8x1440xf32>
    %select_n3A_1370 = arith.select %and3A_1367, %broadcast_in_dim3A_1369, %get3A_1341 : vector<8x1440xi1>, vector<8x1440xf32>
    %swap3A_1371 = arith.index_cast %multiple_of3A_1337 : i32 to index
    %swap3A_1372 = arith.constant 0 : index
    %swap3A_1373 = vector.load %arg4[%swap3A_1371, %swap3A_1372] : memref<728x1440xf32, #tpu.memory_space<vmem>>, vector<8x1440xf32>
    tpu.vector_store %arg4[%swap3A_1371, %swap3A_1372], %select_n3A_1370 {strides = array<i32>} : memref<728x1440xf32, #tpu.memory_space<vmem>>, vector<8x1440xf32>,
    %reduce_max3A_1374 = arith.constant dense<0xFF800000> : vector<8xf32>
    %reduce_max3A_1375 = vector.multi_reduction <maximumf>, %select_n3A_1370, %reduce_max3A_1374 [1] : vector<8x1440xf32> to vector<8xf32>
    %broadcast_in_dim3A_1376 = vector.shape_cast %reduce_max3A_1375 : vector<8xf32> to vector<8x1xf32>
    %swap3A_1377 = arith.index_cast %multiple_of3A_1337 : i32 to index
    %swap3A_1378 = arith.constant 0 : index
    %swap3A_1379 = vector.load %arg5[%swap3A_1377, %swap3A_1378] : memref<728x1xf32, #tpu.memory_space<vmem>>, vector<8x1xf32>
    tpu.vector_store %arg5[%swap3A_1377, %swap3A_1378], %broadcast_in_dim3A_1376 {strides = array<i32>} : memref<728x1xf32, #tpu.memory_space<vmem>>, vector<8x1xf32>,
    %eq3A_1380 = arith.constant 0 : i32
    %eq3A_1381 = vector.broadcast %eq3A_1380 : i32 to vector<1x8xi32>
    %eq3A_1382 = arith.cmpi eq, %iota3A_68, %eq3A_1381 : vector<1x8xi32>
    %convert_element_type3A_1383 = arith.sitofp %reduce_min3A_1310 : i32 to f32
    %eq3A_1384 = arith.constant 1 : i32
    %eq3A_1385 = vector.broadcast %eq3A_1384 : i32 to vector<1x8xi32>
    %eq3A_1386 = arith.cmpi eq, %iota3A_68, %eq3A_1385 : vector<1x8xi32>
    %convert_element_type3A_1387 = arith.sitofp %reduce_min3A_1363 : i32 to f32
    %eq3A_1388 = arith.constant 2 : i32
    %eq3A_1389 = vector.broadcast %eq3A_1388 : i32 to vector<1x8xi32>
    %eq3A_1390 = arith.cmpi eq, %iota3A_68, %eq3A_1389 : vector<1x8xi32>
    %jit3A_1391 = arith.constant 0.000000e+00 : f32
    %broadcast_in_dim3A_1392 = vector.broadcast %reduce_max3A_1300 : f32 to vector<1x8xf32>
    %broadcast_in_dim3A_1393 = vector.broadcast %jit3A_1391 : f32 to vector<1x8xf32>
    %select_n3A_1394 = arith.select %eq3A_1390, %broadcast_in_dim3A_1392, %broadcast_in_dim3A_1393 : vector<1x8xi1>, vector<1x8xf32>
    %broadcast_in_dim3A_1395 = vector.broadcast %convert_element_type3A_1387 : f32 to vector<1x8xf32>
    %select_n3A_1396 = arith.select %eq3A_1386, %broadcast_in_dim3A_1395, %select_n3A_1394 : vector<1x8xi1>, vector<1x8xf32>
    %broadcast_in_dim3A_1397 = vector.broadcast %convert_element_type3A_1383 : f32 to vector<1x8xf32>
    %select_n3A_1398 = arith.select %eq3A_1382, %broadcast_in_dim3A_1397, %select_n3A_1396 : vector<1x8xi1>, vector<1x8xf32>
    %swap3A_1399 = arith.constant 0 : index
    %swap3A_1400 = arith.constant 11 : index
    %swap3A_1401 = arith.constant 0 : index
    %swap3A_1402 = vector.load %arg3[%swap3A_1399, %swap3A_1400, %swap3A_1401] : memref<1x64x8xf32, #tpu.memory_space<vmem>>, vector<1x1x8xf32>
    %swap3A_1403 = vector.shape_cast %swap3A_1402 : vector<1x1x8xf32> to vector<1x8xf32>
    %swap3A_1404 = vector.shape_cast %select_n3A_1398 : vector<1x8xf32> to vector<1x1x8xf32>
    tpu.vector_store %arg3[%swap3A_1399, %swap3A_1400, %swap3A_1401], %swap3A_1404 {strides = array<i32>} : memref<1x64x8xf32, #tpu.memory_space<vmem>>, vector<1x1x8xf32>,
    %get3A_1405 = arith.constant 0 : index
    %get3A_1406 = arith.constant 0 : index
    %get3A_1407 = vector.load %arg5[%get3A_1405, %get3A_1406] : memref<728x1xf32, #tpu.memory_space<vmem>>, vector<728x1xf32>
    %reduce_max3A_1408 = vector.shape_cast %get3A_1407 : vector<728x1xf32> to vector<1x728x1xf32>
    %reduce_max3A_1409 = arith.constant dense<0xFF800000> : vector<1xf32>
    %reduce_max3A_1410 = vector.multi_reduction <maximumf>, %reduce_max3A_1408, %reduce_max3A_1409 [1, 2] : vector<1x728x1xf32> to vector<1xf32>
    %reduce_max3A_1411 = vector.shape_cast %reduce_max3A_1410 : vector<1xf32> to vector<1x1x1xf32>
    %reduce_max3A_1412 = vector.extract %reduce_max3A_1411[0, 0, 0] : f32 from vector<1x1x1xf32>
    %eq3A_1413 = vector.broadcast %reduce_max3A_1412 : f32 to vector<728x1xf32>
    %eq3A_1414 = arith.cmpf oeq, %get3A_1407, %eq3A_1413 : vector<728x1xf32>
    %jit3A_1415 = arith.constant 728 : i32
    %broadcast_in_dim3A_1416 = vector.broadcast %jit3A_1415 : i32 to vector<728x1xi32>
    %select_n3A_1417 = arith.select %eq3A_1414, %iota3A, %broadcast_in_dim3A_1416 : vector<728x1xi1>, vector<728x1xi32>
    %reduce_min3A_1418 = vector.shape_cast %select_n3A_1417 : vector<728x1xi32> to vector<1x728x1xi32>
    %reduce_min3A_1419 = arith.constant dense<2147483647> : vector<1xi32>
    %reduce_min3A_1420 = vector.multi_reduction <minsi>, %reduce_min3A_1418, %reduce_min3A_1419 [1, 2] : vector<1x728x1xi32> to vector<1xi32>
    %reduce_min3A_1421 = vector.shape_cast %reduce_min3A_1420 : vector<1xi32> to vector<1x1x1xi32>
    %reduce_min3A_1422 = vector.extract %reduce_min3A_1421[0, 0, 0] : i32 from vector<1x1x1xi32>
    %jit3A_1423 = arith.constant 8 : i32
    %div3A_1424 = arith.divsi %reduce_min3A_1422, %jit3A_1423 : i32
    %sign3A_1425 = arith.constant 0 : i32
    %sign3A_1426 = arith.cmpi sgt, %reduce_min3A_1422, %sign3A_1425 : i32
    %sign3A_1427 = arith.extui %sign3A_1426 : i1 to i32
    %sign3A_1428 = arith.constant 0 : i32
    %sign3A_1429 = arith.cmpi slt, %reduce_min3A_1422, %sign3A_1428 : i32
    %sign3A_1430 = arith.extui %sign3A_1429 : i1 to i32
    %sign3A_1431 = arith.subi %sign3A_1427, %sign3A_1430 : i32
    %sign3A_1432 = arith.constant 0 : i32
    %sign3A_1433 = arith.cmpi sgt, %jit3A_1423, %sign3A_1432 : i32
    %sign3A_1434 = arith.extui %sign3A_1433 : i1 to i32
    %sign3A_1435 = arith.constant 0 : i32
    %sign3A_1436 = arith.cmpi slt, %jit3A_1423, %sign3A_1435 : i32
    %sign3A_1437 = arith.extui %sign3A_1436 : i1 to i32
    %sign3A_1438 = arith.subi %sign3A_1434, %sign3A_1437 : i32
    %ne3A_1439 = arith.cmpi ne, %sign3A_1431, %sign3A_1438 : i32
    %rem3A_1440 = arith.remsi %reduce_min3A_1422, %jit3A_1423 : i32
    %ne3A_1441 = arith.constant 0 : i32
    %ne3A_1442 = arith.cmpi ne, %rem3A_1440, %ne3A_1441 : i32
    %and3A_1443 = arith.andi %ne3A_1439, %ne3A_1442 : i1
    %sub3A_1444 = arith.constant 1 : i32
    %sub3A_1445 = arith.subi %div3A_1424, %sub3A_1444 : i32
    %select_n3A_1446 = arith.select %and3A_1443, %sub3A_1445, %div3A_1424 : i32
    %mul3A_1447 = arith.constant 8 : i32
    %mul3A_1448 = arith.muli %select_n3A_1446, %mul3A_1447 : i32
    %multiple_of3A_1449 = tpu.assume_multiple %mul3A_1448, 8 : i32
    %sub3A_1450 = arith.subi %reduce_min3A_1422, %multiple_of3A_1449 : i32
    %get3A_1451 = arith.index_cast %multiple_of3A_1449 : i32 to index
    %get3A_1452 = arith.constant 0 : index
    %get3A_1453 = vector.load %arg4[%get3A_1451, %get3A_1452] : memref<728x1440xf32, #tpu.memory_space<vmem>>, vector<8x1440xf32>
    %eq3A_1454 = vector.broadcast %sub3A_1450 : i32 to vector<8x1xi32>
    %eq3A_1455 = arith.cmpi eq, %iota3A_66, %eq3A_1454 : vector<8x1xi32>
    %jit3A_1456 = arith.constant -3.000000e+38 : f32
    %broadcast_in_dim3A_1457 = vector.shape_cast %eq3A_1455 : vector<8x1xi1> to vector<8x1xi1>
    %broadcast_in_dim3A_1458 = vector.broadcast %broadcast_in_dim3A_1457 : vector<8x1xi1> to vector<8x1440xi1>
    %broadcast_in_dim3A_1459 = vector.broadcast %jit3A_1456 : f32 to vector<8x1440xf32>
    %select_n3A_1460 = arith.select %broadcast_in_dim3A_1458, %get3A_1453, %broadcast_in_dim3A_1459 : vector<8x1440xi1>, vector<8x1440xf32>
    %reduce_max3A_1461 = vector.shape_cast %select_n3A_1460 : vector<8x1440xf32> to vector<1x8x1440xf32>
    %reduce_max3A_1462 = arith.constant dense<0xFF800000> : vector<1xf32>
    %reduce_max3A_1463 = vector.multi_reduction <maximumf>, %reduce_max3A_1461, %reduce_max3A_1462 [1, 2] : vector<1x8x1440xf32> to vector<1xf32>
    %reduce_max3A_1464 = vector.shape_cast %reduce_max3A_1463 : vector<1xf32> to vector<1x1x1xf32>
    %reduce_max3A_1465 = vector.extract %reduce_max3A_1464[0, 0, 0] : f32 from vector<1x1x1xf32>
    %eq3A_1466 = vector.broadcast %reduce_max3A_1465 : f32 to vector<8x1440xf32>
    %eq3A_1467 = arith.cmpf oeq, %select_n3A_1460, %eq3A_1466 : vector<8x1440xf32>
    %jit3A_1468 = arith.constant 1440 : i32
    %broadcast_in_dim3A_1469 = vector.broadcast %jit3A_1468 : i32 to vector<8x1440xi32>
    %select_n3A_1470 = arith.select %eq3A_1467, %iota3A_67, %broadcast_in_dim3A_1469 : vector<8x1440xi1>, vector<8x1440xi32>
    %reduce_min3A_1471 = vector.shape_cast %select_n3A_1470 : vector<8x1440xi32> to vector<1x8x1440xi32>
    %reduce_min3A_1472 = arith.constant dense<2147483647> : vector<1xi32>
    %reduce_min3A_1473 = vector.multi_reduction <minsi>, %reduce_min3A_1471, %reduce_min3A_1472 [1, 2] : vector<1x8x1440xi32> to vector<1xi32>
    %reduce_min3A_1474 = vector.shape_cast %reduce_min3A_1473 : vector<1xi32> to vector<1x1x1xi32>
    %reduce_min3A_1475 = vector.extract %reduce_min3A_1474[0, 0, 0] : i32 from vector<1x1x1xi32>
    %eq3A_1476 = vector.broadcast %reduce_min3A_1475 : i32 to vector<8x1440xi32>
    %eq3A_1477 = arith.cmpi eq, %iota3A_67, %eq3A_1476 : vector<8x1440xi32>
    %and3A_1478 = vector.broadcast %eq3A_1455 : vector<8x1xi1> to vector<8x1440xi1>
    %and3A_1479 = arith.andi %and3A_1478, %eq3A_1477 : vector<8x1440xi1>
    %jit3A_1480 = arith.constant -3.000000e+38 : f32
    %broadcast_in_dim3A_1481 = vector.broadcast %jit3A_1480 : f32 to vector<8x1440xf32>
    %select_n3A_1482 = arith.select %and3A_1479, %broadcast_in_dim3A_1481, %get3A_1453 : vector<8x1440xi1>, vector<8x1440xf32>
    %swap3A_1483 = arith.index_cast %multiple_of3A_1449 : i32 to index
    %swap3A_1484 = arith.constant 0 : index
    %swap3A_1485 = vector.load %arg4[%swap3A_1483, %swap3A_1484] : memref<728x1440xf32, #tpu.memory_space<vmem>>, vector<8x1440xf32>
    tpu.vector_store %arg4[%swap3A_1483, %swap3A_1484], %select_n3A_1482 {strides = array<i32>} : memref<728x1440xf32, #tpu.memory_space<vmem>>, vector<8x1440xf32>,
    %reduce_max3A_1486 = arith.constant dense<0xFF800000> : vector<8xf32>
    %reduce_max3A_1487 = vector.multi_reduction <maximumf>, %select_n3A_1482, %reduce_max3A_1486 [1] : vector<8x1440xf32> to vector<8xf32>
    %broadcast_in_dim3A_1488 = vector.shape_cast %reduce_max3A_1487 : vector<8xf32> to vector<8x1xf32>
    %swap3A_1489 = arith.index_cast %multiple_of3A_1449 : i32 to index
    %swap3A_1490 = arith.constant 0 : index
    %swap3A_1491 = vector.load %arg5[%swap3A_1489, %swap3A_1490] : memref<728x1xf32, #tpu.memory_space<vmem>>, vector<8x1xf32>
    tpu.vector_store %arg5[%swap3A_1489, %swap3A_1490], %broadcast_in_dim3A_1488 {strides = array<i32>} : memref<728x1xf32, #tpu.memory_space<vmem>>, vector<8x1xf32>,
    %eq3A_1492 = arith.constant 0 : i32
    %eq3A_1493 = vector.broadcast %eq3A_1492 : i32 to vector<1x8xi32>
    %eq3A_1494 = arith.cmpi eq, %iota3A_68, %eq3A_1493 : vector<1x8xi32>
    %convert_element_type3A_1495 = arith.sitofp %reduce_min3A_1422 : i32 to f32
    %eq3A_1496 = arith.constant 1 : i32
    %eq3A_1497 = vector.broadcast %eq3A_1496 : i32 to vector<1x8xi32>
    %eq3A_1498 = arith.cmpi eq, %iota3A_68, %eq3A_1497 : vector<1x8xi32>
    %convert_element_type3A_1499 = arith.sitofp %reduce_min3A_1475 : i32 to f32
    %eq3A_1500 = arith.constant 2 : i32
    %eq3A_1501 = vector.broadcast %eq3A_1500 : i32 to vector<1x8xi32>
    %eq3A_1502 = arith.cmpi eq, %iota3A_68, %eq3A_1501 : vector<1x8xi32>
    %jit3A_1503 = arith.constant 0.000000e+00 : f32
    %broadcast_in_dim3A_1504 = vector.broadcast %reduce_max3A_1412 : f32 to vector<1x8xf32>
    %broadcast_in_dim3A_1505 = vector.broadcast %jit3A_1503 : f32 to vector<1x8xf32>
    %select_n3A_1506 = arith.select %eq3A_1502, %broadcast_in_dim3A_1504, %broadcast_in_dim3A_1505 : vector<1x8xi1>, vector<1x8xf32>
    %broadcast_in_dim3A_1507 = vector.broadcast %convert_element_type3A_1499 : f32 to vector<1x8xf32>
    %select_n3A_1508 = arith.select %eq3A_1498, %broadcast_in_dim3A_1507, %select_n3A_1506 : vector<1x8xi1>, vector<1x8xf32>
    %broadcast_in_dim3A_1509 = vector.broadcast %convert_element_type3A_1495 : f32 to vector<1x8xf32>
    %select_n3A_1510 = arith.select %eq3A_1494, %broadcast_in_dim3A_1509, %select_n3A_1508 : vector<1x8xi1>, vector<1x8xf32>
    %swap3A_1511 = arith.constant 0 : index
    %swap3A_1512 = arith.constant 12 : index
    %swap3A_1513 = arith.constant 0 : index
    %swap3A_1514 = vector.load %arg3[%swap3A_1511, %swap3A_1512, %swap3A_1513] : memref<1x64x8xf32, #tpu.memory_space<vmem>>, vector<1x1x8xf32>
    %swap3A_1515 = vector.shape_cast %swap3A_1514 : vector<1x1x8xf32> to vector<1x8xf32>
    %swap3A_1516 = vector.shape_cast %select_n3A_1510 : vector<1x8xf32> to vector<1x1x8xf32>
    tpu.vector_store %arg3[%swap3A_1511, %swap3A_1512, %swap3A_1513], %swap3A_1516 {strides = array<i32>} : memref<1x64x8xf32, #tpu.memory_space<vmem>>, vector<1x1x8xf32>,
    %get3A_1517 = arith.constant 0 : index
    %get3A_1518 = arith.constant 0 : index
    %get3A_1519 = vector.load %arg5[%get3A_1517, %get3A_1518] : memref<728x1xf32, #tpu.memory_space<vmem>>, vector<728x1xf32>
    %reduce_max3A_1520 = vector.shape_cast %get3A_1519 : vector<728x1xf32> to vector<1x728x1xf32>
    %reduce_max3A_1521 = arith.constant dense<0xFF800000> : vector<1xf32>
    %reduce_max3A_1522 = vector.multi_reduction <maximumf>, %reduce_max3A_1520, %reduce_max3A_1521 [1, 2] : vector<1x728x1xf32> to vector<1xf32>
    %reduce_max3A_1523 = vector.shape_cast %reduce_max3A_1522 : vector<1xf32> to vector<1x1x1xf32>
    %reduce_max3A_1524 = vector.extract %reduce_max3A_1523[0, 0, 0] : f32 from vector<1x1x1xf32>
    %eq3A_1525 = vector.broadcast %reduce_max3A_1524 : f32 to vector<728x1xf32>
    %eq3A_1526 = arith.cmpf oeq, %get3A_1519, %eq3A_1525 : vector<728x1xf32>
    %jit3A_1527 = arith.constant 728 : i32
    %broadcast_in_dim3A_1528 = vector.broadcast %jit3A_1527 : i32 to vector<728x1xi32>
    %select_n3A_1529 = arith.select %eq3A_1526, %iota3A, %broadcast_in_dim3A_1528 : vector<728x1xi1>, vector<728x1xi32>
    %reduce_min3A_1530 = vector.shape_cast %select_n3A_1529 : vector<728x1xi32> to vector<1x728x1xi32>
    %reduce_min3A_1531 = arith.constant dense<2147483647> : vector<1xi32>
    %reduce_min3A_1532 = vector.multi_reduction <minsi>, %reduce_min3A_1530, %reduce_min3A_1531 [1, 2] : vector<1x728x1xi32> to vector<1xi32>
    %reduce_min3A_1533 = vector.shape_cast %reduce_min3A_1532 : vector<1xi32> to vector<1x1x1xi32>
    %reduce_min3A_1534 = vector.extract %reduce_min3A_1533[0, 0, 0] : i32 from vector<1x1x1xi32>
    %jit3A_1535 = arith.constant 8 : i32
    %div3A_1536 = arith.divsi %reduce_min3A_1534, %jit3A_1535 : i32
    %sign3A_1537 = arith.constant 0 : i32
    %sign3A_1538 = arith.cmpi sgt, %reduce_min3A_1534, %sign3A_1537 : i32
    %sign3A_1539 = arith.extui %sign3A_1538 : i1 to i32
    %sign3A_1540 = arith.constant 0 : i32
    %sign3A_1541 = arith.cmpi slt, %reduce_min3A_1534, %sign3A_1540 : i32
    %sign3A_1542 = arith.extui %sign3A_1541 : i1 to i32
    %sign3A_1543 = arith.subi %sign3A_1539, %sign3A_1542 : i32
    %sign3A_1544 = arith.constant 0 : i32
    %sign3A_1545 = arith.cmpi sgt, %jit3A_1535, %sign3A_1544 : i32
    %sign3A_1546 = arith.extui %sign3A_1545 : i1 to i32
    %sign3A_1547 = arith.constant 0 : i32
    %sign3A_1548 = arith.cmpi slt, %jit3A_1535, %sign3A_1547 : i32
    %sign3A_1549 = arith.extui %sign3A_1548 : i1 to i32
    %sign3A_1550 = arith.subi %sign3A_1546, %sign3A_1549 : i32
    %ne3A_1551 = arith.cmpi ne, %sign3A_1543, %sign3A_1550 : i32
    %rem3A_1552 = arith.remsi %reduce_min3A_1534, %jit3A_1535 : i32
    %ne3A_1553 = arith.constant 0 : i32
    %ne3A_1554 = arith.cmpi ne, %rem3A_1552, %ne3A_1553 : i32
    %and3A_1555 = arith.andi %ne3A_1551, %ne3A_1554 : i1
    %sub3A_1556 = arith.constant 1 : i32
    %sub3A_1557 = arith.subi %div3A_1536, %sub3A_1556 : i32
    %select_n3A_1558 = arith.select %and3A_1555, %sub3A_1557, %div3A_1536 : i32
    %mul3A_1559 = arith.constant 8 : i32
    %mul3A_1560 = arith.muli %select_n3A_1558, %mul3A_1559 : i32
    %multiple_of3A_1561 = tpu.assume_multiple %mul3A_1560, 8 : i32
    %sub3A_1562 = arith.subi %reduce_min3A_1534, %multiple_of3A_1561 : i32
    %get3A_1563 = arith.index_cast %multiple_of3A_1561 : i32 to index
    %get3A_1564 = arith.constant 0 : index
    %get3A_1565 = vector.load %arg4[%get3A_1563, %get3A_1564] : memref<728x1440xf32, #tpu.memory_space<vmem>>, vector<8x1440xf32>
    %eq3A_1566 = vector.broadcast %sub3A_1562 : i32 to vector<8x1xi32>
    %eq3A_1567 = arith.cmpi eq, %iota3A_66, %eq3A_1566 : vector<8x1xi32>
    %jit3A_1568 = arith.constant -3.000000e+38 : f32
    %broadcast_in_dim3A_1569 = vector.shape_cast %eq3A_1567 : vector<8x1xi1> to vector<8x1xi1>
    %broadcast_in_dim3A_1570 = vector.broadcast %broadcast_in_dim3A_1569 : vector<8x1xi1> to vector<8x1440xi1>
    %broadcast_in_dim3A_1571 = vector.broadcast %jit3A_1568 : f32 to vector<8x1440xf32>
    %select_n3A_1572 = arith.select %broadcast_in_dim3A_1570, %get3A_1565, %broadcast_in_dim3A_1571 : vector<8x1440xi1>, vector<8x1440xf32>
    %reduce_max3A_1573 = vector.shape_cast %select_n3A_1572 : vector<8x1440xf32> to vector<1x8x1440xf32>
    %reduce_max3A_1574 = arith.constant dense<0xFF800000> : vector<1xf32>
    %reduce_max3A_1575 = vector.multi_reduction <maximumf>, %reduce_max3A_1573, %reduce_max3A_1574 [1, 2] : vector<1x8x1440xf32> to vector<1xf32>
    %reduce_max3A_1576 = vector.shape_cast %reduce_max3A_1575 : vector<1xf32> to vector<1x1x1xf32>
    %reduce_max3A_1577 = vector.extract %reduce_max3A_1576[0, 0, 0] : f32 from vector<1x1x1xf32>
    %eq3A_1578 = vector.broadcast %reduce_max3A_1577 : f32 to vector<8x1440xf32>
    %eq3A_1579 = arith.cmpf oeq, %select_n3A_1572, %eq3A_1578 : vector<8x1440xf32>
    %jit3A_1580 = arith.constant 1440 : i32
    %broadcast_in_dim3A_1581 = vector.broadcast %jit3A_1580 : i32 to vector<8x1440xi32>
    %select_n3A_1582 = arith.select %eq3A_1579, %iota3A_67, %broadcast_in_dim3A_1581 : vector<8x1440xi1>, vector<8x1440xi32>
    %reduce_min3A_1583 = vector.shape_cast %select_n3A_1582 : vector<8x1440xi32> to vector<1x8x1440xi32>
    %reduce_min3A_1584 = arith.constant dense<2147483647> : vector<1xi32>
    %reduce_min3A_1585 = vector.multi_reduction <minsi>, %reduce_min3A_1583, %reduce_min3A_1584 [1, 2] : vector<1x8x1440xi32> to vector<1xi32>
    %reduce_min3A_1586 = vector.shape_cast %reduce_min3A_1585 : vector<1xi32> to vector<1x1x1xi32>
    %reduce_min3A_1587 = vector.extract %reduce_min3A_1586[0, 0, 0] : i32 from vector<1x1x1xi32>
    %eq3A_1588 = vector.broadcast %reduce_min3A_1587 : i32 to vector<8x1440xi32>
    %eq3A_1589 = arith.cmpi eq, %iota3A_67, %eq3A_1588 : vector<8x1440xi32>
    %and3A_1590 = vector.broadcast %eq3A_1567 : vector<8x1xi1> to vector<8x1440xi1>
    %and3A_1591 = arith.andi %and3A_1590, %eq3A_1589 : vector<8x1440xi1>
    %jit3A_1592 = arith.constant -3.000000e+38 : f32
    %broadcast_in_dim3A_1593 = vector.broadcast %jit3A_1592 : f32 to vector<8x1440xf32>
    %select_n3A_1594 = arith.select %and3A_1591, %broadcast_in_dim3A_1593, %get3A_1565 : vector<8x1440xi1>, vector<8x1440xf32>
    %swap3A_1595 = arith.index_cast %multiple_of3A_1561 : i32 to index
    %swap3A_1596 = arith.constant 0 : index
    %swap3A_1597 = vector.load %arg4[%swap3A_1595, %swap3A_1596] : memref<728x1440xf32, #tpu.memory_space<vmem>>, vector<8x1440xf32>
    tpu.vector_store %arg4[%swap3A_1595, %swap3A_1596], %select_n3A_1594 {strides = array<i32>} : memref<728x1440xf32, #tpu.memory_space<vmem>>, vector<8x1440xf32>,
    %reduce_max3A_1598 = arith.constant dense<0xFF800000> : vector<8xf32>
    %reduce_max3A_1599 = vector.multi_reduction <maximumf>, %select_n3A_1594, %reduce_max3A_1598 [1] : vector<8x1440xf32> to vector<8xf32>
    %broadcast_in_dim3A_1600 = vector.shape_cast %reduce_max3A_1599 : vector<8xf32> to vector<8x1xf32>
    %swap3A_1601 = arith.index_cast %multiple_of3A_1561 : i32 to index
    %swap3A_1602 = arith.constant 0 : index
    %swap3A_1603 = vector.load %arg5[%swap3A_1601, %swap3A_1602] : memref<728x1xf32, #tpu.memory_space<vmem>>, vector<8x1xf32>
    tpu.vector_store %arg5[%swap3A_1601, %swap3A_1602], %broadcast_in_dim3A_1600 {strides = array<i32>} : memref<728x1xf32, #tpu.memory_space<vmem>>, vector<8x1xf32>,
    %eq3A_1604 = arith.constant 0 : i32
    %eq3A_1605 = vector.broadcast %eq3A_1604 : i32 to vector<1x8xi32>
    %eq3A_1606 = arith.cmpi eq, %iota3A_68, %eq3A_1605 : vector<1x8xi32>
    %convert_element_type3A_1607 = arith.sitofp %reduce_min3A_1534 : i32 to f32
    %eq3A_1608 = arith.constant 1 : i32
    %eq3A_1609 = vector.broadcast %eq3A_1608 : i32 to vector<1x8xi32>
    %eq3A_1610 = arith.cmpi eq, %iota3A_68, %eq3A_1609 : vector<1x8xi32>
    %convert_element_type3A_1611 = arith.sitofp %reduce_min3A_1587 : i32 to f32
    %eq3A_1612 = arith.constant 2 : i32
    %eq3A_1613 = vector.broadcast %eq3A_1612 : i32 to vector<1x8xi32>
    %eq3A_1614 = arith.cmpi eq, %iota3A_68, %eq3A_1613 : vector<1x8xi32>
    %jit3A_1615 = arith.constant 0.000000e+00 : f32
    %broadcast_in_dim3A_1616 = vector.broadcast %reduce_max3A_1524 : f32 to vector<1x8xf32>
    %broadcast_in_dim3A_1617 = vector.broadcast %jit3A_1615 : f32 to vector<1x8xf32>
    %select_n3A_1618 = arith.select %eq3A_1614, %broadcast_in_dim3A_1616, %broadcast_in_dim3A_1617 : vector<1x8xi1>, vector<1x8xf32>
    %broadcast_in_dim3A_1619 = vector.broadcast %convert_element_type3A_1611 : f32 to vector<1x8xf32>
    %select_n3A_1620 = arith.select %eq3A_1610, %broadcast_in_dim3A_1619, %select_n3A_1618 : vector<1x8xi1>, vector<1x8xf32>
    %broadcast_in_dim3A_1621 = vector.broadcast %convert_element_type3A_1607 : f32 to vector<1x8xf32>
    %select_n3A_1622 = arith.select %eq3A_1606, %broadcast_in_dim3A_1621, %select_n3A_1620 : vector<1x8xi1>, vector<1x8xf32>
    %swap3A_1623 = arith.constant 0 : index
    %swap3A_1624 = arith.constant 13 : index
    %swap3A_1625 = arith.constant 0 : index
    %swap3A_1626 = vector.load %arg3[%swap3A_1623, %swap3A_1624, %swap3A_1625] : memref<1x64x8xf32, #tpu.memory_space<vmem>>, vector<1x1x8xf32>
    %swap3A_1627 = vector.shape_cast %swap3A_1626 : vector<1x1x8xf32> to vector<1x8xf32>
    %swap3A_1628 = vector.shape_cast %select_n3A_1622 : vector<1x8xf32> to vector<1x1x8xf32>
    tpu.vector_store %arg3[%swap3A_1623, %swap3A_1624, %swap3A_1625], %swap3A_1628 {strides = array<i32>} : memref<1x64x8xf32, #tpu.memory_space<vmem>>, vector<1x1x8xf32>,
    %get3A_1629 = arith.constant 0 : index
    %get3A_1630 = arith.constant 0 : index
    %get3A_1631 = vector.load %arg5[%get3A_1629, %get3A_1630] : memref<728x1xf32, #tpu.memory_space<vmem>>, vector<728x1xf32>
    %reduce_max3A_1632 = vector.shape_cast %get3A_1631 : vector<728x1xf32> to vector<1x728x1xf32>
    %reduce_max3A_1633 = arith.constant dense<0xFF800000> : vector<1xf32>
    %reduce_max3A_1634 = vector.multi_reduction <maximumf>, %reduce_max3A_1632, %reduce_max3A_1633 [1, 2] : vector<1x728x1xf32> to vector<1xf32>
    %reduce_max3A_1635 = vector.shape_cast %reduce_max3A_1634 : vector<1xf32> to vector<1x1x1xf32>
    %reduce_max3A_1636 = vector.extract %reduce_max3A_1635[0, 0, 0] : f32 from vector<1x1x1xf32>
    %eq3A_1637 = vector.broadcast %reduce_max3A_1636 : f32 to vector<728x1xf32>
    %eq3A_1638 = arith.cmpf oeq, %get3A_1631, %eq3A_1637 : vector<728x1xf32>
    %jit3A_1639 = arith.constant 728 : i32
    %broadcast_in_dim3A_1640 = vector.broadcast %jit3A_1639 : i32 to vector<728x1xi32>
    %select_n3A_1641 = arith.select %eq3A_1638, %iota3A, %broadcast_in_dim3A_1640 : vector<728x1xi1>, vector<728x1xi32>
    %reduce_min3A_1642 = vector.shape_cast %select_n3A_1641 : vector<728x1xi32> to vector<1x728x1xi32>
    %reduce_min3A_1643 = arith.constant dense<2147483647> : vector<1xi32>
    %reduce_min3A_1644 = vector.multi_reduction <minsi>, %reduce_min3A_1642, %reduce_min3A_1643 [1, 2] : vector<1x728x1xi32> to vector<1xi32>
    %reduce_min3A_1645 = vector.shape_cast %reduce_min3A_1644 : vector<1xi32> to vector<1x1x1xi32>
    %reduce_min3A_1646 = vector.extract %reduce_min3A_1645[0, 0, 0] : i32 from vector<1x1x1xi32>
    %jit3A_1647 = arith.constant 8 : i32
    %div3A_1648 = arith.divsi %reduce_min3A_1646, %jit3A_1647 : i32
    %sign3A_1649 = arith.constant 0 : i32
    %sign3A_1650 = arith.cmpi sgt, %reduce_min3A_1646, %sign3A_1649 : i32
    %sign3A_1651 = arith.extui %sign3A_1650 : i1 to i32
    %sign3A_1652 = arith.constant 0 : i32
    %sign3A_1653 = arith.cmpi slt, %reduce_min3A_1646, %sign3A_1652 : i32
    %sign3A_1654 = arith.extui %sign3A_1653 : i1 to i32
    %sign3A_1655 = arith.subi %sign3A_1651, %sign3A_1654 : i32
    %sign3A_1656 = arith.constant 0 : i32
    %sign3A_1657 = arith.cmpi sgt, %jit3A_1647, %sign3A_1656 : i32
    %sign3A_1658 = arith.extui %sign3A_1657 : i1 to i32
    %sign3A_1659 = arith.constant 0 : i32
    %sign3A_1660 = arith.cmpi slt, %jit3A_1647, %sign3A_1659 : i32
    %sign3A_1661 = arith.extui %sign3A_1660 : i1 to i32
    %sign3A_1662 = arith.subi %sign3A_1658, %sign3A_1661 : i32
    %ne3A_1663 = arith.cmpi ne, %sign3A_1655, %sign3A_1662 : i32
    %rem3A_1664 = arith.remsi %reduce_min3A_1646, %jit3A_1647 : i32
    %ne3A_1665 = arith.constant 0 : i32
    %ne3A_1666 = arith.cmpi ne, %rem3A_1664, %ne3A_1665 : i32
    %and3A_1667 = arith.andi %ne3A_1663, %ne3A_1666 : i1
    %sub3A_1668 = arith.constant 1 : i32
    %sub3A_1669 = arith.subi %div3A_1648, %sub3A_1668 : i32
    %select_n3A_1670 = arith.select %and3A_1667, %sub3A_1669, %div3A_1648 : i32
    %mul3A_1671 = arith.constant 8 : i32
    %mul3A_1672 = arith.muli %select_n3A_1670, %mul3A_1671 : i32
    %multiple_of3A_1673 = tpu.assume_multiple %mul3A_1672, 8 : i32
    %sub3A_1674 = arith.subi %reduce_min3A_1646, %multiple_of3A_1673 : i32
    %get3A_1675 = arith.index_cast %multiple_of3A_1673 : i32 to index
    %get3A_1676 = arith.constant 0 : index
    %get3A_1677 = vector.load %arg4[%get3A_1675, %get3A_1676] : memref<728x1440xf32, #tpu.memory_space<vmem>>, vector<8x1440xf32>
    %eq3A_1678 = vector.broadcast %sub3A_1674 : i32 to vector<8x1xi32>
    %eq3A_1679 = arith.cmpi eq, %iota3A_66, %eq3A_1678 : vector<8x1xi32>
    %jit3A_1680 = arith.constant -3.000000e+38 : f32
    %broadcast_in_dim3A_1681 = vector.shape_cast %eq3A_1679 : vector<8x1xi1> to vector<8x1xi1>
    %broadcast_in_dim3A_1682 = vector.broadcast %broadcast_in_dim3A_1681 : vector<8x1xi1> to vector<8x1440xi1>
    %broadcast_in_dim3A_1683 = vector.broadcast %jit3A_1680 : f32 to vector<8x1440xf32>
    %select_n3A_1684 = arith.select %broadcast_in_dim3A_1682, %get3A_1677, %broadcast_in_dim3A_1683 : vector<8x1440xi1>, vector<8x1440xf32>
    %reduce_max3A_1685 = vector.shape_cast %select_n3A_1684 : vector<8x1440xf32> to vector<1x8x1440xf32>
    %reduce_max3A_1686 = arith.constant dense<0xFF800000> : vector<1xf32>
    %reduce_max3A_1687 = vector.multi_reduction <maximumf>, %reduce_max3A_1685, %reduce_max3A_1686 [1, 2] : vector<1x8x1440xf32> to vector<1xf32>
    %reduce_max3A_1688 = vector.shape_cast %reduce_max3A_1687 : vector<1xf32> to vector<1x1x1xf32>
    %reduce_max3A_1689 = vector.extract %reduce_max3A_1688[0, 0, 0] : f32 from vector<1x1x1xf32>
    %eq3A_1690 = vector.broadcast %reduce_max3A_1689 : f32 to vector<8x1440xf32>
    %eq3A_1691 = arith.cmpf oeq, %select_n3A_1684, %eq3A_1690 : vector<8x1440xf32>
    %jit3A_1692 = arith.constant 1440 : i32
    %broadcast_in_dim3A_1693 = vector.broadcast %jit3A_1692 : i32 to vector<8x1440xi32>
    %select_n3A_1694 = arith.select %eq3A_1691, %iota3A_67, %broadcast_in_dim3A_1693 : vector<8x1440xi1>, vector<8x1440xi32>
    %reduce_min3A_1695 = vector.shape_cast %select_n3A_1694 : vector<8x1440xi32> to vector<1x8x1440xi32>
    %reduce_min3A_1696 = arith.constant dense<2147483647> : vector<1xi32>
    %reduce_min3A_1697 = vector.multi_reduction <minsi>, %reduce_min3A_1695, %reduce_min3A_1696 [1, 2] : vector<1x8x1440xi32> to vector<1xi32>
    %reduce_min3A_1698 = vector.shape_cast %reduce_min3A_1697 : vector<1xi32> to vector<1x1x1xi32>
    %reduce_min3A_1699 = vector.extract %reduce_min3A_1698[0, 0, 0] : i32 from vector<1x1x1xi32>
    %eq3A_1700 = vector.broadcast %reduce_min3A_1699 : i32 to vector<8x1440xi32>
    %eq3A_1701 = arith.cmpi eq, %iota3A_67, %eq3A_1700 : vector<8x1440xi32>
    %and3A_1702 = vector.broadcast %eq3A_1679 : vector<8x1xi1> to vector<8x1440xi1>
    %and3A_1703 = arith.andi %and3A_1702, %eq3A_1701 : vector<8x1440xi1>
    %jit3A_1704 = arith.constant -3.000000e+38 : f32
    %broadcast_in_dim3A_1705 = vector.broadcast %jit3A_1704 : f32 to vector<8x1440xf32>
    %select_n3A_1706 = arith.select %and3A_1703, %broadcast_in_dim3A_1705, %get3A_1677 : vector<8x1440xi1>, vector<8x1440xf32>
    %swap3A_1707 = arith.index_cast %multiple_of3A_1673 : i32 to index
    %swap3A_1708 = arith.constant 0 : index
    %swap3A_1709 = vector.load %arg4[%swap3A_1707, %swap3A_1708] : memref<728x1440xf32, #tpu.memory_space<vmem>>, vector<8x1440xf32>
    tpu.vector_store %arg4[%swap3A_1707, %swap3A_1708], %select_n3A_1706 {strides = array<i32>} : memref<728x1440xf32, #tpu.memory_space<vmem>>, vector<8x1440xf32>,
    %reduce_max3A_1710 = arith.constant dense<0xFF800000> : vector<8xf32>
    %reduce_max3A_1711 = vector.multi_reduction <maximumf>, %select_n3A_1706, %reduce_max3A_1710 [1] : vector<8x1440xf32> to vector<8xf32>
    %broadcast_in_dim3A_1712 = vector.shape_cast %reduce_max3A_1711 : vector<8xf32> to vector<8x1xf32>
    %swap3A_1713 = arith.index_cast %multiple_of3A_1673 : i32 to index
    %swap3A_1714 = arith.constant 0 : index
    %swap3A_1715 = vector.load %arg5[%swap3A_1713, %swap3A_1714] : memref<728x1xf32, #tpu.memory_space<vmem>>, vector<8x1xf32>
    tpu.vector_store %arg5[%swap3A_1713, %swap3A_1714], %broadcast_in_dim3A_1712 {strides = array<i32>} : memref<728x1xf32, #tpu.memory_space<vmem>>, vector<8x1xf32>,
    %eq3A_1716 = arith.constant 0 : i32
    %eq3A_1717 = vector.broadcast %eq3A_1716 : i32 to vector<1x8xi32>
    %eq3A_1718 = arith.cmpi eq, %iota3A_68, %eq3A_1717 : vector<1x8xi32>
    %convert_element_type3A_1719 = arith.sitofp %reduce_min3A_1646 : i32 to f32
    %eq3A_1720 = arith.constant 1 : i32
    %eq3A_1721 = vector.broadcast %eq3A_1720 : i32 to vector<1x8xi32>
    %eq3A_1722 = arith.cmpi eq, %iota3A_68, %eq3A_1721 : vector<1x8xi32>
    %convert_element_type3A_1723 = arith.sitofp %reduce_min3A_1699 : i32 to f32
    %eq3A_1724 = arith.constant 2 : i32
    %eq3A_1725 = vector.broadcast %eq3A_1724 : i32 to vector<1x8xi32>
    %eq3A_1726 = arith.cmpi eq, %iota3A_68, %eq3A_1725 : vector<1x8xi32>
    %jit3A_1727 = arith.constant 0.000000e+00 : f32
    %broadcast_in_dim3A_1728 = vector.broadcast %reduce_max3A_1636 : f32 to vector<1x8xf32>
    %broadcast_in_dim3A_1729 = vector.broadcast %jit3A_1727 : f32 to vector<1x8xf32>
    %select_n3A_1730 = arith.select %eq3A_1726, %broadcast_in_dim3A_1728, %broadcast_in_dim3A_1729 : vector<1x8xi1>, vector<1x8xf32>
    %broadcast_in_dim3A_1731 = vector.broadcast %convert_element_type3A_1723 : f32 to vector<1x8xf32>
    %select_n3A_1732 = arith.select %eq3A_1722, %broadcast_in_dim3A_1731, %select_n3A_1730 : vector<1x8xi1>, vector<1x8xf32>
    %broadcast_in_dim3A_1733 = vector.broadcast %convert_element_type3A_1719 : f32 to vector<1x8xf32>
    %select_n3A_1734 = arith.select %eq3A_1718, %broadcast_in_dim3A_1733, %select_n3A_1732 : vector<1x8xi1>, vector<1x8xf32>
    %swap3A_1735 = arith.constant 0 : index
    %swap3A_1736 = arith.constant 14 : index
    %swap3A_1737 = arith.constant 0 : index
    %swap3A_1738 = vector.load %arg3[%swap3A_1735, %swap3A_1736, %swap3A_1737] : memref<1x64x8xf32, #tpu.memory_space<vmem>>, vector<1x1x8xf32>
    %swap3A_1739 = vector.shape_cast %swap3A_1738 : vector<1x1x8xf32> to vector<1x8xf32>
    %swap3A_1740 = vector.shape_cast %select_n3A_1734 : vector<1x8xf32> to vector<1x1x8xf32>
    tpu.vector_store %arg3[%swap3A_1735, %swap3A_1736, %swap3A_1737], %swap3A_1740 {strides = array<i32>} : memref<1x64x8xf32, #tpu.memory_space<vmem>>, vector<1x1x8xf32>,
    %get3A_1741 = arith.constant 0 : index
    %get3A_1742 = arith.constant 0 : index
    %get3A_1743 = vector.load %arg5[%get3A_1741, %get3A_1742] : memref<728x1xf32, #tpu.memory_space<vmem>>, vector<728x1xf32>
    %reduce_max3A_1744 = vector.shape_cast %get3A_1743 : vector<728x1xf32> to vector<1x728x1xf32>
    %reduce_max3A_1745 = arith.constant dense<0xFF800000> : vector<1xf32>
    %reduce_max3A_1746 = vector.multi_reduction <maximumf>, %reduce_max3A_1744, %reduce_max3A_1745 [1, 2] : vector<1x728x1xf32> to vector<1xf32>
    %reduce_max3A_1747 = vector.shape_cast %reduce_max3A_1746 : vector<1xf32> to vector<1x1x1xf32>
    %reduce_max3A_1748 = vector.extract %reduce_max3A_1747[0, 0, 0] : f32 from vector<1x1x1xf32>
    %eq3A_1749 = vector.broadcast %reduce_max3A_1748 : f32 to vector<728x1xf32>
    %eq3A_1750 = arith.cmpf oeq, %get3A_1743, %eq3A_1749 : vector<728x1xf32>
    %jit3A_1751 = arith.constant 728 : i32
    %broadcast_in_dim3A_1752 = vector.broadcast %jit3A_1751 : i32 to vector<728x1xi32>
    %select_n3A_1753 = arith.select %eq3A_1750, %iota3A, %broadcast_in_dim3A_1752 : vector<728x1xi1>, vector<728x1xi32>
    %reduce_min3A_1754 = vector.shape_cast %select_n3A_1753 : vector<728x1xi32> to vector<1x728x1xi32>
    %reduce_min3A_1755 = arith.constant dense<2147483647> : vector<1xi32>
    %reduce_min3A_1756 = vector.multi_reduction <minsi>, %reduce_min3A_1754, %reduce_min3A_1755 [1, 2] : vector<1x728x1xi32> to vector<1xi32>
    %reduce_min3A_1757 = vector.shape_cast %reduce_min3A_1756 : vector<1xi32> to vector<1x1x1xi32>
    %reduce_min3A_1758 = vector.extract %reduce_min3A_1757[0, 0, 0] : i32 from vector<1x1x1xi32>
    %jit3A_1759 = arith.constant 8 : i32
    %div3A_1760 = arith.divsi %reduce_min3A_1758, %jit3A_1759 : i32
    %sign3A_1761 = arith.constant 0 : i32
    %sign3A_1762 = arith.cmpi sgt, %reduce_min3A_1758, %sign3A_1761 : i32
    %sign3A_1763 = arith.extui %sign3A_1762 : i1 to i32
    %sign3A_1764 = arith.constant 0 : i32
    %sign3A_1765 = arith.cmpi slt, %reduce_min3A_1758, %sign3A_1764 : i32
    %sign3A_1766 = arith.extui %sign3A_1765 : i1 to i32
    %sign3A_1767 = arith.subi %sign3A_1763, %sign3A_1766 : i32
    %sign3A_1768 = arith.constant 0 : i32
    %sign3A_1769 = arith.cmpi sgt, %jit3A_1759, %sign3A_1768 : i32
    %sign3A_1770 = arith.extui %sign3A_1769 : i1 to i32
    %sign3A_1771 = arith.constant 0 : i32
    %sign3A_1772 = arith.cmpi slt, %jit3A_1759, %sign3A_1771 : i32
    %sign3A_1773 = arith.extui %sign3A_1772 : i1 to i32
    %sign3A_1774 = arith.subi %sign3A_1770, %sign3A_1773 : i32
    %ne3A_1775 = arith.cmpi ne, %sign3A_1767, %sign3A_1774 : i32
    %rem3A_1776 = arith.remsi %reduce_min3A_1758, %jit3A_1759 : i32
    %ne3A_1777 = arith.constant 0 : i32
    %ne3A_1778 = arith.cmpi ne, %rem3A_1776, %ne3A_1777 : i32
    %and3A_1779 = arith.andi %ne3A_1775, %ne3A_1778 : i1
    %sub3A_1780 = arith.constant 1 : i32
    %sub3A_1781 = arith.subi %div3A_1760, %sub3A_1780 : i32
    %select_n3A_1782 = arith.select %and3A_1779, %sub3A_1781, %div3A_1760 : i32
    %mul3A_1783 = arith.constant 8 : i32
    %mul3A_1784 = arith.muli %select_n3A_1782, %mul3A_1783 : i32
    %multiple_of3A_1785 = tpu.assume_multiple %mul3A_1784, 8 : i32
    %sub3A_1786 = arith.subi %reduce_min3A_1758, %multiple_of3A_1785 : i32
    %get3A_1787 = arith.index_cast %multiple_of3A_1785 : i32 to index
    %get3A_1788 = arith.constant 0 : index
    %get3A_1789 = vector.load %arg4[%get3A_1787, %get3A_1788] : memref<728x1440xf32, #tpu.memory_space<vmem>>, vector<8x1440xf32>
    %eq3A_1790 = vector.broadcast %sub3A_1786 : i32 to vector<8x1xi32>
    %eq3A_1791 = arith.cmpi eq, %iota3A_66, %eq3A_1790 : vector<8x1xi32>
    %jit3A_1792 = arith.constant -3.000000e+38 : f32
    %broadcast_in_dim3A_1793 = vector.shape_cast %eq3A_1791 : vector<8x1xi1> to vector<8x1xi1>
    %broadcast_in_dim3A_1794 = vector.broadcast %broadcast_in_dim3A_1793 : vector<8x1xi1> to vector<8x1440xi1>
    %broadcast_in_dim3A_1795 = vector.broadcast %jit3A_1792 : f32 to vector<8x1440xf32>
    %select_n3A_1796 = arith.select %broadcast_in_dim3A_1794, %get3A_1789, %broadcast_in_dim3A_1795 : vector<8x1440xi1>, vector<8x1440xf32>
    %reduce_max3A_1797 = vector.shape_cast %select_n3A_1796 : vector<8x1440xf32> to vector<1x8x1440xf32>
    %reduce_max3A_1798 = arith.constant dense<0xFF800000> : vector<1xf32>
    %reduce_max3A_1799 = vector.multi_reduction <maximumf>, %reduce_max3A_1797, %reduce_max3A_1798 [1, 2] : vector<1x8x1440xf32> to vector<1xf32>
    %reduce_max3A_1800 = vector.shape_cast %reduce_max3A_1799 : vector<1xf32> to vector<1x1x1xf32>
    %reduce_max3A_1801 = vector.extract %reduce_max3A_1800[0, 0, 0] : f32 from vector<1x1x1xf32>
    %eq3A_1802 = vector.broadcast %reduce_max3A_1801 : f32 to vector<8x1440xf32>
    %eq3A_1803 = arith.cmpf oeq, %select_n3A_1796, %eq3A_1802 : vector<8x1440xf32>
    %jit3A_1804 = arith.constant 1440 : i32
    %broadcast_in_dim3A_1805 = vector.broadcast %jit3A_1804 : i32 to vector<8x1440xi32>
    %select_n3A_1806 = arith.select %eq3A_1803, %iota3A_67, %broadcast_in_dim3A_1805 : vector<8x1440xi1>, vector<8x1440xi32>
    %reduce_min3A_1807 = vector.shape_cast %select_n3A_1806 : vector<8x1440xi32> to vector<1x8x1440xi32>
    %reduce_min3A_1808 = arith.constant dense<2147483647> : vector<1xi32>
    %reduce_min3A_1809 = vector.multi_reduction <minsi>, %reduce_min3A_1807, %reduce_min3A_1808 [1, 2] : vector<1x8x1440xi32> to vector<1xi32>
    %reduce_min3A_1810 = vector.shape_cast %reduce_min3A_1809 : vector<1xi32> to vector<1x1x1xi32>
    %reduce_min3A_1811 = vector.extract %reduce_min3A_1810[0, 0, 0] : i32 from vector<1x1x1xi32>
    %eq3A_1812 = vector.broadcast %reduce_min3A_1811 : i32 to vector<8x1440xi32>
    %eq3A_1813 = arith.cmpi eq, %iota3A_67, %eq3A_1812 : vector<8x1440xi32>
    %and3A_1814 = vector.broadcast %eq3A_1791 : vector<8x1xi1> to vector<8x1440xi1>
    %and3A_1815 = arith.andi %and3A_1814, %eq3A_1813 : vector<8x1440xi1>
    %jit3A_1816 = arith.constant -3.000000e+38 : f32
    %broadcast_in_dim3A_1817 = vector.broadcast %jit3A_1816 : f32 to vector<8x1440xf32>
    %select_n3A_1818 = arith.select %and3A_1815, %broadcast_in_dim3A_1817, %get3A_1789 : vector<8x1440xi1>, vector<8x1440xf32>
    %swap3A_1819 = arith.index_cast %multiple_of3A_1785 : i32 to index
    %swap3A_1820 = arith.constant 0 : index
    %swap3A_1821 = vector.load %arg4[%swap3A_1819, %swap3A_1820] : memref<728x1440xf32, #tpu.memory_space<vmem>>, vector<8x1440xf32>
    tpu.vector_store %arg4[%swap3A_1819, %swap3A_1820], %select_n3A_1818 {strides = array<i32>} : memref<728x1440xf32, #tpu.memory_space<vmem>>, vector<8x1440xf32>,
    %reduce_max3A_1822 = arith.constant dense<0xFF800000> : vector<8xf32>
    %reduce_max3A_1823 = vector.multi_reduction <maximumf>, %select_n3A_1818, %reduce_max3A_1822 [1] : vector<8x1440xf32> to vector<8xf32>
    %broadcast_in_dim3A_1824 = vector.shape_cast %reduce_max3A_1823 : vector<8xf32> to vector<8x1xf32>
    %swap3A_1825 = arith.index_cast %multiple_of3A_1785 : i32 to index
    %swap3A_1826 = arith.constant 0 : index
    %swap3A_1827 = vector.load %arg5[%swap3A_1825, %swap3A_1826] : memref<728x1xf32, #tpu.memory_space<vmem>>, vector<8x1xf32>
    tpu.vector_store %arg5[%swap3A_1825, %swap3A_1826], %broadcast_in_dim3A_1824 {strides = array<i32>} : memref<728x1xf32, #tpu.memory_space<vmem>>, vector<8x1xf32>,
    %eq3A_1828 = arith.constant 0 : i32
    %eq3A_1829 = vector.broadcast %eq3A_1828 : i32 to vector<1x8xi32>
    %eq3A_1830 = arith.cmpi eq, %iota3A_68, %eq3A_1829 : vector<1x8xi32>
    %convert_element_type3A_1831 = arith.sitofp %reduce_min3A_1758 : i32 to f32
    %eq3A_1832 = arith.constant 1 : i32
    %eq3A_1833 = vector.broadcast %eq3A_1832 : i32 to vector<1x8xi32>
    %eq3A_1834 = arith.cmpi eq, %iota3A_68, %eq3A_1833 : vector<1x8xi32>
    %convert_element_type3A_1835 = arith.sitofp %reduce_min3A_1811 : i32 to f32
    %eq3A_1836 = arith.constant 2 : i32
    %eq3A_1837 = vector.broadcast %eq3A_1836 : i32 to vector<1x8xi32>
    %eq3A_1838 = arith.cmpi eq, %iota3A_68, %eq3A_1837 : vector<1x8xi32>
    %jit3A_1839 = arith.constant 0.000000e+00 : f32
    %broadcast_in_dim3A_1840 = vector.broadcast %reduce_max3A_1748 : f32 to vector<1x8xf32>
    %broadcast_in_dim3A_1841 = vector.broadcast %jit3A_1839 : f32 to vector<1x8xf32>
    %select_n3A_1842 = arith.select %eq3A_1838, %broadcast_in_dim3A_1840, %broadcast_in_dim3A_1841 : vector<1x8xi1>, vector<1x8xf32>
    %broadcast_in_dim3A_1843 = vector.broadcast %convert_element_type3A_1835 : f32 to vector<1x8xf32>
    %select_n3A_1844 = arith.select %eq3A_1834, %broadcast_in_dim3A_1843, %select_n3A_1842 : vector<1x8xi1>, vector<1x8xf32>
    %broadcast_in_dim3A_1845 = vector.broadcast %convert_element_type3A_1831 : f32 to vector<1x8xf32>
    %select_n3A_1846 = arith.select %eq3A_1830, %broadcast_in_dim3A_1845, %select_n3A_1844 : vector<1x8xi1>, vector<1x8xf32>
    %swap3A_1847 = arith.constant 0 : index
    %swap3A_1848 = arith.constant 15 : index
    %swap3A_1849 = arith.constant 0 : index
    %swap3A_1850 = vector.load %arg3[%swap3A_1847, %swap3A_1848, %swap3A_1849] : memref<1x64x8xf32, #tpu.memory_space<vmem>>, vector<1x1x8xf32>
    %swap3A_1851 = vector.shape_cast %swap3A_1850 : vector<1x1x8xf32> to vector<1x8xf32>
    %swap3A_1852 = vector.shape_cast %select_n3A_1846 : vector<1x8xf32> to vector<1x1x8xf32>
    tpu.vector_store %arg3[%swap3A_1847, %swap3A_1848, %swap3A_1849], %swap3A_1852 {strides = array<i32>} : memref<1x64x8xf32, #tpu.memory_space<vmem>>, vector<1x1x8xf32>,
    %get3A_1853 = arith.constant 0 : index
    %get3A_1854 = arith.constant 0 : index
    %get3A_1855 = vector.load %arg5[%get3A_1853, %get3A_1854] : memref<728x1xf32, #tpu.memory_space<vmem>>, vector<728x1xf32>
    %reduce_max3A_1856 = vector.shape_cast %get3A_1855 : vector<728x1xf32> to vector<1x728x1xf32>
    %reduce_max3A_1857 = arith.constant dense<0xFF800000> : vector<1xf32>
    %reduce_max3A_1858 = vector.multi_reduction <maximumf>, %reduce_max3A_1856, %reduce_max3A_1857 [1, 2] : vector<1x728x1xf32> to vector<1xf32>
    %reduce_max3A_1859 = vector.shape_cast %reduce_max3A_1858 : vector<1xf32> to vector<1x1x1xf32>
    %reduce_max3A_1860 = vector.extract %reduce_max3A_1859[0, 0, 0] : f32 from vector<1x1x1xf32>
    %eq3A_1861 = vector.broadcast %reduce_max3A_1860 : f32 to vector<728x1xf32>
    %eq3A_1862 = arith.cmpf oeq, %get3A_1855, %eq3A_1861 : vector<728x1xf32>
    %jit3A_1863 = arith.constant 728 : i32
    %broadcast_in_dim3A_1864 = vector.broadcast %jit3A_1863 : i32 to vector<728x1xi32>
    %select_n3A_1865 = arith.select %eq3A_1862, %iota3A, %broadcast_in_dim3A_1864 : vector<728x1xi1>, vector<728x1xi32>
    %reduce_min3A_1866 = vector.shape_cast %select_n3A_1865 : vector<728x1xi32> to vector<1x728x1xi32>
    %reduce_min3A_1867 = arith.constant dense<2147483647> : vector<1xi32>
    %reduce_min3A_1868 = vector.multi_reduction <minsi>, %reduce_min3A_1866, %reduce_min3A_1867 [1, 2] : vector<1x728x1xi32> to vector<1xi32>
    %reduce_min3A_1869 = vector.shape_cast %reduce_min3A_1868 : vector<1xi32> to vector<1x1x1xi32>
    %reduce_min3A_1870 = vector.extract %reduce_min3A_1869[0, 0, 0] : i32 from vector<1x1x1xi32>
    %jit3A_1871 = arith.constant 8 : i32
    %div3A_1872 = arith.divsi %reduce_min3A_1870, %jit3A_1871 : i32
    %sign3A_1873 = arith.constant 0 : i32
    %sign3A_1874 = arith.cmpi sgt, %reduce_min3A_1870, %sign3A_1873 : i32
    %sign3A_1875 = arith.extui %sign3A_1874 : i1 to i32
    %sign3A_1876 = arith.constant 0 : i32
    %sign3A_1877 = arith.cmpi slt, %reduce_min3A_1870, %sign3A_1876 : i32
    %sign3A_1878 = arith.extui %sign3A_1877 : i1 to i32
    %sign3A_1879 = arith.subi %sign3A_1875, %sign3A_1878 : i32
    %sign3A_1880 = arith.constant 0 : i32
    %sign3A_1881 = arith.cmpi sgt, %jit3A_1871, %sign3A_1880 : i32
    %sign3A_1882 = arith.extui %sign3A_1881 : i1 to i32
    %sign3A_1883 = arith.constant 0 : i32
    %sign3A_1884 = arith.cmpi slt, %jit3A_1871, %sign3A_1883 : i32
    %sign3A_1885 = arith.extui %sign3A_1884 : i1 to i32
    %sign3A_1886 = arith.subi %sign3A_1882, %sign3A_1885 : i32
    %ne3A_1887 = arith.cmpi ne, %sign3A_1879, %sign3A_1886 : i32
    %rem3A_1888 = arith.remsi %reduce_min3A_1870, %jit3A_1871 : i32
    %ne3A_1889 = arith.constant 0 : i32
    %ne3A_1890 = arith.cmpi ne, %rem3A_1888, %ne3A_1889 : i32
    %and3A_1891 = arith.andi %ne3A_1887, %ne3A_1890 : i1
    %sub3A_1892 = arith.constant 1 : i32
    %sub3A_1893 = arith.subi %div3A_1872, %sub3A_1892 : i32
    %select_n3A_1894 = arith.select %and3A_1891, %sub3A_1893, %div3A_1872 : i32
    %mul3A_1895 = arith.constant 8 : i32
    %mul3A_1896 = arith.muli %select_n3A_1894, %mul3A_1895 : i32
    %multiple_of3A_1897 = tpu.assume_multiple %mul3A_1896, 8 : i32
    %sub3A_1898 = arith.subi %reduce_min3A_1870, %multiple_of3A_1897 : i32
    %get3A_1899 = arith.index_cast %multiple_of3A_1897 : i32 to index
    %get3A_1900 = arith.constant 0 : index
    %get3A_1901 = vector.load %arg4[%get3A_1899, %get3A_1900] : memref<728x1440xf32, #tpu.memory_space<vmem>>, vector<8x1440xf32>
    %eq3A_1902 = vector.broadcast %sub3A_1898 : i32 to vector<8x1xi32>
    %eq3A_1903 = arith.cmpi eq, %iota3A_66, %eq3A_1902 : vector<8x1xi32>
    %jit3A_1904 = arith.constant -3.000000e+38 : f32
    %broadcast_in_dim3A_1905 = vector.shape_cast %eq3A_1903 : vector<8x1xi1> to vector<8x1xi1>
    %broadcast_in_dim3A_1906 = vector.broadcast %broadcast_in_dim3A_1905 : vector<8x1xi1> to vector<8x1440xi1>
    %broadcast_in_dim3A_1907 = vector.broadcast %jit3A_1904 : f32 to vector<8x1440xf32>
    %select_n3A_1908 = arith.select %broadcast_in_dim3A_1906, %get3A_1901, %broadcast_in_dim3A_1907 : vector<8x1440xi1>, vector<8x1440xf32>
    %reduce_max3A_1909 = vector.shape_cast %select_n3A_1908 : vector<8x1440xf32> to vector<1x8x1440xf32>
    %reduce_max3A_1910 = arith.constant dense<0xFF800000> : vector<1xf32>
    %reduce_max3A_1911 = vector.multi_reduction <maximumf>, %reduce_max3A_1909, %reduce_max3A_1910 [1, 2] : vector<1x8x1440xf32> to vector<1xf32>
    %reduce_max3A_1912 = vector.shape_cast %reduce_max3A_1911 : vector<1xf32> to vector<1x1x1xf32>
    %reduce_max3A_1913 = vector.extract %reduce_max3A_1912[0, 0, 0] : f32 from vector<1x1x1xf32>
    %eq3A_1914 = vector.broadcast %reduce_max3A_1913 : f32 to vector<8x1440xf32>
    %eq3A_1915 = arith.cmpf oeq, %select_n3A_1908, %eq3A_1914 : vector<8x1440xf32>
    %jit3A_1916 = arith.constant 1440 : i32
    %broadcast_in_dim3A_1917 = vector.broadcast %jit3A_1916 : i32 to vector<8x1440xi32>
    %select_n3A_1918 = arith.select %eq3A_1915, %iota3A_67, %broadcast_in_dim3A_1917 : vector<8x1440xi1>, vector<8x1440xi32>
    %reduce_min3A_1919 = vector.shape_cast %select_n3A_1918 : vector<8x1440xi32> to vector<1x8x1440xi32>
    %reduce_min3A_1920 = arith.constant dense<2147483647> : vector<1xi32>
    %reduce_min3A_1921 = vector.multi_reduction <minsi>, %reduce_min3A_1919, %reduce_min3A_1920 [1, 2] : vector<1x8x1440xi32> to vector<1xi32>
    %reduce_min3A_1922 = vector.shape_cast %reduce_min3A_1921 : vector<1xi32> to vector<1x1x1xi32>
    %reduce_min3A_1923 = vector.extract %reduce_min3A_1922[0, 0, 0] : i32 from vector<1x1x1xi32>
    %eq3A_1924 = vector.broadcast %reduce_min3A_1923 : i32 to vector<8x1440xi32>
    %eq3A_1925 = arith.cmpi eq, %iota3A_67, %eq3A_1924 : vector<8x1440xi32>
    %and3A_1926 = vector.broadcast %eq3A_1903 : vector<8x1xi1> to vector<8x1440xi1>
    %and3A_1927 = arith.andi %and3A_1926, %eq3A_1925 : vector<8x1440xi1>
    %jit3A_1928 = arith.constant -3.000000e+38 : f32
    %broadcast_in_dim3A_1929 = vector.broadcast %jit3A_1928 : f32 to vector<8x1440xf32>
    %select_n3A_1930 = arith.select %and3A_1927, %broadcast_in_dim3A_1929, %get3A_1901 : vector<8x1440xi1>, vector<8x1440xf32>
    %swap3A_1931 = arith.index_cast %multiple_of3A_1897 : i32 to index
    %swap3A_1932 = arith.constant 0 : index
    %swap3A_1933 = vector.load %arg4[%swap3A_1931, %swap3A_1932] : memref<728x1440xf32, #tpu.memory_space<vmem>>, vector<8x1440xf32>
    tpu.vector_store %arg4[%swap3A_1931, %swap3A_1932], %select_n3A_1930 {strides = array<i32>} : memref<728x1440xf32, #tpu.memory_space<vmem>>, vector<8x1440xf32>,
    %reduce_max3A_1934 = arith.constant dense<0xFF800000> : vector<8xf32>
    %reduce_max3A_1935 = vector.multi_reduction <maximumf>, %select_n3A_1930, %reduce_max3A_1934 [1] : vector<8x1440xf32> to vector<8xf32>
    %broadcast_in_dim3A_1936 = vector.shape_cast %reduce_max3A_1935 : vector<8xf32> to vector<8x1xf32>
    %swap3A_1937 = arith.index_cast %multiple_of3A_1897 : i32 to index
    %swap3A_1938 = arith.constant 0 : index
    %swap3A_1939 = vector.load %arg5[%swap3A_1937, %swap3A_1938] : memref<728x1xf32, #tpu.memory_space<vmem>>, vector<8x1xf32>
    tpu.vector_store %arg5[%swap3A_1937, %swap3A_1938], %broadcast_in_dim3A_1936 {strides = array<i32>} : memref<728x1xf32, #tpu.memory_space<vmem>>, vector<8x1xf32>,
    %eq3A_1940 = arith.constant 0 : i32
    %eq3A_1941 = vector.broadcast %eq3A_1940 : i32 to vector<1x8xi32>
    %eq3A_1942 = arith.cmpi eq, %iota3A_68, %eq3A_1941 : vector<1x8xi32>
    %convert_element_type3A_1943 = arith.sitofp %reduce_min3A_1870 : i32 to f32
    %eq3A_1944 = arith.constant 1 : i32
    %eq3A_1945 = vector.broadcast %eq3A_1944 : i32 to vector<1x8xi32>
    %eq3A_1946 = arith.cmpi eq, %iota3A_68, %eq3A_1945 : vector<1x8xi32>
    %convert_element_type3A_1947 = arith.sitofp %reduce_min3A_1923 : i32 to f32
    %eq3A_1948 = arith.constant 2 : i32
    %eq3A_1949 = vector.broadcast %eq3A_1948 : i32 to vector<1x8xi32>
    %eq3A_1950 = arith.cmpi eq, %iota3A_68, %eq3A_1949 : vector<1x8xi32>
    %jit3A_1951 = arith.constant 0.000000e+00 : f32
    %broadcast_in_dim3A_1952 = vector.broadcast %reduce_max3A_1860 : f32 to vector<1x8xf32>
    %broadcast_in_dim3A_1953 = vector.broadcast %jit3A_1951 : f32 to vector<1x8xf32>
    %select_n3A_1954 = arith.select %eq3A_1950, %broadcast_in_dim3A_1952, %broadcast_in_dim3A_1953 : vector<1x8xi1>, vector<1x8xf32>
    %broadcast_in_dim3A_1955 = vector.broadcast %convert_element_type3A_1947 : f32 to vector<1x8xf32>
    %select_n3A_1956 = arith.select %eq3A_1946, %broadcast_in_dim3A_1955, %select_n3A_1954 : vector<1x8xi1>, vector<1x8xf32>
    %broadcast_in_dim3A_1957 = vector.broadcast %convert_element_type3A_1943 : f32 to vector<1x8xf32>
    %select_n3A_1958 = arith.select %eq3A_1942, %broadcast_in_dim3A_1957, %select_n3A_1956 : vector<1x8xi1>, vector<1x8xf32>
    %swap3A_1959 = arith.constant 0 : index
    %swap3A_1960 = arith.constant 16 : index
    %swap3A_1961 = arith.constant 0 : index
    %swap3A_1962 = vector.load %arg3[%swap3A_1959, %swap3A_1960, %swap3A_1961] : memref<1x64x8xf32, #tpu.memory_space<vmem>>, vector<1x1x8xf32>
    %swap3A_1963 = vector.shape_cast %swap3A_1962 : vector<1x1x8xf32> to vector<1x8xf32>
    %swap3A_1964 = vector.shape_cast %select_n3A_1958 : vector<1x8xf32> to vector<1x1x8xf32>
    tpu.vector_store %arg3[%swap3A_1959, %swap3A_1960, %swap3A_1961], %swap3A_1964 {strides = array<i32>} : memref<1x64x8xf32, #tpu.memory_space<vmem>>, vector<1x1x8xf32>,
    %get3A_1965 = arith.constant 0 : index
    %get3A_1966 = arith.constant 0 : index
    %get3A_1967 = vector.load %arg5[%get3A_1965, %get3A_1966] : memref<728x1xf32, #tpu.memory_space<vmem>>, vector<728x1xf32>
    %reduce_max3A_1968 = vector.shape_cast %get3A_1967 : vector<728x1xf32> to vector<1x728x1xf32>
    %reduce_max3A_1969 = arith.constant dense<0xFF800000> : vector<1xf32>
    %reduce_max3A_1970 = vector.multi_reduction <maximumf>, %reduce_max3A_1968, %reduce_max3A_1969 [1, 2] : vector<1x728x1xf32> to vector<1xf32>
    %reduce_max3A_1971 = vector.shape_cast %reduce_max3A_1970 : vector<1xf32> to vector<1x1x1xf32>
    %reduce_max3A_1972 = vector.extract %reduce_max3A_1971[0, 0, 0] : f32 from vector<1x1x1xf32>
    %eq3A_1973 = vector.broadcast %reduce_max3A_1972 : f32 to vector<728x1xf32>
    %eq3A_1974 = arith.cmpf oeq, %get3A_1967, %eq3A_1973 : vector<728x1xf32>
    %jit3A_1975 = arith.constant 728 : i32
    %broadcast_in_dim3A_1976 = vector.broadcast %jit3A_1975 : i32 to vector<728x1xi32>
    %select_n3A_1977 = arith.select %eq3A_1974, %iota3A, %broadcast_in_dim3A_1976 : vector<728x1xi1>, vector<728x1xi32>
    %reduce_min3A_1978 = vector.shape_cast %select_n3A_1977 : vector<728x1xi32> to vector<1x728x1xi32>
    %reduce_min3A_1979 = arith.constant dense<2147483647> : vector<1xi32>
    %reduce_min3A_1980 = vector.multi_reduction <minsi>, %reduce_min3A_1978, %reduce_min3A_1979 [1, 2] : vector<1x728x1xi32> to vector<1xi32>
    %reduce_min3A_1981 = vector.shape_cast %reduce_min3A_1980 : vector<1xi32> to vector<1x1x1xi32>
    %reduce_min3A_1982 = vector.extract %reduce_min3A_1981[0, 0, 0] : i32 from vector<1x1x1xi32>
    %jit3A_1983 = arith.constant 8 : i32
    %div3A_1984 = arith.divsi %reduce_min3A_1982, %jit3A_1983 : i32
    %sign3A_1985 = arith.constant 0 : i32
    %sign3A_1986 = arith.cmpi sgt, %reduce_min3A_1982, %sign3A_1985 : i32
    %sign3A_1987 = arith.extui %sign3A_1986 : i1 to i32
    %sign3A_1988 = arith.constant 0 : i32
    %sign3A_1989 = arith.cmpi slt, %reduce_min3A_1982, %sign3A_1988 : i32
    %sign3A_1990 = arith.extui %sign3A_1989 : i1 to i32
    %sign3A_1991 = arith.subi %sign3A_1987, %sign3A_1990 : i32
    %sign3A_1992 = arith.constant 0 : i32
    %sign3A_1993 = arith.cmpi sgt, %jit3A_1983, %sign3A_1992 : i32
    %sign3A_1994 = arith.extui %sign3A_1993 : i1 to i32
    %sign3A_1995 = arith.constant 0 : i32
    %sign3A_1996 = arith.cmpi slt, %jit3A_1983, %sign3A_1995 : i32
    %sign3A_1997 = arith.extui %sign3A_1996 : i1 to i32
    %sign3A_1998 = arith.subi %sign3A_1994, %sign3A_1997 : i32
    %ne3A_1999 = arith.cmpi ne, %sign3A_1991, %sign3A_1998 : i32
    %rem3A_2000 = arith.remsi %reduce_min3A_1982, %jit3A_1983 : i32
    %ne3A_2001 = arith.constant 0 : i32
    %ne3A_2002 = arith.cmpi ne, %rem3A_2000, %ne3A_2001 : i32
    %and3A_2003 = arith.andi %ne3A_1999, %ne3A_2002 : i1
    %sub3A_2004 = arith.constant 1 : i32
    %sub3A_2005 = arith.subi %div3A_1984, %sub3A_2004 : i32
    %select_n3A_2006 = arith.select %and3A_2003, %sub3A_2005, %div3A_1984 : i32
    %mul3A_2007 = arith.constant 8 : i32
    %mul3A_2008 = arith.muli %select_n3A_2006, %mul3A_2007 : i32
    %multiple_of3A_2009 = tpu.assume_multiple %mul3A_2008, 8 : i32
    %sub3A_2010 = arith.subi %reduce_min3A_1982, %multiple_of3A_2009 : i32
    %get3A_2011 = arith.index_cast %multiple_of3A_2009 : i32 to index
    %get3A_2012 = arith.constant 0 : index
    %get3A_2013 = vector.load %arg4[%get3A_2011, %get3A_2012] : memref<728x1440xf32, #tpu.memory_space<vmem>>, vector<8x1440xf32>
    %eq3A_2014 = vector.broadcast %sub3A_2010 : i32 to vector<8x1xi32>
    %eq3A_2015 = arith.cmpi eq, %iota3A_66, %eq3A_2014 : vector<8x1xi32>
    %jit3A_2016 = arith.constant -3.000000e+38 : f32
    %broadcast_in_dim3A_2017 = vector.shape_cast %eq3A_2015 : vector<8x1xi1> to vector<8x1xi1>
    %broadcast_in_dim3A_2018 = vector.broadcast %broadcast_in_dim3A_2017 : vector<8x1xi1> to vector<8x1440xi1>
    %broadcast_in_dim3A_2019 = vector.broadcast %jit3A_2016 : f32 to vector<8x1440xf32>
    %select_n3A_2020 = arith.select %broadcast_in_dim3A_2018, %get3A_2013, %broadcast_in_dim3A_2019 : vector<8x1440xi1>, vector<8x1440xf32>
    %reduce_max3A_2021 = vector.shape_cast %select_n3A_2020 : vector<8x1440xf32> to vector<1x8x1440xf32>
    %reduce_max3A_2022 = arith.constant dense<0xFF800000> : vector<1xf32>
    %reduce_max3A_2023 = vector.multi_reduction <maximumf>, %reduce_max3A_2021, %reduce_max3A_2022 [1, 2] : vector<1x8x1440xf32> to vector<1xf32>
    %reduce_max3A_2024 = vector.shape_cast %reduce_max3A_2023 : vector<1xf32> to vector<1x1x1xf32>
    %reduce_max3A_2025 = vector.extract %reduce_max3A_2024[0, 0, 0] : f32 from vector<1x1x1xf32>
    %eq3A_2026 = vector.broadcast %reduce_max3A_2025 : f32 to vector<8x1440xf32>
    %eq3A_2027 = arith.cmpf oeq, %select_n3A_2020, %eq3A_2026 : vector<8x1440xf32>
    %jit3A_2028 = arith.constant 1440 : i32
    %broadcast_in_dim3A_2029 = vector.broadcast %jit3A_2028 : i32 to vector<8x1440xi32>
    %select_n3A_2030 = arith.select %eq3A_2027, %iota3A_67, %broadcast_in_dim3A_2029 : vector<8x1440xi1>, vector<8x1440xi32>
    %reduce_min3A_2031 = vector.shape_cast %select_n3A_2030 : vector<8x1440xi32> to vector<1x8x1440xi32>
    %reduce_min3A_2032 = arith.constant dense<2147483647> : vector<1xi32>
    %reduce_min3A_2033 = vector.multi_reduction <minsi>, %reduce_min3A_2031, %reduce_min3A_2032 [1, 2] : vector<1x8x1440xi32> to vector<1xi32>
    %reduce_min3A_2034 = vector.shape_cast %reduce_min3A_2033 : vector<1xi32> to vector<1x1x1xi32>
    %reduce_min3A_2035 = vector.extract %reduce_min3A_2034[0, 0, 0] : i32 from vector<1x1x1xi32>
    %eq3A_2036 = vector.broadcast %reduce_min3A_2035 : i32 to vector<8x1440xi32>
    %eq3A_2037 = arith.cmpi eq, %iota3A_67, %eq3A_2036 : vector<8x1440xi32>
    %and3A_2038 = vector.broadcast %eq3A_2015 : vector<8x1xi1> to vector<8x1440xi1>
    %and3A_2039 = arith.andi %and3A_2038, %eq3A_2037 : vector<8x1440xi1>
    %jit3A_2040 = arith.constant -3.000000e+38 : f32
    %broadcast_in_dim3A_2041 = vector.broadcast %jit3A_2040 : f32 to vector<8x1440xf32>
    %select_n3A_2042 = arith.select %and3A_2039, %broadcast_in_dim3A_2041, %get3A_2013 : vector<8x1440xi1>, vector<8x1440xf32>
    %swap3A_2043 = arith.index_cast %multiple_of3A_2009 : i32 to index
    %swap3A_2044 = arith.constant 0 : index
    %swap3A_2045 = vector.load %arg4[%swap3A_2043, %swap3A_2044] : memref<728x1440xf32, #tpu.memory_space<vmem>>, vector<8x1440xf32>
    tpu.vector_store %arg4[%swap3A_2043, %swap3A_2044], %select_n3A_2042 {strides = array<i32>} : memref<728x1440xf32, #tpu.memory_space<vmem>>, vector<8x1440xf32>,
    %reduce_max3A_2046 = arith.constant dense<0xFF800000> : vector<8xf32>
    %reduce_max3A_2047 = vector.multi_reduction <maximumf>, %select_n3A_2042, %reduce_max3A_2046 [1] : vector<8x1440xf32> to vector<8xf32>
    %broadcast_in_dim3A_2048 = vector.shape_cast %reduce_max3A_2047 : vector<8xf32> to vector<8x1xf32>
    %swap3A_2049 = arith.index_cast %multiple_of3A_2009 : i32 to index
    %swap3A_2050 = arith.constant 0 : index
    %swap3A_2051 = vector.load %arg5[%swap3A_2049, %swap3A_2050] : memref<728x1xf32, #tpu.memory_space<vmem>>, vector<8x1xf32>
    tpu.vector_store %arg5[%swap3A_2049, %swap3A_2050], %broadcast_in_dim3A_2048 {strides = array<i32>} : memref<728x1xf32, #tpu.memory_space<vmem>>, vector<8x1xf32>,
    %eq3A_2052 = arith.constant 0 : i32
    %eq3A_2053 = vector.broadcast %eq3A_2052 : i32 to vector<1x8xi32>
    %eq3A_2054 = arith.cmpi eq, %iota3A_68, %eq3A_2053 : vector<1x8xi32>
    %convert_element_type3A_2055 = arith.sitofp %reduce_min3A_1982 : i32 to f32
    %eq3A_2056 = arith.constant 1 : i32
    %eq3A_2057 = vector.broadcast %eq3A_2056 : i32 to vector<1x8xi32>
    %eq3A_2058 = arith.cmpi eq, %iota3A_68, %eq3A_2057 : vector<1x8xi32>
    %convert_element_type3A_2059 = arith.sitofp %reduce_min3A_2035 : i32 to f32
    %eq3A_2060 = arith.constant 2 : i32
    %eq3A_2061 = vector.broadcast %eq3A_2060 : i32 to vector<1x8xi32>
    %eq3A_2062 = arith.cmpi eq, %iota3A_68, %eq3A_2061 : vector<1x8xi32>
    %jit3A_2063 = arith.constant 0.000000e+00 : f32
    %broadcast_in_dim3A_2064 = vector.broadcast %reduce_max3A_1972 : f32 to vector<1x8xf32>
    %broadcast_in_dim3A_2065 = vector.broadcast %jit3A_2063 : f32 to vector<1x8xf32>
    %select_n3A_2066 = arith.select %eq3A_2062, %broadcast_in_dim3A_2064, %broadcast_in_dim3A_2065 : vector<1x8xi1>, vector<1x8xf32>
    %broadcast_in_dim3A_2067 = vector.broadcast %convert_element_type3A_2059 : f32 to vector<1x8xf32>
    %select_n3A_2068 = arith.select %eq3A_2058, %broadcast_in_dim3A_2067, %select_n3A_2066 : vector<1x8xi1>, vector<1x8xf32>
    %broadcast_in_dim3A_2069 = vector.broadcast %convert_element_type3A_2055 : f32 to vector<1x8xf32>
    %select_n3A_2070 = arith.select %eq3A_2054, %broadcast_in_dim3A_2069, %select_n3A_2068 : vector<1x8xi1>, vector<1x8xf32>
    %swap3A_2071 = arith.constant 0 : index
    %swap3A_2072 = arith.constant 17 : index
    %swap3A_2073 = arith.constant 0 : index
    %swap3A_2074 = vector.load %arg3[%swap3A_2071, %swap3A_2072, %swap3A_2073] : memref<1x64x8xf32, #tpu.memory_space<vmem>>, vector<1x1x8xf32>
    %swap3A_2075 = vector.shape_cast %swap3A_2074 : vector<1x1x8xf32> to vector<1x8xf32>
    %swap3A_2076 = vector.shape_cast %select_n3A_2070 : vector<1x8xf32> to vector<1x1x8xf32>
    tpu.vector_store %arg3[%swap3A_2071, %swap3A_2072, %swap3A_2073], %swap3A_2076 {strides = array<i32>} : memref<1x64x8xf32, #tpu.memory_space<vmem>>, vector<1x1x8xf32>,
    %get3A_2077 = arith.constant 0 : index
    %get3A_2078 = arith.constant 0 : index
    %get3A_2079 = vector.load %arg5[%get3A_2077, %get3A_2078] : memref<728x1xf32, #tpu.memory_space<vmem>>, vector<728x1xf32>
    %reduce_max3A_2080 = vector.shape_cast %get3A_2079 : vector<728x1xf32> to vector<1x728x1xf32>
    %reduce_max3A_2081 = arith.constant dense<0xFF800000> : vector<1xf32>
    %reduce_max3A_2082 = vector.multi_reduction <maximumf>, %reduce_max3A_2080, %reduce_max3A_2081 [1, 2] : vector<1x728x1xf32> to vector<1xf32>
    %reduce_max3A_2083 = vector.shape_cast %reduce_max3A_2082 : vector<1xf32> to vector<1x1x1xf32>
    %reduce_max3A_2084 = vector.extract %reduce_max3A_2083[0, 0, 0] : f32 from vector<1x1x1xf32>
    %eq3A_2085 = vector.broadcast %reduce_max3A_2084 : f32 to vector<728x1xf32>
    %eq3A_2086 = arith.cmpf oeq, %get3A_2079, %eq3A_2085 : vector<728x1xf32>
    %jit3A_2087 = arith.constant 728 : i32
    %broadcast_in_dim3A_2088 = vector.broadcast %jit3A_2087 : i32 to vector<728x1xi32>
    %select_n3A_2089 = arith.select %eq3A_2086, %iota3A, %broadcast_in_dim3A_2088 : vector<728x1xi1>, vector<728x1xi32>
    %reduce_min3A_2090 = vector.shape_cast %select_n3A_2089 : vector<728x1xi32> to vector<1x728x1xi32>
    %reduce_min3A_2091 = arith.constant dense<2147483647> : vector<1xi32>
    %reduce_min3A_2092 = vector.multi_reduction <minsi>, %reduce_min3A_2090, %reduce_min3A_2091 [1, 2] : vector<1x728x1xi32> to vector<1xi32>
    %reduce_min3A_2093 = vector.shape_cast %reduce_min3A_2092 : vector<1xi32> to vector<1x1x1xi32>
    %reduce_min3A_2094 = vector.extract %reduce_min3A_2093[0, 0, 0] : i32 from vector<1x1x1xi32>
    %jit3A_2095 = arith.constant 8 : i32
    %div3A_2096 = arith.divsi %reduce_min3A_2094, %jit3A_2095 : i32
    %sign3A_2097 = arith.constant 0 : i32
    %sign3A_2098 = arith.cmpi sgt, %reduce_min3A_2094, %sign3A_2097 : i32
    %sign3A_2099 = arith.extui %sign3A_2098 : i1 to i32
    %sign3A_2100 = arith.constant 0 : i32
    %sign3A_2101 = arith.cmpi slt, %reduce_min3A_2094, %sign3A_2100 : i32
    %sign3A_2102 = arith.extui %sign3A_2101 : i1 to i32
    %sign3A_2103 = arith.subi %sign3A_2099, %sign3A_2102 : i32
    %sign3A_2104 = arith.constant 0 : i32
    %sign3A_2105 = arith.cmpi sgt, %jit3A_2095, %sign3A_2104 : i32
    %sign3A_2106 = arith.extui %sign3A_2105 : i1 to i32
    %sign3A_2107 = arith.constant 0 : i32
    %sign3A_2108 = arith.cmpi slt, %jit3A_2095, %sign3A_2107 : i32
    %sign3A_2109 = arith.extui %sign3A_2108 : i1 to i32
    %sign3A_2110 = arith.subi %sign3A_2106, %sign3A_2109 : i32
    %ne3A_2111 = arith.cmpi ne, %sign3A_2103, %sign3A_2110 : i32
    %rem3A_2112 = arith.remsi %reduce_min3A_2094, %jit3A_2095 : i32
    %ne3A_2113 = arith.constant 0 : i32
    %ne3A_2114 = arith.cmpi ne, %rem3A_2112, %ne3A_2113 : i32
    %and3A_2115 = arith.andi %ne3A_2111, %ne3A_2114 : i1
    %sub3A_2116 = arith.constant 1 : i32
    %sub3A_2117 = arith.subi %div3A_2096, %sub3A_2116 : i32
    %select_n3A_2118 = arith.select %and3A_2115, %sub3A_2117, %div3A_2096 : i32
    %mul3A_2119 = arith.constant 8 : i32
    %mul3A_2120 = arith.muli %select_n3A_2118, %mul3A_2119 : i32
    %multiple_of3A_2121 = tpu.assume_multiple %mul3A_2120, 8 : i32
    %sub3A_2122 = arith.subi %reduce_min3A_2094, %multiple_of3A_2121 : i32
    %get3A_2123 = arith.index_cast %multiple_of3A_2121 : i32 to index
    %get3A_2124 = arith.constant 0 : index
    %get3A_2125 = vector.load %arg4[%get3A_2123, %get3A_2124] : memref<728x1440xf32, #tpu.memory_space<vmem>>, vector<8x1440xf32>
    %eq3A_2126 = vector.broadcast %sub3A_2122 : i32 to vector<8x1xi32>
    %eq3A_2127 = arith.cmpi eq, %iota3A_66, %eq3A_2126 : vector<8x1xi32>
    %jit3A_2128 = arith.constant -3.000000e+38 : f32
    %broadcast_in_dim3A_2129 = vector.shape_cast %eq3A_2127 : vector<8x1xi1> to vector<8x1xi1>
    %broadcast_in_dim3A_2130 = vector.broadcast %broadcast_in_dim3A_2129 : vector<8x1xi1> to vector<8x1440xi1>
    %broadcast_in_dim3A_2131 = vector.broadcast %jit3A_2128 : f32 to vector<8x1440xf32>
    %select_n3A_2132 = arith.select %broadcast_in_dim3A_2130, %get3A_2125, %broadcast_in_dim3A_2131 : vector<8x1440xi1>, vector<8x1440xf32>
    %reduce_max3A_2133 = vector.shape_cast %select_n3A_2132 : vector<8x1440xf32> to vector<1x8x1440xf32>
    %reduce_max3A_2134 = arith.constant dense<0xFF800000> : vector<1xf32>
    %reduce_max3A_2135 = vector.multi_reduction <maximumf>, %reduce_max3A_2133, %reduce_max3A_2134 [1, 2] : vector<1x8x1440xf32> to vector<1xf32>
    %reduce_max3A_2136 = vector.shape_cast %reduce_max3A_2135 : vector<1xf32> to vector<1x1x1xf32>
    %reduce_max3A_2137 = vector.extract %reduce_max3A_2136[0, 0, 0] : f32 from vector<1x1x1xf32>
    %eq3A_2138 = vector.broadcast %reduce_max3A_2137 : f32 to vector<8x1440xf32>
    %eq3A_2139 = arith.cmpf oeq, %select_n3A_2132, %eq3A_2138 : vector<8x1440xf32>
    %jit3A_2140 = arith.constant 1440 : i32
    %broadcast_in_dim3A_2141 = vector.broadcast %jit3A_2140 : i32 to vector<8x1440xi32>
    %select_n3A_2142 = arith.select %eq3A_2139, %iota3A_67, %broadcast_in_dim3A_2141 : vector<8x1440xi1>, vector<8x1440xi32>
    %reduce_min3A_2143 = vector.shape_cast %select_n3A_2142 : vector<8x1440xi32> to vector<1x8x1440xi32>
    %reduce_min3A_2144 = arith.constant dense<2147483647> : vector<1xi32>
    %reduce_min3A_2145 = vector.multi_reduction <minsi>, %reduce_min3A_2143, %reduce_min3A_2144 [1, 2] : vector<1x8x1440xi32> to vector<1xi32>
    %reduce_min3A_2146 = vector.shape_cast %reduce_min3A_2145 : vector<1xi32> to vector<1x1x1xi32>
    %reduce_min3A_2147 = vector.extract %reduce_min3A_2146[0, 0, 0] : i32 from vector<1x1x1xi32>
    %eq3A_2148 = vector.broadcast %reduce_min3A_2147 : i32 to vector<8x1440xi32>
    %eq3A_2149 = arith.cmpi eq, %iota3A_67, %eq3A_2148 : vector<8x1440xi32>
    %and3A_2150 = vector.broadcast %eq3A_2127 : vector<8x1xi1> to vector<8x1440xi1>
    %and3A_2151 = arith.andi %and3A_2150, %eq3A_2149 : vector<8x1440xi1>
    %jit3A_2152 = arith.constant -3.000000e+38 : f32
    %broadcast_in_dim3A_2153 = vector.broadcast %jit3A_2152 : f32 to vector<8x1440xf32>
    %select_n3A_2154 = arith.select %and3A_2151, %broadcast_in_dim3A_2153, %get3A_2125 : vector<8x1440xi1>, vector<8x1440xf32>
    %swap3A_2155 = arith.index_cast %multiple_of3A_2121 : i32 to index
    %swap3A_2156 = arith.constant 0 : index
    %swap3A_2157 = vector.load %arg4[%swap3A_2155, %swap3A_2156] : memref<728x1440xf32, #tpu.memory_space<vmem>>, vector<8x1440xf32>
    tpu.vector_store %arg4[%swap3A_2155, %swap3A_2156], %select_n3A_2154 {strides = array<i32>} : memref<728x1440xf32, #tpu.memory_space<vmem>>, vector<8x1440xf32>,
    %reduce_max3A_2158 = arith.constant dense<0xFF800000> : vector<8xf32>
    %reduce_max3A_2159 = vector.multi_reduction <maximumf>, %select_n3A_2154, %reduce_max3A_2158 [1] : vector<8x1440xf32> to vector<8xf32>
    %broadcast_in_dim3A_2160 = vector.shape_cast %reduce_max3A_2159 : vector<8xf32> to vector<8x1xf32>
    %swap3A_2161 = arith.index_cast %multiple_of3A_2121 : i32 to index
    %swap3A_2162 = arith.constant 0 : index
    %swap3A_2163 = vector.load %arg5[%swap3A_2161, %swap3A_2162] : memref<728x1xf32, #tpu.memory_space<vmem>>, vector<8x1xf32>
    tpu.vector_store %arg5[%swap3A_2161, %swap3A_2162], %broadcast_in_dim3A_2160 {strides = array<i32>} : memref<728x1xf32, #tpu.memory_space<vmem>>, vector<8x1xf32>,
    %eq3A_2164 = arith.constant 0 : i32
    %eq3A_2165 = vector.broadcast %eq3A_2164 : i32 to vector<1x8xi32>
    %eq3A_2166 = arith.cmpi eq, %iota3A_68, %eq3A_2165 : vector<1x8xi32>
    %convert_element_type3A_2167 = arith.sitofp %reduce_min3A_2094 : i32 to f32
    %eq3A_2168 = arith.constant 1 : i32
    %eq3A_2169 = vector.broadcast %eq3A_2168 : i32 to vector<1x8xi32>
    %eq3A_2170 = arith.cmpi eq, %iota3A_68, %eq3A_2169 : vector<1x8xi32>
    %convert_element_type3A_2171 = arith.sitofp %reduce_min3A_2147 : i32 to f32
    %eq3A_2172 = arith.constant 2 : i32
    %eq3A_2173 = vector.broadcast %eq3A_2172 : i32 to vector<1x8xi32>
    %eq3A_2174 = arith.cmpi eq, %iota3A_68, %eq3A_2173 : vector<1x8xi32>
    %jit3A_2175 = arith.constant 0.000000e+00 : f32
    %broadcast_in_dim3A_2176 = vector.broadcast %reduce_max3A_2084 : f32 to vector<1x8xf32>
    %broadcast_in_dim3A_2177 = vector.broadcast %jit3A_2175 : f32 to vector<1x8xf32>
    %select_n3A_2178 = arith.select %eq3A_2174, %broadcast_in_dim3A_2176, %broadcast_in_dim3A_2177 : vector<1x8xi1>, vector<1x8xf32>
    %broadcast_in_dim3A_2179 = vector.broadcast %convert_element_type3A_2171 : f32 to vector<1x8xf32>
    %select_n3A_2180 = arith.select %eq3A_2170, %broadcast_in_dim3A_2179, %select_n3A_2178 : vector<1x8xi1>, vector<1x8xf32>
    %broadcast_in_dim3A_2181 = vector.broadcast %convert_element_type3A_2167 : f32 to vector<1x8xf32>
    %select_n3A_2182 = arith.select %eq3A_2166, %broadcast_in_dim3A_2181, %select_n3A_2180 : vector<1x8xi1>, vector<1x8xf32>
    %swap3A_2183 = arith.constant 0 : index
    %swap3A_2184 = arith.constant 18 : index
    %swap3A_2185 = arith.constant 0 : index
    %swap3A_2186 = vector.load %arg3[%swap3A_2183, %swap3A_2184, %swap3A_2185] : memref<1x64x8xf32, #tpu.memory_space<vmem>>, vector<1x1x8xf32>
    %swap3A_2187 = vector.shape_cast %swap3A_2186 : vector<1x1x8xf32> to vector<1x8xf32>
    %swap3A_2188 = vector.shape_cast %select_n3A_2182 : vector<1x8xf32> to vector<1x1x8xf32>
    tpu.vector_store %arg3[%swap3A_2183, %swap3A_2184, %swap3A_2185], %swap3A_2188 {strides = array<i32>} : memref<1x64x8xf32, #tpu.memory_space<vmem>>, vector<1x1x8xf32>,
    %get3A_2189 = arith.constant 0 : index
    %get3A_2190 = arith.constant 0 : index
    %get3A_2191 = vector.load %arg5[%get3A_2189, %get3A_2190] : memref<728x1xf32, #tpu.memory_space<vmem>>, vector<728x1xf32>
    %reduce_max3A_2192 = vector.shape_cast %get3A_2191 : vector<728x1xf32> to vector<1x728x1xf32>
    %reduce_max3A_2193 = arith.constant dense<0xFF800000> : vector<1xf32>
    %reduce_max3A_2194 = vector.multi_reduction <maximumf>, %reduce_max3A_2192, %reduce_max3A_2193 [1, 2] : vector<1x728x1xf32> to vector<1xf32>
    %reduce_max3A_2195 = vector.shape_cast %reduce_max3A_2194 : vector<1xf32> to vector<1x1x1xf32>
    %reduce_max3A_2196 = vector.extract %reduce_max3A_2195[0, 0, 0] : f32 from vector<1x1x1xf32>
    %eq3A_2197 = vector.broadcast %reduce_max3A_2196 : f32 to vector<728x1xf32>
    %eq3A_2198 = arith.cmpf oeq, %get3A_2191, %eq3A_2197 : vector<728x1xf32>
    %jit3A_2199 = arith.constant 728 : i32
    %broadcast_in_dim3A_2200 = vector.broadcast %jit3A_2199 : i32 to vector<728x1xi32>
    %select_n3A_2201 = arith.select %eq3A_2198, %iota3A, %broadcast_in_dim3A_2200 : vector<728x1xi1>, vector<728x1xi32>
    %reduce_min3A_2202 = vector.shape_cast %select_n3A_2201 : vector<728x1xi32> to vector<1x728x1xi32>
    %reduce_min3A_2203 = arith.constant dense<2147483647> : vector<1xi32>
    %reduce_min3A_2204 = vector.multi_reduction <minsi>, %reduce_min3A_2202, %reduce_min3A_2203 [1, 2] : vector<1x728x1xi32> to vector<1xi32>
    %reduce_min3A_2205 = vector.shape_cast %reduce_min3A_2204 : vector<1xi32> to vector<1x1x1xi32>
    %reduce_min3A_2206 = vector.extract %reduce_min3A_2205[0, 0, 0] : i32 from vector<1x1x1xi32>
    %jit3A_2207 = arith.constant 8 : i32
    %div3A_2208 = arith.divsi %reduce_min3A_2206, %jit3A_2207 : i32
    %sign3A_2209 = arith.constant 0 : i32
    %sign3A_2210 = arith.cmpi sgt, %reduce_min3A_2206, %sign3A_2209 : i32
    %sign3A_2211 = arith.extui %sign3A_2210 : i1 to i32
    %sign3A_2212 = arith.constant 0 : i32
    %sign3A_2213 = arith.cmpi slt, %reduce_min3A_2206, %sign3A_2212 : i32
    %sign3A_2214 = arith.extui %sign3A_2213 : i1 to i32
    %sign3A_2215 = arith.subi %sign3A_2211, %sign3A_2214 : i32
    %sign3A_2216 = arith.constant 0 : i32
    %sign3A_2217 = arith.cmpi sgt, %jit3A_2207, %sign3A_2216 : i32
    %sign3A_2218 = arith.extui %sign3A_2217 : i1 to i32
    %sign3A_2219 = arith.constant 0 : i32
    %sign3A_2220 = arith.cmpi slt, %jit3A_2207, %sign3A_2219 : i32
    %sign3A_2221 = arith.extui %sign3A_2220 : i1 to i32
    %sign3A_2222 = arith.subi %sign3A_2218, %sign3A_2221 : i32
    %ne3A_2223 = arith.cmpi ne, %sign3A_2215, %sign3A_2222 : i32
    %rem3A_2224 = arith.remsi %reduce_min3A_2206, %jit3A_2207 : i32
    %ne3A_2225 = arith.constant 0 : i32
    %ne3A_2226 = arith.cmpi ne, %rem3A_2224, %ne3A_2225 : i32
    %and3A_2227 = arith.andi %ne3A_2223, %ne3A_2226 : i1
    %sub3A_2228 = arith.constant 1 : i32
    %sub3A_2229 = arith.subi %div3A_2208, %sub3A_2228 : i32
    %select_n3A_2230 = arith.select %and3A_2227, %sub3A_2229, %div3A_2208 : i32
    %mul3A_2231 = arith.constant 8 : i32
    %mul3A_2232 = arith.muli %select_n3A_2230, %mul3A_2231 : i32
    %multiple_of3A_2233 = tpu.assume_multiple %mul3A_2232, 8 : i32
    %sub3A_2234 = arith.subi %reduce_min3A_2206, %multiple_of3A_2233 : i32
    %get3A_2235 = arith.index_cast %multiple_of3A_2233 : i32 to index
    %get3A_2236 = arith.constant 0 : index
    %get3A_2237 = vector.load %arg4[%get3A_2235, %get3A_2236] : memref<728x1440xf32, #tpu.memory_space<vmem>>, vector<8x1440xf32>
    %eq3A_2238 = vector.broadcast %sub3A_2234 : i32 to vector<8x1xi32>
    %eq3A_2239 = arith.cmpi eq, %iota3A_66, %eq3A_2238 : vector<8x1xi32>
    %jit3A_2240 = arith.constant -3.000000e+38 : f32
    %broadcast_in_dim3A_2241 = vector.shape_cast %eq3A_2239 : vector<8x1xi1> to vector<8x1xi1>
    %broadcast_in_dim3A_2242 = vector.broadcast %broadcast_in_dim3A_2241 : vector<8x1xi1> to vector<8x1440xi1>
    %broadcast_in_dim3A_2243 = vector.broadcast %jit3A_2240 : f32 to vector<8x1440xf32>
    %select_n3A_2244 = arith.select %broadcast_in_dim3A_2242, %get3A_2237, %broadcast_in_dim3A_2243 : vector<8x1440xi1>, vector<8x1440xf32>
    %reduce_max3A_2245 = vector.shape_cast %select_n3A_2244 : vector<8x1440xf32> to vector<1x8x1440xf32>
    %reduce_max3A_2246 = arith.constant dense<0xFF800000> : vector<1xf32>
    %reduce_max3A_2247 = vector.multi_reduction <maximumf>, %reduce_max3A_2245, %reduce_max3A_2246 [1, 2] : vector<1x8x1440xf32> to vector<1xf32>
    %reduce_max3A_2248 = vector.shape_cast %reduce_max3A_2247 : vector<1xf32> to vector<1x1x1xf32>
    %reduce_max3A_2249 = vector.extract %reduce_max3A_2248[0, 0, 0] : f32 from vector<1x1x1xf32>
    %eq3A_2250 = vector.broadcast %reduce_max3A_2249 : f32 to vector<8x1440xf32>
    %eq3A_2251 = arith.cmpf oeq, %select_n3A_2244, %eq3A_2250 : vector<8x1440xf32>
    %jit3A_2252 = arith.constant 1440 : i32
    %broadcast_in_dim3A_2253 = vector.broadcast %jit3A_2252 : i32 to vector<8x1440xi32>
    %select_n3A_2254 = arith.select %eq3A_2251, %iota3A_67, %broadcast_in_dim3A_2253 : vector<8x1440xi1>, vector<8x1440xi32>
    %reduce_min3A_2255 = vector.shape_cast %select_n3A_2254 : vector<8x1440xi32> to vector<1x8x1440xi32>
    %reduce_min3A_2256 = arith.constant dense<2147483647> : vector<1xi32>
    %reduce_min3A_2257 = vector.multi_reduction <minsi>, %reduce_min3A_2255, %reduce_min3A_2256 [1, 2] : vector<1x8x1440xi32> to vector<1xi32>
    %reduce_min3A_2258 = vector.shape_cast %reduce_min3A_2257 : vector<1xi32> to vector<1x1x1xi32>
    %reduce_min3A_2259 = vector.extract %reduce_min3A_2258[0, 0, 0] : i32 from vector<1x1x1xi32>
    %eq3A_2260 = vector.broadcast %reduce_min3A_2259 : i32 to vector<8x1440xi32>
    %eq3A_2261 = arith.cmpi eq, %iota3A_67, %eq3A_2260 : vector<8x1440xi32>
    %and3A_2262 = vector.broadcast %eq3A_2239 : vector<8x1xi1> to vector<8x1440xi1>
    %and3A_2263 = arith.andi %and3A_2262, %eq3A_2261 : vector<8x1440xi1>
    %jit3A_2264 = arith.constant -3.000000e+38 : f32
    %broadcast_in_dim3A_2265 = vector.broadcast %jit3A_2264 : f32 to vector<8x1440xf32>
    %select_n3A_2266 = arith.select %and3A_2263, %broadcast_in_dim3A_2265, %get3A_2237 : vector<8x1440xi1>, vector<8x1440xf32>
    %swap3A_2267 = arith.index_cast %multiple_of3A_2233 : i32 to index
    %swap3A_2268 = arith.constant 0 : index
    %swap3A_2269 = vector.load %arg4[%swap3A_2267, %swap3A_2268] : memref<728x1440xf32, #tpu.memory_space<vmem>>, vector<8x1440xf32>
    tpu.vector_store %arg4[%swap3A_2267, %swap3A_2268], %select_n3A_2266 {strides = array<i32>} : memref<728x1440xf32, #tpu.memory_space<vmem>>, vector<8x1440xf32>,
    %reduce_max3A_2270 = arith.constant dense<0xFF800000> : vector<8xf32>
    %reduce_max3A_2271 = vector.multi_reduction <maximumf>, %select_n3A_2266, %reduce_max3A_2270 [1] : vector<8x1440xf32> to vector<8xf32>
    %broadcast_in_dim3A_2272 = vector.shape_cast %reduce_max3A_2271 : vector<8xf32> to vector<8x1xf32>
    %swap3A_2273 = arith.index_cast %multiple_of3A_2233 : i32 to index
    %swap3A_2274 = arith.constant 0 : index
    %swap3A_2275 = vector.load %arg5[%swap3A_2273, %swap3A_2274] : memref<728x1xf32, #tpu.memory_space<vmem>>, vector<8x1xf32>
    tpu.vector_store %arg5[%swap3A_2273, %swap3A_2274], %broadcast_in_dim3A_2272 {strides = array<i32>} : memref<728x1xf32, #tpu.memory_space<vmem>>, vector<8x1xf32>,
    %eq3A_2276 = arith.constant 0 : i32
    %eq3A_2277 = vector.broadcast %eq3A_2276 : i32 to vector<1x8xi32>
    %eq3A_2278 = arith.cmpi eq, %iota3A_68, %eq3A_2277 : vector<1x8xi32>
    %convert_element_type3A_2279 = arith.sitofp %reduce_min3A_2206 : i32 to f32
    %eq3A_2280 = arith.constant 1 : i32
    %eq3A_2281 = vector.broadcast %eq3A_2280 : i32 to vector<1x8xi32>
    %eq3A_2282 = arith.cmpi eq, %iota3A_68, %eq3A_2281 : vector<1x8xi32>
    %convert_element_type3A_2283 = arith.sitofp %reduce_min3A_2259 : i32 to f32
    %eq3A_2284 = arith.constant 2 : i32
    %eq3A_2285 = vector.broadcast %eq3A_2284 : i32 to vector<1x8xi32>
    %eq3A_2286 = arith.cmpi eq, %iota3A_68, %eq3A_2285 : vector<1x8xi32>
    %jit3A_2287 = arith.constant 0.000000e+00 : f32
    %broadcast_in_dim3A_2288 = vector.broadcast %reduce_max3A_2196 : f32 to vector<1x8xf32>
    %broadcast_in_dim3A_2289 = vector.broadcast %jit3A_2287 : f32 to vector<1x8xf32>
    %select_n3A_2290 = arith.select %eq3A_2286, %broadcast_in_dim3A_2288, %broadcast_in_dim3A_2289 : vector<1x8xi1>, vector<1x8xf32>
    %broadcast_in_dim3A_2291 = vector.broadcast %convert_element_type3A_2283 : f32 to vector<1x8xf32>
    %select_n3A_2292 = arith.select %eq3A_2282, %broadcast_in_dim3A_2291, %select_n3A_2290 : vector<1x8xi1>, vector<1x8xf32>
    %broadcast_in_dim3A_2293 = vector.broadcast %convert_element_type3A_2279 : f32 to vector<1x8xf32>
    %select_n3A_2294 = arith.select %eq3A_2278, %broadcast_in_dim3A_2293, %select_n3A_2292 : vector<1x8xi1>, vector<1x8xf32>
    %swap3A_2295 = arith.constant 0 : index
    %swap3A_2296 = arith.constant 19 : index
    %swap3A_2297 = arith.constant 0 : index
    %swap3A_2298 = vector.load %arg3[%swap3A_2295, %swap3A_2296, %swap3A_2297] : memref<1x64x8xf32, #tpu.memory_space<vmem>>, vector<1x1x8xf32>
    %swap3A_2299 = vector.shape_cast %swap3A_2298 : vector<1x1x8xf32> to vector<1x8xf32>
    %swap3A_2300 = vector.shape_cast %select_n3A_2294 : vector<1x8xf32> to vector<1x1x8xf32>
    tpu.vector_store %arg3[%swap3A_2295, %swap3A_2296, %swap3A_2297], %swap3A_2300 {strides = array<i32>} : memref<1x64x8xf32, #tpu.memory_space<vmem>>, vector<1x1x8xf32>,
    %get3A_2301 = arith.constant 0 : index
    %get3A_2302 = arith.constant 0 : index
    %get3A_2303 = vector.load %arg5[%get3A_2301, %get3A_2302] : memref<728x1xf32, #tpu.memory_space<vmem>>, vector<728x1xf32>
    %reduce_max3A_2304 = vector.shape_cast %get3A_2303 : vector<728x1xf32> to vector<1x728x1xf32>
    %reduce_max3A_2305 = arith.constant dense<0xFF800000> : vector<1xf32>
    %reduce_max3A_2306 = vector.multi_reduction <maximumf>, %reduce_max3A_2304, %reduce_max3A_2305 [1, 2] : vector<1x728x1xf32> to vector<1xf32>
    %reduce_max3A_2307 = vector.shape_cast %reduce_max3A_2306 : vector<1xf32> to vector<1x1x1xf32>
    %reduce_max3A_2308 = vector.extract %reduce_max3A_2307[0, 0, 0] : f32 from vector<1x1x1xf32>
    %eq3A_2309 = vector.broadcast %reduce_max3A_2308 : f32 to vector<728x1xf32>
    %eq3A_2310 = arith.cmpf oeq, %get3A_2303, %eq3A_2309 : vector<728x1xf32>
    %jit3A_2311 = arith.constant 728 : i32
    %broadcast_in_dim3A_2312 = vector.broadcast %jit3A_2311 : i32 to vector<728x1xi32>
    %select_n3A_2313 = arith.select %eq3A_2310, %iota3A, %broadcast_in_dim3A_2312 : vector<728x1xi1>, vector<728x1xi32>
    %reduce_min3A_2314 = vector.shape_cast %select_n3A_2313 : vector<728x1xi32> to vector<1x728x1xi32>
    %reduce_min3A_2315 = arith.constant dense<2147483647> : vector<1xi32>
    %reduce_min3A_2316 = vector.multi_reduction <minsi>, %reduce_min3A_2314, %reduce_min3A_2315 [1, 2] : vector<1x728x1xi32> to vector<1xi32>
    %reduce_min3A_2317 = vector.shape_cast %reduce_min3A_2316 : vector<1xi32> to vector<1x1x1xi32>
    %reduce_min3A_2318 = vector.extract %reduce_min3A_2317[0, 0, 0] : i32 from vector<1x1x1xi32>
    %jit3A_2319 = arith.constant 8 : i32
    %div3A_2320 = arith.divsi %reduce_min3A_2318, %jit3A_2319 : i32
    %sign3A_2321 = arith.constant 0 : i32
    %sign3A_2322 = arith.cmpi sgt, %reduce_min3A_2318, %sign3A_2321 : i32
    %sign3A_2323 = arith.extui %sign3A_2322 : i1 to i32
    %sign3A_2324 = arith.constant 0 : i32
    %sign3A_2325 = arith.cmpi slt, %reduce_min3A_2318, %sign3A_2324 : i32
    %sign3A_2326 = arith.extui %sign3A_2325 : i1 to i32
    %sign3A_2327 = arith.subi %sign3A_2323, %sign3A_2326 : i32
    %sign3A_2328 = arith.constant 0 : i32
    %sign3A_2329 = arith.cmpi sgt, %jit3A_2319, %sign3A_2328 : i32
    %sign3A_2330 = arith.extui %sign3A_2329 : i1 to i32
    %sign3A_2331 = arith.constant 0 : i32
    %sign3A_2332 = arith.cmpi slt, %jit3A_2319, %sign3A_2331 : i32
    %sign3A_2333 = arith.extui %sign3A_2332 : i1 to i32
    %sign3A_2334 = arith.subi %sign3A_2330, %sign3A_2333 : i32
    %ne3A_2335 = arith.cmpi ne, %sign3A_2327, %sign3A_2334 : i32
    %rem3A_2336 = arith.remsi %reduce_min3A_2318, %jit3A_2319 : i32
    %ne3A_2337 = arith.constant 0 : i32
    %ne3A_2338 = arith.cmpi ne, %rem3A_2336, %ne3A_2337 : i32
    %and3A_2339 = arith.andi %ne3A_2335, %ne3A_2338 : i1
    %sub3A_2340 = arith.constant 1 : i32
    %sub3A_2341 = arith.subi %div3A_2320, %sub3A_2340 : i32
    %select_n3A_2342 = arith.select %and3A_2339, %sub3A_2341, %div3A_2320 : i32
    %mul3A_2343 = arith.constant 8 : i32
    %mul3A_2344 = arith.muli %select_n3A_2342, %mul3A_2343 : i32
    %multiple_of3A_2345 = tpu.assume_multiple %mul3A_2344, 8 : i32
    %sub3A_2346 = arith.subi %reduce_min3A_2318, %multiple_of3A_2345 : i32
    %get3A_2347 = arith.index_cast %multiple_of3A_2345 : i32 to index
    %get3A_2348 = arith.constant 0 : index
    %get3A_2349 = vector.load %arg4[%get3A_2347, %get3A_2348] : memref<728x1440xf32, #tpu.memory_space<vmem>>, vector<8x1440xf32>
    %eq3A_2350 = vector.broadcast %sub3A_2346 : i32 to vector<8x1xi32>
    %eq3A_2351 = arith.cmpi eq, %iota3A_66, %eq3A_2350 : vector<8x1xi32>
    %jit3A_2352 = arith.constant -3.000000e+38 : f32
    %broadcast_in_dim3A_2353 = vector.shape_cast %eq3A_2351 : vector<8x1xi1> to vector<8x1xi1>
    %broadcast_in_dim3A_2354 = vector.broadcast %broadcast_in_dim3A_2353 : vector<8x1xi1> to vector<8x1440xi1>
    %broadcast_in_dim3A_2355 = vector.broadcast %jit3A_2352 : f32 to vector<8x1440xf32>
    %select_n3A_2356 = arith.select %broadcast_in_dim3A_2354, %get3A_2349, %broadcast_in_dim3A_2355 : vector<8x1440xi1>, vector<8x1440xf32>
    %reduce_max3A_2357 = vector.shape_cast %select_n3A_2356 : vector<8x1440xf32> to vector<1x8x1440xf32>
    %reduce_max3A_2358 = arith.constant dense<0xFF800000> : vector<1xf32>
    %reduce_max3A_2359 = vector.multi_reduction <maximumf>, %reduce_max3A_2357, %reduce_max3A_2358 [1, 2] : vector<1x8x1440xf32> to vector<1xf32>
    %reduce_max3A_2360 = vector.shape_cast %reduce_max3A_2359 : vector<1xf32> to vector<1x1x1xf32>
    %reduce_max3A_2361 = vector.extract %reduce_max3A_2360[0, 0, 0] : f32 from vector<1x1x1xf32>
    %eq3A_2362 = vector.broadcast %reduce_max3A_2361 : f32 to vector<8x1440xf32>
    %eq3A_2363 = arith.cmpf oeq, %select_n3A_2356, %eq3A_2362 : vector<8x1440xf32>
    %jit3A_2364 = arith.constant 1440 : i32
    %broadcast_in_dim3A_2365 = vector.broadcast %jit3A_2364 : i32 to vector<8x1440xi32>
    %select_n3A_2366 = arith.select %eq3A_2363, %iota3A_67, %broadcast_in_dim3A_2365 : vector<8x1440xi1>, vector<8x1440xi32>
    %reduce_min3A_2367 = vector.shape_cast %select_n3A_2366 : vector<8x1440xi32> to vector<1x8x1440xi32>
    %reduce_min3A_2368 = arith.constant dense<2147483647> : vector<1xi32>
    %reduce_min3A_2369 = vector.multi_reduction <minsi>, %reduce_min3A_2367, %reduce_min3A_2368 [1, 2] : vector<1x8x1440xi32> to vector<1xi32>
    %reduce_min3A_2370 = vector.shape_cast %reduce_min3A_2369 : vector<1xi32> to vector<1x1x1xi32>
    %reduce_min3A_2371 = vector.extract %reduce_min3A_2370[0, 0, 0] : i32 from vector<1x1x1xi32>
    %eq3A_2372 = vector.broadcast %reduce_min3A_2371 : i32 to vector<8x1440xi32>
    %eq3A_2373 = arith.cmpi eq, %iota3A_67, %eq3A_2372 : vector<8x1440xi32>
    %and3A_2374 = vector.broadcast %eq3A_2351 : vector<8x1xi1> to vector<8x1440xi1>
    %and3A_2375 = arith.andi %and3A_2374, %eq3A_2373 : vector<8x1440xi1>
    %jit3A_2376 = arith.constant -3.000000e+38 : f32
    %broadcast_in_dim3A_2377 = vector.broadcast %jit3A_2376 : f32 to vector<8x1440xf32>
    %select_n3A_2378 = arith.select %and3A_2375, %broadcast_in_dim3A_2377, %get3A_2349 : vector<8x1440xi1>, vector<8x1440xf32>
    %swap3A_2379 = arith.index_cast %multiple_of3A_2345 : i32 to index
    %swap3A_2380 = arith.constant 0 : index
    %swap3A_2381 = vector.load %arg4[%swap3A_2379, %swap3A_2380] : memref<728x1440xf32, #tpu.memory_space<vmem>>, vector<8x1440xf32>
    tpu.vector_store %arg4[%swap3A_2379, %swap3A_2380], %select_n3A_2378 {strides = array<i32>} : memref<728x1440xf32, #tpu.memory_space<vmem>>, vector<8x1440xf32>,
    %reduce_max3A_2382 = arith.constant dense<0xFF800000> : vector<8xf32>
    %reduce_max3A_2383 = vector.multi_reduction <maximumf>, %select_n3A_2378, %reduce_max3A_2382 [1] : vector<8x1440xf32> to vector<8xf32>
    %broadcast_in_dim3A_2384 = vector.shape_cast %reduce_max3A_2383 : vector<8xf32> to vector<8x1xf32>
    %swap3A_2385 = arith.index_cast %multiple_of3A_2345 : i32 to index
    %swap3A_2386 = arith.constant 0 : index
    %swap3A_2387 = vector.load %arg5[%swap3A_2385, %swap3A_2386] : memref<728x1xf32, #tpu.memory_space<vmem>>, vector<8x1xf32>
    tpu.vector_store %arg5[%swap3A_2385, %swap3A_2386], %broadcast_in_dim3A_2384 {strides = array<i32>} : memref<728x1xf32, #tpu.memory_space<vmem>>, vector<8x1xf32>,
    %eq3A_2388 = arith.constant 0 : i32
    %eq3A_2389 = vector.broadcast %eq3A_2388 : i32 to vector<1x8xi32>
    %eq3A_2390 = arith.cmpi eq, %iota3A_68, %eq3A_2389 : vector<1x8xi32>
    %convert_element_type3A_2391 = arith.sitofp %reduce_min3A_2318 : i32 to f32
    %eq3A_2392 = arith.constant 1 : i32
    %eq3A_2393 = vector.broadcast %eq3A_2392 : i32 to vector<1x8xi32>
    %eq3A_2394 = arith.cmpi eq, %iota3A_68, %eq3A_2393 : vector<1x8xi32>
    %convert_element_type3A_2395 = arith.sitofp %reduce_min3A_2371 : i32 to f32
    %eq3A_2396 = arith.constant 2 : i32
    %eq3A_2397 = vector.broadcast %eq3A_2396 : i32 to vector<1x8xi32>
    %eq3A_2398 = arith.cmpi eq, %iota3A_68, %eq3A_2397 : vector<1x8xi32>
    %jit3A_2399 = arith.constant 0.000000e+00 : f32
    %broadcast_in_dim3A_2400 = vector.broadcast %reduce_max3A_2308 : f32 to vector<1x8xf32>
    %broadcast_in_dim3A_2401 = vector.broadcast %jit3A_2399 : f32 to vector<1x8xf32>
    %select_n3A_2402 = arith.select %eq3A_2398, %broadcast_in_dim3A_2400, %broadcast_in_dim3A_2401 : vector<1x8xi1>, vector<1x8xf32>
    %broadcast_in_dim3A_2403 = vector.broadcast %convert_element_type3A_2395 : f32 to vector<1x8xf32>
    %select_n3A_2404 = arith.select %eq3A_2394, %broadcast_in_dim3A_2403, %select_n3A_2402 : vector<1x8xi1>, vector<1x8xf32>
    %broadcast_in_dim3A_2405 = vector.broadcast %convert_element_type3A_2391 : f32 to vector<1x8xf32>
    %select_n3A_2406 = arith.select %eq3A_2390, %broadcast_in_dim3A_2405, %select_n3A_2404 : vector<1x8xi1>, vector<1x8xf32>
    %swap3A_2407 = arith.constant 0 : index
    %swap3A_2408 = arith.constant 20 : index
    %swap3A_2409 = arith.constant 0 : index
    %swap3A_2410 = vector.load %arg3[%swap3A_2407, %swap3A_2408, %swap3A_2409] : memref<1x64x8xf32, #tpu.memory_space<vmem>>, vector<1x1x8xf32>
    %swap3A_2411 = vector.shape_cast %swap3A_2410 : vector<1x1x8xf32> to vector<1x8xf32>
    %swap3A_2412 = vector.shape_cast %select_n3A_2406 : vector<1x8xf32> to vector<1x1x8xf32>
    tpu.vector_store %arg3[%swap3A_2407, %swap3A_2408, %swap3A_2409], %swap3A_2412 {strides = array<i32>} : memref<1x64x8xf32, #tpu.memory_space<vmem>>, vector<1x1x8xf32>,
    %get3A_2413 = arith.constant 0 : index
    %get3A_2414 = arith.constant 0 : index
    %get3A_2415 = vector.load %arg5[%get3A_2413, %get3A_2414] : memref<728x1xf32, #tpu.memory_space<vmem>>, vector<728x1xf32>
    %reduce_max3A_2416 = vector.shape_cast %get3A_2415 : vector<728x1xf32> to vector<1x728x1xf32>
    %reduce_max3A_2417 = arith.constant dense<0xFF800000> : vector<1xf32>
    %reduce_max3A_2418 = vector.multi_reduction <maximumf>, %reduce_max3A_2416, %reduce_max3A_2417 [1, 2] : vector<1x728x1xf32> to vector<1xf32>
    %reduce_max3A_2419 = vector.shape_cast %reduce_max3A_2418 : vector<1xf32> to vector<1x1x1xf32>
    %reduce_max3A_2420 = vector.extract %reduce_max3A_2419[0, 0, 0] : f32 from vector<1x1x1xf32>
    %eq3A_2421 = vector.broadcast %reduce_max3A_2420 : f32 to vector<728x1xf32>
    %eq3A_2422 = arith.cmpf oeq, %get3A_2415, %eq3A_2421 : vector<728x1xf32>
    %jit3A_2423 = arith.constant 728 : i32
    %broadcast_in_dim3A_2424 = vector.broadcast %jit3A_2423 : i32 to vector<728x1xi32>
    %select_n3A_2425 = arith.select %eq3A_2422, %iota3A, %broadcast_in_dim3A_2424 : vector<728x1xi1>, vector<728x1xi32>
    %reduce_min3A_2426 = vector.shape_cast %select_n3A_2425 : vector<728x1xi32> to vector<1x728x1xi32>
    %reduce_min3A_2427 = arith.constant dense<2147483647> : vector<1xi32>
    %reduce_min3A_2428 = vector.multi_reduction <minsi>, %reduce_min3A_2426, %reduce_min3A_2427 [1, 2] : vector<1x728x1xi32> to vector<1xi32>
    %reduce_min3A_2429 = vector.shape_cast %reduce_min3A_2428 : vector<1xi32> to vector<1x1x1xi32>
    %reduce_min3A_2430 = vector.extract %reduce_min3A_2429[0, 0, 0] : i32 from vector<1x1x1xi32>
    %jit3A_2431 = arith.constant 8 : i32
    %div3A_2432 = arith.divsi %reduce_min3A_2430, %jit3A_2431 : i32
    %sign3A_2433 = arith.constant 0 : i32
    %sign3A_2434 = arith.cmpi sgt, %reduce_min3A_2430, %sign3A_2433 : i32
    %sign3A_2435 = arith.extui %sign3A_2434 : i1 to i32
    %sign3A_2436 = arith.constant 0 : i32
    %sign3A_2437 = arith.cmpi slt, %reduce_min3A_2430, %sign3A_2436 : i32
    %sign3A_2438 = arith.extui %sign3A_2437 : i1 to i32
    %sign3A_2439 = arith.subi %sign3A_2435, %sign3A_2438 : i32
    %sign3A_2440 = arith.constant 0 : i32
    %sign3A_2441 = arith.cmpi sgt, %jit3A_2431, %sign3A_2440 : i32
    %sign3A_2442 = arith.extui %sign3A_2441 : i1 to i32
    %sign3A_2443 = arith.constant 0 : i32
    %sign3A_2444 = arith.cmpi slt, %jit3A_2431, %sign3A_2443 : i32
    %sign3A_2445 = arith.extui %sign3A_2444 : i1 to i32
    %sign3A_2446 = arith.subi %sign3A_2442, %sign3A_2445 : i32
    %ne3A_2447 = arith.cmpi ne, %sign3A_2439, %sign3A_2446 : i32
    %rem3A_2448 = arith.remsi %reduce_min3A_2430, %jit3A_2431 : i32
    %ne3A_2449 = arith.constant 0 : i32
    %ne3A_2450 = arith.cmpi ne, %rem3A_2448, %ne3A_2449 : i32
    %and3A_2451 = arith.andi %ne3A_2447, %ne3A_2450 : i1
    %sub3A_2452 = arith.constant 1 : i32
    %sub3A_2453 = arith.subi %div3A_2432, %sub3A_2452 : i32
    %select_n3A_2454 = arith.select %and3A_2451, %sub3A_2453, %div3A_2432 : i32
    %mul3A_2455 = arith.constant 8 : i32
    %mul3A_2456 = arith.muli %select_n3A_2454, %mul3A_2455 : i32
    %multiple_of3A_2457 = tpu.assume_multiple %mul3A_2456, 8 : i32
    %sub3A_2458 = arith.subi %reduce_min3A_2430, %multiple_of3A_2457 : i32
    %get3A_2459 = arith.index_cast %multiple_of3A_2457 : i32 to index
    %get3A_2460 = arith.constant 0 : index
    %get3A_2461 = vector.load %arg4[%get3A_2459, %get3A_2460] : memref<728x1440xf32, #tpu.memory_space<vmem>>, vector<8x1440xf32>
    %eq3A_2462 = vector.broadcast %sub3A_2458 : i32 to vector<8x1xi32>
    %eq3A_2463 = arith.cmpi eq, %iota3A_66, %eq3A_2462 : vector<8x1xi32>
    %jit3A_2464 = arith.constant -3.000000e+38 : f32
    %broadcast_in_dim3A_2465 = vector.shape_cast %eq3A_2463 : vector<8x1xi1> to vector<8x1xi1>
    %broadcast_in_dim3A_2466 = vector.broadcast %broadcast_in_dim3A_2465 : vector<8x1xi1> to vector<8x1440xi1>
    %broadcast_in_dim3A_2467 = vector.broadcast %jit3A_2464 : f32 to vector<8x1440xf32>
    %select_n3A_2468 = arith.select %broadcast_in_dim3A_2466, %get3A_2461, %broadcast_in_dim3A_2467 : vector<8x1440xi1>, vector<8x1440xf32>
    %reduce_max3A_2469 = vector.shape_cast %select_n3A_2468 : vector<8x1440xf32> to vector<1x8x1440xf32>
    %reduce_max3A_2470 = arith.constant dense<0xFF800000> : vector<1xf32>
    %reduce_max3A_2471 = vector.multi_reduction <maximumf>, %reduce_max3A_2469, %reduce_max3A_2470 [1, 2] : vector<1x8x1440xf32> to vector<1xf32>
    %reduce_max3A_2472 = vector.shape_cast %reduce_max3A_2471 : vector<1xf32> to vector<1x1x1xf32>
    %reduce_max3A_2473 = vector.extract %reduce_max3A_2472[0, 0, 0] : f32 from vector<1x1x1xf32>
    %eq3A_2474 = vector.broadcast %reduce_max3A_2473 : f32 to vector<8x1440xf32>
    %eq3A_2475 = arith.cmpf oeq, %select_n3A_2468, %eq3A_2474 : vector<8x1440xf32>
    %jit3A_2476 = arith.constant 1440 : i32
    %broadcast_in_dim3A_2477 = vector.broadcast %jit3A_2476 : i32 to vector<8x1440xi32>
    %select_n3A_2478 = arith.select %eq3A_2475, %iota3A_67, %broadcast_in_dim3A_2477 : vector<8x1440xi1>, vector<8x1440xi32>
    %reduce_min3A_2479 = vector.shape_cast %select_n3A_2478 : vector<8x1440xi32> to vector<1x8x1440xi32>
    %reduce_min3A_2480 = arith.constant dense<2147483647> : vector<1xi32>
    %reduce_min3A_2481 = vector.multi_reduction <minsi>, %reduce_min3A_2479, %reduce_min3A_2480 [1, 2] : vector<1x8x1440xi32> to vector<1xi32>
    %reduce_min3A_2482 = vector.shape_cast %reduce_min3A_2481 : vector<1xi32> to vector<1x1x1xi32>
    %reduce_min3A_2483 = vector.extract %reduce_min3A_2482[0, 0, 0] : i32 from vector<1x1x1xi32>
    %eq3A_2484 = vector.broadcast %reduce_min3A_2483 : i32 to vector<8x1440xi32>
    %eq3A_2485 = arith.cmpi eq, %iota3A_67, %eq3A_2484 : vector<8x1440xi32>
    %and3A_2486 = vector.broadcast %eq3A_2463 : vector<8x1xi1> to vector<8x1440xi1>
    %and3A_2487 = arith.andi %and3A_2486, %eq3A_2485 : vector<8x1440xi1>
    %jit3A_2488 = arith.constant -3.000000e+38 : f32
    %broadcast_in_dim3A_2489 = vector.broadcast %jit3A_2488 : f32 to vector<8x1440xf32>
    %select_n3A_2490 = arith.select %and3A_2487, %broadcast_in_dim3A_2489, %get3A_2461 : vector<8x1440xi1>, vector<8x1440xf32>
    %swap3A_2491 = arith.index_cast %multiple_of3A_2457 : i32 to index
    %swap3A_2492 = arith.constant 0 : index
    %swap3A_2493 = vector.load %arg4[%swap3A_2491, %swap3A_2492] : memref<728x1440xf32, #tpu.memory_space<vmem>>, vector<8x1440xf32>
    tpu.vector_store %arg4[%swap3A_2491, %swap3A_2492], %select_n3A_2490 {strides = array<i32>} : memref<728x1440xf32, #tpu.memory_space<vmem>>, vector<8x1440xf32>,
    %reduce_max3A_2494 = arith.constant dense<0xFF800000> : vector<8xf32>
    %reduce_max3A_2495 = vector.multi_reduction <maximumf>, %select_n3A_2490, %reduce_max3A_2494 [1] : vector<8x1440xf32> to vector<8xf32>
    %broadcast_in_dim3A_2496 = vector.shape_cast %reduce_max3A_2495 : vector<8xf32> to vector<8x1xf32>
    %swap3A_2497 = arith.index_cast %multiple_of3A_2457 : i32 to index
    %swap3A_2498 = arith.constant 0 : index
    %swap3A_2499 = vector.load %arg5[%swap3A_2497, %swap3A_2498] : memref<728x1xf32, #tpu.memory_space<vmem>>, vector<8x1xf32>
    tpu.vector_store %arg5[%swap3A_2497, %swap3A_2498], %broadcast_in_dim3A_2496 {strides = array<i32>} : memref<728x1xf32, #tpu.memory_space<vmem>>, vector<8x1xf32>,
    %eq3A_2500 = arith.constant 0 : i32
    %eq3A_2501 = vector.broadcast %eq3A_2500 : i32 to vector<1x8xi32>
    %eq3A_2502 = arith.cmpi eq, %iota3A_68, %eq3A_2501 : vector<1x8xi32>
    %convert_element_type3A_2503 = arith.sitofp %reduce_min3A_2430 : i32 to f32
    %eq3A_2504 = arith.constant 1 : i32
    %eq3A_2505 = vector.broadcast %eq3A_2504 : i32 to vector<1x8xi32>
    %eq3A_2506 = arith.cmpi eq, %iota3A_68, %eq3A_2505 : vector<1x8xi32>
    %convert_element_type3A_2507 = arith.sitofp %reduce_min3A_2483 : i32 to f32
    %eq3A_2508 = arith.constant 2 : i32
    %eq3A_2509 = vector.broadcast %eq3A_2508 : i32 to vector<1x8xi32>
    %eq3A_2510 = arith.cmpi eq, %iota3A_68, %eq3A_2509 : vector<1x8xi32>
    %jit3A_2511 = arith.constant 0.000000e+00 : f32
    %broadcast_in_dim3A_2512 = vector.broadcast %reduce_max3A_2420 : f32 to vector<1x8xf32>
    %broadcast_in_dim3A_2513 = vector.broadcast %jit3A_2511 : f32 to vector<1x8xf32>
    %select_n3A_2514 = arith.select %eq3A_2510, %broadcast_in_dim3A_2512, %broadcast_in_dim3A_2513 : vector<1x8xi1>, vector<1x8xf32>
    %broadcast_in_dim3A_2515 = vector.broadcast %convert_element_type3A_2507 : f32 to vector<1x8xf32>
    %select_n3A_2516 = arith.select %eq3A_2506, %broadcast_in_dim3A_2515, %select_n3A_2514 : vector<1x8xi1>, vector<1x8xf32>
    %broadcast_in_dim3A_2517 = vector.broadcast %convert_element_type3A_2503 : f32 to vector<1x8xf32>
    %select_n3A_2518 = arith.select %eq3A_2502, %broadcast_in_dim3A_2517, %select_n3A_2516 : vector<1x8xi1>, vector<1x8xf32>
    %swap3A_2519 = arith.constant 0 : index
    %swap3A_2520 = arith.constant 21 : index
    %swap3A_2521 = arith.constant 0 : index
    %swap3A_2522 = vector.load %arg3[%swap3A_2519, %swap3A_2520, %swap3A_2521] : memref<1x64x8xf32, #tpu.memory_space<vmem>>, vector<1x1x8xf32>
    %swap3A_2523 = vector.shape_cast %swap3A_2522 : vector<1x1x8xf32> to vector<1x8xf32>
    %swap3A_2524 = vector.shape_cast %select_n3A_2518 : vector<1x8xf32> to vector<1x1x8xf32>
    tpu.vector_store %arg3[%swap3A_2519, %swap3A_2520, %swap3A_2521], %swap3A_2524 {strides = array<i32>} : memref<1x64x8xf32, #tpu.memory_space<vmem>>, vector<1x1x8xf32>,
    %get3A_2525 = arith.constant 0 : index
    %get3A_2526 = arith.constant 0 : index
    %get3A_2527 = vector.load %arg5[%get3A_2525, %get3A_2526] : memref<728x1xf32, #tpu.memory_space<vmem>>, vector<728x1xf32>
    %reduce_max3A_2528 = vector.shape_cast %get3A_2527 : vector<728x1xf32> to vector<1x728x1xf32>
    %reduce_max3A_2529 = arith.constant dense<0xFF800000> : vector<1xf32>
    %reduce_max3A_2530 = vector.multi_reduction <maximumf>, %reduce_max3A_2528, %reduce_max3A_2529 [1, 2] : vector<1x728x1xf32> to vector<1xf32>
    %reduce_max3A_2531 = vector.shape_cast %reduce_max3A_2530 : vector<1xf32> to vector<1x1x1xf32>
    %reduce_max3A_2532 = vector.extract %reduce_max3A_2531[0, 0, 0] : f32 from vector<1x1x1xf32>
    %eq3A_2533 = vector.broadcast %reduce_max3A_2532 : f32 to vector<728x1xf32>
    %eq3A_2534 = arith.cmpf oeq, %get3A_2527, %eq3A_2533 : vector<728x1xf32>
    %jit3A_2535 = arith.constant 728 : i32
    %broadcast_in_dim3A_2536 = vector.broadcast %jit3A_2535 : i32 to vector<728x1xi32>
    %select_n3A_2537 = arith.select %eq3A_2534, %iota3A, %broadcast_in_dim3A_2536 : vector<728x1xi1>, vector<728x1xi32>
    %reduce_min3A_2538 = vector.shape_cast %select_n3A_2537 : vector<728x1xi32> to vector<1x728x1xi32>
    %reduce_min3A_2539 = arith.constant dense<2147483647> : vector<1xi32>
    %reduce_min3A_2540 = vector.multi_reduction <minsi>, %reduce_min3A_2538, %reduce_min3A_2539 [1, 2] : vector<1x728x1xi32> to vector<1xi32>
    %reduce_min3A_2541 = vector.shape_cast %reduce_min3A_2540 : vector<1xi32> to vector<1x1x1xi32>
    %reduce_min3A_2542 = vector.extract %reduce_min3A_2541[0, 0, 0] : i32 from vector<1x1x1xi32>
    %jit3A_2543 = arith.constant 8 : i32
    %div3A_2544 = arith.divsi %reduce_min3A_2542, %jit3A_2543 : i32
    %sign3A_2545 = arith.constant 0 : i32
    %sign3A_2546 = arith.cmpi sgt, %reduce_min3A_2542, %sign3A_2545 : i32
    %sign3A_2547 = arith.extui %sign3A_2546 : i1 to i32
    %sign3A_2548 = arith.constant 0 : i32
    %sign3A_2549 = arith.cmpi slt, %reduce_min3A_2542, %sign3A_2548 : i32
    %sign3A_2550 = arith.extui %sign3A_2549 : i1 to i32
    %sign3A_2551 = arith.subi %sign3A_2547, %sign3A_2550 : i32
    %sign3A_2552 = arith.constant 0 : i32
    %sign3A_2553 = arith.cmpi sgt, %jit3A_2543, %sign3A_2552 : i32
    %sign3A_2554 = arith.extui %sign3A_2553 : i1 to i32
    %sign3A_2555 = arith.constant 0 : i32
    %sign3A_2556 = arith.cmpi slt, %jit3A_2543, %sign3A_2555 : i32
    %sign3A_2557 = arith.extui %sign3A_2556 : i1 to i32
    %sign3A_2558 = arith.subi %sign3A_2554, %sign3A_2557 : i32
    %ne3A_2559 = arith.cmpi ne, %sign3A_2551, %sign3A_2558 : i32
    %rem3A_2560 = arith.remsi %reduce_min3A_2542, %jit3A_2543 : i32
    %ne3A_2561 = arith.constant 0 : i32
    %ne3A_2562 = arith.cmpi ne, %rem3A_2560, %ne3A_2561 : i32
    %and3A_2563 = arith.andi %ne3A_2559, %ne3A_2562 : i1
    %sub3A_2564 = arith.constant 1 : i32
    %sub3A_2565 = arith.subi %div3A_2544, %sub3A_2564 : i32
    %select_n3A_2566 = arith.select %and3A_2563, %sub3A_2565, %div3A_2544 : i32
    %mul3A_2567 = arith.constant 8 : i32
    %mul3A_2568 = arith.muli %select_n3A_2566, %mul3A_2567 : i32
    %multiple_of3A_2569 = tpu.assume_multiple %mul3A_2568, 8 : i32
    %sub3A_2570 = arith.subi %reduce_min3A_2542, %multiple_of3A_2569 : i32
    %get3A_2571 = arith.index_cast %multiple_of3A_2569 : i32 to index
    %get3A_2572 = arith.constant 0 : index
    %get3A_2573 = vector.load %arg4[%get3A_2571, %get3A_2572] : memref<728x1440xf32, #tpu.memory_space<vmem>>, vector<8x1440xf32>
    %eq3A_2574 = vector.broadcast %sub3A_2570 : i32 to vector<8x1xi32>
    %eq3A_2575 = arith.cmpi eq, %iota3A_66, %eq3A_2574 : vector<8x1xi32>
    %jit3A_2576 = arith.constant -3.000000e+38 : f32
    %broadcast_in_dim3A_2577 = vector.shape_cast %eq3A_2575 : vector<8x1xi1> to vector<8x1xi1>
    %broadcast_in_dim3A_2578 = vector.broadcast %broadcast_in_dim3A_2577 : vector<8x1xi1> to vector<8x1440xi1>
    %broadcast_in_dim3A_2579 = vector.broadcast %jit3A_2576 : f32 to vector<8x1440xf32>
    %select_n3A_2580 = arith.select %broadcast_in_dim3A_2578, %get3A_2573, %broadcast_in_dim3A_2579 : vector<8x1440xi1>, vector<8x1440xf32>
    %reduce_max3A_2581 = vector.shape_cast %select_n3A_2580 : vector<8x1440xf32> to vector<1x8x1440xf32>
    %reduce_max3A_2582 = arith.constant dense<0xFF800000> : vector<1xf32>
    %reduce_max3A_2583 = vector.multi_reduction <maximumf>, %reduce_max3A_2581, %reduce_max3A_2582 [1, 2] : vector<1x8x1440xf32> to vector<1xf32>
    %reduce_max3A_2584 = vector.shape_cast %reduce_max3A_2583 : vector<1xf32> to vector<1x1x1xf32>
    %reduce_max3A_2585 = vector.extract %reduce_max3A_2584[0, 0, 0] : f32 from vector<1x1x1xf32>
    %eq3A_2586 = vector.broadcast %reduce_max3A_2585 : f32 to vector<8x1440xf32>
    %eq3A_2587 = arith.cmpf oeq, %select_n3A_2580, %eq3A_2586 : vector<8x1440xf32>
    %jit3A_2588 = arith.constant 1440 : i32
    %broadcast_in_dim3A_2589 = vector.broadcast %jit3A_2588 : i32 to vector<8x1440xi32>
    %select_n3A_2590 = arith.select %eq3A_2587, %iota3A_67, %broadcast_in_dim3A_2589 : vector<8x1440xi1>, vector<8x1440xi32>
    %reduce_min3A_2591 = vector.shape_cast %select_n3A_2590 : vector<8x1440xi32> to vector<1x8x1440xi32>
    %reduce_min3A_2592 = arith.constant dense<2147483647> : vector<1xi32>
    %reduce_min3A_2593 = vector.multi_reduction <minsi>, %reduce_min3A_2591, %reduce_min3A_2592 [1, 2] : vector<1x8x1440xi32> to vector<1xi32>
    %reduce_min3A_2594 = vector.shape_cast %reduce_min3A_2593 : vector<1xi32> to vector<1x1x1xi32>
    %reduce_min3A_2595 = vector.extract %reduce_min3A_2594[0, 0, 0] : i32 from vector<1x1x1xi32>
    %eq3A_2596 = vector.broadcast %reduce_min3A_2595 : i32 to vector<8x1440xi32>
    %eq3A_2597 = arith.cmpi eq, %iota3A_67, %eq3A_2596 : vector<8x1440xi32>
    %and3A_2598 = vector.broadcast %eq3A_2575 : vector<8x1xi1> to vector<8x1440xi1>
    %and3A_2599 = arith.andi %and3A_2598, %eq3A_2597 : vector<8x1440xi1>
    %jit3A_2600 = arith.constant -3.000000e+38 : f32
    %broadcast_in_dim3A_2601 = vector.broadcast %jit3A_2600 : f32 to vector<8x1440xf32>
    %select_n3A_2602 = arith.select %and3A_2599, %broadcast_in_dim3A_2601, %get3A_2573 : vector<8x1440xi1>, vector<8x1440xf32>
    %swap3A_2603 = arith.index_cast %multiple_of3A_2569 : i32 to index
    %swap3A_2604 = arith.constant 0 : index
    %swap3A_2605 = vector.load %arg4[%swap3A_2603, %swap3A_2604] : memref<728x1440xf32, #tpu.memory_space<vmem>>, vector<8x1440xf32>
    tpu.vector_store %arg4[%swap3A_2603, %swap3A_2604], %select_n3A_2602 {strides = array<i32>} : memref<728x1440xf32, #tpu.memory_space<vmem>>, vector<8x1440xf32>,
    %reduce_max3A_2606 = arith.constant dense<0xFF800000> : vector<8xf32>
    %reduce_max3A_2607 = vector.multi_reduction <maximumf>, %select_n3A_2602, %reduce_max3A_2606 [1] : vector<8x1440xf32> to vector<8xf32>
    %broadcast_in_dim3A_2608 = vector.shape_cast %reduce_max3A_2607 : vector<8xf32> to vector<8x1xf32>
    %swap3A_2609 = arith.index_cast %multiple_of3A_2569 : i32 to index
    %swap3A_2610 = arith.constant 0 : index
    %swap3A_2611 = vector.load %arg5[%swap3A_2609, %swap3A_2610] : memref<728x1xf32, #tpu.memory_space<vmem>>, vector<8x1xf32>
    tpu.vector_store %arg5[%swap3A_2609, %swap3A_2610], %broadcast_in_dim3A_2608 {strides = array<i32>} : memref<728x1xf32, #tpu.memory_space<vmem>>, vector<8x1xf32>,
    %eq3A_2612 = arith.constant 0 : i32
    %eq3A_2613 = vector.broadcast %eq3A_2612 : i32 to vector<1x8xi32>
    %eq3A_2614 = arith.cmpi eq, %iota3A_68, %eq3A_2613 : vector<1x8xi32>
    %convert_element_type3A_2615 = arith.sitofp %reduce_min3A_2542 : i32 to f32
    %eq3A_2616 = arith.constant 1 : i32
    %eq3A_2617 = vector.broadcast %eq3A_2616 : i32 to vector<1x8xi32>
    %eq3A_2618 = arith.cmpi eq, %iota3A_68, %eq3A_2617 : vector<1x8xi32>
    %convert_element_type3A_2619 = arith.sitofp %reduce_min3A_2595 : i32 to f32
    %eq3A_2620 = arith.constant 2 : i32
    %eq3A_2621 = vector.broadcast %eq3A_2620 : i32 to vector<1x8xi32>
    %eq3A_2622 = arith.cmpi eq, %iota3A_68, %eq3A_2621 : vector<1x8xi32>
    %jit3A_2623 = arith.constant 0.000000e+00 : f32
    %broadcast_in_dim3A_2624 = vector.broadcast %reduce_max3A_2532 : f32 to vector<1x8xf32>
    %broadcast_in_dim3A_2625 = vector.broadcast %jit3A_2623 : f32 to vector<1x8xf32>
    %select_n3A_2626 = arith.select %eq3A_2622, %broadcast_in_dim3A_2624, %broadcast_in_dim3A_2625 : vector<1x8xi1>, vector<1x8xf32>
    %broadcast_in_dim3A_2627 = vector.broadcast %convert_element_type3A_2619 : f32 to vector<1x8xf32>
    %select_n3A_2628 = arith.select %eq3A_2618, %broadcast_in_dim3A_2627, %select_n3A_2626 : vector<1x8xi1>, vector<1x8xf32>
    %broadcast_in_dim3A_2629 = vector.broadcast %convert_element_type3A_2615 : f32 to vector<1x8xf32>
    %select_n3A_2630 = arith.select %eq3A_2614, %broadcast_in_dim3A_2629, %select_n3A_2628 : vector<1x8xi1>, vector<1x8xf32>
    %swap3A_2631 = arith.constant 0 : index
    %swap3A_2632 = arith.constant 22 : index
    %swap3A_2633 = arith.constant 0 : index
    %swap3A_2634 = vector.load %arg3[%swap3A_2631, %swap3A_2632, %swap3A_2633] : memref<1x64x8xf32, #tpu.memory_space<vmem>>, vector<1x1x8xf32>
    %swap3A_2635 = vector.shape_cast %swap3A_2634 : vector<1x1x8xf32> to vector<1x8xf32>
    %swap3A_2636 = vector.shape_cast %select_n3A_2630 : vector<1x8xf32> to vector<1x1x8xf32>
    tpu.vector_store %arg3[%swap3A_2631, %swap3A_2632, %swap3A_2633], %swap3A_2636 {strides = array<i32>} : memref<1x64x8xf32, #tpu.memory_space<vmem>>, vector<1x1x8xf32>,
    %get3A_2637 = arith.constant 0 : index
    %get3A_2638 = arith.constant 0 : index
    %get3A_2639 = vector.load %arg5[%get3A_2637, %get3A_2638] : memref<728x1xf32, #tpu.memory_space<vmem>>, vector<728x1xf32>
    %reduce_max3A_2640 = vector.shape_cast %get3A_2639 : vector<728x1xf32> to vector<1x728x1xf32>
    %reduce_max3A_2641 = arith.constant dense<0xFF800000> : vector<1xf32>
    %reduce_max3A_2642 = vector.multi_reduction <maximumf>, %reduce_max3A_2640, %reduce_max3A_2641 [1, 2] : vector<1x728x1xf32> to vector<1xf32>
    %reduce_max3A_2643 = vector.shape_cast %reduce_max3A_2642 : vector<1xf32> to vector<1x1x1xf32>
    %reduce_max3A_2644 = vector.extract %reduce_max3A_2643[0, 0, 0] : f32 from vector<1x1x1xf32>
    %eq3A_2645 = vector.broadcast %reduce_max3A_2644 : f32 to vector<728x1xf32>
    %eq3A_2646 = arith.cmpf oeq, %get3A_2639, %eq3A_2645 : vector<728x1xf32>
    %jit3A_2647 = arith.constant 728 : i32
    %broadcast_in_dim3A_2648 = vector.broadcast %jit3A_2647 : i32 to vector<728x1xi32>
    %select_n3A_2649 = arith.select %eq3A_2646, %iota3A, %broadcast_in_dim3A_2648 : vector<728x1xi1>, vector<728x1xi32>
    %reduce_min3A_2650 = vector.shape_cast %select_n3A_2649 : vector<728x1xi32> to vector<1x728x1xi32>
    %reduce_min3A_2651 = arith.constant dense<2147483647> : vector<1xi32>
    %reduce_min3A_2652 = vector.multi_reduction <minsi>, %reduce_min3A_2650, %reduce_min3A_2651 [1, 2] : vector<1x728x1xi32> to vector<1xi32>
    %reduce_min3A_2653 = vector.shape_cast %reduce_min3A_2652 : vector<1xi32> to vector<1x1x1xi32>
    %reduce_min3A_2654 = vector.extract %reduce_min3A_2653[0, 0, 0] : i32 from vector<1x1x1xi32>
    %jit3A_2655 = arith.constant 8 : i32
    %div3A_2656 = arith.divsi %reduce_min3A_2654, %jit3A_2655 : i32
    %sign3A_2657 = arith.constant 0 : i32
    %sign3A_2658 = arith.cmpi sgt, %reduce_min3A_2654, %sign3A_2657 : i32
    %sign3A_2659 = arith.extui %sign3A_2658 : i1 to i32
    %sign3A_2660 = arith.constant 0 : i32
    %sign3A_2661 = arith.cmpi slt, %reduce_min3A_2654, %sign3A_2660 : i32
    %sign3A_2662 = arith.extui %sign3A_2661 : i1 to i32
    %sign3A_2663 = arith.subi %sign3A_2659, %sign3A_2662 : i32
    %sign3A_2664 = arith.constant 0 : i32
    %sign3A_2665 = arith.cmpi sgt, %jit3A_2655, %sign3A_2664 : i32
    %sign3A_2666 = arith.extui %sign3A_2665 : i1 to i32
    %sign3A_2667 = arith.constant 0 : i32
    %sign3A_2668 = arith.cmpi slt, %jit3A_2655, %sign3A_2667 : i32
    %sign3A_2669 = arith.extui %sign3A_2668 : i1 to i32
    %sign3A_2670 = arith.subi %sign3A_2666, %sign3A_2669 : i32
    %ne3A_2671 = arith.cmpi ne, %sign3A_2663, %sign3A_2670 : i32
    %rem3A_2672 = arith.remsi %reduce_min3A_2654, %jit3A_2655 : i32
    %ne3A_2673 = arith.constant 0 : i32
    %ne3A_2674 = arith.cmpi ne, %rem3A_2672, %ne3A_2673 : i32
    %and3A_2675 = arith.andi %ne3A_2671, %ne3A_2674 : i1
    %sub3A_2676 = arith.constant 1 : i32
    %sub3A_2677 = arith.subi %div3A_2656, %sub3A_2676 : i32
    %select_n3A_2678 = arith.select %and3A_2675, %sub3A_2677, %div3A_2656 : i32
    %mul3A_2679 = arith.constant 8 : i32
    %mul3A_2680 = arith.muli %select_n3A_2678, %mul3A_2679 : i32
    %multiple_of3A_2681 = tpu.assume_multiple %mul3A_2680, 8 : i32
    %sub3A_2682 = arith.subi %reduce_min3A_2654, %multiple_of3A_2681 : i32
    %get3A_2683 = arith.index_cast %multiple_of3A_2681 : i32 to index
    %get3A_2684 = arith.constant 0 : index
    %get3A_2685 = vector.load %arg4[%get3A_2683, %get3A_2684] : memref<728x1440xf32, #tpu.memory_space<vmem>>, vector<8x1440xf32>
    %eq3A_2686 = vector.broadcast %sub3A_2682 : i32 to vector<8x1xi32>
    %eq3A_2687 = arith.cmpi eq, %iota3A_66, %eq3A_2686 : vector<8x1xi32>
    %jit3A_2688 = arith.constant -3.000000e+38 : f32
    %broadcast_in_dim3A_2689 = vector.shape_cast %eq3A_2687 : vector<8x1xi1> to vector<8x1xi1>
    %broadcast_in_dim3A_2690 = vector.broadcast %broadcast_in_dim3A_2689 : vector<8x1xi1> to vector<8x1440xi1>
    %broadcast_in_dim3A_2691 = vector.broadcast %jit3A_2688 : f32 to vector<8x1440xf32>
    %select_n3A_2692 = arith.select %broadcast_in_dim3A_2690, %get3A_2685, %broadcast_in_dim3A_2691 : vector<8x1440xi1>, vector<8x1440xf32>
    %reduce_max3A_2693 = vector.shape_cast %select_n3A_2692 : vector<8x1440xf32> to vector<1x8x1440xf32>
    %reduce_max3A_2694 = arith.constant dense<0xFF800000> : vector<1xf32>
    %reduce_max3A_2695 = vector.multi_reduction <maximumf>, %reduce_max3A_2693, %reduce_max3A_2694 [1, 2] : vector<1x8x1440xf32> to vector<1xf32>
    %reduce_max3A_2696 = vector.shape_cast %reduce_max3A_2695 : vector<1xf32> to vector<1x1x1xf32>
    %reduce_max3A_2697 = vector.extract %reduce_max3A_2696[0, 0, 0] : f32 from vector<1x1x1xf32>
    %eq3A_2698 = vector.broadcast %reduce_max3A_2697 : f32 to vector<8x1440xf32>
    %eq3A_2699 = arith.cmpf oeq, %select_n3A_2692, %eq3A_2698 : vector<8x1440xf32>
    %jit3A_2700 = arith.constant 1440 : i32
    %broadcast_in_dim3A_2701 = vector.broadcast %jit3A_2700 : i32 to vector<8x1440xi32>
    %select_n3A_2702 = arith.select %eq3A_2699, %iota3A_67, %broadcast_in_dim3A_2701 : vector<8x1440xi1>, vector<8x1440xi32>
    %reduce_min3A_2703 = vector.shape_cast %select_n3A_2702 : vector<8x1440xi32> to vector<1x8x1440xi32>
    %reduce_min3A_2704 = arith.constant dense<2147483647> : vector<1xi32>
    %reduce_min3A_2705 = vector.multi_reduction <minsi>, %reduce_min3A_2703, %reduce_min3A_2704 [1, 2] : vector<1x8x1440xi32> to vector<1xi32>
    %reduce_min3A_2706 = vector.shape_cast %reduce_min3A_2705 : vector<1xi32> to vector<1x1x1xi32>
    %reduce_min3A_2707 = vector.extract %reduce_min3A_2706[0, 0, 0] : i32 from vector<1x1x1xi32>
    %eq3A_2708 = vector.broadcast %reduce_min3A_2707 : i32 to vector<8x1440xi32>
    %eq3A_2709 = arith.cmpi eq, %iota3A_67, %eq3A_2708 : vector<8x1440xi32>
    %and3A_2710 = vector.broadcast %eq3A_2687 : vector<8x1xi1> to vector<8x1440xi1>
    %and3A_2711 = arith.andi %and3A_2710, %eq3A_2709 : vector<8x1440xi1>
    %jit3A_2712 = arith.constant -3.000000e+38 : f32
    %broadcast_in_dim3A_2713 = vector.broadcast %jit3A_2712 : f32 to vector<8x1440xf32>
    %select_n3A_2714 = arith.select %and3A_2711, %broadcast_in_dim3A_2713, %get3A_2685 : vector<8x1440xi1>, vector<8x1440xf32>
    %swap3A_2715 = arith.index_cast %multiple_of3A_2681 : i32 to index
    %swap3A_2716 = arith.constant 0 : index
    %swap3A_2717 = vector.load %arg4[%swap3A_2715, %swap3A_2716] : memref<728x1440xf32, #tpu.memory_space<vmem>>, vector<8x1440xf32>
    tpu.vector_store %arg4[%swap3A_2715, %swap3A_2716], %select_n3A_2714 {strides = array<i32>} : memref<728x1440xf32, #tpu.memory_space<vmem>>, vector<8x1440xf32>,
    %reduce_max3A_2718 = arith.constant dense<0xFF800000> : vector<8xf32>
    %reduce_max3A_2719 = vector.multi_reduction <maximumf>, %select_n3A_2714, %reduce_max3A_2718 [1] : vector<8x1440xf32> to vector<8xf32>
    %broadcast_in_dim3A_2720 = vector.shape_cast %reduce_max3A_2719 : vector<8xf32> to vector<8x1xf32>
    %swap3A_2721 = arith.index_cast %multiple_of3A_2681 : i32 to index
    %swap3A_2722 = arith.constant 0 : index
    %swap3A_2723 = vector.load %arg5[%swap3A_2721, %swap3A_2722] : memref<728x1xf32, #tpu.memory_space<vmem>>, vector<8x1xf32>
    tpu.vector_store %arg5[%swap3A_2721, %swap3A_2722], %broadcast_in_dim3A_2720 {strides = array<i32>} : memref<728x1xf32, #tpu.memory_space<vmem>>, vector<8x1xf32>,
    %eq3A_2724 = arith.constant 0 : i32
    %eq3A_2725 = vector.broadcast %eq3A_2724 : i32 to vector<1x8xi32>
    %eq3A_2726 = arith.cmpi eq, %iota3A_68, %eq3A_2725 : vector<1x8xi32>
    %convert_element_type3A_2727 = arith.sitofp %reduce_min3A_2654 : i32 to f32
    %eq3A_2728 = arith.constant 1 : i32
    %eq3A_2729 = vector.broadcast %eq3A_2728 : i32 to vector<1x8xi32>
    %eq3A_2730 = arith.cmpi eq, %iota3A_68, %eq3A_2729 : vector<1x8xi32>
    %convert_element_type3A_2731 = arith.sitofp %reduce_min3A_2707 : i32 to f32
    %eq3A_2732 = arith.constant 2 : i32
    %eq3A_2733 = vector.broadcast %eq3A_2732 : i32 to vector<1x8xi32>
    %eq3A_2734 = arith.cmpi eq, %iota3A_68, %eq3A_2733 : vector<1x8xi32>
    %jit3A_2735 = arith.constant 0.000000e+00 : f32
    %broadcast_in_dim3A_2736 = vector.broadcast %reduce_max3A_2644 : f32 to vector<1x8xf32>
    %broadcast_in_dim3A_2737 = vector.broadcast %jit3A_2735 : f32 to vector<1x8xf32>
    %select_n3A_2738 = arith.select %eq3A_2734, %broadcast_in_dim3A_2736, %broadcast_in_dim3A_2737 : vector<1x8xi1>, vector<1x8xf32>
    %broadcast_in_dim3A_2739 = vector.broadcast %convert_element_type3A_2731 : f32 to vector<1x8xf32>
    %select_n3A_2740 = arith.select %eq3A_2730, %broadcast_in_dim3A_2739, %select_n3A_2738 : vector<1x8xi1>, vector<1x8xf32>
    %broadcast_in_dim3A_2741 = vector.broadcast %convert_element_type3A_2727 : f32 to vector<1x8xf32>
    %select_n3A_2742 = arith.select %eq3A_2726, %broadcast_in_dim3A_2741, %select_n3A_2740 : vector<1x8xi1>, vector<1x8xf32>
    %swap3A_2743 = arith.constant 0 : index
    %swap3A_2744 = arith.constant 23 : index
    %swap3A_2745 = arith.constant 0 : index
    %swap3A_2746 = vector.load %arg3[%swap3A_2743, %swap3A_2744, %swap3A_2745] : memref<1x64x8xf32, #tpu.memory_space<vmem>>, vector<1x1x8xf32>
    %swap3A_2747 = vector.shape_cast %swap3A_2746 : vector<1x1x8xf32> to vector<1x8xf32>
    %swap3A_2748 = vector.shape_cast %select_n3A_2742 : vector<1x8xf32> to vector<1x1x8xf32>
    tpu.vector_store %arg3[%swap3A_2743, %swap3A_2744, %swap3A_2745], %swap3A_2748 {strides = array<i32>} : memref<1x64x8xf32, #tpu.memory_space<vmem>>, vector<1x1x8xf32>,
    %get3A_2749 = arith.constant 0 : index
    %get3A_2750 = arith.constant 0 : index
    %get3A_2751 = vector.load %arg5[%get3A_2749, %get3A_2750] : memref<728x1xf32, #tpu.memory_space<vmem>>, vector<728x1xf32>
    %reduce_max3A_2752 = vector.shape_cast %get3A_2751 : vector<728x1xf32> to vector<1x728x1xf32>
    %reduce_max3A_2753 = arith.constant dense<0xFF800000> : vector<1xf32>
    %reduce_max3A_2754 = vector.multi_reduction <maximumf>, %reduce_max3A_2752, %reduce_max3A_2753 [1, 2] : vector<1x728x1xf32> to vector<1xf32>
    %reduce_max3A_2755 = vector.shape_cast %reduce_max3A_2754 : vector<1xf32> to vector<1x1x1xf32>
    %reduce_max3A_2756 = vector.extract %reduce_max3A_2755[0, 0, 0] : f32 from vector<1x1x1xf32>
    %eq3A_2757 = vector.broadcast %reduce_max3A_2756 : f32 to vector<728x1xf32>
    %eq3A_2758 = arith.cmpf oeq, %get3A_2751, %eq3A_2757 : vector<728x1xf32>
    %jit3A_2759 = arith.constant 728 : i32
    %broadcast_in_dim3A_2760 = vector.broadcast %jit3A_2759 : i32 to vector<728x1xi32>
    %select_n3A_2761 = arith.select %eq3A_2758, %iota3A, %broadcast_in_dim3A_2760 : vector<728x1xi1>, vector<728x1xi32>
    %reduce_min3A_2762 = vector.shape_cast %select_n3A_2761 : vector<728x1xi32> to vector<1x728x1xi32>
    %reduce_min3A_2763 = arith.constant dense<2147483647> : vector<1xi32>
    %reduce_min3A_2764 = vector.multi_reduction <minsi>, %reduce_min3A_2762, %reduce_min3A_2763 [1, 2] : vector<1x728x1xi32> to vector<1xi32>
    %reduce_min3A_2765 = vector.shape_cast %reduce_min3A_2764 : vector<1xi32> to vector<1x1x1xi32>
    %reduce_min3A_2766 = vector.extract %reduce_min3A_2765[0, 0, 0] : i32 from vector<1x1x1xi32>
    %jit3A_2767 = arith.constant 8 : i32
    %div3A_2768 = arith.divsi %reduce_min3A_2766, %jit3A_2767 : i32
    %sign3A_2769 = arith.constant 0 : i32
    %sign3A_2770 = arith.cmpi sgt, %reduce_min3A_2766, %sign3A_2769 : i32
    %sign3A_2771 = arith.extui %sign3A_2770 : i1 to i32
    %sign3A_2772 = arith.constant 0 : i32
    %sign3A_2773 = arith.cmpi slt, %reduce_min3A_2766, %sign3A_2772 : i32
    %sign3A_2774 = arith.extui %sign3A_2773 : i1 to i32
    %sign3A_2775 = arith.subi %sign3A_2771, %sign3A_2774 : i32
    %sign3A_2776 = arith.constant 0 : i32
    %sign3A_2777 = arith.cmpi sgt, %jit3A_2767, %sign3A_2776 : i32
    %sign3A_2778 = arith.extui %sign3A_2777 : i1 to i32
    %sign3A_2779 = arith.constant 0 : i32
    %sign3A_2780 = arith.cmpi slt, %jit3A_2767, %sign3A_2779 : i32
    %sign3A_2781 = arith.extui %sign3A_2780 : i1 to i32
    %sign3A_2782 = arith.subi %sign3A_2778, %sign3A_2781 : i32
    %ne3A_2783 = arith.cmpi ne, %sign3A_2775, %sign3A_2782 : i32
    %rem3A_2784 = arith.remsi %reduce_min3A_2766, %jit3A_2767 : i32
    %ne3A_2785 = arith.constant 0 : i32
    %ne3A_2786 = arith.cmpi ne, %rem3A_2784, %ne3A_2785 : i32
    %and3A_2787 = arith.andi %ne3A_2783, %ne3A_2786 : i1
    %sub3A_2788 = arith.constant 1 : i32
    %sub3A_2789 = arith.subi %div3A_2768, %sub3A_2788 : i32
    %select_n3A_2790 = arith.select %and3A_2787, %sub3A_2789, %div3A_2768 : i32
    %mul3A_2791 = arith.constant 8 : i32
    %mul3A_2792 = arith.muli %select_n3A_2790, %mul3A_2791 : i32
    %multiple_of3A_2793 = tpu.assume_multiple %mul3A_2792, 8 : i32
    %sub3A_2794 = arith.subi %reduce_min3A_2766, %multiple_of3A_2793 : i32
    %get3A_2795 = arith.index_cast %multiple_of3A_2793 : i32 to index
    %get3A_2796 = arith.constant 0 : index
    %get3A_2797 = vector.load %arg4[%get3A_2795, %get3A_2796] : memref<728x1440xf32, #tpu.memory_space<vmem>>, vector<8x1440xf32>
    %eq3A_2798 = vector.broadcast %sub3A_2794 : i32 to vector<8x1xi32>
    %eq3A_2799 = arith.cmpi eq, %iota3A_66, %eq3A_2798 : vector<8x1xi32>
    %jit3A_2800 = arith.constant -3.000000e+38 : f32
    %broadcast_in_dim3A_2801 = vector.shape_cast %eq3A_2799 : vector<8x1xi1> to vector<8x1xi1>
    %broadcast_in_dim3A_2802 = vector.broadcast %broadcast_in_dim3A_2801 : vector<8x1xi1> to vector<8x1440xi1>
    %broadcast_in_dim3A_2803 = vector.broadcast %jit3A_2800 : f32 to vector<8x1440xf32>
    %select_n3A_2804 = arith.select %broadcast_in_dim3A_2802, %get3A_2797, %broadcast_in_dim3A_2803 : vector<8x1440xi1>, vector<8x1440xf32>
    %reduce_max3A_2805 = vector.shape_cast %select_n3A_2804 : vector<8x1440xf32> to vector<1x8x1440xf32>
    %reduce_max3A_2806 = arith.constant dense<0xFF800000> : vector<1xf32>
    %reduce_max3A_2807 = vector.multi_reduction <maximumf>, %reduce_max3A_2805, %reduce_max3A_2806 [1, 2] : vector<1x8x1440xf32> to vector<1xf32>
    %reduce_max3A_2808 = vector.shape_cast %reduce_max3A_2807 : vector<1xf32> to vector<1x1x1xf32>
    %reduce_max3A_2809 = vector.extract %reduce_max3A_2808[0, 0, 0] : f32 from vector<1x1x1xf32>
    %eq3A_2810 = vector.broadcast %reduce_max3A_2809 : f32 to vector<8x1440xf32>
    %eq3A_2811 = arith.cmpf oeq, %select_n3A_2804, %eq3A_2810 : vector<8x1440xf32>
    %jit3A_2812 = arith.constant 1440 : i32
    %broadcast_in_dim3A_2813 = vector.broadcast %jit3A_2812 : i32 to vector<8x1440xi32>
    %select_n3A_2814 = arith.select %eq3A_2811, %iota3A_67, %broadcast_in_dim3A_2813 : vector<8x1440xi1>, vector<8x1440xi32>
    %reduce_min3A_2815 = vector.shape_cast %select_n3A_2814 : vector<8x1440xi32> to vector<1x8x1440xi32>
    %reduce_min3A_2816 = arith.constant dense<2147483647> : vector<1xi32>
    %reduce_min3A_2817 = vector.multi_reduction <minsi>, %reduce_min3A_2815, %reduce_min3A_2816 [1, 2] : vector<1x8x1440xi32> to vector<1xi32>
    %reduce_min3A_2818 = vector.shape_cast %reduce_min3A_2817 : vector<1xi32> to vector<1x1x1xi32>
    %reduce_min3A_2819 = vector.extract %reduce_min3A_2818[0, 0, 0] : i32 from vector<1x1x1xi32>
    %eq3A_2820 = vector.broadcast %reduce_min3A_2819 : i32 to vector<8x1440xi32>
    %eq3A_2821 = arith.cmpi eq, %iota3A_67, %eq3A_2820 : vector<8x1440xi32>
    %and3A_2822 = vector.broadcast %eq3A_2799 : vector<8x1xi1> to vector<8x1440xi1>
    %and3A_2823 = arith.andi %and3A_2822, %eq3A_2821 : vector<8x1440xi1>
    %jit3A_2824 = arith.constant -3.000000e+38 : f32
    %broadcast_in_dim3A_2825 = vector.broadcast %jit3A_2824 : f32 to vector<8x1440xf32>
    %select_n3A_2826 = arith.select %and3A_2823, %broadcast_in_dim3A_2825, %get3A_2797 : vector<8x1440xi1>, vector<8x1440xf32>
    %swap3A_2827 = arith.index_cast %multiple_of3A_2793 : i32 to index
    %swap3A_2828 = arith.constant 0 : index
    %swap3A_2829 = vector.load %arg4[%swap3A_2827, %swap3A_2828] : memref<728x1440xf32, #tpu.memory_space<vmem>>, vector<8x1440xf32>
    tpu.vector_store %arg4[%swap3A_2827, %swap3A_2828], %select_n3A_2826 {strides = array<i32>} : memref<728x1440xf32, #tpu.memory_space<vmem>>, vector<8x1440xf32>,
    %reduce_max3A_2830 = arith.constant dense<0xFF800000> : vector<8xf32>
    %reduce_max3A_2831 = vector.multi_reduction <maximumf>, %select_n3A_2826, %reduce_max3A_2830 [1] : vector<8x1440xf32> to vector<8xf32>
    %broadcast_in_dim3A_2832 = vector.shape_cast %reduce_max3A_2831 : vector<8xf32> to vector<8x1xf32>
    %swap3A_2833 = arith.index_cast %multiple_of3A_2793 : i32 to index
    %swap3A_2834 = arith.constant 0 : index
    %swap3A_2835 = vector.load %arg5[%swap3A_2833, %swap3A_2834] : memref<728x1xf32, #tpu.memory_space<vmem>>, vector<8x1xf32>
    tpu.vector_store %arg5[%swap3A_2833, %swap3A_2834], %broadcast_in_dim3A_2832 {strides = array<i32>} : memref<728x1xf32, #tpu.memory_space<vmem>>, vector<8x1xf32>,
    %eq3A_2836 = arith.constant 0 : i32
    %eq3A_2837 = vector.broadcast %eq3A_2836 : i32 to vector<1x8xi32>
    %eq3A_2838 = arith.cmpi eq, %iota3A_68, %eq3A_2837 : vector<1x8xi32>
    %convert_element_type3A_2839 = arith.sitofp %reduce_min3A_2766 : i32 to f32
    %eq3A_2840 = arith.constant 1 : i32
    %eq3A_2841 = vector.broadcast %eq3A_2840 : i32 to vector<1x8xi32>
    %eq3A_2842 = arith.cmpi eq, %iota3A_68, %eq3A_2841 : vector<1x8xi32>
    %convert_element_type3A_2843 = arith.sitofp %reduce_min3A_2819 : i32 to f32
    %eq3A_2844 = arith.constant 2 : i32
    %eq3A_2845 = vector.broadcast %eq3A_2844 : i32 to vector<1x8xi32>
    %eq3A_2846 = arith.cmpi eq, %iota3A_68, %eq3A_2845 : vector<1x8xi32>
    %jit3A_2847 = arith.constant 0.000000e+00 : f32
    %broadcast_in_dim3A_2848 = vector.broadcast %reduce_max3A_2756 : f32 to vector<1x8xf32>
    %broadcast_in_dim3A_2849 = vector.broadcast %jit3A_2847 : f32 to vector<1x8xf32>
    %select_n3A_2850 = arith.select %eq3A_2846, %broadcast_in_dim3A_2848, %broadcast_in_dim3A_2849 : vector<1x8xi1>, vector<1x8xf32>
    %broadcast_in_dim3A_2851 = vector.broadcast %convert_element_type3A_2843 : f32 to vector<1x8xf32>
    %select_n3A_2852 = arith.select %eq3A_2842, %broadcast_in_dim3A_2851, %select_n3A_2850 : vector<1x8xi1>, vector<1x8xf32>
    %broadcast_in_dim3A_2853 = vector.broadcast %convert_element_type3A_2839 : f32 to vector<1x8xf32>
    %select_n3A_2854 = arith.select %eq3A_2838, %broadcast_in_dim3A_2853, %select_n3A_2852 : vector<1x8xi1>, vector<1x8xf32>
    %swap3A_2855 = arith.constant 0 : index
    %swap3A_2856 = arith.constant 24 : index
    %swap3A_2857 = arith.constant 0 : index
    %swap3A_2858 = vector.load %arg3[%swap3A_2855, %swap3A_2856, %swap3A_2857] : memref<1x64x8xf32, #tpu.memory_space<vmem>>, vector<1x1x8xf32>
    %swap3A_2859 = vector.shape_cast %swap3A_2858 : vector<1x1x8xf32> to vector<1x8xf32>
    %swap3A_2860 = vector.shape_cast %select_n3A_2854 : vector<1x8xf32> to vector<1x1x8xf32>
    tpu.vector_store %arg3[%swap3A_2855, %swap3A_2856, %swap3A_2857], %swap3A_2860 {strides = array<i32>} : memref<1x64x8xf32, #tpu.memory_space<vmem>>, vector<1x1x8xf32>,
    %get3A_2861 = arith.constant 0 : index
    %get3A_2862 = arith.constant 0 : index
    %get3A_2863 = vector.load %arg5[%get3A_2861, %get3A_2862] : memref<728x1xf32, #tpu.memory_space<vmem>>, vector<728x1xf32>
    %reduce_max3A_2864 = vector.shape_cast %get3A_2863 : vector<728x1xf32> to vector<1x728x1xf32>
    %reduce_max3A_2865 = arith.constant dense<0xFF800000> : vector<1xf32>
    %reduce_max3A_2866 = vector.multi_reduction <maximumf>, %reduce_max3A_2864, %reduce_max3A_2865 [1, 2] : vector<1x728x1xf32> to vector<1xf32>
    %reduce_max3A_2867 = vector.shape_cast %reduce_max3A_2866 : vector<1xf32> to vector<1x1x1xf32>
    %reduce_max3A_2868 = vector.extract %reduce_max3A_2867[0, 0, 0] : f32 from vector<1x1x1xf32>
    %eq3A_2869 = vector.broadcast %reduce_max3A_2868 : f32 to vector<728x1xf32>
    %eq3A_2870 = arith.cmpf oeq, %get3A_2863, %eq3A_2869 : vector<728x1xf32>
    %jit3A_2871 = arith.constant 728 : i32
    %broadcast_in_dim3A_2872 = vector.broadcast %jit3A_2871 : i32 to vector<728x1xi32>
    %select_n3A_2873 = arith.select %eq3A_2870, %iota3A, %broadcast_in_dim3A_2872 : vector<728x1xi1>, vector<728x1xi32>
    %reduce_min3A_2874 = vector.shape_cast %select_n3A_2873 : vector<728x1xi32> to vector<1x728x1xi32>
    %reduce_min3A_2875 = arith.constant dense<2147483647> : vector<1xi32>
    %reduce_min3A_2876 = vector.multi_reduction <minsi>, %reduce_min3A_2874, %reduce_min3A_2875 [1, 2] : vector<1x728x1xi32> to vector<1xi32>
    %reduce_min3A_2877 = vector.shape_cast %reduce_min3A_2876 : vector<1xi32> to vector<1x1x1xi32>
    %reduce_min3A_2878 = vector.extract %reduce_min3A_2877[0, 0, 0] : i32 from vector<1x1x1xi32>
    %jit3A_2879 = arith.constant 8 : i32
    %div3A_2880 = arith.divsi %reduce_min3A_2878, %jit3A_2879 : i32
    %sign3A_2881 = arith.constant 0 : i32
    %sign3A_2882 = arith.cmpi sgt, %reduce_min3A_2878, %sign3A_2881 : i32
    %sign3A_2883 = arith.extui %sign3A_2882 : i1 to i32
    %sign3A_2884 = arith.constant 0 : i32
    %sign3A_2885 = arith.cmpi slt, %reduce_min3A_2878, %sign3A_2884 : i32
    %sign3A_2886 = arith.extui %sign3A_2885 : i1 to i32
    %sign3A_2887 = arith.subi %sign3A_2883, %sign3A_2886 : i32
    %sign3A_2888 = arith.constant 0 : i32
    %sign3A_2889 = arith.cmpi sgt, %jit3A_2879, %sign3A_2888 : i32
    %sign3A_2890 = arith.extui %sign3A_2889 : i1 to i32
    %sign3A_2891 = arith.constant 0 : i32
    %sign3A_2892 = arith.cmpi slt, %jit3A_2879, %sign3A_2891 : i32
    %sign3A_2893 = arith.extui %sign3A_2892 : i1 to i32
    %sign3A_2894 = arith.subi %sign3A_2890, %sign3A_2893 : i32
    %ne3A_2895 = arith.cmpi ne, %sign3A_2887, %sign3A_2894 : i32
    %rem3A_2896 = arith.remsi %reduce_min3A_2878, %jit3A_2879 : i32
    %ne3A_2897 = arith.constant 0 : i32
    %ne3A_2898 = arith.cmpi ne, %rem3A_2896, %ne3A_2897 : i32
    %and3A_2899 = arith.andi %ne3A_2895, %ne3A_2898 : i1
    %sub3A_2900 = arith.constant 1 : i32
    %sub3A_2901 = arith.subi %div3A_2880, %sub3A_2900 : i32
    %select_n3A_2902 = arith.select %and3A_2899, %sub3A_2901, %div3A_2880 : i32
    %mul3A_2903 = arith.constant 8 : i32
    %mul3A_2904 = arith.muli %select_n3A_2902, %mul3A_2903 : i32
    %multiple_of3A_2905 = tpu.assume_multiple %mul3A_2904, 8 : i32
    %sub3A_2906 = arith.subi %reduce_min3A_2878, %multiple_of3A_2905 : i32
    %get3A_2907 = arith.index_cast %multiple_of3A_2905 : i32 to index
    %get3A_2908 = arith.constant 0 : index
    %get3A_2909 = vector.load %arg4[%get3A_2907, %get3A_2908] : memref<728x1440xf32, #tpu.memory_space<vmem>>, vector<8x1440xf32>
    %eq3A_2910 = vector.broadcast %sub3A_2906 : i32 to vector<8x1xi32>
    %eq3A_2911 = arith.cmpi eq, %iota3A_66, %eq3A_2910 : vector<8x1xi32>
    %jit3A_2912 = arith.constant -3.000000e+38 : f32
    %broadcast_in_dim3A_2913 = vector.shape_cast %eq3A_2911 : vector<8x1xi1> to vector<8x1xi1>
    %broadcast_in_dim3A_2914 = vector.broadcast %broadcast_in_dim3A_2913 : vector<8x1xi1> to vector<8x1440xi1>
    %broadcast_in_dim3A_2915 = vector.broadcast %jit3A_2912 : f32 to vector<8x1440xf32>
    %select_n3A_2916 = arith.select %broadcast_in_dim3A_2914, %get3A_2909, %broadcast_in_dim3A_2915 : vector<8x1440xi1>, vector<8x1440xf32>
    %reduce_max3A_2917 = vector.shape_cast %select_n3A_2916 : vector<8x1440xf32> to vector<1x8x1440xf32>
    %reduce_max3A_2918 = arith.constant dense<0xFF800000> : vector<1xf32>
    %reduce_max3A_2919 = vector.multi_reduction <maximumf>, %reduce_max3A_2917, %reduce_max3A_2918 [1, 2] : vector<1x8x1440xf32> to vector<1xf32>
    %reduce_max3A_2920 = vector.shape_cast %reduce_max3A_2919 : vector<1xf32> to vector<1x1x1xf32>
    %reduce_max3A_2921 = vector.extract %reduce_max3A_2920[0, 0, 0] : f32 from vector<1x1x1xf32>
    %eq3A_2922 = vector.broadcast %reduce_max3A_2921 : f32 to vector<8x1440xf32>
    %eq3A_2923 = arith.cmpf oeq, %select_n3A_2916, %eq3A_2922 : vector<8x1440xf32>
    %jit3A_2924 = arith.constant 1440 : i32
    %broadcast_in_dim3A_2925 = vector.broadcast %jit3A_2924 : i32 to vector<8x1440xi32>
    %select_n3A_2926 = arith.select %eq3A_2923, %iota3A_67, %broadcast_in_dim3A_2925 : vector<8x1440xi1>, vector<8x1440xi32>
    %reduce_min3A_2927 = vector.shape_cast %select_n3A_2926 : vector<8x1440xi32> to vector<1x8x1440xi32>
    %reduce_min3A_2928 = arith.constant dense<2147483647> : vector<1xi32>
    %reduce_min3A_2929 = vector.multi_reduction <minsi>, %reduce_min3A_2927, %reduce_min3A_2928 [1, 2] : vector<1x8x1440xi32> to vector<1xi32>
    %reduce_min3A_2930 = vector.shape_cast %reduce_min3A_2929 : vector<1xi32> to vector<1x1x1xi32>
    %reduce_min3A_2931 = vector.extract %reduce_min3A_2930[0, 0, 0] : i32 from vector<1x1x1xi32>
    %eq3A_2932 = vector.broadcast %reduce_min3A_2931 : i32 to vector<8x1440xi32>
    %eq3A_2933 = arith.cmpi eq, %iota3A_67, %eq3A_2932 : vector<8x1440xi32>
    %and3A_2934 = vector.broadcast %eq3A_2911 : vector<8x1xi1> to vector<8x1440xi1>
    %and3A_2935 = arith.andi %and3A_2934, %eq3A_2933 : vector<8x1440xi1>
    %jit3A_2936 = arith.constant -3.000000e+38 : f32
    %broadcast_in_dim3A_2937 = vector.broadcast %jit3A_2936 : f32 to vector<8x1440xf32>
    %select_n3A_2938 = arith.select %and3A_2935, %broadcast_in_dim3A_2937, %get3A_2909 : vector<8x1440xi1>, vector<8x1440xf32>
    %swap3A_2939 = arith.index_cast %multiple_of3A_2905 : i32 to index
    %swap3A_2940 = arith.constant 0 : index
    %swap3A_2941 = vector.load %arg4[%swap3A_2939, %swap3A_2940] : memref<728x1440xf32, #tpu.memory_space<vmem>>, vector<8x1440xf32>
    tpu.vector_store %arg4[%swap3A_2939, %swap3A_2940], %select_n3A_2938 {strides = array<i32>} : memref<728x1440xf32, #tpu.memory_space<vmem>>, vector<8x1440xf32>,
    %reduce_max3A_2942 = arith.constant dense<0xFF800000> : vector<8xf32>
    %reduce_max3A_2943 = vector.multi_reduction <maximumf>, %select_n3A_2938, %reduce_max3A_2942 [1] : vector<8x1440xf32> to vector<8xf32>
    %broadcast_in_dim3A_2944 = vector.shape_cast %reduce_max3A_2943 : vector<8xf32> to vector<8x1xf32>
    %swap3A_2945 = arith.index_cast %multiple_of3A_2905 : i32 to index
    %swap3A_2946 = arith.constant 0 : index
    %swap3A_2947 = vector.load %arg5[%swap3A_2945, %swap3A_2946] : memref<728x1xf32, #tpu.memory_space<vmem>>, vector<8x1xf32>
    tpu.vector_store %arg5[%swap3A_2945, %swap3A_2946], %broadcast_in_dim3A_2944 {strides = array<i32>} : memref<728x1xf32, #tpu.memory_space<vmem>>, vector<8x1xf32>,
    %eq3A_2948 = arith.constant 0 : i32
    %eq3A_2949 = vector.broadcast %eq3A_2948 : i32 to vector<1x8xi32>
    %eq3A_2950 = arith.cmpi eq, %iota3A_68, %eq3A_2949 : vector<1x8xi32>
    %convert_element_type3A_2951 = arith.sitofp %reduce_min3A_2878 : i32 to f32
    %eq3A_2952 = arith.constant 1 : i32
    %eq3A_2953 = vector.broadcast %eq3A_2952 : i32 to vector<1x8xi32>
    %eq3A_2954 = arith.cmpi eq, %iota3A_68, %eq3A_2953 : vector<1x8xi32>
    %convert_element_type3A_2955 = arith.sitofp %reduce_min3A_2931 : i32 to f32
    %eq3A_2956 = arith.constant 2 : i32
    %eq3A_2957 = vector.broadcast %eq3A_2956 : i32 to vector<1x8xi32>
    %eq3A_2958 = arith.cmpi eq, %iota3A_68, %eq3A_2957 : vector<1x8xi32>
    %jit3A_2959 = arith.constant 0.000000e+00 : f32
    %broadcast_in_dim3A_2960 = vector.broadcast %reduce_max3A_2868 : f32 to vector<1x8xf32>
    %broadcast_in_dim3A_2961 = vector.broadcast %jit3A_2959 : f32 to vector<1x8xf32>
    %select_n3A_2962 = arith.select %eq3A_2958, %broadcast_in_dim3A_2960, %broadcast_in_dim3A_2961 : vector<1x8xi1>, vector<1x8xf32>
    %broadcast_in_dim3A_2963 = vector.broadcast %convert_element_type3A_2955 : f32 to vector<1x8xf32>
    %select_n3A_2964 = arith.select %eq3A_2954, %broadcast_in_dim3A_2963, %select_n3A_2962 : vector<1x8xi1>, vector<1x8xf32>
    %broadcast_in_dim3A_2965 = vector.broadcast %convert_element_type3A_2951 : f32 to vector<1x8xf32>
    %select_n3A_2966 = arith.select %eq3A_2950, %broadcast_in_dim3A_2965, %select_n3A_2964 : vector<1x8xi1>, vector<1x8xf32>
    %swap3A_2967 = arith.constant 0 : index
    %swap3A_2968 = arith.constant 25 : index
    %swap3A_2969 = arith.constant 0 : index
    %swap3A_2970 = vector.load %arg3[%swap3A_2967, %swap3A_2968, %swap3A_2969] : memref<1x64x8xf32, #tpu.memory_space<vmem>>, vector<1x1x8xf32>
    %swap3A_2971 = vector.shape_cast %swap3A_2970 : vector<1x1x8xf32> to vector<1x8xf32>
    %swap3A_2972 = vector.shape_cast %select_n3A_2966 : vector<1x8xf32> to vector<1x1x8xf32>
    tpu.vector_store %arg3[%swap3A_2967, %swap3A_2968, %swap3A_2969], %swap3A_2972 {strides = array<i32>} : memref<1x64x8xf32, #tpu.memory_space<vmem>>, vector<1x1x8xf32>,
    %get3A_2973 = arith.constant 0 : index
    %get3A_2974 = arith.constant 0 : index
    %get3A_2975 = vector.load %arg5[%get3A_2973, %get3A_2974] : memref<728x1xf32, #tpu.memory_space<vmem>>, vector<728x1xf32>
    %reduce_max3A_2976 = vector.shape_cast %get3A_2975 : vector<728x1xf32> to vector<1x728x1xf32>
    %reduce_max3A_2977 = arith.constant dense<0xFF800000> : vector<1xf32>
    %reduce_max3A_2978 = vector.multi_reduction <maximumf>, %reduce_max3A_2976, %reduce_max3A_2977 [1, 2] : vector<1x728x1xf32> to vector<1xf32>
    %reduce_max3A_2979 = vector.shape_cast %reduce_max3A_2978 : vector<1xf32> to vector<1x1x1xf32>
    %reduce_max3A_2980 = vector.extract %reduce_max3A_2979[0, 0, 0] : f32 from vector<1x1x1xf32>
    %eq3A_2981 = vector.broadcast %reduce_max3A_2980 : f32 to vector<728x1xf32>
    %eq3A_2982 = arith.cmpf oeq, %get3A_2975, %eq3A_2981 : vector<728x1xf32>
    %jit3A_2983 = arith.constant 728 : i32
    %broadcast_in_dim3A_2984 = vector.broadcast %jit3A_2983 : i32 to vector<728x1xi32>
    %select_n3A_2985 = arith.select %eq3A_2982, %iota3A, %broadcast_in_dim3A_2984 : vector<728x1xi1>, vector<728x1xi32>
    %reduce_min3A_2986 = vector.shape_cast %select_n3A_2985 : vector<728x1xi32> to vector<1x728x1xi32>
    %reduce_min3A_2987 = arith.constant dense<2147483647> : vector<1xi32>
    %reduce_min3A_2988 = vector.multi_reduction <minsi>, %reduce_min3A_2986, %reduce_min3A_2987 [1, 2] : vector<1x728x1xi32> to vector<1xi32>
    %reduce_min3A_2989 = vector.shape_cast %reduce_min3A_2988 : vector<1xi32> to vector<1x1x1xi32>
    %reduce_min3A_2990 = vector.extract %reduce_min3A_2989[0, 0, 0] : i32 from vector<1x1x1xi32>
    %jit3A_2991 = arith.constant 8 : i32
    %div3A_2992 = arith.divsi %reduce_min3A_2990, %jit3A_2991 : i32
    %sign3A_2993 = arith.constant 0 : i32
    %sign3A_2994 = arith.cmpi sgt, %reduce_min3A_2990, %sign3A_2993 : i32
    %sign3A_2995 = arith.extui %sign3A_2994 : i1 to i32
    %sign3A_2996 = arith.constant 0 : i32
    %sign3A_2997 = arith.cmpi slt, %reduce_min3A_2990, %sign3A_2996 : i32
    %sign3A_2998 = arith.extui %sign3A_2997 : i1 to i32
    %sign3A_2999 = arith.subi %sign3A_2995, %sign3A_2998 : i32
    %sign3A_3000 = arith.constant 0 : i32
    %sign3A_3001 = arith.cmpi sgt, %jit3A_2991, %sign3A_3000 : i32
    %sign3A_3002 = arith.extui %sign3A_3001 : i1 to i32
    %sign3A_3003 = arith.constant 0 : i32
    %sign3A_3004 = arith.cmpi slt, %jit3A_2991, %sign3A_3003 : i32
    %sign3A_3005 = arith.extui %sign3A_3004 : i1 to i32
    %sign3A_3006 = arith.subi %sign3A_3002, %sign3A_3005 : i32
    %ne3A_3007 = arith.cmpi ne, %sign3A_2999, %sign3A_3006 : i32
    %rem3A_3008 = arith.remsi %reduce_min3A_2990, %jit3A_2991 : i32
    %ne3A_3009 = arith.constant 0 : i32
    %ne3A_3010 = arith.cmpi ne, %rem3A_3008, %ne3A_3009 : i32
    %and3A_3011 = arith.andi %ne3A_3007, %ne3A_3010 : i1
    %sub3A_3012 = arith.constant 1 : i32
    %sub3A_3013 = arith.subi %div3A_2992, %sub3A_3012 : i32
    %select_n3A_3014 = arith.select %and3A_3011, %sub3A_3013, %div3A_2992 : i32
    %mul3A_3015 = arith.constant 8 : i32
    %mul3A_3016 = arith.muli %select_n3A_3014, %mul3A_3015 : i32
    %multiple_of3A_3017 = tpu.assume_multiple %mul3A_3016, 8 : i32
    %sub3A_3018 = arith.subi %reduce_min3A_2990, %multiple_of3A_3017 : i32
    %get3A_3019 = arith.index_cast %multiple_of3A_3017 : i32 to index
    %get3A_3020 = arith.constant 0 : index
    %get3A_3021 = vector.load %arg4[%get3A_3019, %get3A_3020] : memref<728x1440xf32, #tpu.memory_space<vmem>>, vector<8x1440xf32>
    %eq3A_3022 = vector.broadcast %sub3A_3018 : i32 to vector<8x1xi32>
    %eq3A_3023 = arith.cmpi eq, %iota3A_66, %eq3A_3022 : vector<8x1xi32>
    %jit3A_3024 = arith.constant -3.000000e+38 : f32
    %broadcast_in_dim3A_3025 = vector.shape_cast %eq3A_3023 : vector<8x1xi1> to vector<8x1xi1>
    %broadcast_in_dim3A_3026 = vector.broadcast %broadcast_in_dim3A_3025 : vector<8x1xi1> to vector<8x1440xi1>
    %broadcast_in_dim3A_3027 = vector.broadcast %jit3A_3024 : f32 to vector<8x1440xf32>
    %select_n3A_3028 = arith.select %broadcast_in_dim3A_3026, %get3A_3021, %broadcast_in_dim3A_3027 : vector<8x1440xi1>, vector<8x1440xf32>
    %reduce_max3A_3029 = vector.shape_cast %select_n3A_3028 : vector<8x1440xf32> to vector<1x8x1440xf32>
    %reduce_max3A_3030 = arith.constant dense<0xFF800000> : vector<1xf32>
    %reduce_max3A_3031 = vector.multi_reduction <maximumf>, %reduce_max3A_3029, %reduce_max3A_3030 [1, 2] : vector<1x8x1440xf32> to vector<1xf32>
    %reduce_max3A_3032 = vector.shape_cast %reduce_max3A_3031 : vector<1xf32> to vector<1x1x1xf32>
    %reduce_max3A_3033 = vector.extract %reduce_max3A_3032[0, 0, 0] : f32 from vector<1x1x1xf32>
    %eq3A_3034 = vector.broadcast %reduce_max3A_3033 : f32 to vector<8x1440xf32>
    %eq3A_3035 = arith.cmpf oeq, %select_n3A_3028, %eq3A_3034 : vector<8x1440xf32>
    %jit3A_3036 = arith.constant 1440 : i32
    %broadcast_in_dim3A_3037 = vector.broadcast %jit3A_3036 : i32 to vector<8x1440xi32>
    %select_n3A_3038 = arith.select %eq3A_3035, %iota3A_67, %broadcast_in_dim3A_3037 : vector<8x1440xi1>, vector<8x1440xi32>
    %reduce_min3A_3039 = vector.shape_cast %select_n3A_3038 : vector<8x1440xi32> to vector<1x8x1440xi32>
    %reduce_min3A_3040 = arith.constant dense<2147483647> : vector<1xi32>
    %reduce_min3A_3041 = vector.multi_reduction <minsi>, %reduce_min3A_3039, %reduce_min3A_3040 [1, 2] : vector<1x8x1440xi32> to vector<1xi32>
    %reduce_min3A_3042 = vector.shape_cast %reduce_min3A_3041 : vector<1xi32> to vector<1x1x1xi32>
    %reduce_min3A_3043 = vector.extract %reduce_min3A_3042[0, 0, 0] : i32 from vector<1x1x1xi32>
    %eq3A_3044 = vector.broadcast %reduce_min3A_3043 : i32 to vector<8x1440xi32>
    %eq3A_3045 = arith.cmpi eq, %iota3A_67, %eq3A_3044 : vector<8x1440xi32>
    %and3A_3046 = vector.broadcast %eq3A_3023 : vector<8x1xi1> to vector<8x1440xi1>
    %and3A_3047 = arith.andi %and3A_3046, %eq3A_3045 : vector<8x1440xi1>
    %jit3A_3048 = arith.constant -3.000000e+38 : f32
    %broadcast_in_dim3A_3049 = vector.broadcast %jit3A_3048 : f32 to vector<8x1440xf32>
    %select_n3A_3050 = arith.select %and3A_3047, %broadcast_in_dim3A_3049, %get3A_3021 : vector<8x1440xi1>, vector<8x1440xf32>
    %swap3A_3051 = arith.index_cast %multiple_of3A_3017 : i32 to index
    %swap3A_3052 = arith.constant 0 : index
    %swap3A_3053 = vector.load %arg4[%swap3A_3051, %swap3A_3052] : memref<728x1440xf32, #tpu.memory_space<vmem>>, vector<8x1440xf32>
    tpu.vector_store %arg4[%swap3A_3051, %swap3A_3052], %select_n3A_3050 {strides = array<i32>} : memref<728x1440xf32, #tpu.memory_space<vmem>>, vector<8x1440xf32>,
    %reduce_max3A_3054 = arith.constant dense<0xFF800000> : vector<8xf32>
    %reduce_max3A_3055 = vector.multi_reduction <maximumf>, %select_n3A_3050, %reduce_max3A_3054 [1] : vector<8x1440xf32> to vector<8xf32>
    %broadcast_in_dim3A_3056 = vector.shape_cast %reduce_max3A_3055 : vector<8xf32> to vector<8x1xf32>
    %swap3A_3057 = arith.index_cast %multiple_of3A_3017 : i32 to index
    %swap3A_3058 = arith.constant 0 : index
    %swap3A_3059 = vector.load %arg5[%swap3A_3057, %swap3A_3058] : memref<728x1xf32, #tpu.memory_space<vmem>>, vector<8x1xf32>
    tpu.vector_store %arg5[%swap3A_3057, %swap3A_3058], %broadcast_in_dim3A_3056 {strides = array<i32>} : memref<728x1xf32, #tpu.memory_space<vmem>>, vector<8x1xf32>,
    %eq3A_3060 = arith.constant 0 : i32
    %eq3A_3061 = vector.broadcast %eq3A_3060 : i32 to vector<1x8xi32>
    %eq3A_3062 = arith.cmpi eq, %iota3A_68, %eq3A_3061 : vector<1x8xi32>
    %convert_element_type3A_3063 = arith.sitofp %reduce_min3A_2990 : i32 to f32
    %eq3A_3064 = arith.constant 1 : i32
    %eq3A_3065 = vector.broadcast %eq3A_3064 : i32 to vector<1x8xi32>
    %eq3A_3066 = arith.cmpi eq, %iota3A_68, %eq3A_3065 : vector<1x8xi32>
    %convert_element_type3A_3067 = arith.sitofp %reduce_min3A_3043 : i32 to f32
    %eq3A_3068 = arith.constant 2 : i32
    %eq3A_3069 = vector.broadcast %eq3A_3068 : i32 to vector<1x8xi32>
    %eq3A_3070 = arith.cmpi eq, %iota3A_68, %eq3A_3069 : vector<1x8xi32>
    %jit3A_3071 = arith.constant 0.000000e+00 : f32
    %broadcast_in_dim3A_3072 = vector.broadcast %reduce_max3A_2980 : f32 to vector<1x8xf32>
    %broadcast_in_dim3A_3073 = vector.broadcast %jit3A_3071 : f32 to vector<1x8xf32>
    %select_n3A_3074 = arith.select %eq3A_3070, %broadcast_in_dim3A_3072, %broadcast_in_dim3A_3073 : vector<1x8xi1>, vector<1x8xf32>
    %broadcast_in_dim3A_3075 = vector.broadcast %convert_element_type3A_3067 : f32 to vector<1x8xf32>
    %select_n3A_3076 = arith.select %eq3A_3066, %broadcast_in_dim3A_3075, %select_n3A_3074 : vector<1x8xi1>, vector<1x8xf32>
    %broadcast_in_dim3A_3077 = vector.broadcast %convert_element_type3A_3063 : f32 to vector<1x8xf32>
    %select_n3A_3078 = arith.select %eq3A_3062, %broadcast_in_dim3A_3077, %select_n3A_3076 : vector<1x8xi1>, vector<1x8xf32>
    %swap3A_3079 = arith.constant 0 : index
    %swap3A_3080 = arith.constant 26 : index
    %swap3A_3081 = arith.constant 0 : index
    %swap3A_3082 = vector.load %arg3[%swap3A_3079, %swap3A_3080, %swap3A_3081] : memref<1x64x8xf32, #tpu.memory_space<vmem>>, vector<1x1x8xf32>
    %swap3A_3083 = vector.shape_cast %swap3A_3082 : vector<1x1x8xf32> to vector<1x8xf32>
    %swap3A_3084 = vector.shape_cast %select_n3A_3078 : vector<1x8xf32> to vector<1x1x8xf32>
    tpu.vector_store %arg3[%swap3A_3079, %swap3A_3080, %swap3A_3081], %swap3A_3084 {strides = array<i32>} : memref<1x64x8xf32, #tpu.memory_space<vmem>>, vector<1x1x8xf32>,
    %get3A_3085 = arith.constant 0 : index
    %get3A_3086 = arith.constant 0 : index
    %get3A_3087 = vector.load %arg5[%get3A_3085, %get3A_3086] : memref<728x1xf32, #tpu.memory_space<vmem>>, vector<728x1xf32>
    %reduce_max3A_3088 = vector.shape_cast %get3A_3087 : vector<728x1xf32> to vector<1x728x1xf32>
    %reduce_max3A_3089 = arith.constant dense<0xFF800000> : vector<1xf32>
    %reduce_max3A_3090 = vector.multi_reduction <maximumf>, %reduce_max3A_3088, %reduce_max3A_3089 [1, 2] : vector<1x728x1xf32> to vector<1xf32>
    %reduce_max3A_3091 = vector.shape_cast %reduce_max3A_3090 : vector<1xf32> to vector<1x1x1xf32>
    %reduce_max3A_3092 = vector.extract %reduce_max3A_3091[0, 0, 0] : f32 from vector<1x1x1xf32>
    %eq3A_3093 = vector.broadcast %reduce_max3A_3092 : f32 to vector<728x1xf32>
    %eq3A_3094 = arith.cmpf oeq, %get3A_3087, %eq3A_3093 : vector<728x1xf32>
    %jit3A_3095 = arith.constant 728 : i32
    %broadcast_in_dim3A_3096 = vector.broadcast %jit3A_3095 : i32 to vector<728x1xi32>
    %select_n3A_3097 = arith.select %eq3A_3094, %iota3A, %broadcast_in_dim3A_3096 : vector<728x1xi1>, vector<728x1xi32>
    %reduce_min3A_3098 = vector.shape_cast %select_n3A_3097 : vector<728x1xi32> to vector<1x728x1xi32>
    %reduce_min3A_3099 = arith.constant dense<2147483647> : vector<1xi32>
    %reduce_min3A_3100 = vector.multi_reduction <minsi>, %reduce_min3A_3098, %reduce_min3A_3099 [1, 2] : vector<1x728x1xi32> to vector<1xi32>
    %reduce_min3A_3101 = vector.shape_cast %reduce_min3A_3100 : vector<1xi32> to vector<1x1x1xi32>
    %reduce_min3A_3102 = vector.extract %reduce_min3A_3101[0, 0, 0] : i32 from vector<1x1x1xi32>
    %jit3A_3103 = arith.constant 8 : i32
    %div3A_3104 = arith.divsi %reduce_min3A_3102, %jit3A_3103 : i32
    %sign3A_3105 = arith.constant 0 : i32
    %sign3A_3106 = arith.cmpi sgt, %reduce_min3A_3102, %sign3A_3105 : i32
    %sign3A_3107 = arith.extui %sign3A_3106 : i1 to i32
    %sign3A_3108 = arith.constant 0 : i32
    %sign3A_3109 = arith.cmpi slt, %reduce_min3A_3102, %sign3A_3108 : i32
    %sign3A_3110 = arith.extui %sign3A_3109 : i1 to i32
    %sign3A_3111 = arith.subi %sign3A_3107, %sign3A_3110 : i32
    %sign3A_3112 = arith.constant 0 : i32
    %sign3A_3113 = arith.cmpi sgt, %jit3A_3103, %sign3A_3112 : i32
    %sign3A_3114 = arith.extui %sign3A_3113 : i1 to i32
    %sign3A_3115 = arith.constant 0 : i32
    %sign3A_3116 = arith.cmpi slt, %jit3A_3103, %sign3A_3115 : i32
    %sign3A_3117 = arith.extui %sign3A_3116 : i1 to i32
    %sign3A_3118 = arith.subi %sign3A_3114, %sign3A_3117 : i32
    %ne3A_3119 = arith.cmpi ne, %sign3A_3111, %sign3A_3118 : i32
    %rem3A_3120 = arith.remsi %reduce_min3A_3102, %jit3A_3103 : i32
    %ne3A_3121 = arith.constant 0 : i32
    %ne3A_3122 = arith.cmpi ne, %rem3A_3120, %ne3A_3121 : i32
    %and3A_3123 = arith.andi %ne3A_3119, %ne3A_3122 : i1
    %sub3A_3124 = arith.constant 1 : i32
    %sub3A_3125 = arith.subi %div3A_3104, %sub3A_3124 : i32
    %select_n3A_3126 = arith.select %and3A_3123, %sub3A_3125, %div3A_3104 : i32
    %mul3A_3127 = arith.constant 8 : i32
    %mul3A_3128 = arith.muli %select_n3A_3126, %mul3A_3127 : i32
    %multiple_of3A_3129 = tpu.assume_multiple %mul3A_3128, 8 : i32
    %sub3A_3130 = arith.subi %reduce_min3A_3102, %multiple_of3A_3129 : i32
    %get3A_3131 = arith.index_cast %multiple_of3A_3129 : i32 to index
    %get3A_3132 = arith.constant 0 : index
    %get3A_3133 = vector.load %arg4[%get3A_3131, %get3A_3132] : memref<728x1440xf32, #tpu.memory_space<vmem>>, vector<8x1440xf32>
    %eq3A_3134 = vector.broadcast %sub3A_3130 : i32 to vector<8x1xi32>
    %eq3A_3135 = arith.cmpi eq, %iota3A_66, %eq3A_3134 : vector<8x1xi32>
    %jit3A_3136 = arith.constant -3.000000e+38 : f32
    %broadcast_in_dim3A_3137 = vector.shape_cast %eq3A_3135 : vector<8x1xi1> to vector<8x1xi1>
    %broadcast_in_dim3A_3138 = vector.broadcast %broadcast_in_dim3A_3137 : vector<8x1xi1> to vector<8x1440xi1>
    %broadcast_in_dim3A_3139 = vector.broadcast %jit3A_3136 : f32 to vector<8x1440xf32>
    %select_n3A_3140 = arith.select %broadcast_in_dim3A_3138, %get3A_3133, %broadcast_in_dim3A_3139 : vector<8x1440xi1>, vector<8x1440xf32>
    %reduce_max3A_3141 = vector.shape_cast %select_n3A_3140 : vector<8x1440xf32> to vector<1x8x1440xf32>
    %reduce_max3A_3142 = arith.constant dense<0xFF800000> : vector<1xf32>
    %reduce_max3A_3143 = vector.multi_reduction <maximumf>, %reduce_max3A_3141, %reduce_max3A_3142 [1, 2] : vector<1x8x1440xf32> to vector<1xf32>
    %reduce_max3A_3144 = vector.shape_cast %reduce_max3A_3143 : vector<1xf32> to vector<1x1x1xf32>
    %reduce_max3A_3145 = vector.extract %reduce_max3A_3144[0, 0, 0] : f32 from vector<1x1x1xf32>
    %eq3A_3146 = vector.broadcast %reduce_max3A_3145 : f32 to vector<8x1440xf32>
    %eq3A_3147 = arith.cmpf oeq, %select_n3A_3140, %eq3A_3146 : vector<8x1440xf32>
    %jit3A_3148 = arith.constant 1440 : i32
    %broadcast_in_dim3A_3149 = vector.broadcast %jit3A_3148 : i32 to vector<8x1440xi32>
    %select_n3A_3150 = arith.select %eq3A_3147, %iota3A_67, %broadcast_in_dim3A_3149 : vector<8x1440xi1>, vector<8x1440xi32>
    %reduce_min3A_3151 = vector.shape_cast %select_n3A_3150 : vector<8x1440xi32> to vector<1x8x1440xi32>
    %reduce_min3A_3152 = arith.constant dense<2147483647> : vector<1xi32>
    %reduce_min3A_3153 = vector.multi_reduction <minsi>, %reduce_min3A_3151, %reduce_min3A_3152 [1, 2] : vector<1x8x1440xi32> to vector<1xi32>
    %reduce_min3A_3154 = vector.shape_cast %reduce_min3A_3153 : vector<1xi32> to vector<1x1x1xi32>
    %reduce_min3A_3155 = vector.extract %reduce_min3A_3154[0, 0, 0] : i32 from vector<1x1x1xi32>
    %eq3A_3156 = vector.broadcast %reduce_min3A_3155 : i32 to vector<8x1440xi32>
    %eq3A_3157 = arith.cmpi eq, %iota3A_67, %eq3A_3156 : vector<8x1440xi32>
    %and3A_3158 = vector.broadcast %eq3A_3135 : vector<8x1xi1> to vector<8x1440xi1>
    %and3A_3159 = arith.andi %and3A_3158, %eq3A_3157 : vector<8x1440xi1>
    %jit3A_3160 = arith.constant -3.000000e+38 : f32
    %broadcast_in_dim3A_3161 = vector.broadcast %jit3A_3160 : f32 to vector<8x1440xf32>
    %select_n3A_3162 = arith.select %and3A_3159, %broadcast_in_dim3A_3161, %get3A_3133 : vector<8x1440xi1>, vector<8x1440xf32>
    %swap3A_3163 = arith.index_cast %multiple_of3A_3129 : i32 to index
    %swap3A_3164 = arith.constant 0 : index
    %swap3A_3165 = vector.load %arg4[%swap3A_3163, %swap3A_3164] : memref<728x1440xf32, #tpu.memory_space<vmem>>, vector<8x1440xf32>
    tpu.vector_store %arg4[%swap3A_3163, %swap3A_3164], %select_n3A_3162 {strides = array<i32>} : memref<728x1440xf32, #tpu.memory_space<vmem>>, vector<8x1440xf32>,
    %reduce_max3A_3166 = arith.constant dense<0xFF800000> : vector<8xf32>
    %reduce_max3A_3167 = vector.multi_reduction <maximumf>, %select_n3A_3162, %reduce_max3A_3166 [1] : vector<8x1440xf32> to vector<8xf32>
    %broadcast_in_dim3A_3168 = vector.shape_cast %reduce_max3A_3167 : vector<8xf32> to vector<8x1xf32>
    %swap3A_3169 = arith.index_cast %multiple_of3A_3129 : i32 to index
    %swap3A_3170 = arith.constant 0 : index
    %swap3A_3171 = vector.load %arg5[%swap3A_3169, %swap3A_3170] : memref<728x1xf32, #tpu.memory_space<vmem>>, vector<8x1xf32>
    tpu.vector_store %arg5[%swap3A_3169, %swap3A_3170], %broadcast_in_dim3A_3168 {strides = array<i32>} : memref<728x1xf32, #tpu.memory_space<vmem>>, vector<8x1xf32>,
    %eq3A_3172 = arith.constant 0 : i32
    %eq3A_3173 = vector.broadcast %eq3A_3172 : i32 to vector<1x8xi32>
    %eq3A_3174 = arith.cmpi eq, %iota3A_68, %eq3A_3173 : vector<1x8xi32>
    %convert_element_type3A_3175 = arith.sitofp %reduce_min3A_3102 : i32 to f32
    %eq3A_3176 = arith.constant 1 : i32
    %eq3A_3177 = vector.broadcast %eq3A_3176 : i32 to vector<1x8xi32>
    %eq3A_3178 = arith.cmpi eq, %iota3A_68, %eq3A_3177 : vector<1x8xi32>
    %convert_element_type3A_3179 = arith.sitofp %reduce_min3A_3155 : i32 to f32
    %eq3A_3180 = arith.constant 2 : i32
    %eq3A_3181 = vector.broadcast %eq3A_3180 : i32 to vector<1x8xi32>
    %eq3A_3182 = arith.cmpi eq, %iota3A_68, %eq3A_3181 : vector<1x8xi32>
    %jit3A_3183 = arith.constant 0.000000e+00 : f32
    %broadcast_in_dim3A_3184 = vector.broadcast %reduce_max3A_3092 : f32 to vector<1x8xf32>
    %broadcast_in_dim3A_3185 = vector.broadcast %jit3A_3183 : f32 to vector<1x8xf32>
    %select_n3A_3186 = arith.select %eq3A_3182, %broadcast_in_dim3A_3184, %broadcast_in_dim3A_3185 : vector<1x8xi1>, vector<1x8xf32>
    %broadcast_in_dim3A_3187 = vector.broadcast %convert_element_type3A_3179 : f32 to vector<1x8xf32>
    %select_n3A_3188 = arith.select %eq3A_3178, %broadcast_in_dim3A_3187, %select_n3A_3186 : vector<1x8xi1>, vector<1x8xf32>
    %broadcast_in_dim3A_3189 = vector.broadcast %convert_element_type3A_3175 : f32 to vector<1x8xf32>
    %select_n3A_3190 = arith.select %eq3A_3174, %broadcast_in_dim3A_3189, %select_n3A_3188 : vector<1x8xi1>, vector<1x8xf32>
    %swap3A_3191 = arith.constant 0 : index
    %swap3A_3192 = arith.constant 27 : index
    %swap3A_3193 = arith.constant 0 : index
    %swap3A_3194 = vector.load %arg3[%swap3A_3191, %swap3A_3192, %swap3A_3193] : memref<1x64x8xf32, #tpu.memory_space<vmem>>, vector<1x1x8xf32>
    %swap3A_3195 = vector.shape_cast %swap3A_3194 : vector<1x1x8xf32> to vector<1x8xf32>
    %swap3A_3196 = vector.shape_cast %select_n3A_3190 : vector<1x8xf32> to vector<1x1x8xf32>
    tpu.vector_store %arg3[%swap3A_3191, %swap3A_3192, %swap3A_3193], %swap3A_3196 {strides = array<i32>} : memref<1x64x8xf32, #tpu.memory_space<vmem>>, vector<1x1x8xf32>,
    %get3A_3197 = arith.constant 0 : index
    %get3A_3198 = arith.constant 0 : index
    %get3A_3199 = vector.load %arg5[%get3A_3197, %get3A_3198] : memref<728x1xf32, #tpu.memory_space<vmem>>, vector<728x1xf32>
    %reduce_max3A_3200 = vector.shape_cast %get3A_3199 : vector<728x1xf32> to vector<1x728x1xf32>
    %reduce_max3A_3201 = arith.constant dense<0xFF800000> : vector<1xf32>
    %reduce_max3A_3202 = vector.multi_reduction <maximumf>, %reduce_max3A_3200, %reduce_max3A_3201 [1, 2] : vector<1x728x1xf32> to vector<1xf32>
    %reduce_max3A_3203 = vector.shape_cast %reduce_max3A_3202 : vector<1xf32> to vector<1x1x1xf32>
    %reduce_max3A_3204 = vector.extract %reduce_max3A_3203[0, 0, 0] : f32 from vector<1x1x1xf32>
    %eq3A_3205 = vector.broadcast %reduce_max3A_3204 : f32 to vector<728x1xf32>
    %eq3A_3206 = arith.cmpf oeq, %get3A_3199, %eq3A_3205 : vector<728x1xf32>
    %jit3A_3207 = arith.constant 728 : i32
    %broadcast_in_dim3A_3208 = vector.broadcast %jit3A_3207 : i32 to vector<728x1xi32>
    %select_n3A_3209 = arith.select %eq3A_3206, %iota3A, %broadcast_in_dim3A_3208 : vector<728x1xi1>, vector<728x1xi32>
    %reduce_min3A_3210 = vector.shape_cast %select_n3A_3209 : vector<728x1xi32> to vector<1x728x1xi32>
    %reduce_min3A_3211 = arith.constant dense<2147483647> : vector<1xi32>
    %reduce_min3A_3212 = vector.multi_reduction <minsi>, %reduce_min3A_3210, %reduce_min3A_3211 [1, 2] : vector<1x728x1xi32> to vector<1xi32>
    %reduce_min3A_3213 = vector.shape_cast %reduce_min3A_3212 : vector<1xi32> to vector<1x1x1xi32>
    %reduce_min3A_3214 = vector.extract %reduce_min3A_3213[0, 0, 0] : i32 from vector<1x1x1xi32>
    %jit3A_3215 = arith.constant 8 : i32
    %div3A_3216 = arith.divsi %reduce_min3A_3214, %jit3A_3215 : i32
    %sign3A_3217 = arith.constant 0 : i32
    %sign3A_3218 = arith.cmpi sgt, %reduce_min3A_3214, %sign3A_3217 : i32
    %sign3A_3219 = arith.extui %sign3A_3218 : i1 to i32
    %sign3A_3220 = arith.constant 0 : i32
    %sign3A_3221 = arith.cmpi slt, %reduce_min3A_3214, %sign3A_3220 : i32
    %sign3A_3222 = arith.extui %sign3A_3221 : i1 to i32
    %sign3A_3223 = arith.subi %sign3A_3219, %sign3A_3222 : i32
    %sign3A_3224 = arith.constant 0 : i32
    %sign3A_3225 = arith.cmpi sgt, %jit3A_3215, %sign3A_3224 : i32
    %sign3A_3226 = arith.extui %sign3A_3225 : i1 to i32
    %sign3A_3227 = arith.constant 0 : i32
    %sign3A_3228 = arith.cmpi slt, %jit3A_3215, %sign3A_3227 : i32
    %sign3A_3229 = arith.extui %sign3A_3228 : i1 to i32
    %sign3A_3230 = arith.subi %sign3A_3226, %sign3A_3229 : i32
    %ne3A_3231 = arith.cmpi ne, %sign3A_3223, %sign3A_3230 : i32
    %rem3A_3232 = arith.remsi %reduce_min3A_3214, %jit3A_3215 : i32
    %ne3A_3233 = arith.constant 0 : i32
    %ne3A_3234 = arith.cmpi ne, %rem3A_3232, %ne3A_3233 : i32
    %and3A_3235 = arith.andi %ne3A_3231, %ne3A_3234 : i1
    %sub3A_3236 = arith.constant 1 : i32
    %sub3A_3237 = arith.subi %div3A_3216, %sub3A_3236 : i32
    %select_n3A_3238 = arith.select %and3A_3235, %sub3A_3237, %div3A_3216 : i32
    %mul3A_3239 = arith.constant 8 : i32
    %mul3A_3240 = arith.muli %select_n3A_3238, %mul3A_3239 : i32
    %multiple_of3A_3241 = tpu.assume_multiple %mul3A_3240, 8 : i32
    %sub3A_3242 = arith.subi %reduce_min3A_3214, %multiple_of3A_3241 : i32
    %get3A_3243 = arith.index_cast %multiple_of3A_3241 : i32 to index
    %get3A_3244 = arith.constant 0 : index
    %get3A_3245 = vector.load %arg4[%get3A_3243, %get3A_3244] : memref<728x1440xf32, #tpu.memory_space<vmem>>, vector<8x1440xf32>
    %eq3A_3246 = vector.broadcast %sub3A_3242 : i32 to vector<8x1xi32>
    %eq3A_3247 = arith.cmpi eq, %iota3A_66, %eq3A_3246 : vector<8x1xi32>
    %jit3A_3248 = arith.constant -3.000000e+38 : f32
    %broadcast_in_dim3A_3249 = vector.shape_cast %eq3A_3247 : vector<8x1xi1> to vector<8x1xi1>
    %broadcast_in_dim3A_3250 = vector.broadcast %broadcast_in_dim3A_3249 : vector<8x1xi1> to vector<8x1440xi1>
    %broadcast_in_dim3A_3251 = vector.broadcast %jit3A_3248 : f32 to vector<8x1440xf32>
    %select_n3A_3252 = arith.select %broadcast_in_dim3A_3250, %get3A_3245, %broadcast_in_dim3A_3251 : vector<8x1440xi1>, vector<8x1440xf32>
    %reduce_max3A_3253 = vector.shape_cast %select_n3A_3252 : vector<8x1440xf32> to vector<1x8x1440xf32>
    %reduce_max3A_3254 = arith.constant dense<0xFF800000> : vector<1xf32>
    %reduce_max3A_3255 = vector.multi_reduction <maximumf>, %reduce_max3A_3253, %reduce_max3A_3254 [1, 2] : vector<1x8x1440xf32> to vector<1xf32>
    %reduce_max3A_3256 = vector.shape_cast %reduce_max3A_3255 : vector<1xf32> to vector<1x1x1xf32>
    %reduce_max3A_3257 = vector.extract %reduce_max3A_3256[0, 0, 0] : f32 from vector<1x1x1xf32>
    %eq3A_3258 = vector.broadcast %reduce_max3A_3257 : f32 to vector<8x1440xf32>
    %eq3A_3259 = arith.cmpf oeq, %select_n3A_3252, %eq3A_3258 : vector<8x1440xf32>
    %jit3A_3260 = arith.constant 1440 : i32
    %broadcast_in_dim3A_3261 = vector.broadcast %jit3A_3260 : i32 to vector<8x1440xi32>
    %select_n3A_3262 = arith.select %eq3A_3259, %iota3A_67, %broadcast_in_dim3A_3261 : vector<8x1440xi1>, vector<8x1440xi32>
    %reduce_min3A_3263 = vector.shape_cast %select_n3A_3262 : vector<8x1440xi32> to vector<1x8x1440xi32>
    %reduce_min3A_3264 = arith.constant dense<2147483647> : vector<1xi32>
    %reduce_min3A_3265 = vector.multi_reduction <minsi>, %reduce_min3A_3263, %reduce_min3A_3264 [1, 2] : vector<1x8x1440xi32> to vector<1xi32>
    %reduce_min3A_3266 = vector.shape_cast %reduce_min3A_3265 : vector<1xi32> to vector<1x1x1xi32>
    %reduce_min3A_3267 = vector.extract %reduce_min3A_3266[0, 0, 0] : i32 from vector<1x1x1xi32>
    %eq3A_3268 = vector.broadcast %reduce_min3A_3267 : i32 to vector<8x1440xi32>
    %eq3A_3269 = arith.cmpi eq, %iota3A_67, %eq3A_3268 : vector<8x1440xi32>
    %and3A_3270 = vector.broadcast %eq3A_3247 : vector<8x1xi1> to vector<8x1440xi1>
    %and3A_3271 = arith.andi %and3A_3270, %eq3A_3269 : vector<8x1440xi1>
    %jit3A_3272 = arith.constant -3.000000e+38 : f32
    %broadcast_in_dim3A_3273 = vector.broadcast %jit3A_3272 : f32 to vector<8x1440xf32>
    %select_n3A_3274 = arith.select %and3A_3271, %broadcast_in_dim3A_3273, %get3A_3245 : vector<8x1440xi1>, vector<8x1440xf32>
    %swap3A_3275 = arith.index_cast %multiple_of3A_3241 : i32 to index
    %swap3A_3276 = arith.constant 0 : index
    %swap3A_3277 = vector.load %arg4[%swap3A_3275, %swap3A_3276] : memref<728x1440xf32, #tpu.memory_space<vmem>>, vector<8x1440xf32>
    tpu.vector_store %arg4[%swap3A_3275, %swap3A_3276], %select_n3A_3274 {strides = array<i32>} : memref<728x1440xf32, #tpu.memory_space<vmem>>, vector<8x1440xf32>,
    %reduce_max3A_3278 = arith.constant dense<0xFF800000> : vector<8xf32>
    %reduce_max3A_3279 = vector.multi_reduction <maximumf>, %select_n3A_3274, %reduce_max3A_3278 [1] : vector<8x1440xf32> to vector<8xf32>
    %broadcast_in_dim3A_3280 = vector.shape_cast %reduce_max3A_3279 : vector<8xf32> to vector<8x1xf32>
    %swap3A_3281 = arith.index_cast %multiple_of3A_3241 : i32 to index
    %swap3A_3282 = arith.constant 0 : index
    %swap3A_3283 = vector.load %arg5[%swap3A_3281, %swap3A_3282] : memref<728x1xf32, #tpu.memory_space<vmem>>, vector<8x1xf32>
    tpu.vector_store %arg5[%swap3A_3281, %swap3A_3282], %broadcast_in_dim3A_3280 {strides = array<i32>} : memref<728x1xf32, #tpu.memory_space<vmem>>, vector<8x1xf32>,
    %eq3A_3284 = arith.constant 0 : i32
    %eq3A_3285 = vector.broadcast %eq3A_3284 : i32 to vector<1x8xi32>
    %eq3A_3286 = arith.cmpi eq, %iota3A_68, %eq3A_3285 : vector<1x8xi32>
    %convert_element_type3A_3287 = arith.sitofp %reduce_min3A_3214 : i32 to f32
    %eq3A_3288 = arith.constant 1 : i32
    %eq3A_3289 = vector.broadcast %eq3A_3288 : i32 to vector<1x8xi32>
    %eq3A_3290 = arith.cmpi eq, %iota3A_68, %eq3A_3289 : vector<1x8xi32>
    %convert_element_type3A_3291 = arith.sitofp %reduce_min3A_3267 : i32 to f32
    %eq3A_3292 = arith.constant 2 : i32
    %eq3A_3293 = vector.broadcast %eq3A_3292 : i32 to vector<1x8xi32>
    %eq3A_3294 = arith.cmpi eq, %iota3A_68, %eq3A_3293 : vector<1x8xi32>
    %jit3A_3295 = arith.constant 0.000000e+00 : f32
    %broadcast_in_dim3A_3296 = vector.broadcast %reduce_max3A_3204 : f32 to vector<1x8xf32>
    %broadcast_in_dim3A_3297 = vector.broadcast %jit3A_3295 : f32 to vector<1x8xf32>
    %select_n3A_3298 = arith.select %eq3A_3294, %broadcast_in_dim3A_3296, %broadcast_in_dim3A_3297 : vector<1x8xi1>, vector<1x8xf32>
    %broadcast_in_dim3A_3299 = vector.broadcast %convert_element_type3A_3291 : f32 to vector<1x8xf32>
    %select_n3A_3300 = arith.select %eq3A_3290, %broadcast_in_dim3A_3299, %select_n3A_3298 : vector<1x8xi1>, vector<1x8xf32>
    %broadcast_in_dim3A_3301 = vector.broadcast %convert_element_type3A_3287 : f32 to vector<1x8xf32>
    %select_n3A_3302 = arith.select %eq3A_3286, %broadcast_in_dim3A_3301, %select_n3A_3300 : vector<1x8xi1>, vector<1x8xf32>
    %swap3A_3303 = arith.constant 0 : index
    %swap3A_3304 = arith.constant 28 : index
    %swap3A_3305 = arith.constant 0 : index
    %swap3A_3306 = vector.load %arg3[%swap3A_3303, %swap3A_3304, %swap3A_3305] : memref<1x64x8xf32, #tpu.memory_space<vmem>>, vector<1x1x8xf32>
    %swap3A_3307 = vector.shape_cast %swap3A_3306 : vector<1x1x8xf32> to vector<1x8xf32>
    %swap3A_3308 = vector.shape_cast %select_n3A_3302 : vector<1x8xf32> to vector<1x1x8xf32>
    tpu.vector_store %arg3[%swap3A_3303, %swap3A_3304, %swap3A_3305], %swap3A_3308 {strides = array<i32>} : memref<1x64x8xf32, #tpu.memory_space<vmem>>, vector<1x1x8xf32>,
    %get3A_3309 = arith.constant 0 : index
    %get3A_3310 = arith.constant 0 : index
    %get3A_3311 = vector.load %arg5[%get3A_3309, %get3A_3310] : memref<728x1xf32, #tpu.memory_space<vmem>>, vector<728x1xf32>
    %reduce_max3A_3312 = vector.shape_cast %get3A_3311 : vector<728x1xf32> to vector<1x728x1xf32>
    %reduce_max3A_3313 = arith.constant dense<0xFF800000> : vector<1xf32>
    %reduce_max3A_3314 = vector.multi_reduction <maximumf>, %reduce_max3A_3312, %reduce_max3A_3313 [1, 2] : vector<1x728x1xf32> to vector<1xf32>
    %reduce_max3A_3315 = vector.shape_cast %reduce_max3A_3314 : vector<1xf32> to vector<1x1x1xf32>
    %reduce_max3A_3316 = vector.extract %reduce_max3A_3315[0, 0, 0] : f32 from vector<1x1x1xf32>
    %eq3A_3317 = vector.broadcast %reduce_max3A_3316 : f32 to vector<728x1xf32>
    %eq3A_3318 = arith.cmpf oeq, %get3A_3311, %eq3A_3317 : vector<728x1xf32>
    %jit3A_3319 = arith.constant 728 : i32
    %broadcast_in_dim3A_3320 = vector.broadcast %jit3A_3319 : i32 to vector<728x1xi32>
    %select_n3A_3321 = arith.select %eq3A_3318, %iota3A, %broadcast_in_dim3A_3320 : vector<728x1xi1>, vector<728x1xi32>
    %reduce_min3A_3322 = vector.shape_cast %select_n3A_3321 : vector<728x1xi32> to vector<1x728x1xi32>
    %reduce_min3A_3323 = arith.constant dense<2147483647> : vector<1xi32>
    %reduce_min3A_3324 = vector.multi_reduction <minsi>, %reduce_min3A_3322, %reduce_min3A_3323 [1, 2] : vector<1x728x1xi32> to vector<1xi32>
    %reduce_min3A_3325 = vector.shape_cast %reduce_min3A_3324 : vector<1xi32> to vector<1x1x1xi32>
    %reduce_min3A_3326 = vector.extract %reduce_min3A_3325[0, 0, 0] : i32 from vector<1x1x1xi32>
    %jit3A_3327 = arith.constant 8 : i32
    %div3A_3328 = arith.divsi %reduce_min3A_3326, %jit3A_3327 : i32
    %sign3A_3329 = arith.constant 0 : i32
    %sign3A_3330 = arith.cmpi sgt, %reduce_min3A_3326, %sign3A_3329 : i32
    %sign3A_3331 = arith.extui %sign3A_3330 : i1 to i32
    %sign3A_3332 = arith.constant 0 : i32
    %sign3A_3333 = arith.cmpi slt, %reduce_min3A_3326, %sign3A_3332 : i32
    %sign3A_3334 = arith.extui %sign3A_3333 : i1 to i32
    %sign3A_3335 = arith.subi %sign3A_3331, %sign3A_3334 : i32
    %sign3A_3336 = arith.constant 0 : i32
    %sign3A_3337 = arith.cmpi sgt, %jit3A_3327, %sign3A_3336 : i32
    %sign3A_3338 = arith.extui %sign3A_3337 : i1 to i32
    %sign3A_3339 = arith.constant 0 : i32
    %sign3A_3340 = arith.cmpi slt, %jit3A_3327, %sign3A_3339 : i32
    %sign3A_3341 = arith.extui %sign3A_3340 : i1 to i32
    %sign3A_3342 = arith.subi %sign3A_3338, %sign3A_3341 : i32
    %ne3A_3343 = arith.cmpi ne, %sign3A_3335, %sign3A_3342 : i32
    %rem3A_3344 = arith.remsi %reduce_min3A_3326, %jit3A_3327 : i32
    %ne3A_3345 = arith.constant 0 : i32
    %ne3A_3346 = arith.cmpi ne, %rem3A_3344, %ne3A_3345 : i32
    %and3A_3347 = arith.andi %ne3A_3343, %ne3A_3346 : i1
    %sub3A_3348 = arith.constant 1 : i32
    %sub3A_3349 = arith.subi %div3A_3328, %sub3A_3348 : i32
    %select_n3A_3350 = arith.select %and3A_3347, %sub3A_3349, %div3A_3328 : i32
    %mul3A_3351 = arith.constant 8 : i32
    %mul3A_3352 = arith.muli %select_n3A_3350, %mul3A_3351 : i32
    %multiple_of3A_3353 = tpu.assume_multiple %mul3A_3352, 8 : i32
    %sub3A_3354 = arith.subi %reduce_min3A_3326, %multiple_of3A_3353 : i32
    %get3A_3355 = arith.index_cast %multiple_of3A_3353 : i32 to index
    %get3A_3356 = arith.constant 0 : index
    %get3A_3357 = vector.load %arg4[%get3A_3355, %get3A_3356] : memref<728x1440xf32, #tpu.memory_space<vmem>>, vector<8x1440xf32>
    %eq3A_3358 = vector.broadcast %sub3A_3354 : i32 to vector<8x1xi32>
    %eq3A_3359 = arith.cmpi eq, %iota3A_66, %eq3A_3358 : vector<8x1xi32>
    %jit3A_3360 = arith.constant -3.000000e+38 : f32
    %broadcast_in_dim3A_3361 = vector.shape_cast %eq3A_3359 : vector<8x1xi1> to vector<8x1xi1>
    %broadcast_in_dim3A_3362 = vector.broadcast %broadcast_in_dim3A_3361 : vector<8x1xi1> to vector<8x1440xi1>
    %broadcast_in_dim3A_3363 = vector.broadcast %jit3A_3360 : f32 to vector<8x1440xf32>
    %select_n3A_3364 = arith.select %broadcast_in_dim3A_3362, %get3A_3357, %broadcast_in_dim3A_3363 : vector<8x1440xi1>, vector<8x1440xf32>
    %reduce_max3A_3365 = vector.shape_cast %select_n3A_3364 : vector<8x1440xf32> to vector<1x8x1440xf32>
    %reduce_max3A_3366 = arith.constant dense<0xFF800000> : vector<1xf32>
    %reduce_max3A_3367 = vector.multi_reduction <maximumf>, %reduce_max3A_3365, %reduce_max3A_3366 [1, 2] : vector<1x8x1440xf32> to vector<1xf32>
    %reduce_max3A_3368 = vector.shape_cast %reduce_max3A_3367 : vector<1xf32> to vector<1x1x1xf32>
    %reduce_max3A_3369 = vector.extract %reduce_max3A_3368[0, 0, 0] : f32 from vector<1x1x1xf32>
    %eq3A_3370 = vector.broadcast %reduce_max3A_3369 : f32 to vector<8x1440xf32>
    %eq3A_3371 = arith.cmpf oeq, %select_n3A_3364, %eq3A_3370 : vector<8x1440xf32>
    %jit3A_3372 = arith.constant 1440 : i32
    %broadcast_in_dim3A_3373 = vector.broadcast %jit3A_3372 : i32 to vector<8x1440xi32>
    %select_n3A_3374 = arith.select %eq3A_3371, %iota3A_67, %broadcast_in_dim3A_3373 : vector<8x1440xi1>, vector<8x1440xi32>
    %reduce_min3A_3375 = vector.shape_cast %select_n3A_3374 : vector<8x1440xi32> to vector<1x8x1440xi32>
    %reduce_min3A_3376 = arith.constant dense<2147483647> : vector<1xi32>
    %reduce_min3A_3377 = vector.multi_reduction <minsi>, %reduce_min3A_3375, %reduce_min3A_3376 [1, 2] : vector<1x8x1440xi32> to vector<1xi32>
    %reduce_min3A_3378 = vector.shape_cast %reduce_min3A_3377 : vector<1xi32> to vector<1x1x1xi32>
    %reduce_min3A_3379 = vector.extract %reduce_min3A_3378[0, 0, 0] : i32 from vector<1x1x1xi32>
    %eq3A_3380 = vector.broadcast %reduce_min3A_3379 : i32 to vector<8x1440xi32>
    %eq3A_3381 = arith.cmpi eq, %iota3A_67, %eq3A_3380 : vector<8x1440xi32>
    %and3A_3382 = vector.broadcast %eq3A_3359 : vector<8x1xi1> to vector<8x1440xi1>
    %and3A_3383 = arith.andi %and3A_3382, %eq3A_3381 : vector<8x1440xi1>
    %jit3A_3384 = arith.constant -3.000000e+38 : f32
    %broadcast_in_dim3A_3385 = vector.broadcast %jit3A_3384 : f32 to vector<8x1440xf32>
    %select_n3A_3386 = arith.select %and3A_3383, %broadcast_in_dim3A_3385, %get3A_3357 : vector<8x1440xi1>, vector<8x1440xf32>
    %swap3A_3387 = arith.index_cast %multiple_of3A_3353 : i32 to index
    %swap3A_3388 = arith.constant 0 : index
    %swap3A_3389 = vector.load %arg4[%swap3A_3387, %swap3A_3388] : memref<728x1440xf32, #tpu.memory_space<vmem>>, vector<8x1440xf32>
    tpu.vector_store %arg4[%swap3A_3387, %swap3A_3388], %select_n3A_3386 {strides = array<i32>} : memref<728x1440xf32, #tpu.memory_space<vmem>>, vector<8x1440xf32>,
    %reduce_max3A_3390 = arith.constant dense<0xFF800000> : vector<8xf32>
    %reduce_max3A_3391 = vector.multi_reduction <maximumf>, %select_n3A_3386, %reduce_max3A_3390 [1] : vector<8x1440xf32> to vector<8xf32>
    %broadcast_in_dim3A_3392 = vector.shape_cast %reduce_max3A_3391 : vector<8xf32> to vector<8x1xf32>
    %swap3A_3393 = arith.index_cast %multiple_of3A_3353 : i32 to index
    %swap3A_3394 = arith.constant 0 : index
    %swap3A_3395 = vector.load %arg5[%swap3A_3393, %swap3A_3394] : memref<728x1xf32, #tpu.memory_space<vmem>>, vector<8x1xf32>
    tpu.vector_store %arg5[%swap3A_3393, %swap3A_3394], %broadcast_in_dim3A_3392 {strides = array<i32>} : memref<728x1xf32, #tpu.memory_space<vmem>>, vector<8x1xf32>,
    %eq3A_3396 = arith.constant 0 : i32
    %eq3A_3397 = vector.broadcast %eq3A_3396 : i32 to vector<1x8xi32>
    %eq3A_3398 = arith.cmpi eq, %iota3A_68, %eq3A_3397 : vector<1x8xi32>
    %convert_element_type3A_3399 = arith.sitofp %reduce_min3A_3326 : i32 to f32
    %eq3A_3400 = arith.constant 1 : i32
    %eq3A_3401 = vector.broadcast %eq3A_3400 : i32 to vector<1x8xi32>
    %eq3A_3402 = arith.cmpi eq, %iota3A_68, %eq3A_3401 : vector<1x8xi32>
    %convert_element_type3A_3403 = arith.sitofp %reduce_min3A_3379 : i32 to f32
    %eq3A_3404 = arith.constant 2 : i32
    %eq3A_3405 = vector.broadcast %eq3A_3404 : i32 to vector<1x8xi32>
    %eq3A_3406 = arith.cmpi eq, %iota3A_68, %eq3A_3405 : vector<1x8xi32>
    %jit3A_3407 = arith.constant 0.000000e+00 : f32
    %broadcast_in_dim3A_3408 = vector.broadcast %reduce_max3A_3316 : f32 to vector<1x8xf32>
    %broadcast_in_dim3A_3409 = vector.broadcast %jit3A_3407 : f32 to vector<1x8xf32>
    %select_n3A_3410 = arith.select %eq3A_3406, %broadcast_in_dim3A_3408, %broadcast_in_dim3A_3409 : vector<1x8xi1>, vector<1x8xf32>
    %broadcast_in_dim3A_3411 = vector.broadcast %convert_element_type3A_3403 : f32 to vector<1x8xf32>
    %select_n3A_3412 = arith.select %eq3A_3402, %broadcast_in_dim3A_3411, %select_n3A_3410 : vector<1x8xi1>, vector<1x8xf32>
    %broadcast_in_dim3A_3413 = vector.broadcast %convert_element_type3A_3399 : f32 to vector<1x8xf32>
    %select_n3A_3414 = arith.select %eq3A_3398, %broadcast_in_dim3A_3413, %select_n3A_3412 : vector<1x8xi1>, vector<1x8xf32>
    %swap3A_3415 = arith.constant 0 : index
    %swap3A_3416 = arith.constant 29 : index
    %swap3A_3417 = arith.constant 0 : index
    %swap3A_3418 = vector.load %arg3[%swap3A_3415, %swap3A_3416, %swap3A_3417] : memref<1x64x8xf32, #tpu.memory_space<vmem>>, vector<1x1x8xf32>
    %swap3A_3419 = vector.shape_cast %swap3A_3418 : vector<1x1x8xf32> to vector<1x8xf32>
    %swap3A_3420 = vector.shape_cast %select_n3A_3414 : vector<1x8xf32> to vector<1x1x8xf32>
    tpu.vector_store %arg3[%swap3A_3415, %swap3A_3416, %swap3A_3417], %swap3A_3420 {strides = array<i32>} : memref<1x64x8xf32, #tpu.memory_space<vmem>>, vector<1x1x8xf32>,
    %get3A_3421 = arith.constant 0 : index
    %get3A_3422 = arith.constant 0 : index
    %get3A_3423 = vector.load %arg5[%get3A_3421, %get3A_3422] : memref<728x1xf32, #tpu.memory_space<vmem>>, vector<728x1xf32>
    %reduce_max3A_3424 = vector.shape_cast %get3A_3423 : vector<728x1xf32> to vector<1x728x1xf32>
    %reduce_max3A_3425 = arith.constant dense<0xFF800000> : vector<1xf32>
    %reduce_max3A_3426 = vector.multi_reduction <maximumf>, %reduce_max3A_3424, %reduce_max3A_3425 [1, 2] : vector<1x728x1xf32> to vector<1xf32>
    %reduce_max3A_3427 = vector.shape_cast %reduce_max3A_3426 : vector<1xf32> to vector<1x1x1xf32>
    %reduce_max3A_3428 = vector.extract %reduce_max3A_3427[0, 0, 0] : f32 from vector<1x1x1xf32>
    %eq3A_3429 = vector.broadcast %reduce_max3A_3428 : f32 to vector<728x1xf32>
    %eq3A_3430 = arith.cmpf oeq, %get3A_3423, %eq3A_3429 : vector<728x1xf32>
    %jit3A_3431 = arith.constant 728 : i32
    %broadcast_in_dim3A_3432 = vector.broadcast %jit3A_3431 : i32 to vector<728x1xi32>
    %select_n3A_3433 = arith.select %eq3A_3430, %iota3A, %broadcast_in_dim3A_3432 : vector<728x1xi1>, vector<728x1xi32>
    %reduce_min3A_3434 = vector.shape_cast %select_n3A_3433 : vector<728x1xi32> to vector<1x728x1xi32>
    %reduce_min3A_3435 = arith.constant dense<2147483647> : vector<1xi32>
    %reduce_min3A_3436 = vector.multi_reduction <minsi>, %reduce_min3A_3434, %reduce_min3A_3435 [1, 2] : vector<1x728x1xi32> to vector<1xi32>
    %reduce_min3A_3437 = vector.shape_cast %reduce_min3A_3436 : vector<1xi32> to vector<1x1x1xi32>
    %reduce_min3A_3438 = vector.extract %reduce_min3A_3437[0, 0, 0] : i32 from vector<1x1x1xi32>
    %jit3A_3439 = arith.constant 8 : i32
    %div3A_3440 = arith.divsi %reduce_min3A_3438, %jit3A_3439 : i32
    %sign3A_3441 = arith.constant 0 : i32
    %sign3A_3442 = arith.cmpi sgt, %reduce_min3A_3438, %sign3A_3441 : i32
    %sign3A_3443 = arith.extui %sign3A_3442 : i1 to i32
    %sign3A_3444 = arith.constant 0 : i32
    %sign3A_3445 = arith.cmpi slt, %reduce_min3A_3438, %sign3A_3444 : i32
    %sign3A_3446 = arith.extui %sign3A_3445 : i1 to i32
    %sign3A_3447 = arith.subi %sign3A_3443, %sign3A_3446 : i32
    %sign3A_3448 = arith.constant 0 : i32
    %sign3A_3449 = arith.cmpi sgt, %jit3A_3439, %sign3A_3448 : i32
    %sign3A_3450 = arith.extui %sign3A_3449 : i1 to i32
    %sign3A_3451 = arith.constant 0 : i32
    %sign3A_3452 = arith.cmpi slt, %jit3A_3439, %sign3A_3451 : i32
    %sign3A_3453 = arith.extui %sign3A_3452 : i1 to i32
    %sign3A_3454 = arith.subi %sign3A_3450, %sign3A_3453 : i32
    %ne3A_3455 = arith.cmpi ne, %sign3A_3447, %sign3A_3454 : i32
    %rem3A_3456 = arith.remsi %reduce_min3A_3438, %jit3A_3439 : i32
    %ne3A_3457 = arith.constant 0 : i32
    %ne3A_3458 = arith.cmpi ne, %rem3A_3456, %ne3A_3457 : i32
    %and3A_3459 = arith.andi %ne3A_3455, %ne3A_3458 : i1
    %sub3A_3460 = arith.constant 1 : i32
    %sub3A_3461 = arith.subi %div3A_3440, %sub3A_3460 : i32
    %select_n3A_3462 = arith.select %and3A_3459, %sub3A_3461, %div3A_3440 : i32
    %mul3A_3463 = arith.constant 8 : i32
    %mul3A_3464 = arith.muli %select_n3A_3462, %mul3A_3463 : i32
    %multiple_of3A_3465 = tpu.assume_multiple %mul3A_3464, 8 : i32
    %sub3A_3466 = arith.subi %reduce_min3A_3438, %multiple_of3A_3465 : i32
    %get3A_3467 = arith.index_cast %multiple_of3A_3465 : i32 to index
    %get3A_3468 = arith.constant 0 : index
    %get3A_3469 = vector.load %arg4[%get3A_3467, %get3A_3468] : memref<728x1440xf32, #tpu.memory_space<vmem>>, vector<8x1440xf32>
    %eq3A_3470 = vector.broadcast %sub3A_3466 : i32 to vector<8x1xi32>
    %eq3A_3471 = arith.cmpi eq, %iota3A_66, %eq3A_3470 : vector<8x1xi32>
    %jit3A_3472 = arith.constant -3.000000e+38 : f32
    %broadcast_in_dim3A_3473 = vector.shape_cast %eq3A_3471 : vector<8x1xi1> to vector<8x1xi1>
    %broadcast_in_dim3A_3474 = vector.broadcast %broadcast_in_dim3A_3473 : vector<8x1xi1> to vector<8x1440xi1>
    %broadcast_in_dim3A_3475 = vector.broadcast %jit3A_3472 : f32 to vector<8x1440xf32>
    %select_n3A_3476 = arith.select %broadcast_in_dim3A_3474, %get3A_3469, %broadcast_in_dim3A_3475 : vector<8x1440xi1>, vector<8x1440xf32>
    %reduce_max3A_3477 = vector.shape_cast %select_n3A_3476 : vector<8x1440xf32> to vector<1x8x1440xf32>
    %reduce_max3A_3478 = arith.constant dense<0xFF800000> : vector<1xf32>
    %reduce_max3A_3479 = vector.multi_reduction <maximumf>, %reduce_max3A_3477, %reduce_max3A_3478 [1, 2] : vector<1x8x1440xf32> to vector<1xf32>
    %reduce_max3A_3480 = vector.shape_cast %reduce_max3A_3479 : vector<1xf32> to vector<1x1x1xf32>
    %reduce_max3A_3481 = vector.extract %reduce_max3A_3480[0, 0, 0] : f32 from vector<1x1x1xf32>
    %eq3A_3482 = vector.broadcast %reduce_max3A_3481 : f32 to vector<8x1440xf32>
    %eq3A_3483 = arith.cmpf oeq, %select_n3A_3476, %eq3A_3482 : vector<8x1440xf32>
    %jit3A_3484 = arith.constant 1440 : i32
    %broadcast_in_dim3A_3485 = vector.broadcast %jit3A_3484 : i32 to vector<8x1440xi32>
    %select_n3A_3486 = arith.select %eq3A_3483, %iota3A_67, %broadcast_in_dim3A_3485 : vector<8x1440xi1>, vector<8x1440xi32>
    %reduce_min3A_3487 = vector.shape_cast %select_n3A_3486 : vector<8x1440xi32> to vector<1x8x1440xi32>
    %reduce_min3A_3488 = arith.constant dense<2147483647> : vector<1xi32>
    %reduce_min3A_3489 = vector.multi_reduction <minsi>, %reduce_min3A_3487, %reduce_min3A_3488 [1, 2] : vector<1x8x1440xi32> to vector<1xi32>
    %reduce_min3A_3490 = vector.shape_cast %reduce_min3A_3489 : vector<1xi32> to vector<1x1x1xi32>
    %reduce_min3A_3491 = vector.extract %reduce_min3A_3490[0, 0, 0] : i32 from vector<1x1x1xi32>
    %eq3A_3492 = vector.broadcast %reduce_min3A_3491 : i32 to vector<8x1440xi32>
    %eq3A_3493 = arith.cmpi eq, %iota3A_67, %eq3A_3492 : vector<8x1440xi32>
    %and3A_3494 = vector.broadcast %eq3A_3471 : vector<8x1xi1> to vector<8x1440xi1>
    %and3A_3495 = arith.andi %and3A_3494, %eq3A_3493 : vector<8x1440xi1>
    %jit3A_3496 = arith.constant -3.000000e+38 : f32
    %broadcast_in_dim3A_3497 = vector.broadcast %jit3A_3496 : f32 to vector<8x1440xf32>
    %select_n3A_3498 = arith.select %and3A_3495, %broadcast_in_dim3A_3497, %get3A_3469 : vector<8x1440xi1>, vector<8x1440xf32>
    %swap3A_3499 = arith.index_cast %multiple_of3A_3465 : i32 to index
    %swap3A_3500 = arith.constant 0 : index
    %swap3A_3501 = vector.load %arg4[%swap3A_3499, %swap3A_3500] : memref<728x1440xf32, #tpu.memory_space<vmem>>, vector<8x1440xf32>
    tpu.vector_store %arg4[%swap3A_3499, %swap3A_3500], %select_n3A_3498 {strides = array<i32>} : memref<728x1440xf32, #tpu.memory_space<vmem>>, vector<8x1440xf32>,
    %reduce_max3A_3502 = arith.constant dense<0xFF800000> : vector<8xf32>
    %reduce_max3A_3503 = vector.multi_reduction <maximumf>, %select_n3A_3498, %reduce_max3A_3502 [1] : vector<8x1440xf32> to vector<8xf32>
    %broadcast_in_dim3A_3504 = vector.shape_cast %reduce_max3A_3503 : vector<8xf32> to vector<8x1xf32>
    %swap3A_3505 = arith.index_cast %multiple_of3A_3465 : i32 to index
    %swap3A_3506 = arith.constant 0 : index
    %swap3A_3507 = vector.load %arg5[%swap3A_3505, %swap3A_3506] : memref<728x1xf32, #tpu.memory_space<vmem>>, vector<8x1xf32>
    tpu.vector_store %arg5[%swap3A_3505, %swap3A_3506], %broadcast_in_dim3A_3504 {strides = array<i32>} : memref<728x1xf32, #tpu.memory_space<vmem>>, vector<8x1xf32>,
    %eq3A_3508 = arith.constant 0 : i32
    %eq3A_3509 = vector.broadcast %eq3A_3508 : i32 to vector<1x8xi32>
    %eq3A_3510 = arith.cmpi eq, %iota3A_68, %eq3A_3509 : vector<1x8xi32>
    %convert_element_type3A_3511 = arith.sitofp %reduce_min3A_3438 : i32 to f32
    %eq3A_3512 = arith.constant 1 : i32
    %eq3A_3513 = vector.broadcast %eq3A_3512 : i32 to vector<1x8xi32>
    %eq3A_3514 = arith.cmpi eq, %iota3A_68, %eq3A_3513 : vector<1x8xi32>
    %convert_element_type3A_3515 = arith.sitofp %reduce_min3A_3491 : i32 to f32
    %eq3A_3516 = arith.constant 2 : i32
    %eq3A_3517 = vector.broadcast %eq3A_3516 : i32 to vector<1x8xi32>
    %eq3A_3518 = arith.cmpi eq, %iota3A_68, %eq3A_3517 : vector<1x8xi32>
    %jit3A_3519 = arith.constant 0.000000e+00 : f32
    %broadcast_in_dim3A_3520 = vector.broadcast %reduce_max3A_3428 : f32 to vector<1x8xf32>
    %broadcast_in_dim3A_3521 = vector.broadcast %jit3A_3519 : f32 to vector<1x8xf32>
    %select_n3A_3522 = arith.select %eq3A_3518, %broadcast_in_dim3A_3520, %broadcast_in_dim3A_3521 : vector<1x8xi1>, vector<1x8xf32>
    %broadcast_in_dim3A_3523 = vector.broadcast %convert_element_type3A_3515 : f32 to vector<1x8xf32>
    %select_n3A_3524 = arith.select %eq3A_3514, %broadcast_in_dim3A_3523, %select_n3A_3522 : vector<1x8xi1>, vector<1x8xf32>
    %broadcast_in_dim3A_3525 = vector.broadcast %convert_element_type3A_3511 : f32 to vector<1x8xf32>
    %select_n3A_3526 = arith.select %eq3A_3510, %broadcast_in_dim3A_3525, %select_n3A_3524 : vector<1x8xi1>, vector<1x8xf32>
    %swap3A_3527 = arith.constant 0 : index
    %swap3A_3528 = arith.constant 30 : index
    %swap3A_3529 = arith.constant 0 : index
    %swap3A_3530 = vector.load %arg3[%swap3A_3527, %swap3A_3528, %swap3A_3529] : memref<1x64x8xf32, #tpu.memory_space<vmem>>, vector<1x1x8xf32>
    %swap3A_3531 = vector.shape_cast %swap3A_3530 : vector<1x1x8xf32> to vector<1x8xf32>
    %swap3A_3532 = vector.shape_cast %select_n3A_3526 : vector<1x8xf32> to vector<1x1x8xf32>
    tpu.vector_store %arg3[%swap3A_3527, %swap3A_3528, %swap3A_3529], %swap3A_3532 {strides = array<i32>} : memref<1x64x8xf32, #tpu.memory_space<vmem>>, vector<1x1x8xf32>,
    %get3A_3533 = arith.constant 0 : index
    %get3A_3534 = arith.constant 0 : index
    %get3A_3535 = vector.load %arg5[%get3A_3533, %get3A_3534] : memref<728x1xf32, #tpu.memory_space<vmem>>, vector<728x1xf32>
    %reduce_max3A_3536 = vector.shape_cast %get3A_3535 : vector<728x1xf32> to vector<1x728x1xf32>
    %reduce_max3A_3537 = arith.constant dense<0xFF800000> : vector<1xf32>
    %reduce_max3A_3538 = vector.multi_reduction <maximumf>, %reduce_max3A_3536, %reduce_max3A_3537 [1, 2] : vector<1x728x1xf32> to vector<1xf32>
    %reduce_max3A_3539 = vector.shape_cast %reduce_max3A_3538 : vector<1xf32> to vector<1x1x1xf32>
    %reduce_max3A_3540 = vector.extract %reduce_max3A_3539[0, 0, 0] : f32 from vector<1x1x1xf32>
    %eq3A_3541 = vector.broadcast %reduce_max3A_3540 : f32 to vector<728x1xf32>
    %eq3A_3542 = arith.cmpf oeq, %get3A_3535, %eq3A_3541 : vector<728x1xf32>
    %jit3A_3543 = arith.constant 728 : i32
    %broadcast_in_dim3A_3544 = vector.broadcast %jit3A_3543 : i32 to vector<728x1xi32>
    %select_n3A_3545 = arith.select %eq3A_3542, %iota3A, %broadcast_in_dim3A_3544 : vector<728x1xi1>, vector<728x1xi32>
    %reduce_min3A_3546 = vector.shape_cast %select_n3A_3545 : vector<728x1xi32> to vector<1x728x1xi32>
    %reduce_min3A_3547 = arith.constant dense<2147483647> : vector<1xi32>
    %reduce_min3A_3548 = vector.multi_reduction <minsi>, %reduce_min3A_3546, %reduce_min3A_3547 [1, 2] : vector<1x728x1xi32> to vector<1xi32>
    %reduce_min3A_3549 = vector.shape_cast %reduce_min3A_3548 : vector<1xi32> to vector<1x1x1xi32>
    %reduce_min3A_3550 = vector.extract %reduce_min3A_3549[0, 0, 0] : i32 from vector<1x1x1xi32>
    %jit3A_3551 = arith.constant 8 : i32
    %div3A_3552 = arith.divsi %reduce_min3A_3550, %jit3A_3551 : i32
    %sign3A_3553 = arith.constant 0 : i32
    %sign3A_3554 = arith.cmpi sgt, %reduce_min3A_3550, %sign3A_3553 : i32
    %sign3A_3555 = arith.extui %sign3A_3554 : i1 to i32
    %sign3A_3556 = arith.constant 0 : i32
    %sign3A_3557 = arith.cmpi slt, %reduce_min3A_3550, %sign3A_3556 : i32
    %sign3A_3558 = arith.extui %sign3A_3557 : i1 to i32
    %sign3A_3559 = arith.subi %sign3A_3555, %sign3A_3558 : i32
    %sign3A_3560 = arith.constant 0 : i32
    %sign3A_3561 = arith.cmpi sgt, %jit3A_3551, %sign3A_3560 : i32
    %sign3A_3562 = arith.extui %sign3A_3561 : i1 to i32
    %sign3A_3563 = arith.constant 0 : i32
    %sign3A_3564 = arith.cmpi slt, %jit3A_3551, %sign3A_3563 : i32
    %sign3A_3565 = arith.extui %sign3A_3564 : i1 to i32
    %sign3A_3566 = arith.subi %sign3A_3562, %sign3A_3565 : i32
    %ne3A_3567 = arith.cmpi ne, %sign3A_3559, %sign3A_3566 : i32
    %rem3A_3568 = arith.remsi %reduce_min3A_3550, %jit3A_3551 : i32
    %ne3A_3569 = arith.constant 0 : i32
    %ne3A_3570 = arith.cmpi ne, %rem3A_3568, %ne3A_3569 : i32
    %and3A_3571 = arith.andi %ne3A_3567, %ne3A_3570 : i1
    %sub3A_3572 = arith.constant 1 : i32
    %sub3A_3573 = arith.subi %div3A_3552, %sub3A_3572 : i32
    %select_n3A_3574 = arith.select %and3A_3571, %sub3A_3573, %div3A_3552 : i32
    %mul3A_3575 = arith.constant 8 : i32
    %mul3A_3576 = arith.muli %select_n3A_3574, %mul3A_3575 : i32
    %multiple_of3A_3577 = tpu.assume_multiple %mul3A_3576, 8 : i32
    %sub3A_3578 = arith.subi %reduce_min3A_3550, %multiple_of3A_3577 : i32
    %get3A_3579 = arith.index_cast %multiple_of3A_3577 : i32 to index
    %get3A_3580 = arith.constant 0 : index
    %get3A_3581 = vector.load %arg4[%get3A_3579, %get3A_3580] : memref<728x1440xf32, #tpu.memory_space<vmem>>, vector<8x1440xf32>
    %eq3A_3582 = vector.broadcast %sub3A_3578 : i32 to vector<8x1xi32>
    %eq3A_3583 = arith.cmpi eq, %iota3A_66, %eq3A_3582 : vector<8x1xi32>
    %jit3A_3584 = arith.constant -3.000000e+38 : f32
    %broadcast_in_dim3A_3585 = vector.shape_cast %eq3A_3583 : vector<8x1xi1> to vector<8x1xi1>
    %broadcast_in_dim3A_3586 = vector.broadcast %broadcast_in_dim3A_3585 : vector<8x1xi1> to vector<8x1440xi1>
    %broadcast_in_dim3A_3587 = vector.broadcast %jit3A_3584 : f32 to vector<8x1440xf32>
    %select_n3A_3588 = arith.select %broadcast_in_dim3A_3586, %get3A_3581, %broadcast_in_dim3A_3587 : vector<8x1440xi1>, vector<8x1440xf32>
    %reduce_max3A_3589 = vector.shape_cast %select_n3A_3588 : vector<8x1440xf32> to vector<1x8x1440xf32>
    %reduce_max3A_3590 = arith.constant dense<0xFF800000> : vector<1xf32>
    %reduce_max3A_3591 = vector.multi_reduction <maximumf>, %reduce_max3A_3589, %reduce_max3A_3590 [1, 2] : vector<1x8x1440xf32> to vector<1xf32>
    %reduce_max3A_3592 = vector.shape_cast %reduce_max3A_3591 : vector<1xf32> to vector<1x1x1xf32>
    %reduce_max3A_3593 = vector.extract %reduce_max3A_3592[0, 0, 0] : f32 from vector<1x1x1xf32>
    %eq3A_3594 = vector.broadcast %reduce_max3A_3593 : f32 to vector<8x1440xf32>
    %eq3A_3595 = arith.cmpf oeq, %select_n3A_3588, %eq3A_3594 : vector<8x1440xf32>
    %jit3A_3596 = arith.constant 1440 : i32
    %broadcast_in_dim3A_3597 = vector.broadcast %jit3A_3596 : i32 to vector<8x1440xi32>
    %select_n3A_3598 = arith.select %eq3A_3595, %iota3A_67, %broadcast_in_dim3A_3597 : vector<8x1440xi1>, vector<8x1440xi32>
    %reduce_min3A_3599 = vector.shape_cast %select_n3A_3598 : vector<8x1440xi32> to vector<1x8x1440xi32>
    %reduce_min3A_3600 = arith.constant dense<2147483647> : vector<1xi32>
    %reduce_min3A_3601 = vector.multi_reduction <minsi>, %reduce_min3A_3599, %reduce_min3A_3600 [1, 2] : vector<1x8x1440xi32> to vector<1xi32>
    %reduce_min3A_3602 = vector.shape_cast %reduce_min3A_3601 : vector<1xi32> to vector<1x1x1xi32>
    %reduce_min3A_3603 = vector.extract %reduce_min3A_3602[0, 0, 0] : i32 from vector<1x1x1xi32>
    %eq3A_3604 = vector.broadcast %reduce_min3A_3603 : i32 to vector<8x1440xi32>
    %eq3A_3605 = arith.cmpi eq, %iota3A_67, %eq3A_3604 : vector<8x1440xi32>
    %and3A_3606 = vector.broadcast %eq3A_3583 : vector<8x1xi1> to vector<8x1440xi1>
    %and3A_3607 = arith.andi %and3A_3606, %eq3A_3605 : vector<8x1440xi1>
    %jit3A_3608 = arith.constant -3.000000e+38 : f32
    %broadcast_in_dim3A_3609 = vector.broadcast %jit3A_3608 : f32 to vector<8x1440xf32>
    %select_n3A_3610 = arith.select %and3A_3607, %broadcast_in_dim3A_3609, %get3A_3581 : vector<8x1440xi1>, vector<8x1440xf32>
    %swap3A_3611 = arith.index_cast %multiple_of3A_3577 : i32 to index
    %swap3A_3612 = arith.constant 0 : index
    %swap3A_3613 = vector.load %arg4[%swap3A_3611, %swap3A_3612] : memref<728x1440xf32, #tpu.memory_space<vmem>>, vector<8x1440xf32>
    tpu.vector_store %arg4[%swap3A_3611, %swap3A_3612], %select_n3A_3610 {strides = array<i32>} : memref<728x1440xf32, #tpu.memory_space<vmem>>, vector<8x1440xf32>,
    %reduce_max3A_3614 = arith.constant dense<0xFF800000> : vector<8xf32>
    %reduce_max3A_3615 = vector.multi_reduction <maximumf>, %select_n3A_3610, %reduce_max3A_3614 [1] : vector<8x1440xf32> to vector<8xf32>
    %broadcast_in_dim3A_3616 = vector.shape_cast %reduce_max3A_3615 : vector<8xf32> to vector<8x1xf32>
    %swap3A_3617 = arith.index_cast %multiple_of3A_3577 : i32 to index
    %swap3A_3618 = arith.constant 0 : index
    %swap3A_3619 = vector.load %arg5[%swap3A_3617, %swap3A_3618] : memref<728x1xf32, #tpu.memory_space<vmem>>, vector<8x1xf32>
    tpu.vector_store %arg5[%swap3A_3617, %swap3A_3618], %broadcast_in_dim3A_3616 {strides = array<i32>} : memref<728x1xf32, #tpu.memory_space<vmem>>, vector<8x1xf32>,
    %eq3A_3620 = arith.constant 0 : i32
    %eq3A_3621 = vector.broadcast %eq3A_3620 : i32 to vector<1x8xi32>
    %eq3A_3622 = arith.cmpi eq, %iota3A_68, %eq3A_3621 : vector<1x8xi32>
    %convert_element_type3A_3623 = arith.sitofp %reduce_min3A_3550 : i32 to f32
    %eq3A_3624 = arith.constant 1 : i32
    %eq3A_3625 = vector.broadcast %eq3A_3624 : i32 to vector<1x8xi32>
    %eq3A_3626 = arith.cmpi eq, %iota3A_68, %eq3A_3625 : vector<1x8xi32>
    %convert_element_type3A_3627 = arith.sitofp %reduce_min3A_3603 : i32 to f32
    %eq3A_3628 = arith.constant 2 : i32
    %eq3A_3629 = vector.broadcast %eq3A_3628 : i32 to vector<1x8xi32>
    %eq3A_3630 = arith.cmpi eq, %iota3A_68, %eq3A_3629 : vector<1x8xi32>
    %jit3A_3631 = arith.constant 0.000000e+00 : f32
    %broadcast_in_dim3A_3632 = vector.broadcast %reduce_max3A_3540 : f32 to vector<1x8xf32>
    %broadcast_in_dim3A_3633 = vector.broadcast %jit3A_3631 : f32 to vector<1x8xf32>
    %select_n3A_3634 = arith.select %eq3A_3630, %broadcast_in_dim3A_3632, %broadcast_in_dim3A_3633 : vector<1x8xi1>, vector<1x8xf32>
    %broadcast_in_dim3A_3635 = vector.broadcast %convert_element_type3A_3627 : f32 to vector<1x8xf32>
    %select_n3A_3636 = arith.select %eq3A_3626, %broadcast_in_dim3A_3635, %select_n3A_3634 : vector<1x8xi1>, vector<1x8xf32>
    %broadcast_in_dim3A_3637 = vector.broadcast %convert_element_type3A_3623 : f32 to vector<1x8xf32>
    %select_n3A_3638 = arith.select %eq3A_3622, %broadcast_in_dim3A_3637, %select_n3A_3636 : vector<1x8xi1>, vector<1x8xf32>
    %swap3A_3639 = arith.constant 0 : index
    %swap3A_3640 = arith.constant 31 : index
    %swap3A_3641 = arith.constant 0 : index
    %swap3A_3642 = vector.load %arg3[%swap3A_3639, %swap3A_3640, %swap3A_3641] : memref<1x64x8xf32, #tpu.memory_space<vmem>>, vector<1x1x8xf32>
    %swap3A_3643 = vector.shape_cast %swap3A_3642 : vector<1x1x8xf32> to vector<1x8xf32>
    %swap3A_3644 = vector.shape_cast %select_n3A_3638 : vector<1x8xf32> to vector<1x1x8xf32>
    tpu.vector_store %arg3[%swap3A_3639, %swap3A_3640, %swap3A_3641], %swap3A_3644 {strides = array<i32>} : memref<1x64x8xf32, #tpu.memory_space<vmem>>, vector<1x1x8xf32>,
    %get3A_3645 = arith.constant 0 : index
    %get3A_3646 = arith.constant 0 : index
    %get3A_3647 = vector.load %arg5[%get3A_3645, %get3A_3646] : memref<728x1xf32, #tpu.memory_space<vmem>>, vector<728x1xf32>
    %reduce_max3A_3648 = vector.shape_cast %get3A_3647 : vector<728x1xf32> to vector<1x728x1xf32>
    %reduce_max3A_3649 = arith.constant dense<0xFF800000> : vector<1xf32>
    %reduce_max3A_3650 = vector.multi_reduction <maximumf>, %reduce_max3A_3648, %reduce_max3A_3649 [1, 2] : vector<1x728x1xf32> to vector<1xf32>
    %reduce_max3A_3651 = vector.shape_cast %reduce_max3A_3650 : vector<1xf32> to vector<1x1x1xf32>
    %reduce_max3A_3652 = vector.extract %reduce_max3A_3651[0, 0, 0] : f32 from vector<1x1x1xf32>
    %eq3A_3653 = vector.broadcast %reduce_max3A_3652 : f32 to vector<728x1xf32>
    %eq3A_3654 = arith.cmpf oeq, %get3A_3647, %eq3A_3653 : vector<728x1xf32>
    %jit3A_3655 = arith.constant 728 : i32
    %broadcast_in_dim3A_3656 = vector.broadcast %jit3A_3655 : i32 to vector<728x1xi32>
    %select_n3A_3657 = arith.select %eq3A_3654, %iota3A, %broadcast_in_dim3A_3656 : vector<728x1xi1>, vector<728x1xi32>
    %reduce_min3A_3658 = vector.shape_cast %select_n3A_3657 : vector<728x1xi32> to vector<1x728x1xi32>
    %reduce_min3A_3659 = arith.constant dense<2147483647> : vector<1xi32>
    %reduce_min3A_3660 = vector.multi_reduction <minsi>, %reduce_min3A_3658, %reduce_min3A_3659 [1, 2] : vector<1x728x1xi32> to vector<1xi32>
    %reduce_min3A_3661 = vector.shape_cast %reduce_min3A_3660 : vector<1xi32> to vector<1x1x1xi32>
    %reduce_min3A_3662 = vector.extract %reduce_min3A_3661[0, 0, 0] : i32 from vector<1x1x1xi32>
    %jit3A_3663 = arith.constant 8 : i32
    %div3A_3664 = arith.divsi %reduce_min3A_3662, %jit3A_3663 : i32
    %sign3A_3665 = arith.constant 0 : i32
    %sign3A_3666 = arith.cmpi sgt, %reduce_min3A_3662, %sign3A_3665 : i32
    %sign3A_3667 = arith.extui %sign3A_3666 : i1 to i32
    %sign3A_3668 = arith.constant 0 : i32
    %sign3A_3669 = arith.cmpi slt, %reduce_min3A_3662, %sign3A_3668 : i32
    %sign3A_3670 = arith.extui %sign3A_3669 : i1 to i32
    %sign3A_3671 = arith.subi %sign3A_3667, %sign3A_3670 : i32
    %sign3A_3672 = arith.constant 0 : i32
    %sign3A_3673 = arith.cmpi sgt, %jit3A_3663, %sign3A_3672 : i32
    %sign3A_3674 = arith.extui %sign3A_3673 : i1 to i32
    %sign3A_3675 = arith.constant 0 : i32
    %sign3A_3676 = arith.cmpi slt, %jit3A_3663, %sign3A_3675 : i32
    %sign3A_3677 = arith.extui %sign3A_3676 : i1 to i32
    %sign3A_3678 = arith.subi %sign3A_3674, %sign3A_3677 : i32
    %ne3A_3679 = arith.cmpi ne, %sign3A_3671, %sign3A_3678 : i32
    %rem3A_3680 = arith.remsi %reduce_min3A_3662, %jit3A_3663 : i32
    %ne3A_3681 = arith.constant 0 : i32
    %ne3A_3682 = arith.cmpi ne, %rem3A_3680, %ne3A_3681 : i32
    %and3A_3683 = arith.andi %ne3A_3679, %ne3A_3682 : i1
    %sub3A_3684 = arith.constant 1 : i32
    %sub3A_3685 = arith.subi %div3A_3664, %sub3A_3684 : i32
    %select_n3A_3686 = arith.select %and3A_3683, %sub3A_3685, %div3A_3664 : i32
    %mul3A_3687 = arith.constant 8 : i32
    %mul3A_3688 = arith.muli %select_n3A_3686, %mul3A_3687 : i32
    %multiple_of3A_3689 = tpu.assume_multiple %mul3A_3688, 8 : i32
    %sub3A_3690 = arith.subi %reduce_min3A_3662, %multiple_of3A_3689 : i32
    %get3A_3691 = arith.index_cast %multiple_of3A_3689 : i32 to index
    %get3A_3692 = arith.constant 0 : index
    %get3A_3693 = vector.load %arg4[%get3A_3691, %get3A_3692] : memref<728x1440xf32, #tpu.memory_space<vmem>>, vector<8x1440xf32>
    %eq3A_3694 = vector.broadcast %sub3A_3690 : i32 to vector<8x1xi32>
    %eq3A_3695 = arith.cmpi eq, %iota3A_66, %eq3A_3694 : vector<8x1xi32>
    %jit3A_3696 = arith.constant -3.000000e+38 : f32
    %broadcast_in_dim3A_3697 = vector.shape_cast %eq3A_3695 : vector<8x1xi1> to vector<8x1xi1>
    %broadcast_in_dim3A_3698 = vector.broadcast %broadcast_in_dim3A_3697 : vector<8x1xi1> to vector<8x1440xi1>
    %broadcast_in_dim3A_3699 = vector.broadcast %jit3A_3696 : f32 to vector<8x1440xf32>
    %select_n3A_3700 = arith.select %broadcast_in_dim3A_3698, %get3A_3693, %broadcast_in_dim3A_3699 : vector<8x1440xi1>, vector<8x1440xf32>
    %reduce_max3A_3701 = vector.shape_cast %select_n3A_3700 : vector<8x1440xf32> to vector<1x8x1440xf32>
    %reduce_max3A_3702 = arith.constant dense<0xFF800000> : vector<1xf32>
    %reduce_max3A_3703 = vector.multi_reduction <maximumf>, %reduce_max3A_3701, %reduce_max3A_3702 [1, 2] : vector<1x8x1440xf32> to vector<1xf32>
    %reduce_max3A_3704 = vector.shape_cast %reduce_max3A_3703 : vector<1xf32> to vector<1x1x1xf32>
    %reduce_max3A_3705 = vector.extract %reduce_max3A_3704[0, 0, 0] : f32 from vector<1x1x1xf32>
    %eq3A_3706 = vector.broadcast %reduce_max3A_3705 : f32 to vector<8x1440xf32>
    %eq3A_3707 = arith.cmpf oeq, %select_n3A_3700, %eq3A_3706 : vector<8x1440xf32>
    %jit3A_3708 = arith.constant 1440 : i32
    %broadcast_in_dim3A_3709 = vector.broadcast %jit3A_3708 : i32 to vector<8x1440xi32>
    %select_n3A_3710 = arith.select %eq3A_3707, %iota3A_67, %broadcast_in_dim3A_3709 : vector<8x1440xi1>, vector<8x1440xi32>
    %reduce_min3A_3711 = vector.shape_cast %select_n3A_3710 : vector<8x1440xi32> to vector<1x8x1440xi32>
    %reduce_min3A_3712 = arith.constant dense<2147483647> : vector<1xi32>
    %reduce_min3A_3713 = vector.multi_reduction <minsi>, %reduce_min3A_3711, %reduce_min3A_3712 [1, 2] : vector<1x8x1440xi32> to vector<1xi32>
    %reduce_min3A_3714 = vector.shape_cast %reduce_min3A_3713 : vector<1xi32> to vector<1x1x1xi32>
    %reduce_min3A_3715 = vector.extract %reduce_min3A_3714[0, 0, 0] : i32 from vector<1x1x1xi32>
    %eq3A_3716 = vector.broadcast %reduce_min3A_3715 : i32 to vector<8x1440xi32>
    %eq3A_3717 = arith.cmpi eq, %iota3A_67, %eq3A_3716 : vector<8x1440xi32>
    %and3A_3718 = vector.broadcast %eq3A_3695 : vector<8x1xi1> to vector<8x1440xi1>
    %and3A_3719 = arith.andi %and3A_3718, %eq3A_3717 : vector<8x1440xi1>
    %jit3A_3720 = arith.constant -3.000000e+38 : f32
    %broadcast_in_dim3A_3721 = vector.broadcast %jit3A_3720 : f32 to vector<8x1440xf32>
    %select_n3A_3722 = arith.select %and3A_3719, %broadcast_in_dim3A_3721, %get3A_3693 : vector<8x1440xi1>, vector<8x1440xf32>
    %swap3A_3723 = arith.index_cast %multiple_of3A_3689 : i32 to index
    %swap3A_3724 = arith.constant 0 : index
    %swap3A_3725 = vector.load %arg4[%swap3A_3723, %swap3A_3724] : memref<728x1440xf32, #tpu.memory_space<vmem>>, vector<8x1440xf32>
    tpu.vector_store %arg4[%swap3A_3723, %swap3A_3724], %select_n3A_3722 {strides = array<i32>} : memref<728x1440xf32, #tpu.memory_space<vmem>>, vector<8x1440xf32>,
    %reduce_max3A_3726 = arith.constant dense<0xFF800000> : vector<8xf32>
    %reduce_max3A_3727 = vector.multi_reduction <maximumf>, %select_n3A_3722, %reduce_max3A_3726 [1] : vector<8x1440xf32> to vector<8xf32>
    %broadcast_in_dim3A_3728 = vector.shape_cast %reduce_max3A_3727 : vector<8xf32> to vector<8x1xf32>
    %swap3A_3729 = arith.index_cast %multiple_of3A_3689 : i32 to index
    %swap3A_3730 = arith.constant 0 : index
    %swap3A_3731 = vector.load %arg5[%swap3A_3729, %swap3A_3730] : memref<728x1xf32, #tpu.memory_space<vmem>>, vector<8x1xf32>
    tpu.vector_store %arg5[%swap3A_3729, %swap3A_3730], %broadcast_in_dim3A_3728 {strides = array<i32>} : memref<728x1xf32, #tpu.memory_space<vmem>>, vector<8x1xf32>,
    %eq3A_3732 = arith.constant 0 : i32
    %eq3A_3733 = vector.broadcast %eq3A_3732 : i32 to vector<1x8xi32>
    %eq3A_3734 = arith.cmpi eq, %iota3A_68, %eq3A_3733 : vector<1x8xi32>
    %convert_element_type3A_3735 = arith.sitofp %reduce_min3A_3662 : i32 to f32
    %eq3A_3736 = arith.constant 1 : i32
    %eq3A_3737 = vector.broadcast %eq3A_3736 : i32 to vector<1x8xi32>
    %eq3A_3738 = arith.cmpi eq, %iota3A_68, %eq3A_3737 : vector<1x8xi32>
    %convert_element_type3A_3739 = arith.sitofp %reduce_min3A_3715 : i32 to f32
    %eq3A_3740 = arith.constant 2 : i32
    %eq3A_3741 = vector.broadcast %eq3A_3740 : i32 to vector<1x8xi32>
    %eq3A_3742 = arith.cmpi eq, %iota3A_68, %eq3A_3741 : vector<1x8xi32>
    %jit3A_3743 = arith.constant 0.000000e+00 : f32
    %broadcast_in_dim3A_3744 = vector.broadcast %reduce_max3A_3652 : f32 to vector<1x8xf32>
    %broadcast_in_dim3A_3745 = vector.broadcast %jit3A_3743 : f32 to vector<1x8xf32>
    %select_n3A_3746 = arith.select %eq3A_3742, %broadcast_in_dim3A_3744, %broadcast_in_dim3A_3745 : vector<1x8xi1>, vector<1x8xf32>
    %broadcast_in_dim3A_3747 = vector.broadcast %convert_element_type3A_3739 : f32 to vector<1x8xf32>
    %select_n3A_3748 = arith.select %eq3A_3738, %broadcast_in_dim3A_3747, %select_n3A_3746 : vector<1x8xi1>, vector<1x8xf32>
    %broadcast_in_dim3A_3749 = vector.broadcast %convert_element_type3A_3735 : f32 to vector<1x8xf32>
    %select_n3A_3750 = arith.select %eq3A_3734, %broadcast_in_dim3A_3749, %select_n3A_3748 : vector<1x8xi1>, vector<1x8xf32>
    %swap3A_3751 = arith.constant 0 : index
    %swap3A_3752 = arith.constant 32 : index
    %swap3A_3753 = arith.constant 0 : index
    %swap3A_3754 = vector.load %arg3[%swap3A_3751, %swap3A_3752, %swap3A_3753] : memref<1x64x8xf32, #tpu.memory_space<vmem>>, vector<1x1x8xf32>
    %swap3A_3755 = vector.shape_cast %swap3A_3754 : vector<1x1x8xf32> to vector<1x8xf32>
    %swap3A_3756 = vector.shape_cast %select_n3A_3750 : vector<1x8xf32> to vector<1x1x8xf32>
    tpu.vector_store %arg3[%swap3A_3751, %swap3A_3752, %swap3A_3753], %swap3A_3756 {strides = array<i32>} : memref<1x64x8xf32, #tpu.memory_space<vmem>>, vector<1x1x8xf32>,
    %get3A_3757 = arith.constant 0 : index
    %get3A_3758 = arith.constant 0 : index
    %get3A_3759 = vector.load %arg5[%get3A_3757, %get3A_3758] : memref<728x1xf32, #tpu.memory_space<vmem>>, vector<728x1xf32>
    %reduce_max3A_3760 = vector.shape_cast %get3A_3759 : vector<728x1xf32> to vector<1x728x1xf32>
    %reduce_max3A_3761 = arith.constant dense<0xFF800000> : vector<1xf32>
    %reduce_max3A_3762 = vector.multi_reduction <maximumf>, %reduce_max3A_3760, %reduce_max3A_3761 [1, 2] : vector<1x728x1xf32> to vector<1xf32>
    %reduce_max3A_3763 = vector.shape_cast %reduce_max3A_3762 : vector<1xf32> to vector<1x1x1xf32>
    %reduce_max3A_3764 = vector.extract %reduce_max3A_3763[0, 0, 0] : f32 from vector<1x1x1xf32>
    %eq3A_3765 = vector.broadcast %reduce_max3A_3764 : f32 to vector<728x1xf32>
    %eq3A_3766 = arith.cmpf oeq, %get3A_3759, %eq3A_3765 : vector<728x1xf32>
    %jit3A_3767 = arith.constant 728 : i32
    %broadcast_in_dim3A_3768 = vector.broadcast %jit3A_3767 : i32 to vector<728x1xi32>
    %select_n3A_3769 = arith.select %eq3A_3766, %iota3A, %broadcast_in_dim3A_3768 : vector<728x1xi1>, vector<728x1xi32>
    %reduce_min3A_3770 = vector.shape_cast %select_n3A_3769 : vector<728x1xi32> to vector<1x728x1xi32>
    %reduce_min3A_3771 = arith.constant dense<2147483647> : vector<1xi32>
    %reduce_min3A_3772 = vector.multi_reduction <minsi>, %reduce_min3A_3770, %reduce_min3A_3771 [1, 2] : vector<1x728x1xi32> to vector<1xi32>
    %reduce_min3A_3773 = vector.shape_cast %reduce_min3A_3772 : vector<1xi32> to vector<1x1x1xi32>
    %reduce_min3A_3774 = vector.extract %reduce_min3A_3773[0, 0, 0] : i32 from vector<1x1x1xi32>
    %jit3A_3775 = arith.constant 8 : i32
    %div3A_3776 = arith.divsi %reduce_min3A_3774, %jit3A_3775 : i32
    %sign3A_3777 = arith.constant 0 : i32
    %sign3A_3778 = arith.cmpi sgt, %reduce_min3A_3774, %sign3A_3777 : i32
    %sign3A_3779 = arith.extui %sign3A_3778 : i1 to i32
    %sign3A_3780 = arith.constant 0 : i32
    %sign3A_3781 = arith.cmpi slt, %reduce_min3A_3774, %sign3A_3780 : i32
    %sign3A_3782 = arith.extui %sign3A_3781 : i1 to i32
    %sign3A_3783 = arith.subi %sign3A_3779, %sign3A_3782 : i32
    %sign3A_3784 = arith.constant 0 : i32
    %sign3A_3785 = arith.cmpi sgt, %jit3A_3775, %sign3A_3784 : i32
    %sign3A_3786 = arith.extui %sign3A_3785 : i1 to i32
    %sign3A_3787 = arith.constant 0 : i32
    %sign3A_3788 = arith.cmpi slt, %jit3A_3775, %sign3A_3787 : i32
    %sign3A_3789 = arith.extui %sign3A_3788 : i1 to i32
    %sign3A_3790 = arith.subi %sign3A_3786, %sign3A_3789 : i32
    %ne3A_3791 = arith.cmpi ne, %sign3A_3783, %sign3A_3790 : i32
    %rem3A_3792 = arith.remsi %reduce_min3A_3774, %jit3A_3775 : i32
    %ne3A_3793 = arith.constant 0 : i32
    %ne3A_3794 = arith.cmpi ne, %rem3A_3792, %ne3A_3793 : i32
    %and3A_3795 = arith.andi %ne3A_3791, %ne3A_3794 : i1
    %sub3A_3796 = arith.constant 1 : i32
    %sub3A_3797 = arith.subi %div3A_3776, %sub3A_3796 : i32
    %select_n3A_3798 = arith.select %and3A_3795, %sub3A_3797, %div3A_3776 : i32
    %mul3A_3799 = arith.constant 8 : i32
    %mul3A_3800 = arith.muli %select_n3A_3798, %mul3A_3799 : i32
    %multiple_of3A_3801 = tpu.assume_multiple %mul3A_3800, 8 : i32
    %sub3A_3802 = arith.subi %reduce_min3A_3774, %multiple_of3A_3801 : i32
    %get3A_3803 = arith.index_cast %multiple_of3A_3801 : i32 to index
    %get3A_3804 = arith.constant 0 : index
    %get3A_3805 = vector.load %arg4[%get3A_3803, %get3A_3804] : memref<728x1440xf32, #tpu.memory_space<vmem>>, vector<8x1440xf32>
    %eq3A_3806 = vector.broadcast %sub3A_3802 : i32 to vector<8x1xi32>
    %eq3A_3807 = arith.cmpi eq, %iota3A_66, %eq3A_3806 : vector<8x1xi32>
    %jit3A_3808 = arith.constant -3.000000e+38 : f32
    %broadcast_in_dim3A_3809 = vector.shape_cast %eq3A_3807 : vector<8x1xi1> to vector<8x1xi1>
    %broadcast_in_dim3A_3810 = vector.broadcast %broadcast_in_dim3A_3809 : vector<8x1xi1> to vector<8x1440xi1>
    %broadcast_in_dim3A_3811 = vector.broadcast %jit3A_3808 : f32 to vector<8x1440xf32>
    %select_n3A_3812 = arith.select %broadcast_in_dim3A_3810, %get3A_3805, %broadcast_in_dim3A_3811 : vector<8x1440xi1>, vector<8x1440xf32>
    %reduce_max3A_3813 = vector.shape_cast %select_n3A_3812 : vector<8x1440xf32> to vector<1x8x1440xf32>
    %reduce_max3A_3814 = arith.constant dense<0xFF800000> : vector<1xf32>
    %reduce_max3A_3815 = vector.multi_reduction <maximumf>, %reduce_max3A_3813, %reduce_max3A_3814 [1, 2] : vector<1x8x1440xf32> to vector<1xf32>
    %reduce_max3A_3816 = vector.shape_cast %reduce_max3A_3815 : vector<1xf32> to vector<1x1x1xf32>
    %reduce_max3A_3817 = vector.extract %reduce_max3A_3816[0, 0, 0] : f32 from vector<1x1x1xf32>
    %eq3A_3818 = vector.broadcast %reduce_max3A_3817 : f32 to vector<8x1440xf32>
    %eq3A_3819 = arith.cmpf oeq, %select_n3A_3812, %eq3A_3818 : vector<8x1440xf32>
    %jit3A_3820 = arith.constant 1440 : i32
    %broadcast_in_dim3A_3821 = vector.broadcast %jit3A_3820 : i32 to vector<8x1440xi32>
    %select_n3A_3822 = arith.select %eq3A_3819, %iota3A_67, %broadcast_in_dim3A_3821 : vector<8x1440xi1>, vector<8x1440xi32>
    %reduce_min3A_3823 = vector.shape_cast %select_n3A_3822 : vector<8x1440xi32> to vector<1x8x1440xi32>
    %reduce_min3A_3824 = arith.constant dense<2147483647> : vector<1xi32>
    %reduce_min3A_3825 = vector.multi_reduction <minsi>, %reduce_min3A_3823, %reduce_min3A_3824 [1, 2] : vector<1x8x1440xi32> to vector<1xi32>
    %reduce_min3A_3826 = vector.shape_cast %reduce_min3A_3825 : vector<1xi32> to vector<1x1x1xi32>
    %reduce_min3A_3827 = vector.extract %reduce_min3A_3826[0, 0, 0] : i32 from vector<1x1x1xi32>
    %eq3A_3828 = vector.broadcast %reduce_min3A_3827 : i32 to vector<8x1440xi32>
    %eq3A_3829 = arith.cmpi eq, %iota3A_67, %eq3A_3828 : vector<8x1440xi32>
    %and3A_3830 = vector.broadcast %eq3A_3807 : vector<8x1xi1> to vector<8x1440xi1>
    %and3A_3831 = arith.andi %and3A_3830, %eq3A_3829 : vector<8x1440xi1>
    %jit3A_3832 = arith.constant -3.000000e+38 : f32
    %broadcast_in_dim3A_3833 = vector.broadcast %jit3A_3832 : f32 to vector<8x1440xf32>
    %select_n3A_3834 = arith.select %and3A_3831, %broadcast_in_dim3A_3833, %get3A_3805 : vector<8x1440xi1>, vector<8x1440xf32>
    %swap3A_3835 = arith.index_cast %multiple_of3A_3801 : i32 to index
    %swap3A_3836 = arith.constant 0 : index
    %swap3A_3837 = vector.load %arg4[%swap3A_3835, %swap3A_3836] : memref<728x1440xf32, #tpu.memory_space<vmem>>, vector<8x1440xf32>
    tpu.vector_store %arg4[%swap3A_3835, %swap3A_3836], %select_n3A_3834 {strides = array<i32>} : memref<728x1440xf32, #tpu.memory_space<vmem>>, vector<8x1440xf32>,
    %reduce_max3A_3838 = arith.constant dense<0xFF800000> : vector<8xf32>
    %reduce_max3A_3839 = vector.multi_reduction <maximumf>, %select_n3A_3834, %reduce_max3A_3838 [1] : vector<8x1440xf32> to vector<8xf32>
    %broadcast_in_dim3A_3840 = vector.shape_cast %reduce_max3A_3839 : vector<8xf32> to vector<8x1xf32>
    %swap3A_3841 = arith.index_cast %multiple_of3A_3801 : i32 to index
    %swap3A_3842 = arith.constant 0 : index
    %swap3A_3843 = vector.load %arg5[%swap3A_3841, %swap3A_3842] : memref<728x1xf32, #tpu.memory_space<vmem>>, vector<8x1xf32>
    tpu.vector_store %arg5[%swap3A_3841, %swap3A_3842], %broadcast_in_dim3A_3840 {strides = array<i32>} : memref<728x1xf32, #tpu.memory_space<vmem>>, vector<8x1xf32>,
    %eq3A_3844 = arith.constant 0 : i32
    %eq3A_3845 = vector.broadcast %eq3A_3844 : i32 to vector<1x8xi32>
    %eq3A_3846 = arith.cmpi eq, %iota3A_68, %eq3A_3845 : vector<1x8xi32>
    %convert_element_type3A_3847 = arith.sitofp %reduce_min3A_3774 : i32 to f32
    %eq3A_3848 = arith.constant 1 : i32
    %eq3A_3849 = vector.broadcast %eq3A_3848 : i32 to vector<1x8xi32>
    %eq3A_3850 = arith.cmpi eq, %iota3A_68, %eq3A_3849 : vector<1x8xi32>
    %convert_element_type3A_3851 = arith.sitofp %reduce_min3A_3827 : i32 to f32
    %eq3A_3852 = arith.constant 2 : i32
    %eq3A_3853 = vector.broadcast %eq3A_3852 : i32 to vector<1x8xi32>
    %eq3A_3854 = arith.cmpi eq, %iota3A_68, %eq3A_3853 : vector<1x8xi32>
    %jit3A_3855 = arith.constant 0.000000e+00 : f32
    %broadcast_in_dim3A_3856 = vector.broadcast %reduce_max3A_3764 : f32 to vector<1x8xf32>
    %broadcast_in_dim3A_3857 = vector.broadcast %jit3A_3855 : f32 to vector<1x8xf32>
    %select_n3A_3858 = arith.select %eq3A_3854, %broadcast_in_dim3A_3856, %broadcast_in_dim3A_3857 : vector<1x8xi1>, vector<1x8xf32>
    %broadcast_in_dim3A_3859 = vector.broadcast %convert_element_type3A_3851 : f32 to vector<1x8xf32>
    %select_n3A_3860 = arith.select %eq3A_3850, %broadcast_in_dim3A_3859, %select_n3A_3858 : vector<1x8xi1>, vector<1x8xf32>
    %broadcast_in_dim3A_3861 = vector.broadcast %convert_element_type3A_3847 : f32 to vector<1x8xf32>
    %select_n3A_3862 = arith.select %eq3A_3846, %broadcast_in_dim3A_3861, %select_n3A_3860 : vector<1x8xi1>, vector<1x8xf32>
    %swap3A_3863 = arith.constant 0 : index
    %swap3A_3864 = arith.constant 33 : index
    %swap3A_3865 = arith.constant 0 : index
    %swap3A_3866 = vector.load %arg3[%swap3A_3863, %swap3A_3864, %swap3A_3865] : memref<1x64x8xf32, #tpu.memory_space<vmem>>, vector<1x1x8xf32>
    %swap3A_3867 = vector.shape_cast %swap3A_3866 : vector<1x1x8xf32> to vector<1x8xf32>
    %swap3A_3868 = vector.shape_cast %select_n3A_3862 : vector<1x8xf32> to vector<1x1x8xf32>
    tpu.vector_store %arg3[%swap3A_3863, %swap3A_3864, %swap3A_3865], %swap3A_3868 {strides = array<i32>} : memref<1x64x8xf32, #tpu.memory_space<vmem>>, vector<1x1x8xf32>,
    %get3A_3869 = arith.constant 0 : index
    %get3A_3870 = arith.constant 0 : index
    %get3A_3871 = vector.load %arg5[%get3A_3869, %get3A_3870] : memref<728x1xf32, #tpu.memory_space<vmem>>, vector<728x1xf32>
    %reduce_max3A_3872 = vector.shape_cast %get3A_3871 : vector<728x1xf32> to vector<1x728x1xf32>
    %reduce_max3A_3873 = arith.constant dense<0xFF800000> : vector<1xf32>
    %reduce_max3A_3874 = vector.multi_reduction <maximumf>, %reduce_max3A_3872, %reduce_max3A_3873 [1, 2] : vector<1x728x1xf32> to vector<1xf32>
    %reduce_max3A_3875 = vector.shape_cast %reduce_max3A_3874 : vector<1xf32> to vector<1x1x1xf32>
    %reduce_max3A_3876 = vector.extract %reduce_max3A_3875[0, 0, 0] : f32 from vector<1x1x1xf32>
    %eq3A_3877 = vector.broadcast %reduce_max3A_3876 : f32 to vector<728x1xf32>
    %eq3A_3878 = arith.cmpf oeq, %get3A_3871, %eq3A_3877 : vector<728x1xf32>
    %jit3A_3879 = arith.constant 728 : i32
    %broadcast_in_dim3A_3880 = vector.broadcast %jit3A_3879 : i32 to vector<728x1xi32>
    %select_n3A_3881 = arith.select %eq3A_3878, %iota3A, %broadcast_in_dim3A_3880 : vector<728x1xi1>, vector<728x1xi32>
    %reduce_min3A_3882 = vector.shape_cast %select_n3A_3881 : vector<728x1xi32> to vector<1x728x1xi32>
    %reduce_min3A_3883 = arith.constant dense<2147483647> : vector<1xi32>
    %reduce_min3A_3884 = vector.multi_reduction <minsi>, %reduce_min3A_3882, %reduce_min3A_3883 [1, 2] : vector<1x728x1xi32> to vector<1xi32>
    %reduce_min3A_3885 = vector.shape_cast %reduce_min3A_3884 : vector<1xi32> to vector<1x1x1xi32>
    %reduce_min3A_3886 = vector.extract %reduce_min3A_3885[0, 0, 0] : i32 from vector<1x1x1xi32>
    %jit3A_3887 = arith.constant 8 : i32
    %div3A_3888 = arith.divsi %reduce_min3A_3886, %jit3A_3887 : i32
    %sign3A_3889 = arith.constant 0 : i32
    %sign3A_3890 = arith.cmpi sgt, %reduce_min3A_3886, %sign3A_3889 : i32
    %sign3A_3891 = arith.extui %sign3A_3890 : i1 to i32
    %sign3A_3892 = arith.constant 0 : i32
    %sign3A_3893 = arith.cmpi slt, %reduce_min3A_3886, %sign3A_3892 : i32
    %sign3A_3894 = arith.extui %sign3A_3893 : i1 to i32
    %sign3A_3895 = arith.subi %sign3A_3891, %sign3A_3894 : i32
    %sign3A_3896 = arith.constant 0 : i32
    %sign3A_3897 = arith.cmpi sgt, %jit3A_3887, %sign3A_3896 : i32
    %sign3A_3898 = arith.extui %sign3A_3897 : i1 to i32
    %sign3A_3899 = arith.constant 0 : i32
    %sign3A_3900 = arith.cmpi slt, %jit3A_3887, %sign3A_3899 : i32
    %sign3A_3901 = arith.extui %sign3A_3900 : i1 to i32
    %sign3A_3902 = arith.subi %sign3A_3898, %sign3A_3901 : i32
    %ne3A_3903 = arith.cmpi ne, %sign3A_3895, %sign3A_3902 : i32
    %rem3A_3904 = arith.remsi %reduce_min3A_3886, %jit3A_3887 : i32
    %ne3A_3905 = arith.constant 0 : i32
    %ne3A_3906 = arith.cmpi ne, %rem3A_3904, %ne3A_3905 : i32
    %and3A_3907 = arith.andi %ne3A_3903, %ne3A_3906 : i1
    %sub3A_3908 = arith.constant 1 : i32
    %sub3A_3909 = arith.subi %div3A_3888, %sub3A_3908 : i32
    %select_n3A_3910 = arith.select %and3A_3907, %sub3A_3909, %div3A_3888 : i32
    %mul3A_3911 = arith.constant 8 : i32
    %mul3A_3912 = arith.muli %select_n3A_3910, %mul3A_3911 : i32
    %multiple_of3A_3913 = tpu.assume_multiple %mul3A_3912, 8 : i32
    %sub3A_3914 = arith.subi %reduce_min3A_3886, %multiple_of3A_3913 : i32
    %get3A_3915 = arith.index_cast %multiple_of3A_3913 : i32 to index
    %get3A_3916 = arith.constant 0 : index
    %get3A_3917 = vector.load %arg4[%get3A_3915, %get3A_3916] : memref<728x1440xf32, #tpu.memory_space<vmem>>, vector<8x1440xf32>
    %eq3A_3918 = vector.broadcast %sub3A_3914 : i32 to vector<8x1xi32>
    %eq3A_3919 = arith.cmpi eq, %iota3A_66, %eq3A_3918 : vector<8x1xi32>
    %jit3A_3920 = arith.constant -3.000000e+38 : f32
    %broadcast_in_dim3A_3921 = vector.shape_cast %eq3A_3919 : vector<8x1xi1> to vector<8x1xi1>
    %broadcast_in_dim3A_3922 = vector.broadcast %broadcast_in_dim3A_3921 : vector<8x1xi1> to vector<8x1440xi1>
    %broadcast_in_dim3A_3923 = vector.broadcast %jit3A_3920 : f32 to vector<8x1440xf32>
    %select_n3A_3924 = arith.select %broadcast_in_dim3A_3922, %get3A_3917, %broadcast_in_dim3A_3923 : vector<8x1440xi1>, vector<8x1440xf32>
    %reduce_max3A_3925 = vector.shape_cast %select_n3A_3924 : vector<8x1440xf32> to vector<1x8x1440xf32>
    %reduce_max3A_3926 = arith.constant dense<0xFF800000> : vector<1xf32>
    %reduce_max3A_3927 = vector.multi_reduction <maximumf>, %reduce_max3A_3925, %reduce_max3A_3926 [1, 2] : vector<1x8x1440xf32> to vector<1xf32>
    %reduce_max3A_3928 = vector.shape_cast %reduce_max3A_3927 : vector<1xf32> to vector<1x1x1xf32>
    %reduce_max3A_3929 = vector.extract %reduce_max3A_3928[0, 0, 0] : f32 from vector<1x1x1xf32>
    %eq3A_3930 = vector.broadcast %reduce_max3A_3929 : f32 to vector<8x1440xf32>
    %eq3A_3931 = arith.cmpf oeq, %select_n3A_3924, %eq3A_3930 : vector<8x1440xf32>
    %jit3A_3932 = arith.constant 1440 : i32
    %broadcast_in_dim3A_3933 = vector.broadcast %jit3A_3932 : i32 to vector<8x1440xi32>
    %select_n3A_3934 = arith.select %eq3A_3931, %iota3A_67, %broadcast_in_dim3A_3933 : vector<8x1440xi1>, vector<8x1440xi32>
    %reduce_min3A_3935 = vector.shape_cast %select_n3A_3934 : vector<8x1440xi32> to vector<1x8x1440xi32>
    %reduce_min3A_3936 = arith.constant dense<2147483647> : vector<1xi32>
    %reduce_min3A_3937 = vector.multi_reduction <minsi>, %reduce_min3A_3935, %reduce_min3A_3936 [1, 2] : vector<1x8x1440xi32> to vector<1xi32>
    %reduce_min3A_3938 = vector.shape_cast %reduce_min3A_3937 : vector<1xi32> to vector<1x1x1xi32>
    %reduce_min3A_3939 = vector.extract %reduce_min3A_3938[0, 0, 0] : i32 from vector<1x1x1xi32>
    %eq3A_3940 = vector.broadcast %reduce_min3A_3939 : i32 to vector<8x1440xi32>
    %eq3A_3941 = arith.cmpi eq, %iota3A_67, %eq3A_3940 : vector<8x1440xi32>
    %and3A_3942 = vector.broadcast %eq3A_3919 : vector<8x1xi1> to vector<8x1440xi1>
    %and3A_3943 = arith.andi %and3A_3942, %eq3A_3941 : vector<8x1440xi1>
    %jit3A_3944 = arith.constant -3.000000e+38 : f32
    %broadcast_in_dim3A_3945 = vector.broadcast %jit3A_3944 : f32 to vector<8x1440xf32>
    %select_n3A_3946 = arith.select %and3A_3943, %broadcast_in_dim3A_3945, %get3A_3917 : vector<8x1440xi1>, vector<8x1440xf32>
    %swap3A_3947 = arith.index_cast %multiple_of3A_3913 : i32 to index
    %swap3A_3948 = arith.constant 0 : index
    %swap3A_3949 = vector.load %arg4[%swap3A_3947, %swap3A_3948] : memref<728x1440xf32, #tpu.memory_space<vmem>>, vector<8x1440xf32>
    tpu.vector_store %arg4[%swap3A_3947, %swap3A_3948], %select_n3A_3946 {strides = array<i32>} : memref<728x1440xf32, #tpu.memory_space<vmem>>, vector<8x1440xf32>,
    %reduce_max3A_3950 = arith.constant dense<0xFF800000> : vector<8xf32>
    %reduce_max3A_3951 = vector.multi_reduction <maximumf>, %select_n3A_3946, %reduce_max3A_3950 [1] : vector<8x1440xf32> to vector<8xf32>
    %broadcast_in_dim3A_3952 = vector.shape_cast %reduce_max3A_3951 : vector<8xf32> to vector<8x1xf32>
    %swap3A_3953 = arith.index_cast %multiple_of3A_3913 : i32 to index
    %swap3A_3954 = arith.constant 0 : index
    %swap3A_3955 = vector.load %arg5[%swap3A_3953, %swap3A_3954] : memref<728x1xf32, #tpu.memory_space<vmem>>, vector<8x1xf32>
    tpu.vector_store %arg5[%swap3A_3953, %swap3A_3954], %broadcast_in_dim3A_3952 {strides = array<i32>} : memref<728x1xf32, #tpu.memory_space<vmem>>, vector<8x1xf32>,
    %eq3A_3956 = arith.constant 0 : i32
    %eq3A_3957 = vector.broadcast %eq3A_3956 : i32 to vector<1x8xi32>
    %eq3A_3958 = arith.cmpi eq, %iota3A_68, %eq3A_3957 : vector<1x8xi32>
    %convert_element_type3A_3959 = arith.sitofp %reduce_min3A_3886 : i32 to f32
    %eq3A_3960 = arith.constant 1 : i32
    %eq3A_3961 = vector.broadcast %eq3A_3960 : i32 to vector<1x8xi32>
    %eq3A_3962 = arith.cmpi eq, %iota3A_68, %eq3A_3961 : vector<1x8xi32>
    %convert_element_type3A_3963 = arith.sitofp %reduce_min3A_3939 : i32 to f32
    %eq3A_3964 = arith.constant 2 : i32
    %eq3A_3965 = vector.broadcast %eq3A_3964 : i32 to vector<1x8xi32>
    %eq3A_3966 = arith.cmpi eq, %iota3A_68, %eq3A_3965 : vector<1x8xi32>
    %jit3A_3967 = arith.constant 0.000000e+00 : f32
    %broadcast_in_dim3A_3968 = vector.broadcast %reduce_max3A_3876 : f32 to vector<1x8xf32>
    %broadcast_in_dim3A_3969 = vector.broadcast %jit3A_3967 : f32 to vector<1x8xf32>
    %select_n3A_3970 = arith.select %eq3A_3966, %broadcast_in_dim3A_3968, %broadcast_in_dim3A_3969 : vector<1x8xi1>, vector<1x8xf32>
    %broadcast_in_dim3A_3971 = vector.broadcast %convert_element_type3A_3963 : f32 to vector<1x8xf32>
    %select_n3A_3972 = arith.select %eq3A_3962, %broadcast_in_dim3A_3971, %select_n3A_3970 : vector<1x8xi1>, vector<1x8xf32>
    %broadcast_in_dim3A_3973 = vector.broadcast %convert_element_type3A_3959 : f32 to vector<1x8xf32>
    %select_n3A_3974 = arith.select %eq3A_3958, %broadcast_in_dim3A_3973, %select_n3A_3972 : vector<1x8xi1>, vector<1x8xf32>
    %swap3A_3975 = arith.constant 0 : index
    %swap3A_3976 = arith.constant 34 : index
    %swap3A_3977 = arith.constant 0 : index
    %swap3A_3978 = vector.load %arg3[%swap3A_3975, %swap3A_3976, %swap3A_3977] : memref<1x64x8xf32, #tpu.memory_space<vmem>>, vector<1x1x8xf32>
    %swap3A_3979 = vector.shape_cast %swap3A_3978 : vector<1x1x8xf32> to vector<1x8xf32>
    %swap3A_3980 = vector.shape_cast %select_n3A_3974 : vector<1x8xf32> to vector<1x1x8xf32>
    tpu.vector_store %arg3[%swap3A_3975, %swap3A_3976, %swap3A_3977], %swap3A_3980 {strides = array<i32>} : memref<1x64x8xf32, #tpu.memory_space<vmem>>, vector<1x1x8xf32>,
    %get3A_3981 = arith.constant 0 : index
    %get3A_3982 = arith.constant 0 : index
    %get3A_3983 = vector.load %arg5[%get3A_3981, %get3A_3982] : memref<728x1xf32, #tpu.memory_space<vmem>>, vector<728x1xf32>
    %reduce_max3A_3984 = vector.shape_cast %get3A_3983 : vector<728x1xf32> to vector<1x728x1xf32>
    %reduce_max3A_3985 = arith.constant dense<0xFF800000> : vector<1xf32>
    %reduce_max3A_3986 = vector.multi_reduction <maximumf>, %reduce_max3A_3984, %reduce_max3A_3985 [1, 2] : vector<1x728x1xf32> to vector<1xf32>
    %reduce_max3A_3987 = vector.shape_cast %reduce_max3A_3986 : vector<1xf32> to vector<1x1x1xf32>
    %reduce_max3A_3988 = vector.extract %reduce_max3A_3987[0, 0, 0] : f32 from vector<1x1x1xf32>
    %eq3A_3989 = vector.broadcast %reduce_max3A_3988 : f32 to vector<728x1xf32>
    %eq3A_3990 = arith.cmpf oeq, %get3A_3983, %eq3A_3989 : vector<728x1xf32>
    %jit3A_3991 = arith.constant 728 : i32
    %broadcast_in_dim3A_3992 = vector.broadcast %jit3A_3991 : i32 to vector<728x1xi32>
    %select_n3A_3993 = arith.select %eq3A_3990, %iota3A, %broadcast_in_dim3A_3992 : vector<728x1xi1>, vector<728x1xi32>
    %reduce_min3A_3994 = vector.shape_cast %select_n3A_3993 : vector<728x1xi32> to vector<1x728x1xi32>
    %reduce_min3A_3995 = arith.constant dense<2147483647> : vector<1xi32>
    %reduce_min3A_3996 = vector.multi_reduction <minsi>, %reduce_min3A_3994, %reduce_min3A_3995 [1, 2] : vector<1x728x1xi32> to vector<1xi32>
    %reduce_min3A_3997 = vector.shape_cast %reduce_min3A_3996 : vector<1xi32> to vector<1x1x1xi32>
    %reduce_min3A_3998 = vector.extract %reduce_min3A_3997[0, 0, 0] : i32 from vector<1x1x1xi32>
    %jit3A_3999 = arith.constant 8 : i32
    %div3A_4000 = arith.divsi %reduce_min3A_3998, %jit3A_3999 : i32
    %sign3A_4001 = arith.constant 0 : i32
    %sign3A_4002 = arith.cmpi sgt, %reduce_min3A_3998, %sign3A_4001 : i32
    %sign3A_4003 = arith.extui %sign3A_4002 : i1 to i32
    %sign3A_4004 = arith.constant 0 : i32
    %sign3A_4005 = arith.cmpi slt, %reduce_min3A_3998, %sign3A_4004 : i32
    %sign3A_4006 = arith.extui %sign3A_4005 : i1 to i32
    %sign3A_4007 = arith.subi %sign3A_4003, %sign3A_4006 : i32
    %sign3A_4008 = arith.constant 0 : i32
    %sign3A_4009 = arith.cmpi sgt, %jit3A_3999, %sign3A_4008 : i32
    %sign3A_4010 = arith.extui %sign3A_4009 : i1 to i32
    %sign3A_4011 = arith.constant 0 : i32
    %sign3A_4012 = arith.cmpi slt, %jit3A_3999, %sign3A_4011 : i32
    %sign3A_4013 = arith.extui %sign3A_4012 : i1 to i32
    %sign3A_4014 = arith.subi %sign3A_4010, %sign3A_4013 : i32
    %ne3A_4015 = arith.cmpi ne, %sign3A_4007, %sign3A_4014 : i32
    %rem3A_4016 = arith.remsi %reduce_min3A_3998, %jit3A_3999 : i32
    %ne3A_4017 = arith.constant 0 : i32
    %ne3A_4018 = arith.cmpi ne, %rem3A_4016, %ne3A_4017 : i32
    %and3A_4019 = arith.andi %ne3A_4015, %ne3A_4018 : i1
    %sub3A_4020 = arith.constant 1 : i32
    %sub3A_4021 = arith.subi %div3A_4000, %sub3A_4020 : i32
    %select_n3A_4022 = arith.select %and3A_4019, %sub3A_4021, %div3A_4000 : i32
    %mul3A_4023 = arith.constant 8 : i32
    %mul3A_4024 = arith.muli %select_n3A_4022, %mul3A_4023 : i32
    %multiple_of3A_4025 = tpu.assume_multiple %mul3A_4024, 8 : i32
    %sub3A_4026 = arith.subi %reduce_min3A_3998, %multiple_of3A_4025 : i32
    %get3A_4027 = arith.index_cast %multiple_of3A_4025 : i32 to index
    %get3A_4028 = arith.constant 0 : index
    %get3A_4029 = vector.load %arg4[%get3A_4027, %get3A_4028] : memref<728x1440xf32, #tpu.memory_space<vmem>>, vector<8x1440xf32>
    %eq3A_4030 = vector.broadcast %sub3A_4026 : i32 to vector<8x1xi32>
    %eq3A_4031 = arith.cmpi eq, %iota3A_66, %eq3A_4030 : vector<8x1xi32>
    %jit3A_4032 = arith.constant -3.000000e+38 : f32
    %broadcast_in_dim3A_4033 = vector.shape_cast %eq3A_4031 : vector<8x1xi1> to vector<8x1xi1>
    %broadcast_in_dim3A_4034 = vector.broadcast %broadcast_in_dim3A_4033 : vector<8x1xi1> to vector<8x1440xi1>
    %broadcast_in_dim3A_4035 = vector.broadcast %jit3A_4032 : f32 to vector<8x1440xf32>
    %select_n3A_4036 = arith.select %broadcast_in_dim3A_4034, %get3A_4029, %broadcast_in_dim3A_4035 : vector<8x1440xi1>, vector<8x1440xf32>
    %reduce_max3A_4037 = vector.shape_cast %select_n3A_4036 : vector<8x1440xf32> to vector<1x8x1440xf32>
    %reduce_max3A_4038 = arith.constant dense<0xFF800000> : vector<1xf32>
    %reduce_max3A_4039 = vector.multi_reduction <maximumf>, %reduce_max3A_4037, %reduce_max3A_4038 [1, 2] : vector<1x8x1440xf32> to vector<1xf32>
    %reduce_max3A_4040 = vector.shape_cast %reduce_max3A_4039 : vector<1xf32> to vector<1x1x1xf32>
    %reduce_max3A_4041 = vector.extract %reduce_max3A_4040[0, 0, 0] : f32 from vector<1x1x1xf32>
    %eq3A_4042 = vector.broadcast %reduce_max3A_4041 : f32 to vector<8x1440xf32>
    %eq3A_4043 = arith.cmpf oeq, %select_n3A_4036, %eq3A_4042 : vector<8x1440xf32>
    %jit3A_4044 = arith.constant 1440 : i32
    %broadcast_in_dim3A_4045 = vector.broadcast %jit3A_4044 : i32 to vector<8x1440xi32>
    %select_n3A_4046 = arith.select %eq3A_4043, %iota3A_67, %broadcast_in_dim3A_4045 : vector<8x1440xi1>, vector<8x1440xi32>
    %reduce_min3A_4047 = vector.shape_cast %select_n3A_4046 : vector<8x1440xi32> to vector<1x8x1440xi32>
    %reduce_min3A_4048 = arith.constant dense<2147483647> : vector<1xi32>
    %reduce_min3A_4049 = vector.multi_reduction <minsi>, %reduce_min3A_4047, %reduce_min3A_4048 [1, 2] : vector<1x8x1440xi32> to vector<1xi32>
    %reduce_min3A_4050 = vector.shape_cast %reduce_min3A_4049 : vector<1xi32> to vector<1x1x1xi32>
    %reduce_min3A_4051 = vector.extract %reduce_min3A_4050[0, 0, 0] : i32 from vector<1x1x1xi32>
    %eq3A_4052 = vector.broadcast %reduce_min3A_4051 : i32 to vector<8x1440xi32>
    %eq3A_4053 = arith.cmpi eq, %iota3A_67, %eq3A_4052 : vector<8x1440xi32>
    %and3A_4054 = vector.broadcast %eq3A_4031 : vector<8x1xi1> to vector<8x1440xi1>
    %and3A_4055 = arith.andi %and3A_4054, %eq3A_4053 : vector<8x1440xi1>
    %jit3A_4056 = arith.constant -3.000000e+38 : f32
    %broadcast_in_dim3A_4057 = vector.broadcast %jit3A_4056 : f32 to vector<8x1440xf32>
    %select_n3A_4058 = arith.select %and3A_4055, %broadcast_in_dim3A_4057, %get3A_4029 : vector<8x1440xi1>, vector<8x1440xf32>
    %swap3A_4059 = arith.index_cast %multiple_of3A_4025 : i32 to index
    %swap3A_4060 = arith.constant 0 : index
    %swap3A_4061 = vector.load %arg4[%swap3A_4059, %swap3A_4060] : memref<728x1440xf32, #tpu.memory_space<vmem>>, vector<8x1440xf32>
    tpu.vector_store %arg4[%swap3A_4059, %swap3A_4060], %select_n3A_4058 {strides = array<i32>} : memref<728x1440xf32, #tpu.memory_space<vmem>>, vector<8x1440xf32>,
    %reduce_max3A_4062 = arith.constant dense<0xFF800000> : vector<8xf32>
    %reduce_max3A_4063 = vector.multi_reduction <maximumf>, %select_n3A_4058, %reduce_max3A_4062 [1] : vector<8x1440xf32> to vector<8xf32>
    %broadcast_in_dim3A_4064 = vector.shape_cast %reduce_max3A_4063 : vector<8xf32> to vector<8x1xf32>
    %swap3A_4065 = arith.index_cast %multiple_of3A_4025 : i32 to index
    %swap3A_4066 = arith.constant 0 : index
    %swap3A_4067 = vector.load %arg5[%swap3A_4065, %swap3A_4066] : memref<728x1xf32, #tpu.memory_space<vmem>>, vector<8x1xf32>
    tpu.vector_store %arg5[%swap3A_4065, %swap3A_4066], %broadcast_in_dim3A_4064 {strides = array<i32>} : memref<728x1xf32, #tpu.memory_space<vmem>>, vector<8x1xf32>,
    %eq3A_4068 = arith.constant 0 : i32
    %eq3A_4069 = vector.broadcast %eq3A_4068 : i32 to vector<1x8xi32>
    %eq3A_4070 = arith.cmpi eq, %iota3A_68, %eq3A_4069 : vector<1x8xi32>
    %convert_element_type3A_4071 = arith.sitofp %reduce_min3A_3998 : i32 to f32
    %eq3A_4072 = arith.constant 1 : i32
    %eq3A_4073 = vector.broadcast %eq3A_4072 : i32 to vector<1x8xi32>
    %eq3A_4074 = arith.cmpi eq, %iota3A_68, %eq3A_4073 : vector<1x8xi32>
    %convert_element_type3A_4075 = arith.sitofp %reduce_min3A_4051 : i32 to f32
    %eq3A_4076 = arith.constant 2 : i32
    %eq3A_4077 = vector.broadcast %eq3A_4076 : i32 to vector<1x8xi32>
    %eq3A_4078 = arith.cmpi eq, %iota3A_68, %eq3A_4077 : vector<1x8xi32>
    %jit3A_4079 = arith.constant 0.000000e+00 : f32
    %broadcast_in_dim3A_4080 = vector.broadcast %reduce_max3A_3988 : f32 to vector<1x8xf32>
    %broadcast_in_dim3A_4081 = vector.broadcast %jit3A_4079 : f32 to vector<1x8xf32>
    %select_n3A_4082 = arith.select %eq3A_4078, %broadcast_in_dim3A_4080, %broadcast_in_dim3A_4081 : vector<1x8xi1>, vector<1x8xf32>
    %broadcast_in_dim3A_4083 = vector.broadcast %convert_element_type3A_4075 : f32 to vector<1x8xf32>
    %select_n3A_4084 = arith.select %eq3A_4074, %broadcast_in_dim3A_4083, %select_n3A_4082 : vector<1x8xi1>, vector<1x8xf32>
    %broadcast_in_dim3A_4085 = vector.broadcast %convert_element_type3A_4071 : f32 to vector<1x8xf32>
    %select_n3A_4086 = arith.select %eq3A_4070, %broadcast_in_dim3A_4085, %select_n3A_4084 : vector<1x8xi1>, vector<1x8xf32>
    %swap3A_4087 = arith.constant 0 : index
    %swap3A_4088 = arith.constant 35 : index
    %swap3A_4089 = arith.constant 0 : index
    %swap3A_4090 = vector.load %arg3[%swap3A_4087, %swap3A_4088, %swap3A_4089] : memref<1x64x8xf32, #tpu.memory_space<vmem>>, vector<1x1x8xf32>
    %swap3A_4091 = vector.shape_cast %swap3A_4090 : vector<1x1x8xf32> to vector<1x8xf32>
    %swap3A_4092 = vector.shape_cast %select_n3A_4086 : vector<1x8xf32> to vector<1x1x8xf32>
    tpu.vector_store %arg3[%swap3A_4087, %swap3A_4088, %swap3A_4089], %swap3A_4092 {strides = array<i32>} : memref<1x64x8xf32, #tpu.memory_space<vmem>>, vector<1x1x8xf32>,
    %get3A_4093 = arith.constant 0 : index
    %get3A_4094 = arith.constant 0 : index
    %get3A_4095 = vector.load %arg5[%get3A_4093, %get3A_4094] : memref<728x1xf32, #tpu.memory_space<vmem>>, vector<728x1xf32>
    %reduce_max3A_4096 = vector.shape_cast %get3A_4095 : vector<728x1xf32> to vector<1x728x1xf32>
    %reduce_max3A_4097 = arith.constant dense<0xFF800000> : vector<1xf32>
    %reduce_max3A_4098 = vector.multi_reduction <maximumf>, %reduce_max3A_4096, %reduce_max3A_4097 [1, 2] : vector<1x728x1xf32> to vector<1xf32>
    %reduce_max3A_4099 = vector.shape_cast %reduce_max3A_4098 : vector<1xf32> to vector<1x1x1xf32>
    %reduce_max3A_4100 = vector.extract %reduce_max3A_4099[0, 0, 0] : f32 from vector<1x1x1xf32>
    %eq3A_4101 = vector.broadcast %reduce_max3A_4100 : f32 to vector<728x1xf32>
    %eq3A_4102 = arith.cmpf oeq, %get3A_4095, %eq3A_4101 : vector<728x1xf32>
    %jit3A_4103 = arith.constant 728 : i32
    %broadcast_in_dim3A_4104 = vector.broadcast %jit3A_4103 : i32 to vector<728x1xi32>
    %select_n3A_4105 = arith.select %eq3A_4102, %iota3A, %broadcast_in_dim3A_4104 : vector<728x1xi1>, vector<728x1xi32>
    %reduce_min3A_4106 = vector.shape_cast %select_n3A_4105 : vector<728x1xi32> to vector<1x728x1xi32>
    %reduce_min3A_4107 = arith.constant dense<2147483647> : vector<1xi32>
    %reduce_min3A_4108 = vector.multi_reduction <minsi>, %reduce_min3A_4106, %reduce_min3A_4107 [1, 2] : vector<1x728x1xi32> to vector<1xi32>
    %reduce_min3A_4109 = vector.shape_cast %reduce_min3A_4108 : vector<1xi32> to vector<1x1x1xi32>
    %reduce_min3A_4110 = vector.extract %reduce_min3A_4109[0, 0, 0] : i32 from vector<1x1x1xi32>
    %jit3A_4111 = arith.constant 8 : i32
    %div3A_4112 = arith.divsi %reduce_min3A_4110, %jit3A_4111 : i32
    %sign3A_4113 = arith.constant 0 : i32
    %sign3A_4114 = arith.cmpi sgt, %reduce_min3A_4110, %sign3A_4113 : i32
    %sign3A_4115 = arith.extui %sign3A_4114 : i1 to i32
    %sign3A_4116 = arith.constant 0 : i32
    %sign3A_4117 = arith.cmpi slt, %reduce_min3A_4110, %sign3A_4116 : i32
    %sign3A_4118 = arith.extui %sign3A_4117 : i1 to i32
    %sign3A_4119 = arith.subi %sign3A_4115, %sign3A_4118 : i32
    %sign3A_4120 = arith.constant 0 : i32
    %sign3A_4121 = arith.cmpi sgt, %jit3A_4111, %sign3A_4120 : i32
    %sign3A_4122 = arith.extui %sign3A_4121 : i1 to i32
    %sign3A_4123 = arith.constant 0 : i32
    %sign3A_4124 = arith.cmpi slt, %jit3A_4111, %sign3A_4123 : i32
    %sign3A_4125 = arith.extui %sign3A_4124 : i1 to i32
    %sign3A_4126 = arith.subi %sign3A_4122, %sign3A_4125 : i32
    %ne3A_4127 = arith.cmpi ne, %sign3A_4119, %sign3A_4126 : i32
    %rem3A_4128 = arith.remsi %reduce_min3A_4110, %jit3A_4111 : i32
    %ne3A_4129 = arith.constant 0 : i32
    %ne3A_4130 = arith.cmpi ne, %rem3A_4128, %ne3A_4129 : i32
    %and3A_4131 = arith.andi %ne3A_4127, %ne3A_4130 : i1
    %sub3A_4132 = arith.constant 1 : i32
    %sub3A_4133 = arith.subi %div3A_4112, %sub3A_4132 : i32
    %select_n3A_4134 = arith.select %and3A_4131, %sub3A_4133, %div3A_4112 : i32
    %mul3A_4135 = arith.constant 8 : i32
    %mul3A_4136 = arith.muli %select_n3A_4134, %mul3A_4135 : i32
    %multiple_of3A_4137 = tpu.assume_multiple %mul3A_4136, 8 : i32
    %sub3A_4138 = arith.subi %reduce_min3A_4110, %multiple_of3A_4137 : i32
    %get3A_4139 = arith.index_cast %multiple_of3A_4137 : i32 to index
    %get3A_4140 = arith.constant 0 : index
    %get3A_4141 = vector.load %arg4[%get3A_4139, %get3A_4140] : memref<728x1440xf32, #tpu.memory_space<vmem>>, vector<8x1440xf32>
    %eq3A_4142 = vector.broadcast %sub3A_4138 : i32 to vector<8x1xi32>
    %eq3A_4143 = arith.cmpi eq, %iota3A_66, %eq3A_4142 : vector<8x1xi32>
    %jit3A_4144 = arith.constant -3.000000e+38 : f32
    %broadcast_in_dim3A_4145 = vector.shape_cast %eq3A_4143 : vector<8x1xi1> to vector<8x1xi1>
    %broadcast_in_dim3A_4146 = vector.broadcast %broadcast_in_dim3A_4145 : vector<8x1xi1> to vector<8x1440xi1>
    %broadcast_in_dim3A_4147 = vector.broadcast %jit3A_4144 : f32 to vector<8x1440xf32>
    %select_n3A_4148 = arith.select %broadcast_in_dim3A_4146, %get3A_4141, %broadcast_in_dim3A_4147 : vector<8x1440xi1>, vector<8x1440xf32>
    %reduce_max3A_4149 = vector.shape_cast %select_n3A_4148 : vector<8x1440xf32> to vector<1x8x1440xf32>
    %reduce_max3A_4150 = arith.constant dense<0xFF800000> : vector<1xf32>
    %reduce_max3A_4151 = vector.multi_reduction <maximumf>, %reduce_max3A_4149, %reduce_max3A_4150 [1, 2] : vector<1x8x1440xf32> to vector<1xf32>
    %reduce_max3A_4152 = vector.shape_cast %reduce_max3A_4151 : vector<1xf32> to vector<1x1x1xf32>
    %reduce_max3A_4153 = vector.extract %reduce_max3A_4152[0, 0, 0] : f32 from vector<1x1x1xf32>
    %eq3A_4154 = vector.broadcast %reduce_max3A_4153 : f32 to vector<8x1440xf32>
    %eq3A_4155 = arith.cmpf oeq, %select_n3A_4148, %eq3A_4154 : vector<8x1440xf32>
    %jit3A_4156 = arith.constant 1440 : i32
    %broadcast_in_dim3A_4157 = vector.broadcast %jit3A_4156 : i32 to vector<8x1440xi32>
    %select_n3A_4158 = arith.select %eq3A_4155, %iota3A_67, %broadcast_in_dim3A_4157 : vector<8x1440xi1>, vector<8x1440xi32>
    %reduce_min3A_4159 = vector.shape_cast %select_n3A_4158 : vector<8x1440xi32> to vector<1x8x1440xi32>
    %reduce_min3A_4160 = arith.constant dense<2147483647> : vector<1xi32>
    %reduce_min3A_4161 = vector.multi_reduction <minsi>, %reduce_min3A_4159, %reduce_min3A_4160 [1, 2] : vector<1x8x1440xi32> to vector<1xi32>
    %reduce_min3A_4162 = vector.shape_cast %reduce_min3A_4161 : vector<1xi32> to vector<1x1x1xi32>
    %reduce_min3A_4163 = vector.extract %reduce_min3A_4162[0, 0, 0] : i32 from vector<1x1x1xi32>
    %eq3A_4164 = vector.broadcast %reduce_min3A_4163 : i32 to vector<8x1440xi32>
    %eq3A_4165 = arith.cmpi eq, %iota3A_67, %eq3A_4164 : vector<8x1440xi32>
    %and3A_4166 = vector.broadcast %eq3A_4143 : vector<8x1xi1> to vector<8x1440xi1>
    %and3A_4167 = arith.andi %and3A_4166, %eq3A_4165 : vector<8x1440xi1>
    %jit3A_4168 = arith.constant -3.000000e+38 : f32
    %broadcast_in_dim3A_4169 = vector.broadcast %jit3A_4168 : f32 to vector<8x1440xf32>
    %select_n3A_4170 = arith.select %and3A_4167, %broadcast_in_dim3A_4169, %get3A_4141 : vector<8x1440xi1>, vector<8x1440xf32>
    %swap3A_4171 = arith.index_cast %multiple_of3A_4137 : i32 to index
    %swap3A_4172 = arith.constant 0 : index
    %swap3A_4173 = vector.load %arg4[%swap3A_4171, %swap3A_4172] : memref<728x1440xf32, #tpu.memory_space<vmem>>, vector<8x1440xf32>
    tpu.vector_store %arg4[%swap3A_4171, %swap3A_4172], %select_n3A_4170 {strides = array<i32>} : memref<728x1440xf32, #tpu.memory_space<vmem>>, vector<8x1440xf32>,
    %reduce_max3A_4174 = arith.constant dense<0xFF800000> : vector<8xf32>
    %reduce_max3A_4175 = vector.multi_reduction <maximumf>, %select_n3A_4170, %reduce_max3A_4174 [1] : vector<8x1440xf32> to vector<8xf32>
    %broadcast_in_dim3A_4176 = vector.shape_cast %reduce_max3A_4175 : vector<8xf32> to vector<8x1xf32>
    %swap3A_4177 = arith.index_cast %multiple_of3A_4137 : i32 to index
    %swap3A_4178 = arith.constant 0 : index
    %swap3A_4179 = vector.load %arg5[%swap3A_4177, %swap3A_4178] : memref<728x1xf32, #tpu.memory_space<vmem>>, vector<8x1xf32>
    tpu.vector_store %arg5[%swap3A_4177, %swap3A_4178], %broadcast_in_dim3A_4176 {strides = array<i32>} : memref<728x1xf32, #tpu.memory_space<vmem>>, vector<8x1xf32>,
    %eq3A_4180 = arith.constant 0 : i32
    %eq3A_4181 = vector.broadcast %eq3A_4180 : i32 to vector<1x8xi32>
    %eq3A_4182 = arith.cmpi eq, %iota3A_68, %eq3A_4181 : vector<1x8xi32>
    %convert_element_type3A_4183 = arith.sitofp %reduce_min3A_4110 : i32 to f32
    %eq3A_4184 = arith.constant 1 : i32
    %eq3A_4185 = vector.broadcast %eq3A_4184 : i32 to vector<1x8xi32>
    %eq3A_4186 = arith.cmpi eq, %iota3A_68, %eq3A_4185 : vector<1x8xi32>
    %convert_element_type3A_4187 = arith.sitofp %reduce_min3A_4163 : i32 to f32
    %eq3A_4188 = arith.constant 2 : i32
    %eq3A_4189 = vector.broadcast %eq3A_4188 : i32 to vector<1x8xi32>
    %eq3A_4190 = arith.cmpi eq, %iota3A_68, %eq3A_4189 : vector<1x8xi32>
    %jit3A_4191 = arith.constant 0.000000e+00 : f32
    %broadcast_in_dim3A_4192 = vector.broadcast %reduce_max3A_4100 : f32 to vector<1x8xf32>
    %broadcast_in_dim3A_4193 = vector.broadcast %jit3A_4191 : f32 to vector<1x8xf32>
    %select_n3A_4194 = arith.select %eq3A_4190, %broadcast_in_dim3A_4192, %broadcast_in_dim3A_4193 : vector<1x8xi1>, vector<1x8xf32>
    %broadcast_in_dim3A_4195 = vector.broadcast %convert_element_type3A_4187 : f32 to vector<1x8xf32>
    %select_n3A_4196 = arith.select %eq3A_4186, %broadcast_in_dim3A_4195, %select_n3A_4194 : vector<1x8xi1>, vector<1x8xf32>
    %broadcast_in_dim3A_4197 = vector.broadcast %convert_element_type3A_4183 : f32 to vector<1x8xf32>
    %select_n3A_4198 = arith.select %eq3A_4182, %broadcast_in_dim3A_4197, %select_n3A_4196 : vector<1x8xi1>, vector<1x8xf32>
    %swap3A_4199 = arith.constant 0 : index
    %swap3A_4200 = arith.constant 36 : index
    %swap3A_4201 = arith.constant 0 : index
    %swap3A_4202 = vector.load %arg3[%swap3A_4199, %swap3A_4200, %swap3A_4201] : memref<1x64x8xf32, #tpu.memory_space<vmem>>, vector<1x1x8xf32>
    %swap3A_4203 = vector.shape_cast %swap3A_4202 : vector<1x1x8xf32> to vector<1x8xf32>
    %swap3A_4204 = vector.shape_cast %select_n3A_4198 : vector<1x8xf32> to vector<1x1x8xf32>
    tpu.vector_store %arg3[%swap3A_4199, %swap3A_4200, %swap3A_4201], %swap3A_4204 {strides = array<i32>} : memref<1x64x8xf32, #tpu.memory_space<vmem>>, vector<1x1x8xf32>,
    %get3A_4205 = arith.constant 0 : index
    %get3A_4206 = arith.constant 0 : index
    %get3A_4207 = vector.load %arg5[%get3A_4205, %get3A_4206] : memref<728x1xf32, #tpu.memory_space<vmem>>, vector<728x1xf32>
    %reduce_max3A_4208 = vector.shape_cast %get3A_4207 : vector<728x1xf32> to vector<1x728x1xf32>
    %reduce_max3A_4209 = arith.constant dense<0xFF800000> : vector<1xf32>
    %reduce_max3A_4210 = vector.multi_reduction <maximumf>, %reduce_max3A_4208, %reduce_max3A_4209 [1, 2] : vector<1x728x1xf32> to vector<1xf32>
    %reduce_max3A_4211 = vector.shape_cast %reduce_max3A_4210 : vector<1xf32> to vector<1x1x1xf32>
    %reduce_max3A_4212 = vector.extract %reduce_max3A_4211[0, 0, 0] : f32 from vector<1x1x1xf32>
    %eq3A_4213 = vector.broadcast %reduce_max3A_4212 : f32 to vector<728x1xf32>
    %eq3A_4214 = arith.cmpf oeq, %get3A_4207, %eq3A_4213 : vector<728x1xf32>
    %jit3A_4215 = arith.constant 728 : i32
    %broadcast_in_dim3A_4216 = vector.broadcast %jit3A_4215 : i32 to vector<728x1xi32>
    %select_n3A_4217 = arith.select %eq3A_4214, %iota3A, %broadcast_in_dim3A_4216 : vector<728x1xi1>, vector<728x1xi32>
    %reduce_min3A_4218 = vector.shape_cast %select_n3A_4217 : vector<728x1xi32> to vector<1x728x1xi32>
    %reduce_min3A_4219 = arith.constant dense<2147483647> : vector<1xi32>
    %reduce_min3A_4220 = vector.multi_reduction <minsi>, %reduce_min3A_4218, %reduce_min3A_4219 [1, 2] : vector<1x728x1xi32> to vector<1xi32>
    %reduce_min3A_4221 = vector.shape_cast %reduce_min3A_4220 : vector<1xi32> to vector<1x1x1xi32>
    %reduce_min3A_4222 = vector.extract %reduce_min3A_4221[0, 0, 0] : i32 from vector<1x1x1xi32>
    %jit3A_4223 = arith.constant 8 : i32
    %div3A_4224 = arith.divsi %reduce_min3A_4222, %jit3A_4223 : i32
    %sign3A_4225 = arith.constant 0 : i32
    %sign3A_4226 = arith.cmpi sgt, %reduce_min3A_4222, %sign3A_4225 : i32
    %sign3A_4227 = arith.extui %sign3A_4226 : i1 to i32
    %sign3A_4228 = arith.constant 0 : i32
    %sign3A_4229 = arith.cmpi slt, %reduce_min3A_4222, %sign3A_4228 : i32
    %sign3A_4230 = arith.extui %sign3A_4229 : i1 to i32
    %sign3A_4231 = arith.subi %sign3A_4227, %sign3A_4230 : i32
    %sign3A_4232 = arith.constant 0 : i32
    %sign3A_4233 = arith.cmpi sgt, %jit3A_4223, %sign3A_4232 : i32
    %sign3A_4234 = arith.extui %sign3A_4233 : i1 to i32
    %sign3A_4235 = arith.constant 0 : i32
    %sign3A_4236 = arith.cmpi slt, %jit3A_4223, %sign3A_4235 : i32
    %sign3A_4237 = arith.extui %sign3A_4236 : i1 to i32
    %sign3A_4238 = arith.subi %sign3A_4234, %sign3A_4237 : i32
    %ne3A_4239 = arith.cmpi ne, %sign3A_4231, %sign3A_4238 : i32
    %rem3A_4240 = arith.remsi %reduce_min3A_4222, %jit3A_4223 : i32
    %ne3A_4241 = arith.constant 0 : i32
    %ne3A_4242 = arith.cmpi ne, %rem3A_4240, %ne3A_4241 : i32
    %and3A_4243 = arith.andi %ne3A_4239, %ne3A_4242 : i1
    %sub3A_4244 = arith.constant 1 : i32
    %sub3A_4245 = arith.subi %div3A_4224, %sub3A_4244 : i32
    %select_n3A_4246 = arith.select %and3A_4243, %sub3A_4245, %div3A_4224 : i32
    %mul3A_4247 = arith.constant 8 : i32
    %mul3A_4248 = arith.muli %select_n3A_4246, %mul3A_4247 : i32
    %multiple_of3A_4249 = tpu.assume_multiple %mul3A_4248, 8 : i32
    %sub3A_4250 = arith.subi %reduce_min3A_4222, %multiple_of3A_4249 : i32
    %get3A_4251 = arith.index_cast %multiple_of3A_4249 : i32 to index
    %get3A_4252 = arith.constant 0 : index
    %get3A_4253 = vector.load %arg4[%get3A_4251, %get3A_4252] : memref<728x1440xf32, #tpu.memory_space<vmem>>, vector<8x1440xf32>
    %eq3A_4254 = vector.broadcast %sub3A_4250 : i32 to vector<8x1xi32>
    %eq3A_4255 = arith.cmpi eq, %iota3A_66, %eq3A_4254 : vector<8x1xi32>
    %jit3A_4256 = arith.constant -3.000000e+38 : f32
    %broadcast_in_dim3A_4257 = vector.shape_cast %eq3A_4255 : vector<8x1xi1> to vector<8x1xi1>
    %broadcast_in_dim3A_4258 = vector.broadcast %broadcast_in_dim3A_4257 : vector<8x1xi1> to vector<8x1440xi1>
    %broadcast_in_dim3A_4259 = vector.broadcast %jit3A_4256 : f32 to vector<8x1440xf32>
    %select_n3A_4260 = arith.select %broadcast_in_dim3A_4258, %get3A_4253, %broadcast_in_dim3A_4259 : vector<8x1440xi1>, vector<8x1440xf32>
    %reduce_max3A_4261 = vector.shape_cast %select_n3A_4260 : vector<8x1440xf32> to vector<1x8x1440xf32>
    %reduce_max3A_4262 = arith.constant dense<0xFF800000> : vector<1xf32>
    %reduce_max3A_4263 = vector.multi_reduction <maximumf>, %reduce_max3A_4261, %reduce_max3A_4262 [1, 2] : vector<1x8x1440xf32> to vector<1xf32>
    %reduce_max3A_4264 = vector.shape_cast %reduce_max3A_4263 : vector<1xf32> to vector<1x1x1xf32>
    %reduce_max3A_4265 = vector.extract %reduce_max3A_4264[0, 0, 0] : f32 from vector<1x1x1xf32>
    %eq3A_4266 = vector.broadcast %reduce_max3A_4265 : f32 to vector<8x1440xf32>
    %eq3A_4267 = arith.cmpf oeq, %select_n3A_4260, %eq3A_4266 : vector<8x1440xf32>
    %jit3A_4268 = arith.constant 1440 : i32
    %broadcast_in_dim3A_4269 = vector.broadcast %jit3A_4268 : i32 to vector<8x1440xi32>
    %select_n3A_4270 = arith.select %eq3A_4267, %iota3A_67, %broadcast_in_dim3A_4269 : vector<8x1440xi1>, vector<8x1440xi32>
    %reduce_min3A_4271 = vector.shape_cast %select_n3A_4270 : vector<8x1440xi32> to vector<1x8x1440xi32>
    %reduce_min3A_4272 = arith.constant dense<2147483647> : vector<1xi32>
    %reduce_min3A_4273 = vector.multi_reduction <minsi>, %reduce_min3A_4271, %reduce_min3A_4272 [1, 2] : vector<1x8x1440xi32> to vector<1xi32>
    %reduce_min3A_4274 = vector.shape_cast %reduce_min3A_4273 : vector<1xi32> to vector<1x1x1xi32>
    %reduce_min3A_4275 = vector.extract %reduce_min3A_4274[0, 0, 0] : i32 from vector<1x1x1xi32>
    %eq3A_4276 = vector.broadcast %reduce_min3A_4275 : i32 to vector<8x1440xi32>
    %eq3A_4277 = arith.cmpi eq, %iota3A_67, %eq3A_4276 : vector<8x1440xi32>
    %and3A_4278 = vector.broadcast %eq3A_4255 : vector<8x1xi1> to vector<8x1440xi1>
    %and3A_4279 = arith.andi %and3A_4278, %eq3A_4277 : vector<8x1440xi1>
    %jit3A_4280 = arith.constant -3.000000e+38 : f32
    %broadcast_in_dim3A_4281 = vector.broadcast %jit3A_4280 : f32 to vector<8x1440xf32>
    %select_n3A_4282 = arith.select %and3A_4279, %broadcast_in_dim3A_4281, %get3A_4253 : vector<8x1440xi1>, vector<8x1440xf32>
    %swap3A_4283 = arith.index_cast %multiple_of3A_4249 : i32 to index
    %swap3A_4284 = arith.constant 0 : index
    %swap3A_4285 = vector.load %arg4[%swap3A_4283, %swap3A_4284] : memref<728x1440xf32, #tpu.memory_space<vmem>>, vector<8x1440xf32>
    tpu.vector_store %arg4[%swap3A_4283, %swap3A_4284], %select_n3A_4282 {strides = array<i32>} : memref<728x1440xf32, #tpu.memory_space<vmem>>, vector<8x1440xf32>,
    %reduce_max3A_4286 = arith.constant dense<0xFF800000> : vector<8xf32>
    %reduce_max3A_4287 = vector.multi_reduction <maximumf>, %select_n3A_4282, %reduce_max3A_4286 [1] : vector<8x1440xf32> to vector<8xf32>
    %broadcast_in_dim3A_4288 = vector.shape_cast %reduce_max3A_4287 : vector<8xf32> to vector<8x1xf32>
    %swap3A_4289 = arith.index_cast %multiple_of3A_4249 : i32 to index
    %swap3A_4290 = arith.constant 0 : index
    %swap3A_4291 = vector.load %arg5[%swap3A_4289, %swap3A_4290] : memref<728x1xf32, #tpu.memory_space<vmem>>, vector<8x1xf32>
    tpu.vector_store %arg5[%swap3A_4289, %swap3A_4290], %broadcast_in_dim3A_4288 {strides = array<i32>} : memref<728x1xf32, #tpu.memory_space<vmem>>, vector<8x1xf32>,
    %eq3A_4292 = arith.constant 0 : i32
    %eq3A_4293 = vector.broadcast %eq3A_4292 : i32 to vector<1x8xi32>
    %eq3A_4294 = arith.cmpi eq, %iota3A_68, %eq3A_4293 : vector<1x8xi32>
    %convert_element_type3A_4295 = arith.sitofp %reduce_min3A_4222 : i32 to f32
    %eq3A_4296 = arith.constant 1 : i32
    %eq3A_4297 = vector.broadcast %eq3A_4296 : i32 to vector<1x8xi32>
    %eq3A_4298 = arith.cmpi eq, %iota3A_68, %eq3A_4297 : vector<1x8xi32>
    %convert_element_type3A_4299 = arith.sitofp %reduce_min3A_4275 : i32 to f32
    %eq3A_4300 = arith.constant 2 : i32
    %eq3A_4301 = vector.broadcast %eq3A_4300 : i32 to vector<1x8xi32>
    %eq3A_4302 = arith.cmpi eq, %iota3A_68, %eq3A_4301 : vector<1x8xi32>
    %jit3A_4303 = arith.constant 0.000000e+00 : f32
    %broadcast_in_dim3A_4304 = vector.broadcast %reduce_max3A_4212 : f32 to vector<1x8xf32>
    %broadcast_in_dim3A_4305 = vector.broadcast %jit3A_4303 : f32 to vector<1x8xf32>
    %select_n3A_4306 = arith.select %eq3A_4302, %broadcast_in_dim3A_4304, %broadcast_in_dim3A_4305 : vector<1x8xi1>, vector<1x8xf32>
    %broadcast_in_dim3A_4307 = vector.broadcast %convert_element_type3A_4299 : f32 to vector<1x8xf32>
    %select_n3A_4308 = arith.select %eq3A_4298, %broadcast_in_dim3A_4307, %select_n3A_4306 : vector<1x8xi1>, vector<1x8xf32>
    %broadcast_in_dim3A_4309 = vector.broadcast %convert_element_type3A_4295 : f32 to vector<1x8xf32>
    %select_n3A_4310 = arith.select %eq3A_4294, %broadcast_in_dim3A_4309, %select_n3A_4308 : vector<1x8xi1>, vector<1x8xf32>
    %swap3A_4311 = arith.constant 0 : index
    %swap3A_4312 = arith.constant 37 : index
    %swap3A_4313 = arith.constant 0 : index
    %swap3A_4314 = vector.load %arg3[%swap3A_4311, %swap3A_4312, %swap3A_4313] : memref<1x64x8xf32, #tpu.memory_space<vmem>>, vector<1x1x8xf32>
    %swap3A_4315 = vector.shape_cast %swap3A_4314 : vector<1x1x8xf32> to vector<1x8xf32>
    %swap3A_4316 = vector.shape_cast %select_n3A_4310 : vector<1x8xf32> to vector<1x1x8xf32>
    tpu.vector_store %arg3[%swap3A_4311, %swap3A_4312, %swap3A_4313], %swap3A_4316 {strides = array<i32>} : memref<1x64x8xf32, #tpu.memory_space<vmem>>, vector<1x1x8xf32>,
    %get3A_4317 = arith.constant 0 : index
    %get3A_4318 = arith.constant 0 : index
    %get3A_4319 = vector.load %arg5[%get3A_4317, %get3A_4318] : memref<728x1xf32, #tpu.memory_space<vmem>>, vector<728x1xf32>
    %reduce_max3A_4320 = vector.shape_cast %get3A_4319 : vector<728x1xf32> to vector<1x728x1xf32>
    %reduce_max3A_4321 = arith.constant dense<0xFF800000> : vector<1xf32>
    %reduce_max3A_4322 = vector.multi_reduction <maximumf>, %reduce_max3A_4320, %reduce_max3A_4321 [1, 2] : vector<1x728x1xf32> to vector<1xf32>
    %reduce_max3A_4323 = vector.shape_cast %reduce_max3A_4322 : vector<1xf32> to vector<1x1x1xf32>
    %reduce_max3A_4324 = vector.extract %reduce_max3A_4323[0, 0, 0] : f32 from vector<1x1x1xf32>
    %eq3A_4325 = vector.broadcast %reduce_max3A_4324 : f32 to vector<728x1xf32>
    %eq3A_4326 = arith.cmpf oeq, %get3A_4319, %eq3A_4325 : vector<728x1xf32>
    %jit3A_4327 = arith.constant 728 : i32
    %broadcast_in_dim3A_4328 = vector.broadcast %jit3A_4327 : i32 to vector<728x1xi32>
    %select_n3A_4329 = arith.select %eq3A_4326, %iota3A, %broadcast_in_dim3A_4328 : vector<728x1xi1>, vector<728x1xi32>
    %reduce_min3A_4330 = vector.shape_cast %select_n3A_4329 : vector<728x1xi32> to vector<1x728x1xi32>
    %reduce_min3A_4331 = arith.constant dense<2147483647> : vector<1xi32>
    %reduce_min3A_4332 = vector.multi_reduction <minsi>, %reduce_min3A_4330, %reduce_min3A_4331 [1, 2] : vector<1x728x1xi32> to vector<1xi32>
    %reduce_min3A_4333 = vector.shape_cast %reduce_min3A_4332 : vector<1xi32> to vector<1x1x1xi32>
    %reduce_min3A_4334 = vector.extract %reduce_min3A_4333[0, 0, 0] : i32 from vector<1x1x1xi32>
    %jit3A_4335 = arith.constant 8 : i32
    %div3A_4336 = arith.divsi %reduce_min3A_4334, %jit3A_4335 : i32
    %sign3A_4337 = arith.constant 0 : i32
    %sign3A_4338 = arith.cmpi sgt, %reduce_min3A_4334, %sign3A_4337 : i32
    %sign3A_4339 = arith.extui %sign3A_4338 : i1 to i32
    %sign3A_4340 = arith.constant 0 : i32
    %sign3A_4341 = arith.cmpi slt, %reduce_min3A_4334, %sign3A_4340 : i32
    %sign3A_4342 = arith.extui %sign3A_4341 : i1 to i32
    %sign3A_4343 = arith.subi %sign3A_4339, %sign3A_4342 : i32
    %sign3A_4344 = arith.constant 0 : i32
    %sign3A_4345 = arith.cmpi sgt, %jit3A_4335, %sign3A_4344 : i32
    %sign3A_4346 = arith.extui %sign3A_4345 : i1 to i32
    %sign3A_4347 = arith.constant 0 : i32
    %sign3A_4348 = arith.cmpi slt, %jit3A_4335, %sign3A_4347 : i32
    %sign3A_4349 = arith.extui %sign3A_4348 : i1 to i32
    %sign3A_4350 = arith.subi %sign3A_4346, %sign3A_4349 : i32
    %ne3A_4351 = arith.cmpi ne, %sign3A_4343, %sign3A_4350 : i32
    %rem3A_4352 = arith.remsi %reduce_min3A_4334, %jit3A_4335 : i32
    %ne3A_4353 = arith.constant 0 : i32
    %ne3A_4354 = arith.cmpi ne, %rem3A_4352, %ne3A_4353 : i32
    %and3A_4355 = arith.andi %ne3A_4351, %ne3A_4354 : i1
    %sub3A_4356 = arith.constant 1 : i32
    %sub3A_4357 = arith.subi %div3A_4336, %sub3A_4356 : i32
    %select_n3A_4358 = arith.select %and3A_4355, %sub3A_4357, %div3A_4336 : i32
    %mul3A_4359 = arith.constant 8 : i32
    %mul3A_4360 = arith.muli %select_n3A_4358, %mul3A_4359 : i32
    %multiple_of3A_4361 = tpu.assume_multiple %mul3A_4360, 8 : i32
    %sub3A_4362 = arith.subi %reduce_min3A_4334, %multiple_of3A_4361 : i32
    %get3A_4363 = arith.index_cast %multiple_of3A_4361 : i32 to index
    %get3A_4364 = arith.constant 0 : index
    %get3A_4365 = vector.load %arg4[%get3A_4363, %get3A_4364] : memref<728x1440xf32, #tpu.memory_space<vmem>>, vector<8x1440xf32>
    %eq3A_4366 = vector.broadcast %sub3A_4362 : i32 to vector<8x1xi32>
    %eq3A_4367 = arith.cmpi eq, %iota3A_66, %eq3A_4366 : vector<8x1xi32>
    %jit3A_4368 = arith.constant -3.000000e+38 : f32
    %broadcast_in_dim3A_4369 = vector.shape_cast %eq3A_4367 : vector<8x1xi1> to vector<8x1xi1>
    %broadcast_in_dim3A_4370 = vector.broadcast %broadcast_in_dim3A_4369 : vector<8x1xi1> to vector<8x1440xi1>
    %broadcast_in_dim3A_4371 = vector.broadcast %jit3A_4368 : f32 to vector<8x1440xf32>
    %select_n3A_4372 = arith.select %broadcast_in_dim3A_4370, %get3A_4365, %broadcast_in_dim3A_4371 : vector<8x1440xi1>, vector<8x1440xf32>
    %reduce_max3A_4373 = vector.shape_cast %select_n3A_4372 : vector<8x1440xf32> to vector<1x8x1440xf32>
    %reduce_max3A_4374 = arith.constant dense<0xFF800000> : vector<1xf32>
    %reduce_max3A_4375 = vector.multi_reduction <maximumf>, %reduce_max3A_4373, %reduce_max3A_4374 [1, 2] : vector<1x8x1440xf32> to vector<1xf32>
    %reduce_max3A_4376 = vector.shape_cast %reduce_max3A_4375 : vector<1xf32> to vector<1x1x1xf32>
    %reduce_max3A_4377 = vector.extract %reduce_max3A_4376[0, 0, 0] : f32 from vector<1x1x1xf32>
    %eq3A_4378 = vector.broadcast %reduce_max3A_4377 : f32 to vector<8x1440xf32>
    %eq3A_4379 = arith.cmpf oeq, %select_n3A_4372, %eq3A_4378 : vector<8x1440xf32>
    %jit3A_4380 = arith.constant 1440 : i32
    %broadcast_in_dim3A_4381 = vector.broadcast %jit3A_4380 : i32 to vector<8x1440xi32>
    %select_n3A_4382 = arith.select %eq3A_4379, %iota3A_67, %broadcast_in_dim3A_4381 : vector<8x1440xi1>, vector<8x1440xi32>
    %reduce_min3A_4383 = vector.shape_cast %select_n3A_4382 : vector<8x1440xi32> to vector<1x8x1440xi32>
    %reduce_min3A_4384 = arith.constant dense<2147483647> : vector<1xi32>
    %reduce_min3A_4385 = vector.multi_reduction <minsi>, %reduce_min3A_4383, %reduce_min3A_4384 [1, 2] : vector<1x8x1440xi32> to vector<1xi32>
    %reduce_min3A_4386 = vector.shape_cast %reduce_min3A_4385 : vector<1xi32> to vector<1x1x1xi32>
    %reduce_min3A_4387 = vector.extract %reduce_min3A_4386[0, 0, 0] : i32 from vector<1x1x1xi32>
    %eq3A_4388 = vector.broadcast %reduce_min3A_4387 : i32 to vector<8x1440xi32>
    %eq3A_4389 = arith.cmpi eq, %iota3A_67, %eq3A_4388 : vector<8x1440xi32>
    %and3A_4390 = vector.broadcast %eq3A_4367 : vector<8x1xi1> to vector<8x1440xi1>
    %and3A_4391 = arith.andi %and3A_4390, %eq3A_4389 : vector<8x1440xi1>
    %jit3A_4392 = arith.constant -3.000000e+38 : f32
    %broadcast_in_dim3A_4393 = vector.broadcast %jit3A_4392 : f32 to vector<8x1440xf32>
    %select_n3A_4394 = arith.select %and3A_4391, %broadcast_in_dim3A_4393, %get3A_4365 : vector<8x1440xi1>, vector<8x1440xf32>
    %swap3A_4395 = arith.index_cast %multiple_of3A_4361 : i32 to index
    %swap3A_4396 = arith.constant 0 : index
    %swap3A_4397 = vector.load %arg4[%swap3A_4395, %swap3A_4396] : memref<728x1440xf32, #tpu.memory_space<vmem>>, vector<8x1440xf32>
    tpu.vector_store %arg4[%swap3A_4395, %swap3A_4396], %select_n3A_4394 {strides = array<i32>} : memref<728x1440xf32, #tpu.memory_space<vmem>>, vector<8x1440xf32>,
    %reduce_max3A_4398 = arith.constant dense<0xFF800000> : vector<8xf32>
    %reduce_max3A_4399 = vector.multi_reduction <maximumf>, %select_n3A_4394, %reduce_max3A_4398 [1] : vector<8x1440xf32> to vector<8xf32>
    %broadcast_in_dim3A_4400 = vector.shape_cast %reduce_max3A_4399 : vector<8xf32> to vector<8x1xf32>
    %swap3A_4401 = arith.index_cast %multiple_of3A_4361 : i32 to index
    %swap3A_4402 = arith.constant 0 : index
    %swap3A_4403 = vector.load %arg5[%swap3A_4401, %swap3A_4402] : memref<728x1xf32, #tpu.memory_space<vmem>>, vector<8x1xf32>
    tpu.vector_store %arg5[%swap3A_4401, %swap3A_4402], %broadcast_in_dim3A_4400 {strides = array<i32>} : memref<728x1xf32, #tpu.memory_space<vmem>>, vector<8x1xf32>,
    %eq3A_4404 = arith.constant 0 : i32
    %eq3A_4405 = vector.broadcast %eq3A_4404 : i32 to vector<1x8xi32>
    %eq3A_4406 = arith.cmpi eq, %iota3A_68, %eq3A_4405 : vector<1x8xi32>
    %convert_element_type3A_4407 = arith.sitofp %reduce_min3A_4334 : i32 to f32
    %eq3A_4408 = arith.constant 1 : i32
    %eq3A_4409 = vector.broadcast %eq3A_4408 : i32 to vector<1x8xi32>
    %eq3A_4410 = arith.cmpi eq, %iota3A_68, %eq3A_4409 : vector<1x8xi32>
    %convert_element_type3A_4411 = arith.sitofp %reduce_min3A_4387 : i32 to f32
    %eq3A_4412 = arith.constant 2 : i32
    %eq3A_4413 = vector.broadcast %eq3A_4412 : i32 to vector<1x8xi32>
    %eq3A_4414 = arith.cmpi eq, %iota3A_68, %eq3A_4413 : vector<1x8xi32>
    %jit3A_4415 = arith.constant 0.000000e+00 : f32
    %broadcast_in_dim3A_4416 = vector.broadcast %reduce_max3A_4324 : f32 to vector<1x8xf32>
    %broadcast_in_dim3A_4417 = vector.broadcast %jit3A_4415 : f32 to vector<1x8xf32>
    %select_n3A_4418 = arith.select %eq3A_4414, %broadcast_in_dim3A_4416, %broadcast_in_dim3A_4417 : vector<1x8xi1>, vector<1x8xf32>
    %broadcast_in_dim3A_4419 = vector.broadcast %convert_element_type3A_4411 : f32 to vector<1x8xf32>
    %select_n3A_4420 = arith.select %eq3A_4410, %broadcast_in_dim3A_4419, %select_n3A_4418 : vector<1x8xi1>, vector<1x8xf32>
    %broadcast_in_dim3A_4421 = vector.broadcast %convert_element_type3A_4407 : f32 to vector<1x8xf32>
    %select_n3A_4422 = arith.select %eq3A_4406, %broadcast_in_dim3A_4421, %select_n3A_4420 : vector<1x8xi1>, vector<1x8xf32>
    %swap3A_4423 = arith.constant 0 : index
    %swap3A_4424 = arith.constant 38 : index
    %swap3A_4425 = arith.constant 0 : index
    %swap3A_4426 = vector.load %arg3[%swap3A_4423, %swap3A_4424, %swap3A_4425] : memref<1x64x8xf32, #tpu.memory_space<vmem>>, vector<1x1x8xf32>
    %swap3A_4427 = vector.shape_cast %swap3A_4426 : vector<1x1x8xf32> to vector<1x8xf32>
    %swap3A_4428 = vector.shape_cast %select_n3A_4422 : vector<1x8xf32> to vector<1x1x8xf32>
    tpu.vector_store %arg3[%swap3A_4423, %swap3A_4424, %swap3A_4425], %swap3A_4428 {strides = array<i32>} : memref<1x64x8xf32, #tpu.memory_space<vmem>>, vector<1x1x8xf32>,
    %get3A_4429 = arith.constant 0 : index
    %get3A_4430 = arith.constant 0 : index
    %get3A_4431 = vector.load %arg5[%get3A_4429, %get3A_4430] : memref<728x1xf32, #tpu.memory_space<vmem>>, vector<728x1xf32>
    %reduce_max3A_4432 = vector.shape_cast %get3A_4431 : vector<728x1xf32> to vector<1x728x1xf32>
    %reduce_max3A_4433 = arith.constant dense<0xFF800000> : vector<1xf32>
    %reduce_max3A_4434 = vector.multi_reduction <maximumf>, %reduce_max3A_4432, %reduce_max3A_4433 [1, 2] : vector<1x728x1xf32> to vector<1xf32>
    %reduce_max3A_4435 = vector.shape_cast %reduce_max3A_4434 : vector<1xf32> to vector<1x1x1xf32>
    %reduce_max3A_4436 = vector.extract %reduce_max3A_4435[0, 0, 0] : f32 from vector<1x1x1xf32>
    %eq3A_4437 = vector.broadcast %reduce_max3A_4436 : f32 to vector<728x1xf32>
    %eq3A_4438 = arith.cmpf oeq, %get3A_4431, %eq3A_4437 : vector<728x1xf32>
    %jit3A_4439 = arith.constant 728 : i32
    %broadcast_in_dim3A_4440 = vector.broadcast %jit3A_4439 : i32 to vector<728x1xi32>
    %select_n3A_4441 = arith.select %eq3A_4438, %iota3A, %broadcast_in_dim3A_4440 : vector<728x1xi1>, vector<728x1xi32>
    %reduce_min3A_4442 = vector.shape_cast %select_n3A_4441 : vector<728x1xi32> to vector<1x728x1xi32>
    %reduce_min3A_4443 = arith.constant dense<2147483647> : vector<1xi32>
    %reduce_min3A_4444 = vector.multi_reduction <minsi>, %reduce_min3A_4442, %reduce_min3A_4443 [1, 2] : vector<1x728x1xi32> to vector<1xi32>
    %reduce_min3A_4445 = vector.shape_cast %reduce_min3A_4444 : vector<1xi32> to vector<1x1x1xi32>
    %reduce_min3A_4446 = vector.extract %reduce_min3A_4445[0, 0, 0] : i32 from vector<1x1x1xi32>
    %jit3A_4447 = arith.constant 8 : i32
    %div3A_4448 = arith.divsi %reduce_min3A_4446, %jit3A_4447 : i32
    %sign3A_4449 = arith.constant 0 : i32
    %sign3A_4450 = arith.cmpi sgt, %reduce_min3A_4446, %sign3A_4449 : i32
    %sign3A_4451 = arith.extui %sign3A_4450 : i1 to i32
    %sign3A_4452 = arith.constant 0 : i32
    %sign3A_4453 = arith.cmpi slt, %reduce_min3A_4446, %sign3A_4452 : i32
    %sign3A_4454 = arith.extui %sign3A_4453 : i1 to i32
    %sign3A_4455 = arith.subi %sign3A_4451, %sign3A_4454 : i32
    %sign3A_4456 = arith.constant 0 : i32
    %sign3A_4457 = arith.cmpi sgt, %jit3A_4447, %sign3A_4456 : i32
    %sign3A_4458 = arith.extui %sign3A_4457 : i1 to i32
    %sign3A_4459 = arith.constant 0 : i32
    %sign3A_4460 = arith.cmpi slt, %jit3A_4447, %sign3A_4459 : i32
    %sign3A_4461 = arith.extui %sign3A_4460 : i1 to i32
    %sign3A_4462 = arith.subi %sign3A_4458, %sign3A_4461 : i32
    %ne3A_4463 = arith.cmpi ne, %sign3A_4455, %sign3A_4462 : i32
    %rem3A_4464 = arith.remsi %reduce_min3A_4446, %jit3A_4447 : i32
    %ne3A_4465 = arith.constant 0 : i32
    %ne3A_4466 = arith.cmpi ne, %rem3A_4464, %ne3A_4465 : i32
    %and3A_4467 = arith.andi %ne3A_4463, %ne3A_4466 : i1
    %sub3A_4468 = arith.constant 1 : i32
    %sub3A_4469 = arith.subi %div3A_4448, %sub3A_4468 : i32
    %select_n3A_4470 = arith.select %and3A_4467, %sub3A_4469, %div3A_4448 : i32
    %mul3A_4471 = arith.constant 8 : i32
    %mul3A_4472 = arith.muli %select_n3A_4470, %mul3A_4471 : i32
    %multiple_of3A_4473 = tpu.assume_multiple %mul3A_4472, 8 : i32
    %sub3A_4474 = arith.subi %reduce_min3A_4446, %multiple_of3A_4473 : i32
    %get3A_4475 = arith.index_cast %multiple_of3A_4473 : i32 to index
    %get3A_4476 = arith.constant 0 : index
    %get3A_4477 = vector.load %arg4[%get3A_4475, %get3A_4476] : memref<728x1440xf32, #tpu.memory_space<vmem>>, vector<8x1440xf32>
    %eq3A_4478 = vector.broadcast %sub3A_4474 : i32 to vector<8x1xi32>
    %eq3A_4479 = arith.cmpi eq, %iota3A_66, %eq3A_4478 : vector<8x1xi32>
    %jit3A_4480 = arith.constant -3.000000e+38 : f32
    %broadcast_in_dim3A_4481 = vector.shape_cast %eq3A_4479 : vector<8x1xi1> to vector<8x1xi1>
    %broadcast_in_dim3A_4482 = vector.broadcast %broadcast_in_dim3A_4481 : vector<8x1xi1> to vector<8x1440xi1>
    %broadcast_in_dim3A_4483 = vector.broadcast %jit3A_4480 : f32 to vector<8x1440xf32>
    %select_n3A_4484 = arith.select %broadcast_in_dim3A_4482, %get3A_4477, %broadcast_in_dim3A_4483 : vector<8x1440xi1>, vector<8x1440xf32>
    %reduce_max3A_4485 = vector.shape_cast %select_n3A_4484 : vector<8x1440xf32> to vector<1x8x1440xf32>
    %reduce_max3A_4486 = arith.constant dense<0xFF800000> : vector<1xf32>
    %reduce_max3A_4487 = vector.multi_reduction <maximumf>, %reduce_max3A_4485, %reduce_max3A_4486 [1, 2] : vector<1x8x1440xf32> to vector<1xf32>
    %reduce_max3A_4488 = vector.shape_cast %reduce_max3A_4487 : vector<1xf32> to vector<1x1x1xf32>
    %reduce_max3A_4489 = vector.extract %reduce_max3A_4488[0, 0, 0] : f32 from vector<1x1x1xf32>
    %eq3A_4490 = vector.broadcast %reduce_max3A_4489 : f32 to vector<8x1440xf32>
    %eq3A_4491 = arith.cmpf oeq, %select_n3A_4484, %eq3A_4490 : vector<8x1440xf32>
    %jit3A_4492 = arith.constant 1440 : i32
    %broadcast_in_dim3A_4493 = vector.broadcast %jit3A_4492 : i32 to vector<8x1440xi32>
    %select_n3A_4494 = arith.select %eq3A_4491, %iota3A_67, %broadcast_in_dim3A_4493 : vector<8x1440xi1>, vector<8x1440xi32>
    %reduce_min3A_4495 = vector.shape_cast %select_n3A_4494 : vector<8x1440xi32> to vector<1x8x1440xi32>
    %reduce_min3A_4496 = arith.constant dense<2147483647> : vector<1xi32>
    %reduce_min3A_4497 = vector.multi_reduction <minsi>, %reduce_min3A_4495, %reduce_min3A_4496 [1, 2] : vector<1x8x1440xi32> to vector<1xi32>
    %reduce_min3A_4498 = vector.shape_cast %reduce_min3A_4497 : vector<1xi32> to vector<1x1x1xi32>
    %reduce_min3A_4499 = vector.extract %reduce_min3A_4498[0, 0, 0] : i32 from vector<1x1x1xi32>
    %eq3A_4500 = vector.broadcast %reduce_min3A_4499 : i32 to vector<8x1440xi32>
    %eq3A_4501 = arith.cmpi eq, %iota3A_67, %eq3A_4500 : vector<8x1440xi32>
    %and3A_4502 = vector.broadcast %eq3A_4479 : vector<8x1xi1> to vector<8x1440xi1>
    %and3A_4503 = arith.andi %and3A_4502, %eq3A_4501 : vector<8x1440xi1>
    %jit3A_4504 = arith.constant -3.000000e+38 : f32
    %broadcast_in_dim3A_4505 = vector.broadcast %jit3A_4504 : f32 to vector<8x1440xf32>
    %select_n3A_4506 = arith.select %and3A_4503, %broadcast_in_dim3A_4505, %get3A_4477 : vector<8x1440xi1>, vector<8x1440xf32>
    %swap3A_4507 = arith.index_cast %multiple_of3A_4473 : i32 to index
    %swap3A_4508 = arith.constant 0 : index
    %swap3A_4509 = vector.load %arg4[%swap3A_4507, %swap3A_4508] : memref<728x1440xf32, #tpu.memory_space<vmem>>, vector<8x1440xf32>
    tpu.vector_store %arg4[%swap3A_4507, %swap3A_4508], %select_n3A_4506 {strides = array<i32>} : memref<728x1440xf32, #tpu.memory_space<vmem>>, vector<8x1440xf32>,
    %reduce_max3A_4510 = arith.constant dense<0xFF800000> : vector<8xf32>
    %reduce_max3A_4511 = vector.multi_reduction <maximumf>, %select_n3A_4506, %reduce_max3A_4510 [1] : vector<8x1440xf32> to vector<8xf32>
    %broadcast_in_dim3A_4512 = vector.shape_cast %reduce_max3A_4511 : vector<8xf32> to vector<8x1xf32>
    %swap3A_4513 = arith.index_cast %multiple_of3A_4473 : i32 to index
    %swap3A_4514 = arith.constant 0 : index
    %swap3A_4515 = vector.load %arg5[%swap3A_4513, %swap3A_4514] : memref<728x1xf32, #tpu.memory_space<vmem>>, vector<8x1xf32>
    tpu.vector_store %arg5[%swap3A_4513, %swap3A_4514], %broadcast_in_dim3A_4512 {strides = array<i32>} : memref<728x1xf32, #tpu.memory_space<vmem>>, vector<8x1xf32>,
    %eq3A_4516 = arith.constant 0 : i32
    %eq3A_4517 = vector.broadcast %eq3A_4516 : i32 to vector<1x8xi32>
    %eq3A_4518 = arith.cmpi eq, %iota3A_68, %eq3A_4517 : vector<1x8xi32>
    %convert_element_type3A_4519 = arith.sitofp %reduce_min3A_4446 : i32 to f32
    %eq3A_4520 = arith.constant 1 : i32
    %eq3A_4521 = vector.broadcast %eq3A_4520 : i32 to vector<1x8xi32>
    %eq3A_4522 = arith.cmpi eq, %iota3A_68, %eq3A_4521 : vector<1x8xi32>
    %convert_element_type3A_4523 = arith.sitofp %reduce_min3A_4499 : i32 to f32
    %eq3A_4524 = arith.constant 2 : i32
    %eq3A_4525 = vector.broadcast %eq3A_4524 : i32 to vector<1x8xi32>
    %eq3A_4526 = arith.cmpi eq, %iota3A_68, %eq3A_4525 : vector<1x8xi32>
    %jit3A_4527 = arith.constant 0.000000e+00 : f32
    %broadcast_in_dim3A_4528 = vector.broadcast %reduce_max3A_4436 : f32 to vector<1x8xf32>
    %broadcast_in_dim3A_4529 = vector.broadcast %jit3A_4527 : f32 to vector<1x8xf32>
    %select_n3A_4530 = arith.select %eq3A_4526, %broadcast_in_dim3A_4528, %broadcast_in_dim3A_4529 : vector<1x8xi1>, vector<1x8xf32>
    %broadcast_in_dim3A_4531 = vector.broadcast %convert_element_type3A_4523 : f32 to vector<1x8xf32>
    %select_n3A_4532 = arith.select %eq3A_4522, %broadcast_in_dim3A_4531, %select_n3A_4530 : vector<1x8xi1>, vector<1x8xf32>
    %broadcast_in_dim3A_4533 = vector.broadcast %convert_element_type3A_4519 : f32 to vector<1x8xf32>
    %select_n3A_4534 = arith.select %eq3A_4518, %broadcast_in_dim3A_4533, %select_n3A_4532 : vector<1x8xi1>, vector<1x8xf32>
    %swap3A_4535 = arith.constant 0 : index
    %swap3A_4536 = arith.constant 39 : index
    %swap3A_4537 = arith.constant 0 : index
    %swap3A_4538 = vector.load %arg3[%swap3A_4535, %swap3A_4536, %swap3A_4537] : memref<1x64x8xf32, #tpu.memory_space<vmem>>, vector<1x1x8xf32>
    %swap3A_4539 = vector.shape_cast %swap3A_4538 : vector<1x1x8xf32> to vector<1x8xf32>
    %swap3A_4540 = vector.shape_cast %select_n3A_4534 : vector<1x8xf32> to vector<1x1x8xf32>
    tpu.vector_store %arg3[%swap3A_4535, %swap3A_4536, %swap3A_4537], %swap3A_4540 {strides = array<i32>} : memref<1x64x8xf32, #tpu.memory_space<vmem>>, vector<1x1x8xf32>,
    %get3A_4541 = arith.constant 0 : index
    %get3A_4542 = arith.constant 0 : index
    %get3A_4543 = vector.load %arg5[%get3A_4541, %get3A_4542] : memref<728x1xf32, #tpu.memory_space<vmem>>, vector<728x1xf32>
    %reduce_max3A_4544 = vector.shape_cast %get3A_4543 : vector<728x1xf32> to vector<1x728x1xf32>
    %reduce_max3A_4545 = arith.constant dense<0xFF800000> : vector<1xf32>
    %reduce_max3A_4546 = vector.multi_reduction <maximumf>, %reduce_max3A_4544, %reduce_max3A_4545 [1, 2] : vector<1x728x1xf32> to vector<1xf32>
    %reduce_max3A_4547 = vector.shape_cast %reduce_max3A_4546 : vector<1xf32> to vector<1x1x1xf32>
    %reduce_max3A_4548 = vector.extract %reduce_max3A_4547[0, 0, 0] : f32 from vector<1x1x1xf32>
    %eq3A_4549 = vector.broadcast %reduce_max3A_4548 : f32 to vector<728x1xf32>
    %eq3A_4550 = arith.cmpf oeq, %get3A_4543, %eq3A_4549 : vector<728x1xf32>
    %jit3A_4551 = arith.constant 728 : i32
    %broadcast_in_dim3A_4552 = vector.broadcast %jit3A_4551 : i32 to vector<728x1xi32>
    %select_n3A_4553 = arith.select %eq3A_4550, %iota3A, %broadcast_in_dim3A_4552 : vector<728x1xi1>, vector<728x1xi32>
    %reduce_min3A_4554 = vector.shape_cast %select_n3A_4553 : vector<728x1xi32> to vector<1x728x1xi32>
    %reduce_min3A_4555 = arith.constant dense<2147483647> : vector<1xi32>
    %reduce_min3A_4556 = vector.multi_reduction <minsi>, %reduce_min3A_4554, %reduce_min3A_4555 [1, 2] : vector<1x728x1xi32> to vector<1xi32>
    %reduce_min3A_4557 = vector.shape_cast %reduce_min3A_4556 : vector<1xi32> to vector<1x1x1xi32>
    %reduce_min3A_4558 = vector.extract %reduce_min3A_4557[0, 0, 0] : i32 from vector<1x1x1xi32>
    %jit3A_4559 = arith.constant 8 : i32
    %div3A_4560 = arith.divsi %reduce_min3A_4558, %jit3A_4559 : i32
    %sign3A_4561 = arith.constant 0 : i32
    %sign3A_4562 = arith.cmpi sgt, %reduce_min3A_4558, %sign3A_4561 : i32
    %sign3A_4563 = arith.extui %sign3A_4562 : i1 to i32
    %sign3A_4564 = arith.constant 0 : i32
    %sign3A_4565 = arith.cmpi slt, %reduce_min3A_4558, %sign3A_4564 : i32
    %sign3A_4566 = arith.extui %sign3A_4565 : i1 to i32
    %sign3A_4567 = arith.subi %sign3A_4563, %sign3A_4566 : i32
    %sign3A_4568 = arith.constant 0 : i32
    %sign3A_4569 = arith.cmpi sgt, %jit3A_4559, %sign3A_4568 : i32
    %sign3A_4570 = arith.extui %sign3A_4569 : i1 to i32
    %sign3A_4571 = arith.constant 0 : i32
    %sign3A_4572 = arith.cmpi slt, %jit3A_4559, %sign3A_4571 : i32
    %sign3A_4573 = arith.extui %sign3A_4572 : i1 to i32
    %sign3A_4574 = arith.subi %sign3A_4570, %sign3A_4573 : i32
    %ne3A_4575 = arith.cmpi ne, %sign3A_4567, %sign3A_4574 : i32
    %rem3A_4576 = arith.remsi %reduce_min3A_4558, %jit3A_4559 : i32
    %ne3A_4577 = arith.constant 0 : i32
    %ne3A_4578 = arith.cmpi ne, %rem3A_4576, %ne3A_4577 : i32
    %and3A_4579 = arith.andi %ne3A_4575, %ne3A_4578 : i1
    %sub3A_4580 = arith.constant 1 : i32
    %sub3A_4581 = arith.subi %div3A_4560, %sub3A_4580 : i32
    %select_n3A_4582 = arith.select %and3A_4579, %sub3A_4581, %div3A_4560 : i32
    %mul3A_4583 = arith.constant 8 : i32
    %mul3A_4584 = arith.muli %select_n3A_4582, %mul3A_4583 : i32
    %multiple_of3A_4585 = tpu.assume_multiple %mul3A_4584, 8 : i32
    %sub3A_4586 = arith.subi %reduce_min3A_4558, %multiple_of3A_4585 : i32
    %get3A_4587 = arith.index_cast %multiple_of3A_4585 : i32 to index
    %get3A_4588 = arith.constant 0 : index
    %get3A_4589 = vector.load %arg4[%get3A_4587, %get3A_4588] : memref<728x1440xf32, #tpu.memory_space<vmem>>, vector<8x1440xf32>
    %eq3A_4590 = vector.broadcast %sub3A_4586 : i32 to vector<8x1xi32>
    %eq3A_4591 = arith.cmpi eq, %iota3A_66, %eq3A_4590 : vector<8x1xi32>
    %jit3A_4592 = arith.constant -3.000000e+38 : f32
    %broadcast_in_dim3A_4593 = vector.shape_cast %eq3A_4591 : vector<8x1xi1> to vector<8x1xi1>
    %broadcast_in_dim3A_4594 = vector.broadcast %broadcast_in_dim3A_4593 : vector<8x1xi1> to vector<8x1440xi1>
    %broadcast_in_dim3A_4595 = vector.broadcast %jit3A_4592 : f32 to vector<8x1440xf32>
    %select_n3A_4596 = arith.select %broadcast_in_dim3A_4594, %get3A_4589, %broadcast_in_dim3A_4595 : vector<8x1440xi1>, vector<8x1440xf32>
    %reduce_max3A_4597 = vector.shape_cast %select_n3A_4596 : vector<8x1440xf32> to vector<1x8x1440xf32>
    %reduce_max3A_4598 = arith.constant dense<0xFF800000> : vector<1xf32>
    %reduce_max3A_4599 = vector.multi_reduction <maximumf>, %reduce_max3A_4597, %reduce_max3A_4598 [1, 2] : vector<1x8x1440xf32> to vector<1xf32>
    %reduce_max3A_4600 = vector.shape_cast %reduce_max3A_4599 : vector<1xf32> to vector<1x1x1xf32>
    %reduce_max3A_4601 = vector.extract %reduce_max3A_4600[0, 0, 0] : f32 from vector<1x1x1xf32>
    %eq3A_4602 = vector.broadcast %reduce_max3A_4601 : f32 to vector<8x1440xf32>
    %eq3A_4603 = arith.cmpf oeq, %select_n3A_4596, %eq3A_4602 : vector<8x1440xf32>
    %jit3A_4604 = arith.constant 1440 : i32
    %broadcast_in_dim3A_4605 = vector.broadcast %jit3A_4604 : i32 to vector<8x1440xi32>
    %select_n3A_4606 = arith.select %eq3A_4603, %iota3A_67, %broadcast_in_dim3A_4605 : vector<8x1440xi1>, vector<8x1440xi32>
    %reduce_min3A_4607 = vector.shape_cast %select_n3A_4606 : vector<8x1440xi32> to vector<1x8x1440xi32>
    %reduce_min3A_4608 = arith.constant dense<2147483647> : vector<1xi32>
    %reduce_min3A_4609 = vector.multi_reduction <minsi>, %reduce_min3A_4607, %reduce_min3A_4608 [1, 2] : vector<1x8x1440xi32> to vector<1xi32>
    %reduce_min3A_4610 = vector.shape_cast %reduce_min3A_4609 : vector<1xi32> to vector<1x1x1xi32>
    %reduce_min3A_4611 = vector.extract %reduce_min3A_4610[0, 0, 0] : i32 from vector<1x1x1xi32>
    %eq3A_4612 = vector.broadcast %reduce_min3A_4611 : i32 to vector<8x1440xi32>
    %eq3A_4613 = arith.cmpi eq, %iota3A_67, %eq3A_4612 : vector<8x1440xi32>
    %and3A_4614 = vector.broadcast %eq3A_4591 : vector<8x1xi1> to vector<8x1440xi1>
    %and3A_4615 = arith.andi %and3A_4614, %eq3A_4613 : vector<8x1440xi1>
    %jit3A_4616 = arith.constant -3.000000e+38 : f32
    %broadcast_in_dim3A_4617 = vector.broadcast %jit3A_4616 : f32 to vector<8x1440xf32>
    %select_n3A_4618 = arith.select %and3A_4615, %broadcast_in_dim3A_4617, %get3A_4589 : vector<8x1440xi1>, vector<8x1440xf32>
    %swap3A_4619 = arith.index_cast %multiple_of3A_4585 : i32 to index
    %swap3A_4620 = arith.constant 0 : index
    %swap3A_4621 = vector.load %arg4[%swap3A_4619, %swap3A_4620] : memref<728x1440xf32, #tpu.memory_space<vmem>>, vector<8x1440xf32>
    tpu.vector_store %arg4[%swap3A_4619, %swap3A_4620], %select_n3A_4618 {strides = array<i32>} : memref<728x1440xf32, #tpu.memory_space<vmem>>, vector<8x1440xf32>,
    %reduce_max3A_4622 = arith.constant dense<0xFF800000> : vector<8xf32>
    %reduce_max3A_4623 = vector.multi_reduction <maximumf>, %select_n3A_4618, %reduce_max3A_4622 [1] : vector<8x1440xf32> to vector<8xf32>
    %broadcast_in_dim3A_4624 = vector.shape_cast %reduce_max3A_4623 : vector<8xf32> to vector<8x1xf32>
    %swap3A_4625 = arith.index_cast %multiple_of3A_4585 : i32 to index
    %swap3A_4626 = arith.constant 0 : index
    %swap3A_4627 = vector.load %arg5[%swap3A_4625, %swap3A_4626] : memref<728x1xf32, #tpu.memory_space<vmem>>, vector<8x1xf32>
    tpu.vector_store %arg5[%swap3A_4625, %swap3A_4626], %broadcast_in_dim3A_4624 {strides = array<i32>} : memref<728x1xf32, #tpu.memory_space<vmem>>, vector<8x1xf32>,
    %eq3A_4628 = arith.constant 0 : i32
    %eq3A_4629 = vector.broadcast %eq3A_4628 : i32 to vector<1x8xi32>
    %eq3A_4630 = arith.cmpi eq, %iota3A_68, %eq3A_4629 : vector<1x8xi32>
    %convert_element_type3A_4631 = arith.sitofp %reduce_min3A_4558 : i32 to f32
    %eq3A_4632 = arith.constant 1 : i32
    %eq3A_4633 = vector.broadcast %eq3A_4632 : i32 to vector<1x8xi32>
    %eq3A_4634 = arith.cmpi eq, %iota3A_68, %eq3A_4633 : vector<1x8xi32>
    %convert_element_type3A_4635 = arith.sitofp %reduce_min3A_4611 : i32 to f32
    %eq3A_4636 = arith.constant 2 : i32
    %eq3A_4637 = vector.broadcast %eq3A_4636 : i32 to vector<1x8xi32>
    %eq3A_4638 = arith.cmpi eq, %iota3A_68, %eq3A_4637 : vector<1x8xi32>
    %jit3A_4639 = arith.constant 0.000000e+00 : f32
    %broadcast_in_dim3A_4640 = vector.broadcast %reduce_max3A_4548 : f32 to vector<1x8xf32>
    %broadcast_in_dim3A_4641 = vector.broadcast %jit3A_4639 : f32 to vector<1x8xf32>
    %select_n3A_4642 = arith.select %eq3A_4638, %broadcast_in_dim3A_4640, %broadcast_in_dim3A_4641 : vector<1x8xi1>, vector<1x8xf32>
    %broadcast_in_dim3A_4643 = vector.broadcast %convert_element_type3A_4635 : f32 to vector<1x8xf32>
    %select_n3A_4644 = arith.select %eq3A_4634, %broadcast_in_dim3A_4643, %select_n3A_4642 : vector<1x8xi1>, vector<1x8xf32>
    %broadcast_in_dim3A_4645 = vector.broadcast %convert_element_type3A_4631 : f32 to vector<1x8xf32>
    %select_n3A_4646 = arith.select %eq3A_4630, %broadcast_in_dim3A_4645, %select_n3A_4644 : vector<1x8xi1>, vector<1x8xf32>
    %swap3A_4647 = arith.constant 0 : index
    %swap3A_4648 = arith.constant 40 : index
    %swap3A_4649 = arith.constant 0 : index
    %swap3A_4650 = vector.load %arg3[%swap3A_4647, %swap3A_4648, %swap3A_4649] : memref<1x64x8xf32, #tpu.memory_space<vmem>>, vector<1x1x8xf32>
    %swap3A_4651 = vector.shape_cast %swap3A_4650 : vector<1x1x8xf32> to vector<1x8xf32>
    %swap3A_4652 = vector.shape_cast %select_n3A_4646 : vector<1x8xf32> to vector<1x1x8xf32>
    tpu.vector_store %arg3[%swap3A_4647, %swap3A_4648, %swap3A_4649], %swap3A_4652 {strides = array<i32>} : memref<1x64x8xf32, #tpu.memory_space<vmem>>, vector<1x1x8xf32>,
    %get3A_4653 = arith.constant 0 : index
    %get3A_4654 = arith.constant 0 : index
    %get3A_4655 = vector.load %arg5[%get3A_4653, %get3A_4654] : memref<728x1xf32, #tpu.memory_space<vmem>>, vector<728x1xf32>
    %reduce_max3A_4656 = vector.shape_cast %get3A_4655 : vector<728x1xf32> to vector<1x728x1xf32>
    %reduce_max3A_4657 = arith.constant dense<0xFF800000> : vector<1xf32>
    %reduce_max3A_4658 = vector.multi_reduction <maximumf>, %reduce_max3A_4656, %reduce_max3A_4657 [1, 2] : vector<1x728x1xf32> to vector<1xf32>
    %reduce_max3A_4659 = vector.shape_cast %reduce_max3A_4658 : vector<1xf32> to vector<1x1x1xf32>
    %reduce_max3A_4660 = vector.extract %reduce_max3A_4659[0, 0, 0] : f32 from vector<1x1x1xf32>
    %eq3A_4661 = vector.broadcast %reduce_max3A_4660 : f32 to vector<728x1xf32>
    %eq3A_4662 = arith.cmpf oeq, %get3A_4655, %eq3A_4661 : vector<728x1xf32>
    %jit3A_4663 = arith.constant 728 : i32
    %broadcast_in_dim3A_4664 = vector.broadcast %jit3A_4663 : i32 to vector<728x1xi32>
    %select_n3A_4665 = arith.select %eq3A_4662, %iota3A, %broadcast_in_dim3A_4664 : vector<728x1xi1>, vector<728x1xi32>
    %reduce_min3A_4666 = vector.shape_cast %select_n3A_4665 : vector<728x1xi32> to vector<1x728x1xi32>
    %reduce_min3A_4667 = arith.constant dense<2147483647> : vector<1xi32>
    %reduce_min3A_4668 = vector.multi_reduction <minsi>, %reduce_min3A_4666, %reduce_min3A_4667 [1, 2] : vector<1x728x1xi32> to vector<1xi32>
    %reduce_min3A_4669 = vector.shape_cast %reduce_min3A_4668 : vector<1xi32> to vector<1x1x1xi32>
    %reduce_min3A_4670 = vector.extract %reduce_min3A_4669[0, 0, 0] : i32 from vector<1x1x1xi32>
    %jit3A_4671 = arith.constant 8 : i32
    %div3A_4672 = arith.divsi %reduce_min3A_4670, %jit3A_4671 : i32
    %sign3A_4673 = arith.constant 0 : i32
    %sign3A_4674 = arith.cmpi sgt, %reduce_min3A_4670, %sign3A_4673 : i32
    %sign3A_4675 = arith.extui %sign3A_4674 : i1 to i32
    %sign3A_4676 = arith.constant 0 : i32
    %sign3A_4677 = arith.cmpi slt, %reduce_min3A_4670, %sign3A_4676 : i32
    %sign3A_4678 = arith.extui %sign3A_4677 : i1 to i32
    %sign3A_4679 = arith.subi %sign3A_4675, %sign3A_4678 : i32
    %sign3A_4680 = arith.constant 0 : i32
    %sign3A_4681 = arith.cmpi sgt, %jit3A_4671, %sign3A_4680 : i32
    %sign3A_4682 = arith.extui %sign3A_4681 : i1 to i32
    %sign3A_4683 = arith.constant 0 : i32
    %sign3A_4684 = arith.cmpi slt, %jit3A_4671, %sign3A_4683 : i32
    %sign3A_4685 = arith.extui %sign3A_4684 : i1 to i32
    %sign3A_4686 = arith.subi %sign3A_4682, %sign3A_4685 : i32
    %ne3A_4687 = arith.cmpi ne, %sign3A_4679, %sign3A_4686 : i32
    %rem3A_4688 = arith.remsi %reduce_min3A_4670, %jit3A_4671 : i32
    %ne3A_4689 = arith.constant 0 : i32
    %ne3A_4690 = arith.cmpi ne, %rem3A_4688, %ne3A_4689 : i32
    %and3A_4691 = arith.andi %ne3A_4687, %ne3A_4690 : i1
    %sub3A_4692 = arith.constant 1 : i32
    %sub3A_4693 = arith.subi %div3A_4672, %sub3A_4692 : i32
    %select_n3A_4694 = arith.select %and3A_4691, %sub3A_4693, %div3A_4672 : i32
    %mul3A_4695 = arith.constant 8 : i32
    %mul3A_4696 = arith.muli %select_n3A_4694, %mul3A_4695 : i32
    %multiple_of3A_4697 = tpu.assume_multiple %mul3A_4696, 8 : i32
    %sub3A_4698 = arith.subi %reduce_min3A_4670, %multiple_of3A_4697 : i32
    %get3A_4699 = arith.index_cast %multiple_of3A_4697 : i32 to index
    %get3A_4700 = arith.constant 0 : index
    %get3A_4701 = vector.load %arg4[%get3A_4699, %get3A_4700] : memref<728x1440xf32, #tpu.memory_space<vmem>>, vector<8x1440xf32>
    %eq3A_4702 = vector.broadcast %sub3A_4698 : i32 to vector<8x1xi32>
    %eq3A_4703 = arith.cmpi eq, %iota3A_66, %eq3A_4702 : vector<8x1xi32>
    %jit3A_4704 = arith.constant -3.000000e+38 : f32
    %broadcast_in_dim3A_4705 = vector.shape_cast %eq3A_4703 : vector<8x1xi1> to vector<8x1xi1>
    %broadcast_in_dim3A_4706 = vector.broadcast %broadcast_in_dim3A_4705 : vector<8x1xi1> to vector<8x1440xi1>
    %broadcast_in_dim3A_4707 = vector.broadcast %jit3A_4704 : f32 to vector<8x1440xf32>
    %select_n3A_4708 = arith.select %broadcast_in_dim3A_4706, %get3A_4701, %broadcast_in_dim3A_4707 : vector<8x1440xi1>, vector<8x1440xf32>
    %reduce_max3A_4709 = vector.shape_cast %select_n3A_4708 : vector<8x1440xf32> to vector<1x8x1440xf32>
    %reduce_max3A_4710 = arith.constant dense<0xFF800000> : vector<1xf32>
    %reduce_max3A_4711 = vector.multi_reduction <maximumf>, %reduce_max3A_4709, %reduce_max3A_4710 [1, 2] : vector<1x8x1440xf32> to vector<1xf32>
    %reduce_max3A_4712 = vector.shape_cast %reduce_max3A_4711 : vector<1xf32> to vector<1x1x1xf32>
    %reduce_max3A_4713 = vector.extract %reduce_max3A_4712[0, 0, 0] : f32 from vector<1x1x1xf32>
    %eq3A_4714 = vector.broadcast %reduce_max3A_4713 : f32 to vector<8x1440xf32>
    %eq3A_4715 = arith.cmpf oeq, %select_n3A_4708, %eq3A_4714 : vector<8x1440xf32>
    %jit3A_4716 = arith.constant 1440 : i32
    %broadcast_in_dim3A_4717 = vector.broadcast %jit3A_4716 : i32 to vector<8x1440xi32>
    %select_n3A_4718 = arith.select %eq3A_4715, %iota3A_67, %broadcast_in_dim3A_4717 : vector<8x1440xi1>, vector<8x1440xi32>
    %reduce_min3A_4719 = vector.shape_cast %select_n3A_4718 : vector<8x1440xi32> to vector<1x8x1440xi32>
    %reduce_min3A_4720 = arith.constant dense<2147483647> : vector<1xi32>
    %reduce_min3A_4721 = vector.multi_reduction <minsi>, %reduce_min3A_4719, %reduce_min3A_4720 [1, 2] : vector<1x8x1440xi32> to vector<1xi32>
    %reduce_min3A_4722 = vector.shape_cast %reduce_min3A_4721 : vector<1xi32> to vector<1x1x1xi32>
    %reduce_min3A_4723 = vector.extract %reduce_min3A_4722[0, 0, 0] : i32 from vector<1x1x1xi32>
    %eq3A_4724 = vector.broadcast %reduce_min3A_4723 : i32 to vector<8x1440xi32>
    %eq3A_4725 = arith.cmpi eq, %iota3A_67, %eq3A_4724 : vector<8x1440xi32>
    %and3A_4726 = vector.broadcast %eq3A_4703 : vector<8x1xi1> to vector<8x1440xi1>
    %and3A_4727 = arith.andi %and3A_4726, %eq3A_4725 : vector<8x1440xi1>
    %jit3A_4728 = arith.constant -3.000000e+38 : f32
    %broadcast_in_dim3A_4729 = vector.broadcast %jit3A_4728 : f32 to vector<8x1440xf32>
    %select_n3A_4730 = arith.select %and3A_4727, %broadcast_in_dim3A_4729, %get3A_4701 : vector<8x1440xi1>, vector<8x1440xf32>
    %swap3A_4731 = arith.index_cast %multiple_of3A_4697 : i32 to index
    %swap3A_4732 = arith.constant 0 : index
    %swap3A_4733 = vector.load %arg4[%swap3A_4731, %swap3A_4732] : memref<728x1440xf32, #tpu.memory_space<vmem>>, vector<8x1440xf32>
    tpu.vector_store %arg4[%swap3A_4731, %swap3A_4732], %select_n3A_4730 {strides = array<i32>} : memref<728x1440xf32, #tpu.memory_space<vmem>>, vector<8x1440xf32>,
    %reduce_max3A_4734 = arith.constant dense<0xFF800000> : vector<8xf32>
    %reduce_max3A_4735 = vector.multi_reduction <maximumf>, %select_n3A_4730, %reduce_max3A_4734 [1] : vector<8x1440xf32> to vector<8xf32>
    %broadcast_in_dim3A_4736 = vector.shape_cast %reduce_max3A_4735 : vector<8xf32> to vector<8x1xf32>
    %swap3A_4737 = arith.index_cast %multiple_of3A_4697 : i32 to index
    %swap3A_4738 = arith.constant 0 : index
    %swap3A_4739 = vector.load %arg5[%swap3A_4737, %swap3A_4738] : memref<728x1xf32, #tpu.memory_space<vmem>>, vector<8x1xf32>
    tpu.vector_store %arg5[%swap3A_4737, %swap3A_4738], %broadcast_in_dim3A_4736 {strides = array<i32>} : memref<728x1xf32, #tpu.memory_space<vmem>>, vector<8x1xf32>,
    %eq3A_4740 = arith.constant 0 : i32
    %eq3A_4741 = vector.broadcast %eq3A_4740 : i32 to vector<1x8xi32>
    %eq3A_4742 = arith.cmpi eq, %iota3A_68, %eq3A_4741 : vector<1x8xi32>
    %convert_element_type3A_4743 = arith.sitofp %reduce_min3A_4670 : i32 to f32
    %eq3A_4744 = arith.constant 1 : i32
    %eq3A_4745 = vector.broadcast %eq3A_4744 : i32 to vector<1x8xi32>
    %eq3A_4746 = arith.cmpi eq, %iota3A_68, %eq3A_4745 : vector<1x8xi32>
    %convert_element_type3A_4747 = arith.sitofp %reduce_min3A_4723 : i32 to f32
    %eq3A_4748 = arith.constant 2 : i32
    %eq3A_4749 = vector.broadcast %eq3A_4748 : i32 to vector<1x8xi32>
    %eq3A_4750 = arith.cmpi eq, %iota3A_68, %eq3A_4749 : vector<1x8xi32>
    %jit3A_4751 = arith.constant 0.000000e+00 : f32
    %broadcast_in_dim3A_4752 = vector.broadcast %reduce_max3A_4660 : f32 to vector<1x8xf32>
    %broadcast_in_dim3A_4753 = vector.broadcast %jit3A_4751 : f32 to vector<1x8xf32>
    %select_n3A_4754 = arith.select %eq3A_4750, %broadcast_in_dim3A_4752, %broadcast_in_dim3A_4753 : vector<1x8xi1>, vector<1x8xf32>
    %broadcast_in_dim3A_4755 = vector.broadcast %convert_element_type3A_4747 : f32 to vector<1x8xf32>
    %select_n3A_4756 = arith.select %eq3A_4746, %broadcast_in_dim3A_4755, %select_n3A_4754 : vector<1x8xi1>, vector<1x8xf32>
    %broadcast_in_dim3A_4757 = vector.broadcast %convert_element_type3A_4743 : f32 to vector<1x8xf32>
    %select_n3A_4758 = arith.select %eq3A_4742, %broadcast_in_dim3A_4757, %select_n3A_4756 : vector<1x8xi1>, vector<1x8xf32>
    %swap3A_4759 = arith.constant 0 : index
    %swap3A_4760 = arith.constant 41 : index
    %swap3A_4761 = arith.constant 0 : index
    %swap3A_4762 = vector.load %arg3[%swap3A_4759, %swap3A_4760, %swap3A_4761] : memref<1x64x8xf32, #tpu.memory_space<vmem>>, vector<1x1x8xf32>
    %swap3A_4763 = vector.shape_cast %swap3A_4762 : vector<1x1x8xf32> to vector<1x8xf32>
    %swap3A_4764 = vector.shape_cast %select_n3A_4758 : vector<1x8xf32> to vector<1x1x8xf32>
    tpu.vector_store %arg3[%swap3A_4759, %swap3A_4760, %swap3A_4761], %swap3A_4764 {strides = array<i32>} : memref<1x64x8xf32, #tpu.memory_space<vmem>>, vector<1x1x8xf32>,
    %get3A_4765 = arith.constant 0 : index
    %get3A_4766 = arith.constant 0 : index
    %get3A_4767 = vector.load %arg5[%get3A_4765, %get3A_4766] : memref<728x1xf32, #tpu.memory_space<vmem>>, vector<728x1xf32>
    %reduce_max3A_4768 = vector.shape_cast %get3A_4767 : vector<728x1xf32> to vector<1x728x1xf32>
    %reduce_max3A_4769 = arith.constant dense<0xFF800000> : vector<1xf32>
    %reduce_max3A_4770 = vector.multi_reduction <maximumf>, %reduce_max3A_4768, %reduce_max3A_4769 [1, 2] : vector<1x728x1xf32> to vector<1xf32>
    %reduce_max3A_4771 = vector.shape_cast %reduce_max3A_4770 : vector<1xf32> to vector<1x1x1xf32>
    %reduce_max3A_4772 = vector.extract %reduce_max3A_4771[0, 0, 0] : f32 from vector<1x1x1xf32>
    %eq3A_4773 = vector.broadcast %reduce_max3A_4772 : f32 to vector<728x1xf32>
    %eq3A_4774 = arith.cmpf oeq, %get3A_4767, %eq3A_4773 : vector<728x1xf32>
    %jit3A_4775 = arith.constant 728 : i32
    %broadcast_in_dim3A_4776 = vector.broadcast %jit3A_4775 : i32 to vector<728x1xi32>
    %select_n3A_4777 = arith.select %eq3A_4774, %iota3A, %broadcast_in_dim3A_4776 : vector<728x1xi1>, vector<728x1xi32>
    %reduce_min3A_4778 = vector.shape_cast %select_n3A_4777 : vector<728x1xi32> to vector<1x728x1xi32>
    %reduce_min3A_4779 = arith.constant dense<2147483647> : vector<1xi32>
    %reduce_min3A_4780 = vector.multi_reduction <minsi>, %reduce_min3A_4778, %reduce_min3A_4779 [1, 2] : vector<1x728x1xi32> to vector<1xi32>
    %reduce_min3A_4781 = vector.shape_cast %reduce_min3A_4780 : vector<1xi32> to vector<1x1x1xi32>
    %reduce_min3A_4782 = vector.extract %reduce_min3A_4781[0, 0, 0] : i32 from vector<1x1x1xi32>
    %jit3A_4783 = arith.constant 8 : i32
    %div3A_4784 = arith.divsi %reduce_min3A_4782, %jit3A_4783 : i32
    %sign3A_4785 = arith.constant 0 : i32
    %sign3A_4786 = arith.cmpi sgt, %reduce_min3A_4782, %sign3A_4785 : i32
    %sign3A_4787 = arith.extui %sign3A_4786 : i1 to i32
    %sign3A_4788 = arith.constant 0 : i32
    %sign3A_4789 = arith.cmpi slt, %reduce_min3A_4782, %sign3A_4788 : i32
    %sign3A_4790 = arith.extui %sign3A_4789 : i1 to i32
    %sign3A_4791 = arith.subi %sign3A_4787, %sign3A_4790 : i32
    %sign3A_4792 = arith.constant 0 : i32
    %sign3A_4793 = arith.cmpi sgt, %jit3A_4783, %sign3A_4792 : i32
    %sign3A_4794 = arith.extui %sign3A_4793 : i1 to i32
    %sign3A_4795 = arith.constant 0 : i32
    %sign3A_4796 = arith.cmpi slt, %jit3A_4783, %sign3A_4795 : i32
    %sign3A_4797 = arith.extui %sign3A_4796 : i1 to i32
    %sign3A_4798 = arith.subi %sign3A_4794, %sign3A_4797 : i32
    %ne3A_4799 = arith.cmpi ne, %sign3A_4791, %sign3A_4798 : i32
    %rem3A_4800 = arith.remsi %reduce_min3A_4782, %jit3A_4783 : i32
    %ne3A_4801 = arith.constant 0 : i32
    %ne3A_4802 = arith.cmpi ne, %rem3A_4800, %ne3A_4801 : i32
    %and3A_4803 = arith.andi %ne3A_4799, %ne3A_4802 : i1
    %sub3A_4804 = arith.constant 1 : i32
    %sub3A_4805 = arith.subi %div3A_4784, %sub3A_4804 : i32
    %select_n3A_4806 = arith.select %and3A_4803, %sub3A_4805, %div3A_4784 : i32
    %mul3A_4807 = arith.constant 8 : i32
    %mul3A_4808 = arith.muli %select_n3A_4806, %mul3A_4807 : i32
    %multiple_of3A_4809 = tpu.assume_multiple %mul3A_4808, 8 : i32
    %sub3A_4810 = arith.subi %reduce_min3A_4782, %multiple_of3A_4809 : i32
    %get3A_4811 = arith.index_cast %multiple_of3A_4809 : i32 to index
    %get3A_4812 = arith.constant 0 : index
    %get3A_4813 = vector.load %arg4[%get3A_4811, %get3A_4812] : memref<728x1440xf32, #tpu.memory_space<vmem>>, vector<8x1440xf32>
    %eq3A_4814 = vector.broadcast %sub3A_4810 : i32 to vector<8x1xi32>
    %eq3A_4815 = arith.cmpi eq, %iota3A_66, %eq3A_4814 : vector<8x1xi32>
    %jit3A_4816 = arith.constant -3.000000e+38 : f32
    %broadcast_in_dim3A_4817 = vector.shape_cast %eq3A_4815 : vector<8x1xi1> to vector<8x1xi1>
    %broadcast_in_dim3A_4818 = vector.broadcast %broadcast_in_dim3A_4817 : vector<8x1xi1> to vector<8x1440xi1>
    %broadcast_in_dim3A_4819 = vector.broadcast %jit3A_4816 : f32 to vector<8x1440xf32>
    %select_n3A_4820 = arith.select %broadcast_in_dim3A_4818, %get3A_4813, %broadcast_in_dim3A_4819 : vector<8x1440xi1>, vector<8x1440xf32>
    %reduce_max3A_4821 = vector.shape_cast %select_n3A_4820 : vector<8x1440xf32> to vector<1x8x1440xf32>
    %reduce_max3A_4822 = arith.constant dense<0xFF800000> : vector<1xf32>
    %reduce_max3A_4823 = vector.multi_reduction <maximumf>, %reduce_max3A_4821, %reduce_max3A_4822 [1, 2] : vector<1x8x1440xf32> to vector<1xf32>
    %reduce_max3A_4824 = vector.shape_cast %reduce_max3A_4823 : vector<1xf32> to vector<1x1x1xf32>
    %reduce_max3A_4825 = vector.extract %reduce_max3A_4824[0, 0, 0] : f32 from vector<1x1x1xf32>
    %eq3A_4826 = vector.broadcast %reduce_max3A_4825 : f32 to vector<8x1440xf32>
    %eq3A_4827 = arith.cmpf oeq, %select_n3A_4820, %eq3A_4826 : vector<8x1440xf32>
    %jit3A_4828 = arith.constant 1440 : i32
    %broadcast_in_dim3A_4829 = vector.broadcast %jit3A_4828 : i32 to vector<8x1440xi32>
    %select_n3A_4830 = arith.select %eq3A_4827, %iota3A_67, %broadcast_in_dim3A_4829 : vector<8x1440xi1>, vector<8x1440xi32>
    %reduce_min3A_4831 = vector.shape_cast %select_n3A_4830 : vector<8x1440xi32> to vector<1x8x1440xi32>
    %reduce_min3A_4832 = arith.constant dense<2147483647> : vector<1xi32>
    %reduce_min3A_4833 = vector.multi_reduction <minsi>, %reduce_min3A_4831, %reduce_min3A_4832 [1, 2] : vector<1x8x1440xi32> to vector<1xi32>
    %reduce_min3A_4834 = vector.shape_cast %reduce_min3A_4833 : vector<1xi32> to vector<1x1x1xi32>
    %reduce_min3A_4835 = vector.extract %reduce_min3A_4834[0, 0, 0] : i32 from vector<1x1x1xi32>
    %eq3A_4836 = vector.broadcast %reduce_min3A_4835 : i32 to vector<8x1440xi32>
    %eq3A_4837 = arith.cmpi eq, %iota3A_67, %eq3A_4836 : vector<8x1440xi32>
    %and3A_4838 = vector.broadcast %eq3A_4815 : vector<8x1xi1> to vector<8x1440xi1>
    %and3A_4839 = arith.andi %and3A_4838, %eq3A_4837 : vector<8x1440xi1>
    %jit3A_4840 = arith.constant -3.000000e+38 : f32
    %broadcast_in_dim3A_4841 = vector.broadcast %jit3A_4840 : f32 to vector<8x1440xf32>
    %select_n3A_4842 = arith.select %and3A_4839, %broadcast_in_dim3A_4841, %get3A_4813 : vector<8x1440xi1>, vector<8x1440xf32>
    %swap3A_4843 = arith.index_cast %multiple_of3A_4809 : i32 to index
    %swap3A_4844 = arith.constant 0 : index
    %swap3A_4845 = vector.load %arg4[%swap3A_4843, %swap3A_4844] : memref<728x1440xf32, #tpu.memory_space<vmem>>, vector<8x1440xf32>
    tpu.vector_store %arg4[%swap3A_4843, %swap3A_4844], %select_n3A_4842 {strides = array<i32>} : memref<728x1440xf32, #tpu.memory_space<vmem>>, vector<8x1440xf32>,
    %reduce_max3A_4846 = arith.constant dense<0xFF800000> : vector<8xf32>
    %reduce_max3A_4847 = vector.multi_reduction <maximumf>, %select_n3A_4842, %reduce_max3A_4846 [1] : vector<8x1440xf32> to vector<8xf32>
    %broadcast_in_dim3A_4848 = vector.shape_cast %reduce_max3A_4847 : vector<8xf32> to vector<8x1xf32>
    %swap3A_4849 = arith.index_cast %multiple_of3A_4809 : i32 to index
    %swap3A_4850 = arith.constant 0 : index
    %swap3A_4851 = vector.load %arg5[%swap3A_4849, %swap3A_4850] : memref<728x1xf32, #tpu.memory_space<vmem>>, vector<8x1xf32>
    tpu.vector_store %arg5[%swap3A_4849, %swap3A_4850], %broadcast_in_dim3A_4848 {strides = array<i32>} : memref<728x1xf32, #tpu.memory_space<vmem>>, vector<8x1xf32>,
    %eq3A_4852 = arith.constant 0 : i32
    %eq3A_4853 = vector.broadcast %eq3A_4852 : i32 to vector<1x8xi32>
    %eq3A_4854 = arith.cmpi eq, %iota3A_68, %eq3A_4853 : vector<1x8xi32>
    %convert_element_type3A_4855 = arith.sitofp %reduce_min3A_4782 : i32 to f32
    %eq3A_4856 = arith.constant 1 : i32
    %eq3A_4857 = vector.broadcast %eq3A_4856 : i32 to vector<1x8xi32>
    %eq3A_4858 = arith.cmpi eq, %iota3A_68, %eq3A_4857 : vector<1x8xi32>
    %convert_element_type3A_4859 = arith.sitofp %reduce_min3A_4835 : i32 to f32
    %eq3A_4860 = arith.constant 2 : i32
    %eq3A_4861 = vector.broadcast %eq3A_4860 : i32 to vector<1x8xi32>
    %eq3A_4862 = arith.cmpi eq, %iota3A_68, %eq3A_4861 : vector<1x8xi32>
    %jit3A_4863 = arith.constant 0.000000e+00 : f32
    %broadcast_in_dim3A_4864 = vector.broadcast %reduce_max3A_4772 : f32 to vector<1x8xf32>
    %broadcast_in_dim3A_4865 = vector.broadcast %jit3A_4863 : f32 to vector<1x8xf32>
    %select_n3A_4866 = arith.select %eq3A_4862, %broadcast_in_dim3A_4864, %broadcast_in_dim3A_4865 : vector<1x8xi1>, vector<1x8xf32>
    %broadcast_in_dim3A_4867 = vector.broadcast %convert_element_type3A_4859 : f32 to vector<1x8xf32>
    %select_n3A_4868 = arith.select %eq3A_4858, %broadcast_in_dim3A_4867, %select_n3A_4866 : vector<1x8xi1>, vector<1x8xf32>
    %broadcast_in_dim3A_4869 = vector.broadcast %convert_element_type3A_4855 : f32 to vector<1x8xf32>
    %select_n3A_4870 = arith.select %eq3A_4854, %broadcast_in_dim3A_4869, %select_n3A_4868 : vector<1x8xi1>, vector<1x8xf32>
    %swap3A_4871 = arith.constant 0 : index
    %swap3A_4872 = arith.constant 42 : index
    %swap3A_4873 = arith.constant 0 : index
    %swap3A_4874 = vector.load %arg3[%swap3A_4871, %swap3A_4872, %swap3A_4873] : memref<1x64x8xf32, #tpu.memory_space<vmem>>, vector<1x1x8xf32>
    %swap3A_4875 = vector.shape_cast %swap3A_4874 : vector<1x1x8xf32> to vector<1x8xf32>
    %swap3A_4876 = vector.shape_cast %select_n3A_4870 : vector<1x8xf32> to vector<1x1x8xf32>
    tpu.vector_store %arg3[%swap3A_4871, %swap3A_4872, %swap3A_4873], %swap3A_4876 {strides = array<i32>} : memref<1x64x8xf32, #tpu.memory_space<vmem>>, vector<1x1x8xf32>,
    %get3A_4877 = arith.constant 0 : index
    %get3A_4878 = arith.constant 0 : index
    %get3A_4879 = vector.load %arg5[%get3A_4877, %get3A_4878] : memref<728x1xf32, #tpu.memory_space<vmem>>, vector<728x1xf32>
    %reduce_max3A_4880 = vector.shape_cast %get3A_4879 : vector<728x1xf32> to vector<1x728x1xf32>
    %reduce_max3A_4881 = arith.constant dense<0xFF800000> : vector<1xf32>
    %reduce_max3A_4882 = vector.multi_reduction <maximumf>, %reduce_max3A_4880, %reduce_max3A_4881 [1, 2] : vector<1x728x1xf32> to vector<1xf32>
    %reduce_max3A_4883 = vector.shape_cast %reduce_max3A_4882 : vector<1xf32> to vector<1x1x1xf32>
    %reduce_max3A_4884 = vector.extract %reduce_max3A_4883[0, 0, 0] : f32 from vector<1x1x1xf32>
    %eq3A_4885 = vector.broadcast %reduce_max3A_4884 : f32 to vector<728x1xf32>
    %eq3A_4886 = arith.cmpf oeq, %get3A_4879, %eq3A_4885 : vector<728x1xf32>
    %jit3A_4887 = arith.constant 728 : i32
    %broadcast_in_dim3A_4888 = vector.broadcast %jit3A_4887 : i32 to vector<728x1xi32>
    %select_n3A_4889 = arith.select %eq3A_4886, %iota3A, %broadcast_in_dim3A_4888 : vector<728x1xi1>, vector<728x1xi32>
    %reduce_min3A_4890 = vector.shape_cast %select_n3A_4889 : vector<728x1xi32> to vector<1x728x1xi32>
    %reduce_min3A_4891 = arith.constant dense<2147483647> : vector<1xi32>
    %reduce_min3A_4892 = vector.multi_reduction <minsi>, %reduce_min3A_4890, %reduce_min3A_4891 [1, 2] : vector<1x728x1xi32> to vector<1xi32>
    %reduce_min3A_4893 = vector.shape_cast %reduce_min3A_4892 : vector<1xi32> to vector<1x1x1xi32>
    %reduce_min3A_4894 = vector.extract %reduce_min3A_4893[0, 0, 0] : i32 from vector<1x1x1xi32>
    %jit3A_4895 = arith.constant 8 : i32
    %div3A_4896 = arith.divsi %reduce_min3A_4894, %jit3A_4895 : i32
    %sign3A_4897 = arith.constant 0 : i32
    %sign3A_4898 = arith.cmpi sgt, %reduce_min3A_4894, %sign3A_4897 : i32
    %sign3A_4899 = arith.extui %sign3A_4898 : i1 to i32
    %sign3A_4900 = arith.constant 0 : i32
    %sign3A_4901 = arith.cmpi slt, %reduce_min3A_4894, %sign3A_4900 : i32
    %sign3A_4902 = arith.extui %sign3A_4901 : i1 to i32
    %sign3A_4903 = arith.subi %sign3A_4899, %sign3A_4902 : i32
    %sign3A_4904 = arith.constant 0 : i32
    %sign3A_4905 = arith.cmpi sgt, %jit3A_4895, %sign3A_4904 : i32
    %sign3A_4906 = arith.extui %sign3A_4905 : i1 to i32
    %sign3A_4907 = arith.constant 0 : i32
    %sign3A_4908 = arith.cmpi slt, %jit3A_4895, %sign3A_4907 : i32
    %sign3A_4909 = arith.extui %sign3A_4908 : i1 to i32
    %sign3A_4910 = arith.subi %sign3A_4906, %sign3A_4909 : i32
    %ne3A_4911 = arith.cmpi ne, %sign3A_4903, %sign3A_4910 : i32
    %rem3A_4912 = arith.remsi %reduce_min3A_4894, %jit3A_4895 : i32
    %ne3A_4913 = arith.constant 0 : i32
    %ne3A_4914 = arith.cmpi ne, %rem3A_4912, %ne3A_4913 : i32
    %and3A_4915 = arith.andi %ne3A_4911, %ne3A_4914 : i1
    %sub3A_4916 = arith.constant 1 : i32
    %sub3A_4917 = arith.subi %div3A_4896, %sub3A_4916 : i32
    %select_n3A_4918 = arith.select %and3A_4915, %sub3A_4917, %div3A_4896 : i32
    %mul3A_4919 = arith.constant 8 : i32
    %mul3A_4920 = arith.muli %select_n3A_4918, %mul3A_4919 : i32
    %multiple_of3A_4921 = tpu.assume_multiple %mul3A_4920, 8 : i32
    %sub3A_4922 = arith.subi %reduce_min3A_4894, %multiple_of3A_4921 : i32
    %get3A_4923 = arith.index_cast %multiple_of3A_4921 : i32 to index
    %get3A_4924 = arith.constant 0 : index
    %get3A_4925 = vector.load %arg4[%get3A_4923, %get3A_4924] : memref<728x1440xf32, #tpu.memory_space<vmem>>, vector<8x1440xf32>
    %eq3A_4926 = vector.broadcast %sub3A_4922 : i32 to vector<8x1xi32>
    %eq3A_4927 = arith.cmpi eq, %iota3A_66, %eq3A_4926 : vector<8x1xi32>
    %jit3A_4928 = arith.constant -3.000000e+38 : f32
    %broadcast_in_dim3A_4929 = vector.shape_cast %eq3A_4927 : vector<8x1xi1> to vector<8x1xi1>
    %broadcast_in_dim3A_4930 = vector.broadcast %broadcast_in_dim3A_4929 : vector<8x1xi1> to vector<8x1440xi1>
    %broadcast_in_dim3A_4931 = vector.broadcast %jit3A_4928 : f32 to vector<8x1440xf32>
    %select_n3A_4932 = arith.select %broadcast_in_dim3A_4930, %get3A_4925, %broadcast_in_dim3A_4931 : vector<8x1440xi1>, vector<8x1440xf32>
    %reduce_max3A_4933 = vector.shape_cast %select_n3A_4932 : vector<8x1440xf32> to vector<1x8x1440xf32>
    %reduce_max3A_4934 = arith.constant dense<0xFF800000> : vector<1xf32>
    %reduce_max3A_4935 = vector.multi_reduction <maximumf>, %reduce_max3A_4933, %reduce_max3A_4934 [1, 2] : vector<1x8x1440xf32> to vector<1xf32>
    %reduce_max3A_4936 = vector.shape_cast %reduce_max3A_4935 : vector<1xf32> to vector<1x1x1xf32>
    %reduce_max3A_4937 = vector.extract %reduce_max3A_4936[0, 0, 0] : f32 from vector<1x1x1xf32>
    %eq3A_4938 = vector.broadcast %reduce_max3A_4937 : f32 to vector<8x1440xf32>
    %eq3A_4939 = arith.cmpf oeq, %select_n3A_4932, %eq3A_4938 : vector<8x1440xf32>
    %jit3A_4940 = arith.constant 1440 : i32
    %broadcast_in_dim3A_4941 = vector.broadcast %jit3A_4940 : i32 to vector<8x1440xi32>
    %select_n3A_4942 = arith.select %eq3A_4939, %iota3A_67, %broadcast_in_dim3A_4941 : vector<8x1440xi1>, vector<8x1440xi32>
    %reduce_min3A_4943 = vector.shape_cast %select_n3A_4942 : vector<8x1440xi32> to vector<1x8x1440xi32>
    %reduce_min3A_4944 = arith.constant dense<2147483647> : vector<1xi32>
    %reduce_min3A_4945 = vector.multi_reduction <minsi>, %reduce_min3A_4943, %reduce_min3A_4944 [1, 2] : vector<1x8x1440xi32> to vector<1xi32>
    %reduce_min3A_4946 = vector.shape_cast %reduce_min3A_4945 : vector<1xi32> to vector<1x1x1xi32>
    %reduce_min3A_4947 = vector.extract %reduce_min3A_4946[0, 0, 0] : i32 from vector<1x1x1xi32>
    %eq3A_4948 = vector.broadcast %reduce_min3A_4947 : i32 to vector<8x1440xi32>
    %eq3A_4949 = arith.cmpi eq, %iota3A_67, %eq3A_4948 : vector<8x1440xi32>
    %and3A_4950 = vector.broadcast %eq3A_4927 : vector<8x1xi1> to vector<8x1440xi1>
    %and3A_4951 = arith.andi %and3A_4950, %eq3A_4949 : vector<8x1440xi1>
    %jit3A_4952 = arith.constant -3.000000e+38 : f32
    %broadcast_in_dim3A_4953 = vector.broadcast %jit3A_4952 : f32 to vector<8x1440xf32>
    %select_n3A_4954 = arith.select %and3A_4951, %broadcast_in_dim3A_4953, %get3A_4925 : vector<8x1440xi1>, vector<8x1440xf32>
    %swap3A_4955 = arith.index_cast %multiple_of3A_4921 : i32 to index
    %swap3A_4956 = arith.constant 0 : index
    %swap3A_4957 = vector.load %arg4[%swap3A_4955, %swap3A_4956] : memref<728x1440xf32, #tpu.memory_space<vmem>>, vector<8x1440xf32>
    tpu.vector_store %arg4[%swap3A_4955, %swap3A_4956], %select_n3A_4954 {strides = array<i32>} : memref<728x1440xf32, #tpu.memory_space<vmem>>, vector<8x1440xf32>,
    %reduce_max3A_4958 = arith.constant dense<0xFF800000> : vector<8xf32>
    %reduce_max3A_4959 = vector.multi_reduction <maximumf>, %select_n3A_4954, %reduce_max3A_4958 [1] : vector<8x1440xf32> to vector<8xf32>
    %broadcast_in_dim3A_4960 = vector.shape_cast %reduce_max3A_4959 : vector<8xf32> to vector<8x1xf32>
    %swap3A_4961 = arith.index_cast %multiple_of3A_4921 : i32 to index
    %swap3A_4962 = arith.constant 0 : index
    %swap3A_4963 = vector.load %arg5[%swap3A_4961, %swap3A_4962] : memref<728x1xf32, #tpu.memory_space<vmem>>, vector<8x1xf32>
    tpu.vector_store %arg5[%swap3A_4961, %swap3A_4962], %broadcast_in_dim3A_4960 {strides = array<i32>} : memref<728x1xf32, #tpu.memory_space<vmem>>, vector<8x1xf32>,
    %eq3A_4964 = arith.constant 0 : i32
    %eq3A_4965 = vector.broadcast %eq3A_4964 : i32 to vector<1x8xi32>
    %eq3A_4966 = arith.cmpi eq, %iota3A_68, %eq3A_4965 : vector<1x8xi32>
    %convert_element_type3A_4967 = arith.sitofp %reduce_min3A_4894 : i32 to f32
    %eq3A_4968 = arith.constant 1 : i32
    %eq3A_4969 = vector.broadcast %eq3A_4968 : i32 to vector<1x8xi32>
    %eq3A_4970 = arith.cmpi eq, %iota3A_68, %eq3A_4969 : vector<1x8xi32>
    %convert_element_type3A_4971 = arith.sitofp %reduce_min3A_4947 : i32 to f32
    %eq3A_4972 = arith.constant 2 : i32
    %eq3A_4973 = vector.broadcast %eq3A_4972 : i32 to vector<1x8xi32>
    %eq3A_4974 = arith.cmpi eq, %iota3A_68, %eq3A_4973 : vector<1x8xi32>
    %jit3A_4975 = arith.constant 0.000000e+00 : f32
    %broadcast_in_dim3A_4976 = vector.broadcast %reduce_max3A_4884 : f32 to vector<1x8xf32>
    %broadcast_in_dim3A_4977 = vector.broadcast %jit3A_4975 : f32 to vector<1x8xf32>
    %select_n3A_4978 = arith.select %eq3A_4974, %broadcast_in_dim3A_4976, %broadcast_in_dim3A_4977 : vector<1x8xi1>, vector<1x8xf32>
    %broadcast_in_dim3A_4979 = vector.broadcast %convert_element_type3A_4971 : f32 to vector<1x8xf32>
    %select_n3A_4980 = arith.select %eq3A_4970, %broadcast_in_dim3A_4979, %select_n3A_4978 : vector<1x8xi1>, vector<1x8xf32>
    %broadcast_in_dim3A_4981 = vector.broadcast %convert_element_type3A_4967 : f32 to vector<1x8xf32>
    %select_n3A_4982 = arith.select %eq3A_4966, %broadcast_in_dim3A_4981, %select_n3A_4980 : vector<1x8xi1>, vector<1x8xf32>
    %swap3A_4983 = arith.constant 0 : index
    %swap3A_4984 = arith.constant 43 : index
    %swap3A_4985 = arith.constant 0 : index
    %swap3A_4986 = vector.load %arg3[%swap3A_4983, %swap3A_4984, %swap3A_4985] : memref<1x64x8xf32, #tpu.memory_space<vmem>>, vector<1x1x8xf32>
    %swap3A_4987 = vector.shape_cast %swap3A_4986 : vector<1x1x8xf32> to vector<1x8xf32>
    %swap3A_4988 = vector.shape_cast %select_n3A_4982 : vector<1x8xf32> to vector<1x1x8xf32>
    tpu.vector_store %arg3[%swap3A_4983, %swap3A_4984, %swap3A_4985], %swap3A_4988 {strides = array<i32>} : memref<1x64x8xf32, #tpu.memory_space<vmem>>, vector<1x1x8xf32>,
    %get3A_4989 = arith.constant 0 : index
    %get3A_4990 = arith.constant 0 : index
    %get3A_4991 = vector.load %arg5[%get3A_4989, %get3A_4990] : memref<728x1xf32, #tpu.memory_space<vmem>>, vector<728x1xf32>
    %reduce_max3A_4992 = vector.shape_cast %get3A_4991 : vector<728x1xf32> to vector<1x728x1xf32>
    %reduce_max3A_4993 = arith.constant dense<0xFF800000> : vector<1xf32>
    %reduce_max3A_4994 = vector.multi_reduction <maximumf>, %reduce_max3A_4992, %reduce_max3A_4993 [1, 2] : vector<1x728x1xf32> to vector<1xf32>
    %reduce_max3A_4995 = vector.shape_cast %reduce_max3A_4994 : vector<1xf32> to vector<1x1x1xf32>
    %reduce_max3A_4996 = vector.extract %reduce_max3A_4995[0, 0, 0] : f32 from vector<1x1x1xf32>
    %eq3A_4997 = vector.broadcast %reduce_max3A_4996 : f32 to vector<728x1xf32>
    %eq3A_4998 = arith.cmpf oeq, %get3A_4991, %eq3A_4997 : vector<728x1xf32>
    %jit3A_4999 = arith.constant 728 : i32
    %broadcast_in_dim3A_5000 = vector.broadcast %jit3A_4999 : i32 to vector<728x1xi32>
    %select_n3A_5001 = arith.select %eq3A_4998, %iota3A, %broadcast_in_dim3A_5000 : vector<728x1xi1>, vector<728x1xi32>
    %reduce_min3A_5002 = vector.shape_cast %select_n3A_5001 : vector<728x1xi32> to vector<1x728x1xi32>
    %reduce_min3A_5003 = arith.constant dense<2147483647> : vector<1xi32>
    %reduce_min3A_5004 = vector.multi_reduction <minsi>, %reduce_min3A_5002, %reduce_min3A_5003 [1, 2] : vector<1x728x1xi32> to vector<1xi32>
    %reduce_min3A_5005 = vector.shape_cast %reduce_min3A_5004 : vector<1xi32> to vector<1x1x1xi32>
    %reduce_min3A_5006 = vector.extract %reduce_min3A_5005[0, 0, 0] : i32 from vector<1x1x1xi32>
    %jit3A_5007 = arith.constant 8 : i32
    %div3A_5008 = arith.divsi %reduce_min3A_5006, %jit3A_5007 : i32
    %sign3A_5009 = arith.constant 0 : i32
    %sign3A_5010 = arith.cmpi sgt, %reduce_min3A_5006, %sign3A_5009 : i32
    %sign3A_5011 = arith.extui %sign3A_5010 : i1 to i32
    %sign3A_5012 = arith.constant 0 : i32
    %sign3A_5013 = arith.cmpi slt, %reduce_min3A_5006, %sign3A_5012 : i32
    %sign3A_5014 = arith.extui %sign3A_5013 : i1 to i32
    %sign3A_5015 = arith.subi %sign3A_5011, %sign3A_5014 : i32
    %sign3A_5016 = arith.constant 0 : i32
    %sign3A_5017 = arith.cmpi sgt, %jit3A_5007, %sign3A_5016 : i32
    %sign3A_5018 = arith.extui %sign3A_5017 : i1 to i32
    %sign3A_5019 = arith.constant 0 : i32
    %sign3A_5020 = arith.cmpi slt, %jit3A_5007, %sign3A_5019 : i32
    %sign3A_5021 = arith.extui %sign3A_5020 : i1 to i32
    %sign3A_5022 = arith.subi %sign3A_5018, %sign3A_5021 : i32
    %ne3A_5023 = arith.cmpi ne, %sign3A_5015, %sign3A_5022 : i32
    %rem3A_5024 = arith.remsi %reduce_min3A_5006, %jit3A_5007 : i32
    %ne3A_5025 = arith.constant 0 : i32
    %ne3A_5026 = arith.cmpi ne, %rem3A_5024, %ne3A_5025 : i32
    %and3A_5027 = arith.andi %ne3A_5023, %ne3A_5026 : i1
    %sub3A_5028 = arith.constant 1 : i32
    %sub3A_5029 = arith.subi %div3A_5008, %sub3A_5028 : i32
    %select_n3A_5030 = arith.select %and3A_5027, %sub3A_5029, %div3A_5008 : i32
    %mul3A_5031 = arith.constant 8 : i32
    %mul3A_5032 = arith.muli %select_n3A_5030, %mul3A_5031 : i32
    %multiple_of3A_5033 = tpu.assume_multiple %mul3A_5032, 8 : i32
    %sub3A_5034 = arith.subi %reduce_min3A_5006, %multiple_of3A_5033 : i32
    %get3A_5035 = arith.index_cast %multiple_of3A_5033 : i32 to index
    %get3A_5036 = arith.constant 0 : index
    %get3A_5037 = vector.load %arg4[%get3A_5035, %get3A_5036] : memref<728x1440xf32, #tpu.memory_space<vmem>>, vector<8x1440xf32>
    %eq3A_5038 = vector.broadcast %sub3A_5034 : i32 to vector<8x1xi32>
    %eq3A_5039 = arith.cmpi eq, %iota3A_66, %eq3A_5038 : vector<8x1xi32>
    %jit3A_5040 = arith.constant -3.000000e+38 : f32
    %broadcast_in_dim3A_5041 = vector.shape_cast %eq3A_5039 : vector<8x1xi1> to vector<8x1xi1>
    %broadcast_in_dim3A_5042 = vector.broadcast %broadcast_in_dim3A_5041 : vector<8x1xi1> to vector<8x1440xi1>
    %broadcast_in_dim3A_5043 = vector.broadcast %jit3A_5040 : f32 to vector<8x1440xf32>
    %select_n3A_5044 = arith.select %broadcast_in_dim3A_5042, %get3A_5037, %broadcast_in_dim3A_5043 : vector<8x1440xi1>, vector<8x1440xf32>
    %reduce_max3A_5045 = vector.shape_cast %select_n3A_5044 : vector<8x1440xf32> to vector<1x8x1440xf32>
    %reduce_max3A_5046 = arith.constant dense<0xFF800000> : vector<1xf32>
    %reduce_max3A_5047 = vector.multi_reduction <maximumf>, %reduce_max3A_5045, %reduce_max3A_5046 [1, 2] : vector<1x8x1440xf32> to vector<1xf32>
    %reduce_max3A_5048 = vector.shape_cast %reduce_max3A_5047 : vector<1xf32> to vector<1x1x1xf32>
    %reduce_max3A_5049 = vector.extract %reduce_max3A_5048[0, 0, 0] : f32 from vector<1x1x1xf32>
    %eq3A_5050 = vector.broadcast %reduce_max3A_5049 : f32 to vector<8x1440xf32>
    %eq3A_5051 = arith.cmpf oeq, %select_n3A_5044, %eq3A_5050 : vector<8x1440xf32>
    %jit3A_5052 = arith.constant 1440 : i32
    %broadcast_in_dim3A_5053 = vector.broadcast %jit3A_5052 : i32 to vector<8x1440xi32>
    %select_n3A_5054 = arith.select %eq3A_5051, %iota3A_67, %broadcast_in_dim3A_5053 : vector<8x1440xi1>, vector<8x1440xi32>
    %reduce_min3A_5055 = vector.shape_cast %select_n3A_5054 : vector<8x1440xi32> to vector<1x8x1440xi32>
    %reduce_min3A_5056 = arith.constant dense<2147483647> : vector<1xi32>
    %reduce_min3A_5057 = vector.multi_reduction <minsi>, %reduce_min3A_5055, %reduce_min3A_5056 [1, 2] : vector<1x8x1440xi32> to vector<1xi32>
    %reduce_min3A_5058 = vector.shape_cast %reduce_min3A_5057 : vector<1xi32> to vector<1x1x1xi32>
    %reduce_min3A_5059 = vector.extract %reduce_min3A_5058[0, 0, 0] : i32 from vector<1x1x1xi32>
    %eq3A_5060 = vector.broadcast %reduce_min3A_5059 : i32 to vector<8x1440xi32>
    %eq3A_5061 = arith.cmpi eq, %iota3A_67, %eq3A_5060 : vector<8x1440xi32>
    %and3A_5062 = vector.broadcast %eq3A_5039 : vector<8x1xi1> to vector<8x1440xi1>
    %and3A_5063 = arith.andi %and3A_5062, %eq3A_5061 : vector<8x1440xi1>
    %jit3A_5064 = arith.constant -3.000000e+38 : f32
    %broadcast_in_dim3A_5065 = vector.broadcast %jit3A_5064 : f32 to vector<8x1440xf32>
    %select_n3A_5066 = arith.select %and3A_5063, %broadcast_in_dim3A_5065, %get3A_5037 : vector<8x1440xi1>, vector<8x1440xf32>
    %swap3A_5067 = arith.index_cast %multiple_of3A_5033 : i32 to index
    %swap3A_5068 = arith.constant 0 : index
    %swap3A_5069 = vector.load %arg4[%swap3A_5067, %swap3A_5068] : memref<728x1440xf32, #tpu.memory_space<vmem>>, vector<8x1440xf32>
    tpu.vector_store %arg4[%swap3A_5067, %swap3A_5068], %select_n3A_5066 {strides = array<i32>} : memref<728x1440xf32, #tpu.memory_space<vmem>>, vector<8x1440xf32>,
    %reduce_max3A_5070 = arith.constant dense<0xFF800000> : vector<8xf32>
    %reduce_max3A_5071 = vector.multi_reduction <maximumf>, %select_n3A_5066, %reduce_max3A_5070 [1] : vector<8x1440xf32> to vector<8xf32>
    %broadcast_in_dim3A_5072 = vector.shape_cast %reduce_max3A_5071 : vector<8xf32> to vector<8x1xf32>
    %swap3A_5073 = arith.index_cast %multiple_of3A_5033 : i32 to index
    %swap3A_5074 = arith.constant 0 : index
    %swap3A_5075 = vector.load %arg5[%swap3A_5073, %swap3A_5074] : memref<728x1xf32, #tpu.memory_space<vmem>>, vector<8x1xf32>
    tpu.vector_store %arg5[%swap3A_5073, %swap3A_5074], %broadcast_in_dim3A_5072 {strides = array<i32>} : memref<728x1xf32, #tpu.memory_space<vmem>>, vector<8x1xf32>,
    %eq3A_5076 = arith.constant 0 : i32
    %eq3A_5077 = vector.broadcast %eq3A_5076 : i32 to vector<1x8xi32>
    %eq3A_5078 = arith.cmpi eq, %iota3A_68, %eq3A_5077 : vector<1x8xi32>
    %convert_element_type3A_5079 = arith.sitofp %reduce_min3A_5006 : i32 to f32
    %eq3A_5080 = arith.constant 1 : i32
    %eq3A_5081 = vector.broadcast %eq3A_5080 : i32 to vector<1x8xi32>
    %eq3A_5082 = arith.cmpi eq, %iota3A_68, %eq3A_5081 : vector<1x8xi32>
    %convert_element_type3A_5083 = arith.sitofp %reduce_min3A_5059 : i32 to f32
    %eq3A_5084 = arith.constant 2 : i32
    %eq3A_5085 = vector.broadcast %eq3A_5084 : i32 to vector<1x8xi32>
    %eq3A_5086 = arith.cmpi eq, %iota3A_68, %eq3A_5085 : vector<1x8xi32>
    %jit3A_5087 = arith.constant 0.000000e+00 : f32
    %broadcast_in_dim3A_5088 = vector.broadcast %reduce_max3A_4996 : f32 to vector<1x8xf32>
    %broadcast_in_dim3A_5089 = vector.broadcast %jit3A_5087 : f32 to vector<1x8xf32>
    %select_n3A_5090 = arith.select %eq3A_5086, %broadcast_in_dim3A_5088, %broadcast_in_dim3A_5089 : vector<1x8xi1>, vector<1x8xf32>
    %broadcast_in_dim3A_5091 = vector.broadcast %convert_element_type3A_5083 : f32 to vector<1x8xf32>
    %select_n3A_5092 = arith.select %eq3A_5082, %broadcast_in_dim3A_5091, %select_n3A_5090 : vector<1x8xi1>, vector<1x8xf32>
    %broadcast_in_dim3A_5093 = vector.broadcast %convert_element_type3A_5079 : f32 to vector<1x8xf32>
    %select_n3A_5094 = arith.select %eq3A_5078, %broadcast_in_dim3A_5093, %select_n3A_5092 : vector<1x8xi1>, vector<1x8xf32>
    %swap3A_5095 = arith.constant 0 : index
    %swap3A_5096 = arith.constant 44 : index
    %swap3A_5097 = arith.constant 0 : index
    %swap3A_5098 = vector.load %arg3[%swap3A_5095, %swap3A_5096, %swap3A_5097] : memref<1x64x8xf32, #tpu.memory_space<vmem>>, vector<1x1x8xf32>
    %swap3A_5099 = vector.shape_cast %swap3A_5098 : vector<1x1x8xf32> to vector<1x8xf32>
    %swap3A_5100 = vector.shape_cast %select_n3A_5094 : vector<1x8xf32> to vector<1x1x8xf32>
    tpu.vector_store %arg3[%swap3A_5095, %swap3A_5096, %swap3A_5097], %swap3A_5100 {strides = array<i32>} : memref<1x64x8xf32, #tpu.memory_space<vmem>>, vector<1x1x8xf32>,
    %get3A_5101 = arith.constant 0 : index
    %get3A_5102 = arith.constant 0 : index
    %get3A_5103 = vector.load %arg5[%get3A_5101, %get3A_5102] : memref<728x1xf32, #tpu.memory_space<vmem>>, vector<728x1xf32>
    %reduce_max3A_5104 = vector.shape_cast %get3A_5103 : vector<728x1xf32> to vector<1x728x1xf32>
    %reduce_max3A_5105 = arith.constant dense<0xFF800000> : vector<1xf32>
    %reduce_max3A_5106 = vector.multi_reduction <maximumf>, %reduce_max3A_5104, %reduce_max3A_5105 [1, 2] : vector<1x728x1xf32> to vector<1xf32>
    %reduce_max3A_5107 = vector.shape_cast %reduce_max3A_5106 : vector<1xf32> to vector<1x1x1xf32>
    %reduce_max3A_5108 = vector.extract %reduce_max3A_5107[0, 0, 0] : f32 from vector<1x1x1xf32>
    %eq3A_5109 = vector.broadcast %reduce_max3A_5108 : f32 to vector<728x1xf32>
    %eq3A_5110 = arith.cmpf oeq, %get3A_5103, %eq3A_5109 : vector<728x1xf32>
    %jit3A_5111 = arith.constant 728 : i32
    %broadcast_in_dim3A_5112 = vector.broadcast %jit3A_5111 : i32 to vector<728x1xi32>
    %select_n3A_5113 = arith.select %eq3A_5110, %iota3A, %broadcast_in_dim3A_5112 : vector<728x1xi1>, vector<728x1xi32>
    %reduce_min3A_5114 = vector.shape_cast %select_n3A_5113 : vector<728x1xi32> to vector<1x728x1xi32>
    %reduce_min3A_5115 = arith.constant dense<2147483647> : vector<1xi32>
    %reduce_min3A_5116 = vector.multi_reduction <minsi>, %reduce_min3A_5114, %reduce_min3A_5115 [1, 2] : vector<1x728x1xi32> to vector<1xi32>
    %reduce_min3A_5117 = vector.shape_cast %reduce_min3A_5116 : vector<1xi32> to vector<1x1x1xi32>
    %reduce_min3A_5118 = vector.extract %reduce_min3A_5117[0, 0, 0] : i32 from vector<1x1x1xi32>
    %jit3A_5119 = arith.constant 8 : i32
    %div3A_5120 = arith.divsi %reduce_min3A_5118, %jit3A_5119 : i32
    %sign3A_5121 = arith.constant 0 : i32
    %sign3A_5122 = arith.cmpi sgt, %reduce_min3A_5118, %sign3A_5121 : i32
    %sign3A_5123 = arith.extui %sign3A_5122 : i1 to i32
    %sign3A_5124 = arith.constant 0 : i32
    %sign3A_5125 = arith.cmpi slt, %reduce_min3A_5118, %sign3A_5124 : i32
    %sign3A_5126 = arith.extui %sign3A_5125 : i1 to i32
    %sign3A_5127 = arith.subi %sign3A_5123, %sign3A_5126 : i32
    %sign3A_5128 = arith.constant 0 : i32
    %sign3A_5129 = arith.cmpi sgt, %jit3A_5119, %sign3A_5128 : i32
    %sign3A_5130 = arith.extui %sign3A_5129 : i1 to i32
    %sign3A_5131 = arith.constant 0 : i32
    %sign3A_5132 = arith.cmpi slt, %jit3A_5119, %sign3A_5131 : i32
    %sign3A_5133 = arith.extui %sign3A_5132 : i1 to i32
    %sign3A_5134 = arith.subi %sign3A_5130, %sign3A_5133 : i32
    %ne3A_5135 = arith.cmpi ne, %sign3A_5127, %sign3A_5134 : i32
    %rem3A_5136 = arith.remsi %reduce_min3A_5118, %jit3A_5119 : i32
    %ne3A_5137 = arith.constant 0 : i32
    %ne3A_5138 = arith.cmpi ne, %rem3A_5136, %ne3A_5137 : i32
    %and3A_5139 = arith.andi %ne3A_5135, %ne3A_5138 : i1
    %sub3A_5140 = arith.constant 1 : i32
    %sub3A_5141 = arith.subi %div3A_5120, %sub3A_5140 : i32
    %select_n3A_5142 = arith.select %and3A_5139, %sub3A_5141, %div3A_5120 : i32
    %mul3A_5143 = arith.constant 8 : i32
    %mul3A_5144 = arith.muli %select_n3A_5142, %mul3A_5143 : i32
    %multiple_of3A_5145 = tpu.assume_multiple %mul3A_5144, 8 : i32
    %sub3A_5146 = arith.subi %reduce_min3A_5118, %multiple_of3A_5145 : i32
    %get3A_5147 = arith.index_cast %multiple_of3A_5145 : i32 to index
    %get3A_5148 = arith.constant 0 : index
    %get3A_5149 = vector.load %arg4[%get3A_5147, %get3A_5148] : memref<728x1440xf32, #tpu.memory_space<vmem>>, vector<8x1440xf32>
    %eq3A_5150 = vector.broadcast %sub3A_5146 : i32 to vector<8x1xi32>
    %eq3A_5151 = arith.cmpi eq, %iota3A_66, %eq3A_5150 : vector<8x1xi32>
    %jit3A_5152 = arith.constant -3.000000e+38 : f32
    %broadcast_in_dim3A_5153 = vector.shape_cast %eq3A_5151 : vector<8x1xi1> to vector<8x1xi1>
    %broadcast_in_dim3A_5154 = vector.broadcast %broadcast_in_dim3A_5153 : vector<8x1xi1> to vector<8x1440xi1>
    %broadcast_in_dim3A_5155 = vector.broadcast %jit3A_5152 : f32 to vector<8x1440xf32>
    %select_n3A_5156 = arith.select %broadcast_in_dim3A_5154, %get3A_5149, %broadcast_in_dim3A_5155 : vector<8x1440xi1>, vector<8x1440xf32>
    %reduce_max3A_5157 = vector.shape_cast %select_n3A_5156 : vector<8x1440xf32> to vector<1x8x1440xf32>
    %reduce_max3A_5158 = arith.constant dense<0xFF800000> : vector<1xf32>
    %reduce_max3A_5159 = vector.multi_reduction <maximumf>, %reduce_max3A_5157, %reduce_max3A_5158 [1, 2] : vector<1x8x1440xf32> to vector<1xf32>
    %reduce_max3A_5160 = vector.shape_cast %reduce_max3A_5159 : vector<1xf32> to vector<1x1x1xf32>
    %reduce_max3A_5161 = vector.extract %reduce_max3A_5160[0, 0, 0] : f32 from vector<1x1x1xf32>
    %eq3A_5162 = vector.broadcast %reduce_max3A_5161 : f32 to vector<8x1440xf32>
    %eq3A_5163 = arith.cmpf oeq, %select_n3A_5156, %eq3A_5162 : vector<8x1440xf32>
    %jit3A_5164 = arith.constant 1440 : i32
    %broadcast_in_dim3A_5165 = vector.broadcast %jit3A_5164 : i32 to vector<8x1440xi32>
    %select_n3A_5166 = arith.select %eq3A_5163, %iota3A_67, %broadcast_in_dim3A_5165 : vector<8x1440xi1>, vector<8x1440xi32>
    %reduce_min3A_5167 = vector.shape_cast %select_n3A_5166 : vector<8x1440xi32> to vector<1x8x1440xi32>
    %reduce_min3A_5168 = arith.constant dense<2147483647> : vector<1xi32>
    %reduce_min3A_5169 = vector.multi_reduction <minsi>, %reduce_min3A_5167, %reduce_min3A_5168 [1, 2] : vector<1x8x1440xi32> to vector<1xi32>
    %reduce_min3A_5170 = vector.shape_cast %reduce_min3A_5169 : vector<1xi32> to vector<1x1x1xi32>
    %reduce_min3A_5171 = vector.extract %reduce_min3A_5170[0, 0, 0] : i32 from vector<1x1x1xi32>
    %eq3A_5172 = vector.broadcast %reduce_min3A_5171 : i32 to vector<8x1440xi32>
    %eq3A_5173 = arith.cmpi eq, %iota3A_67, %eq3A_5172 : vector<8x1440xi32>
    %and3A_5174 = vector.broadcast %eq3A_5151 : vector<8x1xi1> to vector<8x1440xi1>
    %and3A_5175 = arith.andi %and3A_5174, %eq3A_5173 : vector<8x1440xi1>
    %jit3A_5176 = arith.constant -3.000000e+38 : f32
    %broadcast_in_dim3A_5177 = vector.broadcast %jit3A_5176 : f32 to vector<8x1440xf32>
    %select_n3A_5178 = arith.select %and3A_5175, %broadcast_in_dim3A_5177, %get3A_5149 : vector<8x1440xi1>, vector<8x1440xf32>
    %swap3A_5179 = arith.index_cast %multiple_of3A_5145 : i32 to index
    %swap3A_5180 = arith.constant 0 : index
    %swap3A_5181 = vector.load %arg4[%swap3A_5179, %swap3A_5180] : memref<728x1440xf32, #tpu.memory_space<vmem>>, vector<8x1440xf32>
    tpu.vector_store %arg4[%swap3A_5179, %swap3A_5180], %select_n3A_5178 {strides = array<i32>} : memref<728x1440xf32, #tpu.memory_space<vmem>>, vector<8x1440xf32>,
    %reduce_max3A_5182 = arith.constant dense<0xFF800000> : vector<8xf32>
    %reduce_max3A_5183 = vector.multi_reduction <maximumf>, %select_n3A_5178, %reduce_max3A_5182 [1] : vector<8x1440xf32> to vector<8xf32>
    %broadcast_in_dim3A_5184 = vector.shape_cast %reduce_max3A_5183 : vector<8xf32> to vector<8x1xf32>
    %swap3A_5185 = arith.index_cast %multiple_of3A_5145 : i32 to index
    %swap3A_5186 = arith.constant 0 : index
    %swap3A_5187 = vector.load %arg5[%swap3A_5185, %swap3A_5186] : memref<728x1xf32, #tpu.memory_space<vmem>>, vector<8x1xf32>
    tpu.vector_store %arg5[%swap3A_5185, %swap3A_5186], %broadcast_in_dim3A_5184 {strides = array<i32>} : memref<728x1xf32, #tpu.memory_space<vmem>>, vector<8x1xf32>,
    %eq3A_5188 = arith.constant 0 : i32
    %eq3A_5189 = vector.broadcast %eq3A_5188 : i32 to vector<1x8xi32>
    %eq3A_5190 = arith.cmpi eq, %iota3A_68, %eq3A_5189 : vector<1x8xi32>
    %convert_element_type3A_5191 = arith.sitofp %reduce_min3A_5118 : i32 to f32
    %eq3A_5192 = arith.constant 1 : i32
    %eq3A_5193 = vector.broadcast %eq3A_5192 : i32 to vector<1x8xi32>
    %eq3A_5194 = arith.cmpi eq, %iota3A_68, %eq3A_5193 : vector<1x8xi32>
    %convert_element_type3A_5195 = arith.sitofp %reduce_min3A_5171 : i32 to f32
    %eq3A_5196 = arith.constant 2 : i32
    %eq3A_5197 = vector.broadcast %eq3A_5196 : i32 to vector<1x8xi32>
    %eq3A_5198 = arith.cmpi eq, %iota3A_68, %eq3A_5197 : vector<1x8xi32>
    %jit3A_5199 = arith.constant 0.000000e+00 : f32
    %broadcast_in_dim3A_5200 = vector.broadcast %reduce_max3A_5108 : f32 to vector<1x8xf32>
    %broadcast_in_dim3A_5201 = vector.broadcast %jit3A_5199 : f32 to vector<1x8xf32>
    %select_n3A_5202 = arith.select %eq3A_5198, %broadcast_in_dim3A_5200, %broadcast_in_dim3A_5201 : vector<1x8xi1>, vector<1x8xf32>
    %broadcast_in_dim3A_5203 = vector.broadcast %convert_element_type3A_5195 : f32 to vector<1x8xf32>
    %select_n3A_5204 = arith.select %eq3A_5194, %broadcast_in_dim3A_5203, %select_n3A_5202 : vector<1x8xi1>, vector<1x8xf32>
    %broadcast_in_dim3A_5205 = vector.broadcast %convert_element_type3A_5191 : f32 to vector<1x8xf32>
    %select_n3A_5206 = arith.select %eq3A_5190, %broadcast_in_dim3A_5205, %select_n3A_5204 : vector<1x8xi1>, vector<1x8xf32>
    %swap3A_5207 = arith.constant 0 : index
    %swap3A_5208 = arith.constant 45 : index
    %swap3A_5209 = arith.constant 0 : index
    %swap3A_5210 = vector.load %arg3[%swap3A_5207, %swap3A_5208, %swap3A_5209] : memref<1x64x8xf32, #tpu.memory_space<vmem>>, vector<1x1x8xf32>
    %swap3A_5211 = vector.shape_cast %swap3A_5210 : vector<1x1x8xf32> to vector<1x8xf32>
    %swap3A_5212 = vector.shape_cast %select_n3A_5206 : vector<1x8xf32> to vector<1x1x8xf32>
    tpu.vector_store %arg3[%swap3A_5207, %swap3A_5208, %swap3A_5209], %swap3A_5212 {strides = array<i32>} : memref<1x64x8xf32, #tpu.memory_space<vmem>>, vector<1x1x8xf32>,
    %get3A_5213 = arith.constant 0 : index
    %get3A_5214 = arith.constant 0 : index
    %get3A_5215 = vector.load %arg5[%get3A_5213, %get3A_5214] : memref<728x1xf32, #tpu.memory_space<vmem>>, vector<728x1xf32>
    %reduce_max3A_5216 = vector.shape_cast %get3A_5215 : vector<728x1xf32> to vector<1x728x1xf32>
    %reduce_max3A_5217 = arith.constant dense<0xFF800000> : vector<1xf32>
    %reduce_max3A_5218 = vector.multi_reduction <maximumf>, %reduce_max3A_5216, %reduce_max3A_5217 [1, 2] : vector<1x728x1xf32> to vector<1xf32>
    %reduce_max3A_5219 = vector.shape_cast %reduce_max3A_5218 : vector<1xf32> to vector<1x1x1xf32>
    %reduce_max3A_5220 = vector.extract %reduce_max3A_5219[0, 0, 0] : f32 from vector<1x1x1xf32>
    %eq3A_5221 = vector.broadcast %reduce_max3A_5220 : f32 to vector<728x1xf32>
    %eq3A_5222 = arith.cmpf oeq, %get3A_5215, %eq3A_5221 : vector<728x1xf32>
    %jit3A_5223 = arith.constant 728 : i32
    %broadcast_in_dim3A_5224 = vector.broadcast %jit3A_5223 : i32 to vector<728x1xi32>
    %select_n3A_5225 = arith.select %eq3A_5222, %iota3A, %broadcast_in_dim3A_5224 : vector<728x1xi1>, vector<728x1xi32>
    %reduce_min3A_5226 = vector.shape_cast %select_n3A_5225 : vector<728x1xi32> to vector<1x728x1xi32>
    %reduce_min3A_5227 = arith.constant dense<2147483647> : vector<1xi32>
    %reduce_min3A_5228 = vector.multi_reduction <minsi>, %reduce_min3A_5226, %reduce_min3A_5227 [1, 2] : vector<1x728x1xi32> to vector<1xi32>
    %reduce_min3A_5229 = vector.shape_cast %reduce_min3A_5228 : vector<1xi32> to vector<1x1x1xi32>
    %reduce_min3A_5230 = vector.extract %reduce_min3A_5229[0, 0, 0] : i32 from vector<1x1x1xi32>
    %jit3A_5231 = arith.constant 8 : i32
    %div3A_5232 = arith.divsi %reduce_min3A_5230, %jit3A_5231 : i32
    %sign3A_5233 = arith.constant 0 : i32
    %sign3A_5234 = arith.cmpi sgt, %reduce_min3A_5230, %sign3A_5233 : i32
    %sign3A_5235 = arith.extui %sign3A_5234 : i1 to i32
    %sign3A_5236 = arith.constant 0 : i32
    %sign3A_5237 = arith.cmpi slt, %reduce_min3A_5230, %sign3A_5236 : i32
    %sign3A_5238 = arith.extui %sign3A_5237 : i1 to i32
    %sign3A_5239 = arith.subi %sign3A_5235, %sign3A_5238 : i32
    %sign3A_5240 = arith.constant 0 : i32
    %sign3A_5241 = arith.cmpi sgt, %jit3A_5231, %sign3A_5240 : i32
    %sign3A_5242 = arith.extui %sign3A_5241 : i1 to i32
    %sign3A_5243 = arith.constant 0 : i32
    %sign3A_5244 = arith.cmpi slt, %jit3A_5231, %sign3A_5243 : i32
    %sign3A_5245 = arith.extui %sign3A_5244 : i1 to i32
    %sign3A_5246 = arith.subi %sign3A_5242, %sign3A_5245 : i32
    %ne3A_5247 = arith.cmpi ne, %sign3A_5239, %sign3A_5246 : i32
    %rem3A_5248 = arith.remsi %reduce_min3A_5230, %jit3A_5231 : i32
    %ne3A_5249 = arith.constant 0 : i32
    %ne3A_5250 = arith.cmpi ne, %rem3A_5248, %ne3A_5249 : i32
    %and3A_5251 = arith.andi %ne3A_5247, %ne3A_5250 : i1
    %sub3A_5252 = arith.constant 1 : i32
    %sub3A_5253 = arith.subi %div3A_5232, %sub3A_5252 : i32
    %select_n3A_5254 = arith.select %and3A_5251, %sub3A_5253, %div3A_5232 : i32
    %mul3A_5255 = arith.constant 8 : i32
    %mul3A_5256 = arith.muli %select_n3A_5254, %mul3A_5255 : i32
    %multiple_of3A_5257 = tpu.assume_multiple %mul3A_5256, 8 : i32
    %sub3A_5258 = arith.subi %reduce_min3A_5230, %multiple_of3A_5257 : i32
    %get3A_5259 = arith.index_cast %multiple_of3A_5257 : i32 to index
    %get3A_5260 = arith.constant 0 : index
    %get3A_5261 = vector.load %arg4[%get3A_5259, %get3A_5260] : memref<728x1440xf32, #tpu.memory_space<vmem>>, vector<8x1440xf32>
    %eq3A_5262 = vector.broadcast %sub3A_5258 : i32 to vector<8x1xi32>
    %eq3A_5263 = arith.cmpi eq, %iota3A_66, %eq3A_5262 : vector<8x1xi32>
    %jit3A_5264 = arith.constant -3.000000e+38 : f32
    %broadcast_in_dim3A_5265 = vector.shape_cast %eq3A_5263 : vector<8x1xi1> to vector<8x1xi1>
    %broadcast_in_dim3A_5266 = vector.broadcast %broadcast_in_dim3A_5265 : vector<8x1xi1> to vector<8x1440xi1>
    %broadcast_in_dim3A_5267 = vector.broadcast %jit3A_5264 : f32 to vector<8x1440xf32>
    %select_n3A_5268 = arith.select %broadcast_in_dim3A_5266, %get3A_5261, %broadcast_in_dim3A_5267 : vector<8x1440xi1>, vector<8x1440xf32>
    %reduce_max3A_5269 = vector.shape_cast %select_n3A_5268 : vector<8x1440xf32> to vector<1x8x1440xf32>
    %reduce_max3A_5270 = arith.constant dense<0xFF800000> : vector<1xf32>
    %reduce_max3A_5271 = vector.multi_reduction <maximumf>, %reduce_max3A_5269, %reduce_max3A_5270 [1, 2] : vector<1x8x1440xf32> to vector<1xf32>
    %reduce_max3A_5272 = vector.shape_cast %reduce_max3A_5271 : vector<1xf32> to vector<1x1x1xf32>
    %reduce_max3A_5273 = vector.extract %reduce_max3A_5272[0, 0, 0] : f32 from vector<1x1x1xf32>
    %eq3A_5274 = vector.broadcast %reduce_max3A_5273 : f32 to vector<8x1440xf32>
    %eq3A_5275 = arith.cmpf oeq, %select_n3A_5268, %eq3A_5274 : vector<8x1440xf32>
    %jit3A_5276 = arith.constant 1440 : i32
    %broadcast_in_dim3A_5277 = vector.broadcast %jit3A_5276 : i32 to vector<8x1440xi32>
    %select_n3A_5278 = arith.select %eq3A_5275, %iota3A_67, %broadcast_in_dim3A_5277 : vector<8x1440xi1>, vector<8x1440xi32>
    %reduce_min3A_5279 = vector.shape_cast %select_n3A_5278 : vector<8x1440xi32> to vector<1x8x1440xi32>
    %reduce_min3A_5280 = arith.constant dense<2147483647> : vector<1xi32>
    %reduce_min3A_5281 = vector.multi_reduction <minsi>, %reduce_min3A_5279, %reduce_min3A_5280 [1, 2] : vector<1x8x1440xi32> to vector<1xi32>
    %reduce_min3A_5282 = vector.shape_cast %reduce_min3A_5281 : vector<1xi32> to vector<1x1x1xi32>
    %reduce_min3A_5283 = vector.extract %reduce_min3A_5282[0, 0, 0] : i32 from vector<1x1x1xi32>
    %eq3A_5284 = vector.broadcast %reduce_min3A_5283 : i32 to vector<8x1440xi32>
    %eq3A_5285 = arith.cmpi eq, %iota3A_67, %eq3A_5284 : vector<8x1440xi32>
    %and3A_5286 = vector.broadcast %eq3A_5263 : vector<8x1xi1> to vector<8x1440xi1>
    %and3A_5287 = arith.andi %and3A_5286, %eq3A_5285 : vector<8x1440xi1>
    %jit3A_5288 = arith.constant -3.000000e+38 : f32
    %broadcast_in_dim3A_5289 = vector.broadcast %jit3A_5288 : f32 to vector<8x1440xf32>
    %select_n3A_5290 = arith.select %and3A_5287, %broadcast_in_dim3A_5289, %get3A_5261 : vector<8x1440xi1>, vector<8x1440xf32>
    %swap3A_5291 = arith.index_cast %multiple_of3A_5257 : i32 to index
    %swap3A_5292 = arith.constant 0 : index
    %swap3A_5293 = vector.load %arg4[%swap3A_5291, %swap3A_5292] : memref<728x1440xf32, #tpu.memory_space<vmem>>, vector<8x1440xf32>
    tpu.vector_store %arg4[%swap3A_5291, %swap3A_5292], %select_n3A_5290 {strides = array<i32>} : memref<728x1440xf32, #tpu.memory_space<vmem>>, vector<8x1440xf32>,
    %reduce_max3A_5294 = arith.constant dense<0xFF800000> : vector<8xf32>
    %reduce_max3A_5295 = vector.multi_reduction <maximumf>, %select_n3A_5290, %reduce_max3A_5294 [1] : vector<8x1440xf32> to vector<8xf32>
    %broadcast_in_dim3A_5296 = vector.shape_cast %reduce_max3A_5295 : vector<8xf32> to vector<8x1xf32>
    %swap3A_5297 = arith.index_cast %multiple_of3A_5257 : i32 to index
    %swap3A_5298 = arith.constant 0 : index
    %swap3A_5299 = vector.load %arg5[%swap3A_5297, %swap3A_5298] : memref<728x1xf32, #tpu.memory_space<vmem>>, vector<8x1xf32>
    tpu.vector_store %arg5[%swap3A_5297, %swap3A_5298], %broadcast_in_dim3A_5296 {strides = array<i32>} : memref<728x1xf32, #tpu.memory_space<vmem>>, vector<8x1xf32>,
    %eq3A_5300 = arith.constant 0 : i32
    %eq3A_5301 = vector.broadcast %eq3A_5300 : i32 to vector<1x8xi32>
    %eq3A_5302 = arith.cmpi eq, %iota3A_68, %eq3A_5301 : vector<1x8xi32>
    %convert_element_type3A_5303 = arith.sitofp %reduce_min3A_5230 : i32 to f32
    %eq3A_5304 = arith.constant 1 : i32
    %eq3A_5305 = vector.broadcast %eq3A_5304 : i32 to vector<1x8xi32>
    %eq3A_5306 = arith.cmpi eq, %iota3A_68, %eq3A_5305 : vector<1x8xi32>
    %convert_element_type3A_5307 = arith.sitofp %reduce_min3A_5283 : i32 to f32
    %eq3A_5308 = arith.constant 2 : i32
    %eq3A_5309 = vector.broadcast %eq3A_5308 : i32 to vector<1x8xi32>
    %eq3A_5310 = arith.cmpi eq, %iota3A_68, %eq3A_5309 : vector<1x8xi32>
    %jit3A_5311 = arith.constant 0.000000e+00 : f32
    %broadcast_in_dim3A_5312 = vector.broadcast %reduce_max3A_5220 : f32 to vector<1x8xf32>
    %broadcast_in_dim3A_5313 = vector.broadcast %jit3A_5311 : f32 to vector<1x8xf32>
    %select_n3A_5314 = arith.select %eq3A_5310, %broadcast_in_dim3A_5312, %broadcast_in_dim3A_5313 : vector<1x8xi1>, vector<1x8xf32>
    %broadcast_in_dim3A_5315 = vector.broadcast %convert_element_type3A_5307 : f32 to vector<1x8xf32>
    %select_n3A_5316 = arith.select %eq3A_5306, %broadcast_in_dim3A_5315, %select_n3A_5314 : vector<1x8xi1>, vector<1x8xf32>
    %broadcast_in_dim3A_5317 = vector.broadcast %convert_element_type3A_5303 : f32 to vector<1x8xf32>
    %select_n3A_5318 = arith.select %eq3A_5302, %broadcast_in_dim3A_5317, %select_n3A_5316 : vector<1x8xi1>, vector<1x8xf32>
    %swap3A_5319 = arith.constant 0 : index
    %swap3A_5320 = arith.constant 46 : index
    %swap3A_5321 = arith.constant 0 : index
    %swap3A_5322 = vector.load %arg3[%swap3A_5319, %swap3A_5320, %swap3A_5321] : memref<1x64x8xf32, #tpu.memory_space<vmem>>, vector<1x1x8xf32>
    %swap3A_5323 = vector.shape_cast %swap3A_5322 : vector<1x1x8xf32> to vector<1x8xf32>
    %swap3A_5324 = vector.shape_cast %select_n3A_5318 : vector<1x8xf32> to vector<1x1x8xf32>
    tpu.vector_store %arg3[%swap3A_5319, %swap3A_5320, %swap3A_5321], %swap3A_5324 {strides = array<i32>} : memref<1x64x8xf32, #tpu.memory_space<vmem>>, vector<1x1x8xf32>,
    %get3A_5325 = arith.constant 0 : index
    %get3A_5326 = arith.constant 0 : index
    %get3A_5327 = vector.load %arg5[%get3A_5325, %get3A_5326] : memref<728x1xf32, #tpu.memory_space<vmem>>, vector<728x1xf32>
    %reduce_max3A_5328 = vector.shape_cast %get3A_5327 : vector<728x1xf32> to vector<1x728x1xf32>
    %reduce_max3A_5329 = arith.constant dense<0xFF800000> : vector<1xf32>
    %reduce_max3A_5330 = vector.multi_reduction <maximumf>, %reduce_max3A_5328, %reduce_max3A_5329 [1, 2] : vector<1x728x1xf32> to vector<1xf32>
    %reduce_max3A_5331 = vector.shape_cast %reduce_max3A_5330 : vector<1xf32> to vector<1x1x1xf32>
    %reduce_max3A_5332 = vector.extract %reduce_max3A_5331[0, 0, 0] : f32 from vector<1x1x1xf32>
    %eq3A_5333 = vector.broadcast %reduce_max3A_5332 : f32 to vector<728x1xf32>
    %eq3A_5334 = arith.cmpf oeq, %get3A_5327, %eq3A_5333 : vector<728x1xf32>
    %jit3A_5335 = arith.constant 728 : i32
    %broadcast_in_dim3A_5336 = vector.broadcast %jit3A_5335 : i32 to vector<728x1xi32>
    %select_n3A_5337 = arith.select %eq3A_5334, %iota3A, %broadcast_in_dim3A_5336 : vector<728x1xi1>, vector<728x1xi32>
    %reduce_min3A_5338 = vector.shape_cast %select_n3A_5337 : vector<728x1xi32> to vector<1x728x1xi32>
    %reduce_min3A_5339 = arith.constant dense<2147483647> : vector<1xi32>
    %reduce_min3A_5340 = vector.multi_reduction <minsi>, %reduce_min3A_5338, %reduce_min3A_5339 [1, 2] : vector<1x728x1xi32> to vector<1xi32>
    %reduce_min3A_5341 = vector.shape_cast %reduce_min3A_5340 : vector<1xi32> to vector<1x1x1xi32>
    %reduce_min3A_5342 = vector.extract %reduce_min3A_5341[0, 0, 0] : i32 from vector<1x1x1xi32>
    %jit3A_5343 = arith.constant 8 : i32
    %div3A_5344 = arith.divsi %reduce_min3A_5342, %jit3A_5343 : i32
    %sign3A_5345 = arith.constant 0 : i32
    %sign3A_5346 = arith.cmpi sgt, %reduce_min3A_5342, %sign3A_5345 : i32
    %sign3A_5347 = arith.extui %sign3A_5346 : i1 to i32
    %sign3A_5348 = arith.constant 0 : i32
    %sign3A_5349 = arith.cmpi slt, %reduce_min3A_5342, %sign3A_5348 : i32
    %sign3A_5350 = arith.extui %sign3A_5349 : i1 to i32
    %sign3A_5351 = arith.subi %sign3A_5347, %sign3A_5350 : i32
    %sign3A_5352 = arith.constant 0 : i32
    %sign3A_5353 = arith.cmpi sgt, %jit3A_5343, %sign3A_5352 : i32
    %sign3A_5354 = arith.extui %sign3A_5353 : i1 to i32
    %sign3A_5355 = arith.constant 0 : i32
    %sign3A_5356 = arith.cmpi slt, %jit3A_5343, %sign3A_5355 : i32
    %sign3A_5357 = arith.extui %sign3A_5356 : i1 to i32
    %sign3A_5358 = arith.subi %sign3A_5354, %sign3A_5357 : i32
    %ne3A_5359 = arith.cmpi ne, %sign3A_5351, %sign3A_5358 : i32
    %rem3A_5360 = arith.remsi %reduce_min3A_5342, %jit3A_5343 : i32
    %ne3A_5361 = arith.constant 0 : i32
    %ne3A_5362 = arith.cmpi ne, %rem3A_5360, %ne3A_5361 : i32
    %and3A_5363 = arith.andi %ne3A_5359, %ne3A_5362 : i1
    %sub3A_5364 = arith.constant 1 : i32
    %sub3A_5365 = arith.subi %div3A_5344, %sub3A_5364 : i32
    %select_n3A_5366 = arith.select %and3A_5363, %sub3A_5365, %div3A_5344 : i32
    %mul3A_5367 = arith.constant 8 : i32
    %mul3A_5368 = arith.muli %select_n3A_5366, %mul3A_5367 : i32
    %multiple_of3A_5369 = tpu.assume_multiple %mul3A_5368, 8 : i32
    %sub3A_5370 = arith.subi %reduce_min3A_5342, %multiple_of3A_5369 : i32
    %get3A_5371 = arith.index_cast %multiple_of3A_5369 : i32 to index
    %get3A_5372 = arith.constant 0 : index
    %get3A_5373 = vector.load %arg4[%get3A_5371, %get3A_5372] : memref<728x1440xf32, #tpu.memory_space<vmem>>, vector<8x1440xf32>
    %eq3A_5374 = vector.broadcast %sub3A_5370 : i32 to vector<8x1xi32>
    %eq3A_5375 = arith.cmpi eq, %iota3A_66, %eq3A_5374 : vector<8x1xi32>
    %jit3A_5376 = arith.constant -3.000000e+38 : f32
    %broadcast_in_dim3A_5377 = vector.shape_cast %eq3A_5375 : vector<8x1xi1> to vector<8x1xi1>
    %broadcast_in_dim3A_5378 = vector.broadcast %broadcast_in_dim3A_5377 : vector<8x1xi1> to vector<8x1440xi1>
    %broadcast_in_dim3A_5379 = vector.broadcast %jit3A_5376 : f32 to vector<8x1440xf32>
    %select_n3A_5380 = arith.select %broadcast_in_dim3A_5378, %get3A_5373, %broadcast_in_dim3A_5379 : vector<8x1440xi1>, vector<8x1440xf32>
    %reduce_max3A_5381 = vector.shape_cast %select_n3A_5380 : vector<8x1440xf32> to vector<1x8x1440xf32>
    %reduce_max3A_5382 = arith.constant dense<0xFF800000> : vector<1xf32>
    %reduce_max3A_5383 = vector.multi_reduction <maximumf>, %reduce_max3A_5381, %reduce_max3A_5382 [1, 2] : vector<1x8x1440xf32> to vector<1xf32>
    %reduce_max3A_5384 = vector.shape_cast %reduce_max3A_5383 : vector<1xf32> to vector<1x1x1xf32>
    %reduce_max3A_5385 = vector.extract %reduce_max3A_5384[0, 0, 0] : f32 from vector<1x1x1xf32>
    %eq3A_5386 = vector.broadcast %reduce_max3A_5385 : f32 to vector<8x1440xf32>
    %eq3A_5387 = arith.cmpf oeq, %select_n3A_5380, %eq3A_5386 : vector<8x1440xf32>
    %jit3A_5388 = arith.constant 1440 : i32
    %broadcast_in_dim3A_5389 = vector.broadcast %jit3A_5388 : i32 to vector<8x1440xi32>
    %select_n3A_5390 = arith.select %eq3A_5387, %iota3A_67, %broadcast_in_dim3A_5389 : vector<8x1440xi1>, vector<8x1440xi32>
    %reduce_min3A_5391 = vector.shape_cast %select_n3A_5390 : vector<8x1440xi32> to vector<1x8x1440xi32>
    %reduce_min3A_5392 = arith.constant dense<2147483647> : vector<1xi32>
    %reduce_min3A_5393 = vector.multi_reduction <minsi>, %reduce_min3A_5391, %reduce_min3A_5392 [1, 2] : vector<1x8x1440xi32> to vector<1xi32>
    %reduce_min3A_5394 = vector.shape_cast %reduce_min3A_5393 : vector<1xi32> to vector<1x1x1xi32>
    %reduce_min3A_5395 = vector.extract %reduce_min3A_5394[0, 0, 0] : i32 from vector<1x1x1xi32>
    %eq3A_5396 = vector.broadcast %reduce_min3A_5395 : i32 to vector<8x1440xi32>
    %eq3A_5397 = arith.cmpi eq, %iota3A_67, %eq3A_5396 : vector<8x1440xi32>
    %and3A_5398 = vector.broadcast %eq3A_5375 : vector<8x1xi1> to vector<8x1440xi1>
    %and3A_5399 = arith.andi %and3A_5398, %eq3A_5397 : vector<8x1440xi1>
    %jit3A_5400 = arith.constant -3.000000e+38 : f32
    %broadcast_in_dim3A_5401 = vector.broadcast %jit3A_5400 : f32 to vector<8x1440xf32>
    %select_n3A_5402 = arith.select %and3A_5399, %broadcast_in_dim3A_5401, %get3A_5373 : vector<8x1440xi1>, vector<8x1440xf32>
    %swap3A_5403 = arith.index_cast %multiple_of3A_5369 : i32 to index
    %swap3A_5404 = arith.constant 0 : index
    %swap3A_5405 = vector.load %arg4[%swap3A_5403, %swap3A_5404] : memref<728x1440xf32, #tpu.memory_space<vmem>>, vector<8x1440xf32>
    tpu.vector_store %arg4[%swap3A_5403, %swap3A_5404], %select_n3A_5402 {strides = array<i32>} : memref<728x1440xf32, #tpu.memory_space<vmem>>, vector<8x1440xf32>,
    %reduce_max3A_5406 = arith.constant dense<0xFF800000> : vector<8xf32>
    %reduce_max3A_5407 = vector.multi_reduction <maximumf>, %select_n3A_5402, %reduce_max3A_5406 [1] : vector<8x1440xf32> to vector<8xf32>
    %broadcast_in_dim3A_5408 = vector.shape_cast %reduce_max3A_5407 : vector<8xf32> to vector<8x1xf32>
    %swap3A_5409 = arith.index_cast %multiple_of3A_5369 : i32 to index
    %swap3A_5410 = arith.constant 0 : index
    %swap3A_5411 = vector.load %arg5[%swap3A_5409, %swap3A_5410] : memref<728x1xf32, #tpu.memory_space<vmem>>, vector<8x1xf32>
    tpu.vector_store %arg5[%swap3A_5409, %swap3A_5410], %broadcast_in_dim3A_5408 {strides = array<i32>} : memref<728x1xf32, #tpu.memory_space<vmem>>, vector<8x1xf32>,
    %eq3A_5412 = arith.constant 0 : i32
    %eq3A_5413 = vector.broadcast %eq3A_5412 : i32 to vector<1x8xi32>
    %eq3A_5414 = arith.cmpi eq, %iota3A_68, %eq3A_5413 : vector<1x8xi32>
    %convert_element_type3A_5415 = arith.sitofp %reduce_min3A_5342 : i32 to f32
    %eq3A_5416 = arith.constant 1 : i32
    %eq3A_5417 = vector.broadcast %eq3A_5416 : i32 to vector<1x8xi32>
    %eq3A_5418 = arith.cmpi eq, %iota3A_68, %eq3A_5417 : vector<1x8xi32>
    %convert_element_type3A_5419 = arith.sitofp %reduce_min3A_5395 : i32 to f32
    %eq3A_5420 = arith.constant 2 : i32
    %eq3A_5421 = vector.broadcast %eq3A_5420 : i32 to vector<1x8xi32>
    %eq3A_5422 = arith.cmpi eq, %iota3A_68, %eq3A_5421 : vector<1x8xi32>
    %jit3A_5423 = arith.constant 0.000000e+00 : f32
    %broadcast_in_dim3A_5424 = vector.broadcast %reduce_max3A_5332 : f32 to vector<1x8xf32>
    %broadcast_in_dim3A_5425 = vector.broadcast %jit3A_5423 : f32 to vector<1x8xf32>
    %select_n3A_5426 = arith.select %eq3A_5422, %broadcast_in_dim3A_5424, %broadcast_in_dim3A_5425 : vector<1x8xi1>, vector<1x8xf32>
    %broadcast_in_dim3A_5427 = vector.broadcast %convert_element_type3A_5419 : f32 to vector<1x8xf32>
    %select_n3A_5428 = arith.select %eq3A_5418, %broadcast_in_dim3A_5427, %select_n3A_5426 : vector<1x8xi1>, vector<1x8xf32>
    %broadcast_in_dim3A_5429 = vector.broadcast %convert_element_type3A_5415 : f32 to vector<1x8xf32>
    %select_n3A_5430 = arith.select %eq3A_5414, %broadcast_in_dim3A_5429, %select_n3A_5428 : vector<1x8xi1>, vector<1x8xf32>
    %swap3A_5431 = arith.constant 0 : index
    %swap3A_5432 = arith.constant 47 : index
    %swap3A_5433 = arith.constant 0 : index
    %swap3A_5434 = vector.load %arg3[%swap3A_5431, %swap3A_5432, %swap3A_5433] : memref<1x64x8xf32, #tpu.memory_space<vmem>>, vector<1x1x8xf32>
    %swap3A_5435 = vector.shape_cast %swap3A_5434 : vector<1x1x8xf32> to vector<1x8xf32>
    %swap3A_5436 = vector.shape_cast %select_n3A_5430 : vector<1x8xf32> to vector<1x1x8xf32>
    tpu.vector_store %arg3[%swap3A_5431, %swap3A_5432, %swap3A_5433], %swap3A_5436 {strides = array<i32>} : memref<1x64x8xf32, #tpu.memory_space<vmem>>, vector<1x1x8xf32>,
    %get3A_5437 = arith.constant 0 : index
    %get3A_5438 = arith.constant 0 : index
    %get3A_5439 = vector.load %arg5[%get3A_5437, %get3A_5438] : memref<728x1xf32, #tpu.memory_space<vmem>>, vector<728x1xf32>
    %reduce_max3A_5440 = vector.shape_cast %get3A_5439 : vector<728x1xf32> to vector<1x728x1xf32>
    %reduce_max3A_5441 = arith.constant dense<0xFF800000> : vector<1xf32>
    %reduce_max3A_5442 = vector.multi_reduction <maximumf>, %reduce_max3A_5440, %reduce_max3A_5441 [1, 2] : vector<1x728x1xf32> to vector<1xf32>
    %reduce_max3A_5443 = vector.shape_cast %reduce_max3A_5442 : vector<1xf32> to vector<1x1x1xf32>
    %reduce_max3A_5444 = vector.extract %reduce_max3A_5443[0, 0, 0] : f32 from vector<1x1x1xf32>
    %eq3A_5445 = vector.broadcast %reduce_max3A_5444 : f32 to vector<728x1xf32>
    %eq3A_5446 = arith.cmpf oeq, %get3A_5439, %eq3A_5445 : vector<728x1xf32>
    %jit3A_5447 = arith.constant 728 : i32
    %broadcast_in_dim3A_5448 = vector.broadcast %jit3A_5447 : i32 to vector<728x1xi32>
    %select_n3A_5449 = arith.select %eq3A_5446, %iota3A, %broadcast_in_dim3A_5448 : vector<728x1xi1>, vector<728x1xi32>
    %reduce_min3A_5450 = vector.shape_cast %select_n3A_5449 : vector<728x1xi32> to vector<1x728x1xi32>
    %reduce_min3A_5451 = arith.constant dense<2147483647> : vector<1xi32>
    %reduce_min3A_5452 = vector.multi_reduction <minsi>, %reduce_min3A_5450, %reduce_min3A_5451 [1, 2] : vector<1x728x1xi32> to vector<1xi32>
    %reduce_min3A_5453 = vector.shape_cast %reduce_min3A_5452 : vector<1xi32> to vector<1x1x1xi32>
    %reduce_min3A_5454 = vector.extract %reduce_min3A_5453[0, 0, 0] : i32 from vector<1x1x1xi32>
    %jit3A_5455 = arith.constant 8 : i32
    %div3A_5456 = arith.divsi %reduce_min3A_5454, %jit3A_5455 : i32
    %sign3A_5457 = arith.constant 0 : i32
    %sign3A_5458 = arith.cmpi sgt, %reduce_min3A_5454, %sign3A_5457 : i32
    %sign3A_5459 = arith.extui %sign3A_5458 : i1 to i32
    %sign3A_5460 = arith.constant 0 : i32
    %sign3A_5461 = arith.cmpi slt, %reduce_min3A_5454, %sign3A_5460 : i32
    %sign3A_5462 = arith.extui %sign3A_5461 : i1 to i32
    %sign3A_5463 = arith.subi %sign3A_5459, %sign3A_5462 : i32
    %sign3A_5464 = arith.constant 0 : i32
    %sign3A_5465 = arith.cmpi sgt, %jit3A_5455, %sign3A_5464 : i32
    %sign3A_5466 = arith.extui %sign3A_5465 : i1 to i32
    %sign3A_5467 = arith.constant 0 : i32
    %sign3A_5468 = arith.cmpi slt, %jit3A_5455, %sign3A_5467 : i32
    %sign3A_5469 = arith.extui %sign3A_5468 : i1 to i32
    %sign3A_5470 = arith.subi %sign3A_5466, %sign3A_5469 : i32
    %ne3A_5471 = arith.cmpi ne, %sign3A_5463, %sign3A_5470 : i32
    %rem3A_5472 = arith.remsi %reduce_min3A_5454, %jit3A_5455 : i32
    %ne3A_5473 = arith.constant 0 : i32
    %ne3A_5474 = arith.cmpi ne, %rem3A_5472, %ne3A_5473 : i32
    %and3A_5475 = arith.andi %ne3A_5471, %ne3A_5474 : i1
    %sub3A_5476 = arith.constant 1 : i32
    %sub3A_5477 = arith.subi %div3A_5456, %sub3A_5476 : i32
    %select_n3A_5478 = arith.select %and3A_5475, %sub3A_5477, %div3A_5456 : i32
    %mul3A_5479 = arith.constant 8 : i32
    %mul3A_5480 = arith.muli %select_n3A_5478, %mul3A_5479 : i32
    %multiple_of3A_5481 = tpu.assume_multiple %mul3A_5480, 8 : i32
    %sub3A_5482 = arith.subi %reduce_min3A_5454, %multiple_of3A_5481 : i32
    %get3A_5483 = arith.index_cast %multiple_of3A_5481 : i32 to index
    %get3A_5484 = arith.constant 0 : index
    %get3A_5485 = vector.load %arg4[%get3A_5483, %get3A_5484] : memref<728x1440xf32, #tpu.memory_space<vmem>>, vector<8x1440xf32>
    %eq3A_5486 = vector.broadcast %sub3A_5482 : i32 to vector<8x1xi32>
    %eq3A_5487 = arith.cmpi eq, %iota3A_66, %eq3A_5486 : vector<8x1xi32>
    %jit3A_5488 = arith.constant -3.000000e+38 : f32
    %broadcast_in_dim3A_5489 = vector.shape_cast %eq3A_5487 : vector<8x1xi1> to vector<8x1xi1>
    %broadcast_in_dim3A_5490 = vector.broadcast %broadcast_in_dim3A_5489 : vector<8x1xi1> to vector<8x1440xi1>
    %broadcast_in_dim3A_5491 = vector.broadcast %jit3A_5488 : f32 to vector<8x1440xf32>
    %select_n3A_5492 = arith.select %broadcast_in_dim3A_5490, %get3A_5485, %broadcast_in_dim3A_5491 : vector<8x1440xi1>, vector<8x1440xf32>
    %reduce_max3A_5493 = vector.shape_cast %select_n3A_5492 : vector<8x1440xf32> to vector<1x8x1440xf32>
    %reduce_max3A_5494 = arith.constant dense<0xFF800000> : vector<1xf32>
    %reduce_max3A_5495 = vector.multi_reduction <maximumf>, %reduce_max3A_5493, %reduce_max3A_5494 [1, 2] : vector<1x8x1440xf32> to vector<1xf32>
    %reduce_max3A_5496 = vector.shape_cast %reduce_max3A_5495 : vector<1xf32> to vector<1x1x1xf32>
    %reduce_max3A_5497 = vector.extract %reduce_max3A_5496[0, 0, 0] : f32 from vector<1x1x1xf32>
    %eq3A_5498 = vector.broadcast %reduce_max3A_5497 : f32 to vector<8x1440xf32>
    %eq3A_5499 = arith.cmpf oeq, %select_n3A_5492, %eq3A_5498 : vector<8x1440xf32>
    %jit3A_5500 = arith.constant 1440 : i32
    %broadcast_in_dim3A_5501 = vector.broadcast %jit3A_5500 : i32 to vector<8x1440xi32>
    %select_n3A_5502 = arith.select %eq3A_5499, %iota3A_67, %broadcast_in_dim3A_5501 : vector<8x1440xi1>, vector<8x1440xi32>
    %reduce_min3A_5503 = vector.shape_cast %select_n3A_5502 : vector<8x1440xi32> to vector<1x8x1440xi32>
    %reduce_min3A_5504 = arith.constant dense<2147483647> : vector<1xi32>
    %reduce_min3A_5505 = vector.multi_reduction <minsi>, %reduce_min3A_5503, %reduce_min3A_5504 [1, 2] : vector<1x8x1440xi32> to vector<1xi32>
    %reduce_min3A_5506 = vector.shape_cast %reduce_min3A_5505 : vector<1xi32> to vector<1x1x1xi32>
    %reduce_min3A_5507 = vector.extract %reduce_min3A_5506[0, 0, 0] : i32 from vector<1x1x1xi32>
    %eq3A_5508 = vector.broadcast %reduce_min3A_5507 : i32 to vector<8x1440xi32>
    %eq3A_5509 = arith.cmpi eq, %iota3A_67, %eq3A_5508 : vector<8x1440xi32>
    %and3A_5510 = vector.broadcast %eq3A_5487 : vector<8x1xi1> to vector<8x1440xi1>
    %and3A_5511 = arith.andi %and3A_5510, %eq3A_5509 : vector<8x1440xi1>
    %jit3A_5512 = arith.constant -3.000000e+38 : f32
    %broadcast_in_dim3A_5513 = vector.broadcast %jit3A_5512 : f32 to vector<8x1440xf32>
    %select_n3A_5514 = arith.select %and3A_5511, %broadcast_in_dim3A_5513, %get3A_5485 : vector<8x1440xi1>, vector<8x1440xf32>
    %swap3A_5515 = arith.index_cast %multiple_of3A_5481 : i32 to index
    %swap3A_5516 = arith.constant 0 : index
    %swap3A_5517 = vector.load %arg4[%swap3A_5515, %swap3A_5516] : memref<728x1440xf32, #tpu.memory_space<vmem>>, vector<8x1440xf32>
    tpu.vector_store %arg4[%swap3A_5515, %swap3A_5516], %select_n3A_5514 {strides = array<i32>} : memref<728x1440xf32, #tpu.memory_space<vmem>>, vector<8x1440xf32>,
    %reduce_max3A_5518 = arith.constant dense<0xFF800000> : vector<8xf32>
    %reduce_max3A_5519 = vector.multi_reduction <maximumf>, %select_n3A_5514, %reduce_max3A_5518 [1] : vector<8x1440xf32> to vector<8xf32>
    %broadcast_in_dim3A_5520 = vector.shape_cast %reduce_max3A_5519 : vector<8xf32> to vector<8x1xf32>
    %swap3A_5521 = arith.index_cast %multiple_of3A_5481 : i32 to index
    %swap3A_5522 = arith.constant 0 : index
    %swap3A_5523 = vector.load %arg5[%swap3A_5521, %swap3A_5522] : memref<728x1xf32, #tpu.memory_space<vmem>>, vector<8x1xf32>
    tpu.vector_store %arg5[%swap3A_5521, %swap3A_5522], %broadcast_in_dim3A_5520 {strides = array<i32>} : memref<728x1xf32, #tpu.memory_space<vmem>>, vector<8x1xf32>,
    %eq3A_5524 = arith.constant 0 : i32
    %eq3A_5525 = vector.broadcast %eq3A_5524 : i32 to vector<1x8xi32>
    %eq3A_5526 = arith.cmpi eq, %iota3A_68, %eq3A_5525 : vector<1x8xi32>
    %convert_element_type3A_5527 = arith.sitofp %reduce_min3A_5454 : i32 to f32
    %eq3A_5528 = arith.constant 1 : i32
    %eq3A_5529 = vector.broadcast %eq3A_5528 : i32 to vector<1x8xi32>
    %eq3A_5530 = arith.cmpi eq, %iota3A_68, %eq3A_5529 : vector<1x8xi32>
    %convert_element_type3A_5531 = arith.sitofp %reduce_min3A_5507 : i32 to f32
    %eq3A_5532 = arith.constant 2 : i32
    %eq3A_5533 = vector.broadcast %eq3A_5532 : i32 to vector<1x8xi32>
    %eq3A_5534 = arith.cmpi eq, %iota3A_68, %eq3A_5533 : vector<1x8xi32>
    %jit3A_5535 = arith.constant 0.000000e+00 : f32
    %broadcast_in_dim3A_5536 = vector.broadcast %reduce_max3A_5444 : f32 to vector<1x8xf32>
    %broadcast_in_dim3A_5537 = vector.broadcast %jit3A_5535 : f32 to vector<1x8xf32>
    %select_n3A_5538 = arith.select %eq3A_5534, %broadcast_in_dim3A_5536, %broadcast_in_dim3A_5537 : vector<1x8xi1>, vector<1x8xf32>
    %broadcast_in_dim3A_5539 = vector.broadcast %convert_element_type3A_5531 : f32 to vector<1x8xf32>
    %select_n3A_5540 = arith.select %eq3A_5530, %broadcast_in_dim3A_5539, %select_n3A_5538 : vector<1x8xi1>, vector<1x8xf32>
    %broadcast_in_dim3A_5541 = vector.broadcast %convert_element_type3A_5527 : f32 to vector<1x8xf32>
    %select_n3A_5542 = arith.select %eq3A_5526, %broadcast_in_dim3A_5541, %select_n3A_5540 : vector<1x8xi1>, vector<1x8xf32>
    %swap3A_5543 = arith.constant 0 : index
    %swap3A_5544 = arith.constant 48 : index
    %swap3A_5545 = arith.constant 0 : index
    %swap3A_5546 = vector.load %arg3[%swap3A_5543, %swap3A_5544, %swap3A_5545] : memref<1x64x8xf32, #tpu.memory_space<vmem>>, vector<1x1x8xf32>
    %swap3A_5547 = vector.shape_cast %swap3A_5546 : vector<1x1x8xf32> to vector<1x8xf32>
    %swap3A_5548 = vector.shape_cast %select_n3A_5542 : vector<1x8xf32> to vector<1x1x8xf32>
    tpu.vector_store %arg3[%swap3A_5543, %swap3A_5544, %swap3A_5545], %swap3A_5548 {strides = array<i32>} : memref<1x64x8xf32, #tpu.memory_space<vmem>>, vector<1x1x8xf32>,
    %get3A_5549 = arith.constant 0 : index
    %get3A_5550 = arith.constant 0 : index
    %get3A_5551 = vector.load %arg5[%get3A_5549, %get3A_5550] : memref<728x1xf32, #tpu.memory_space<vmem>>, vector<728x1xf32>
    %reduce_max3A_5552 = vector.shape_cast %get3A_5551 : vector<728x1xf32> to vector<1x728x1xf32>
    %reduce_max3A_5553 = arith.constant dense<0xFF800000> : vector<1xf32>
    %reduce_max3A_5554 = vector.multi_reduction <maximumf>, %reduce_max3A_5552, %reduce_max3A_5553 [1, 2] : vector<1x728x1xf32> to vector<1xf32>
    %reduce_max3A_5555 = vector.shape_cast %reduce_max3A_5554 : vector<1xf32> to vector<1x1x1xf32>
    %reduce_max3A_5556 = vector.extract %reduce_max3A_5555[0, 0, 0] : f32 from vector<1x1x1xf32>
    %eq3A_5557 = vector.broadcast %reduce_max3A_5556 : f32 to vector<728x1xf32>
    %eq3A_5558 = arith.cmpf oeq, %get3A_5551, %eq3A_5557 : vector<728x1xf32>
    %jit3A_5559 = arith.constant 728 : i32
    %broadcast_in_dim3A_5560 = vector.broadcast %jit3A_5559 : i32 to vector<728x1xi32>
    %select_n3A_5561 = arith.select %eq3A_5558, %iota3A, %broadcast_in_dim3A_5560 : vector<728x1xi1>, vector<728x1xi32>
    %reduce_min3A_5562 = vector.shape_cast %select_n3A_5561 : vector<728x1xi32> to vector<1x728x1xi32>
    %reduce_min3A_5563 = arith.constant dense<2147483647> : vector<1xi32>
    %reduce_min3A_5564 = vector.multi_reduction <minsi>, %reduce_min3A_5562, %reduce_min3A_5563 [1, 2] : vector<1x728x1xi32> to vector<1xi32>
    %reduce_min3A_5565 = vector.shape_cast %reduce_min3A_5564 : vector<1xi32> to vector<1x1x1xi32>
    %reduce_min3A_5566 = vector.extract %reduce_min3A_5565[0, 0, 0] : i32 from vector<1x1x1xi32>
    %jit3A_5567 = arith.constant 8 : i32
    %div3A_5568 = arith.divsi %reduce_min3A_5566, %jit3A_5567 : i32
    %sign3A_5569 = arith.constant 0 : i32
    %sign3A_5570 = arith.cmpi sgt, %reduce_min3A_5566, %sign3A_5569 : i32
    %sign3A_5571 = arith.extui %sign3A_5570 : i1 to i32
    %sign3A_5572 = arith.constant 0 : i32
    %sign3A_5573 = arith.cmpi slt, %reduce_min3A_5566, %sign3A_5572 : i32
    %sign3A_5574 = arith.extui %sign3A_5573 : i1 to i32
    %sign3A_5575 = arith.subi %sign3A_5571, %sign3A_5574 : i32
    %sign3A_5576 = arith.constant 0 : i32
    %sign3A_5577 = arith.cmpi sgt, %jit3A_5567, %sign3A_5576 : i32
    %sign3A_5578 = arith.extui %sign3A_5577 : i1 to i32
    %sign3A_5579 = arith.constant 0 : i32
    %sign3A_5580 = arith.cmpi slt, %jit3A_5567, %sign3A_5579 : i32
    %sign3A_5581 = arith.extui %sign3A_5580 : i1 to i32
    %sign3A_5582 = arith.subi %sign3A_5578, %sign3A_5581 : i32
    %ne3A_5583 = arith.cmpi ne, %sign3A_5575, %sign3A_5582 : i32
    %rem3A_5584 = arith.remsi %reduce_min3A_5566, %jit3A_5567 : i32
    %ne3A_5585 = arith.constant 0 : i32
    %ne3A_5586 = arith.cmpi ne, %rem3A_5584, %ne3A_5585 : i32
    %and3A_5587 = arith.andi %ne3A_5583, %ne3A_5586 : i1
    %sub3A_5588 = arith.constant 1 : i32
    %sub3A_5589 = arith.subi %div3A_5568, %sub3A_5588 : i32
    %select_n3A_5590 = arith.select %and3A_5587, %sub3A_5589, %div3A_5568 : i32
    %mul3A_5591 = arith.constant 8 : i32
    %mul3A_5592 = arith.muli %select_n3A_5590, %mul3A_5591 : i32
    %multiple_of3A_5593 = tpu.assume_multiple %mul3A_5592, 8 : i32
    %sub3A_5594 = arith.subi %reduce_min3A_5566, %multiple_of3A_5593 : i32
    %get3A_5595 = arith.index_cast %multiple_of3A_5593 : i32 to index
    %get3A_5596 = arith.constant 0 : index
    %get3A_5597 = vector.load %arg4[%get3A_5595, %get3A_5596] : memref<728x1440xf32, #tpu.memory_space<vmem>>, vector<8x1440xf32>
    %eq3A_5598 = vector.broadcast %sub3A_5594 : i32 to vector<8x1xi32>
    %eq3A_5599 = arith.cmpi eq, %iota3A_66, %eq3A_5598 : vector<8x1xi32>
    %jit3A_5600 = arith.constant -3.000000e+38 : f32
    %broadcast_in_dim3A_5601 = vector.shape_cast %eq3A_5599 : vector<8x1xi1> to vector<8x1xi1>
    %broadcast_in_dim3A_5602 = vector.broadcast %broadcast_in_dim3A_5601 : vector<8x1xi1> to vector<8x1440xi1>
    %broadcast_in_dim3A_5603 = vector.broadcast %jit3A_5600 : f32 to vector<8x1440xf32>
    %select_n3A_5604 = arith.select %broadcast_in_dim3A_5602, %get3A_5597, %broadcast_in_dim3A_5603 : vector<8x1440xi1>, vector<8x1440xf32>
    %reduce_max3A_5605 = vector.shape_cast %select_n3A_5604 : vector<8x1440xf32> to vector<1x8x1440xf32>
    %reduce_max3A_5606 = arith.constant dense<0xFF800000> : vector<1xf32>
    %reduce_max3A_5607 = vector.multi_reduction <maximumf>, %reduce_max3A_5605, %reduce_max3A_5606 [1, 2] : vector<1x8x1440xf32> to vector<1xf32>
    %reduce_max3A_5608 = vector.shape_cast %reduce_max3A_5607 : vector<1xf32> to vector<1x1x1xf32>
    %reduce_max3A_5609 = vector.extract %reduce_max3A_5608[0, 0, 0] : f32 from vector<1x1x1xf32>
    %eq3A_5610 = vector.broadcast %reduce_max3A_5609 : f32 to vector<8x1440xf32>
    %eq3A_5611 = arith.cmpf oeq, %select_n3A_5604, %eq3A_5610 : vector<8x1440xf32>
    %jit3A_5612 = arith.constant 1440 : i32
    %broadcast_in_dim3A_5613 = vector.broadcast %jit3A_5612 : i32 to vector<8x1440xi32>
    %select_n3A_5614 = arith.select %eq3A_5611, %iota3A_67, %broadcast_in_dim3A_5613 : vector<8x1440xi1>, vector<8x1440xi32>
    %reduce_min3A_5615 = vector.shape_cast %select_n3A_5614 : vector<8x1440xi32> to vector<1x8x1440xi32>
    %reduce_min3A_5616 = arith.constant dense<2147483647> : vector<1xi32>
    %reduce_min3A_5617 = vector.multi_reduction <minsi>, %reduce_min3A_5615, %reduce_min3A_5616 [1, 2] : vector<1x8x1440xi32> to vector<1xi32>
    %reduce_min3A_5618 = vector.shape_cast %reduce_min3A_5617 : vector<1xi32> to vector<1x1x1xi32>
    %reduce_min3A_5619 = vector.extract %reduce_min3A_5618[0, 0, 0] : i32 from vector<1x1x1xi32>
    %eq3A_5620 = vector.broadcast %reduce_min3A_5619 : i32 to vector<8x1440xi32>
    %eq3A_5621 = arith.cmpi eq, %iota3A_67, %eq3A_5620 : vector<8x1440xi32>
    %and3A_5622 = vector.broadcast %eq3A_5599 : vector<8x1xi1> to vector<8x1440xi1>
    %and3A_5623 = arith.andi %and3A_5622, %eq3A_5621 : vector<8x1440xi1>
    %jit3A_5624 = arith.constant -3.000000e+38 : f32
    %broadcast_in_dim3A_5625 = vector.broadcast %jit3A_5624 : f32 to vector<8x1440xf32>
    %select_n3A_5626 = arith.select %and3A_5623, %broadcast_in_dim3A_5625, %get3A_5597 : vector<8x1440xi1>, vector<8x1440xf32>
    %swap3A_5627 = arith.index_cast %multiple_of3A_5593 : i32 to index
    %swap3A_5628 = arith.constant 0 : index
    %swap3A_5629 = vector.load %arg4[%swap3A_5627, %swap3A_5628] : memref<728x1440xf32, #tpu.memory_space<vmem>>, vector<8x1440xf32>
    tpu.vector_store %arg4[%swap3A_5627, %swap3A_5628], %select_n3A_5626 {strides = array<i32>} : memref<728x1440xf32, #tpu.memory_space<vmem>>, vector<8x1440xf32>,
    %reduce_max3A_5630 = arith.constant dense<0xFF800000> : vector<8xf32>
    %reduce_max3A_5631 = vector.multi_reduction <maximumf>, %select_n3A_5626, %reduce_max3A_5630 [1] : vector<8x1440xf32> to vector<8xf32>
    %broadcast_in_dim3A_5632 = vector.shape_cast %reduce_max3A_5631 : vector<8xf32> to vector<8x1xf32>
    %swap3A_5633 = arith.index_cast %multiple_of3A_5593 : i32 to index
    %swap3A_5634 = arith.constant 0 : index
    %swap3A_5635 = vector.load %arg5[%swap3A_5633, %swap3A_5634] : memref<728x1xf32, #tpu.memory_space<vmem>>, vector<8x1xf32>
    tpu.vector_store %arg5[%swap3A_5633, %swap3A_5634], %broadcast_in_dim3A_5632 {strides = array<i32>} : memref<728x1xf32, #tpu.memory_space<vmem>>, vector<8x1xf32>,
    %eq3A_5636 = arith.constant 0 : i32
    %eq3A_5637 = vector.broadcast %eq3A_5636 : i32 to vector<1x8xi32>
    %eq3A_5638 = arith.cmpi eq, %iota3A_68, %eq3A_5637 : vector<1x8xi32>
    %convert_element_type3A_5639 = arith.sitofp %reduce_min3A_5566 : i32 to f32
    %eq3A_5640 = arith.constant 1 : i32
    %eq3A_5641 = vector.broadcast %eq3A_5640 : i32 to vector<1x8xi32>
    %eq3A_5642 = arith.cmpi eq, %iota3A_68, %eq3A_5641 : vector<1x8xi32>
    %convert_element_type3A_5643 = arith.sitofp %reduce_min3A_5619 : i32 to f32
    %eq3A_5644 = arith.constant 2 : i32
    %eq3A_5645 = vector.broadcast %eq3A_5644 : i32 to vector<1x8xi32>
    %eq3A_5646 = arith.cmpi eq, %iota3A_68, %eq3A_5645 : vector<1x8xi32>
    %jit3A_5647 = arith.constant 0.000000e+00 : f32
    %broadcast_in_dim3A_5648 = vector.broadcast %reduce_max3A_5556 : f32 to vector<1x8xf32>
    %broadcast_in_dim3A_5649 = vector.broadcast %jit3A_5647 : f32 to vector<1x8xf32>
    %select_n3A_5650 = arith.select %eq3A_5646, %broadcast_in_dim3A_5648, %broadcast_in_dim3A_5649 : vector<1x8xi1>, vector<1x8xf32>
    %broadcast_in_dim3A_5651 = vector.broadcast %convert_element_type3A_5643 : f32 to vector<1x8xf32>
    %select_n3A_5652 = arith.select %eq3A_5642, %broadcast_in_dim3A_5651, %select_n3A_5650 : vector<1x8xi1>, vector<1x8xf32>
    %broadcast_in_dim3A_5653 = vector.broadcast %convert_element_type3A_5639 : f32 to vector<1x8xf32>
    %select_n3A_5654 = arith.select %eq3A_5638, %broadcast_in_dim3A_5653, %select_n3A_5652 : vector<1x8xi1>, vector<1x8xf32>
    %swap3A_5655 = arith.constant 0 : index
    %swap3A_5656 = arith.constant 49 : index
    %swap3A_5657 = arith.constant 0 : index
    %swap3A_5658 = vector.load %arg3[%swap3A_5655, %swap3A_5656, %swap3A_5657] : memref<1x64x8xf32, #tpu.memory_space<vmem>>, vector<1x1x8xf32>
    %swap3A_5659 = vector.shape_cast %swap3A_5658 : vector<1x1x8xf32> to vector<1x8xf32>
    %swap3A_5660 = vector.shape_cast %select_n3A_5654 : vector<1x8xf32> to vector<1x1x8xf32>
    tpu.vector_store %arg3[%swap3A_5655, %swap3A_5656, %swap3A_5657], %swap3A_5660 {strides = array<i32>} : memref<1x64x8xf32, #tpu.memory_space<vmem>>, vector<1x1x8xf32>,
    return
  }
  func.func @transform_0(%arg0: i32) -> (i32, i32, i32, i32) {
    %c3_i32 = arith.constant 3 : i32
    %c0_i32 = arith.constant 0 : i32
    %c0_i32_0 = arith.constant 0 : i32
    %c0_i32_1 = arith.constant 0 : i32
    return %arg0, %c3_i32, %c0_i32, %c0_i32_0 : i32, i32, i32, i32
  }
  func.func @transform_1(%arg0: i32) -> (i32, i32, i32, i32) {
    %c4_i32 = arith.constant 4 : i32
    %c0_i32 = arith.constant 0 : i32
    %c0_i32_0 = arith.constant 0 : i32
    %c0_i32_1 = arith.constant 0 : i32
    return %arg0, %c4_i32, %c0_i32, %c0_i32_0 : i32, i32, i32, i32
  }
  func.func @transform_2(%arg0: i32) -> (i32, i32, i32) {
    %c0_i32 = arith.constant 0 : i32
    %c0_i32_0 = arith.constant 0 : i32
    %c0_i32_1 = arith.constant 0 : i32
    return %arg0, %c0_i32, %c0_i32_0 : i32, i32, i32
  }
}

</mosaic_0001>

<sc_bundles>
// kernel: kernel.4.cloned.1.call-start
scs
__scs_entry_jumppad:
0x0: {  	(pc) =	sbr.rel $0x88, $3  }
0x1: {  	(tag) =	ssettag $0x0;
	lr =	simm.s32 $0x1  }
0x2: {  	[smem:$0x3FA0] =	sst lr;
	_ =	strace $0xD0000000  }
0x3: {  	_ = 	snop  }
0x4: {  	_ = 	snop  }
0x5: {  	_ = 	snop  }
0x6: {  	_ = 	snop  }
0x7: {  	_ = 	snop  }
__scs_overlays_trampoline_lowered:
0x8: {  	[smem:$0x3FAF] =	sst s0  }
0x9: {  	[smem:$0x3FB0] =	sst s1  }
0xa: {  	[smem:$0x3FB1] =	sst s2  }
0xb: {  	[smem:$0x3FB2] =	sst s3  }
0xc: {  	[smem:$0x3FB3] =	sst s4  }
0xd: {  	[smem:$0x3FB4] =	sst s5  }
0xe: {  	[smem:$0x3FB5] =	sst s6  }
0xf: {  	[smem:$0x3FB6] =	sst s7  }
0x10: {  	[smem:$0x3FB7] =	sst s8  }
0x11: {  	[smem:$0x3FB8] =	sst s9;
	s0 =	simm.s32 @!p0 $0x0  }
0x12: {  	s1 =	sld [smem:$0x3F9E];
	s0 =	simm.s32 @p0 $0x1  }
0x13: {  	[smem:$0x3FB9] =	sst s0;
	s0 =	simm.s32 @!p1 $0x0  }
0x14: {  	s2 =	sld [smem:$0x3F9D];
	s0 =	simm.s32 @p1 $0x1  }
0x15: {  	[smem:$0x3FBA] =	sst s0;
	s0 =	simm.s32 @!p2 $0x0  }
0x16: {  	s3 =	sld [smem:$0x3FDB];
	s0 =	simm.s32 @p2 $0x1  }
0x17: {  	s4 =	simm.s32 $0x1BF5;
	[smem:$0x3FBC] =	sst s0  }
0x18: {  	s0 =	sld [smem:$0x3F9F];
	_ =	swait.ge [sflag:s4], $0x0  }
0x19: {  	s7 =	sld [smem:$0x3FA0]  }
0x1a: {  	s8 =	sadd.s32 $0xFFFFE003, lr  }
0x1b: {  	s9 =	sadd.s32 $0xFFFFFEF7, lr;
	s5 =	simm.s32 $0xFFFFFFFF;
	p2 =	slt.u32 s8, $0xFFFFF086  }
0x1c: {  	p1 =	slt.u32 s9, $0xF7A;
	s5 =	simm.s32 @!p2 $0x0  }
0x1d: {  	s5 =	simm.s32 @p1 $0x1;
	p0 =	seq.s32 s7, s2  }
0x1e: {  	s7 =	smul.u32 @!p0 $0xF7A, s2;
	p2 =	seq.s32 @!p0 s5, $0x0  }
0x1f: {  	s9 =	smul.u32 $0xF7A, s1;
	s8 =	simm.s32 @!p0 $0x1BF5;
	p2 =	por !p2, p0  }
0x20: {  	[sflag:s8] =	ssyncset.s32 @!p0 $0xFFFFF086;
	s6 =	sadd.s32 @!p0 s3, s7;
	s7 =	simm.s32 @!p0 $0x108  }
0x21: {  	s3 =	sadd.s32 s3, s9;
	s6 =	sadd.s32 @!p0 $0x88, s6;
	s7 =	simm.s32 @p2 $0x1082  }
0x22: {  	[simem:s7], [sflag:s8] =	dma.local @!p0 [hbm:s6], $0xF7A  }
0x23: {  	s9 =	sor.u32 $0xD0000000, s2;
	s6 =	simm.s32 $0x108;
	_ =	swait.ge @!p0 [sflag:s8], $0x0  }
0x24: {  	s3 =	sadd.s32 $0x88, s3;
	s6 =	simm.s32 @!p1 $0x1082;
	[sflag:s4] =	ssyncset.s32 $0xFFFFF086  }
0x25: {  	[simem:s6], [sflag:s4] =	dma.local [hbm:s3], $0xF7A  }
0x26: {  	[smem:$0x3FA0] =	sst s1;
	(tag) =	ssettag s2;
	_ =	strace s9  }
0x27: {  	s1 =	sld [smem:$0x3FB0]  }
0x28: {  	s2 =	sld [smem:$0x3FB1]  }
0x29: {  	s4 =	sld [smem:$0x3FB3]  }
0x2a: {  	p0 =	seq.s32 s5, $0x0;
	s5 =	sld [smem:$0x3FB4]  }
0x2b: {  	s6 =	sld [smem:$0x3FB5]  }
0x2c: {  	s7 =	sld [smem:$0x3FB6]  }
0x2d: {  	s3 =	simm.s32 $0x108;
	s8 =	sld [smem:$0x3FB7]  }
0x2e: {  	s3 =	simm.s32 @!p0 $0x1082;
	s9 =	sld [smem:$0x3FB8]  }
0x2f: {  	lr =	sadd.s32 s0, s3;
	s0 =	sld [smem:$0x3FAF]  }
0x30: {  	s3 =	sld [smem:$0x3FB2]  }
0x31: {  	[smem:$0x3FBB] =	sst s10  }
0x32: {  	s10 =	sld [smem:$0x3FB9];
	_ =	sdelay $0x3  }
0x33: {  	p0 =	seq.s32 s10, $0x1;
	s10 =	sld [smem:$0x3FBB];
	_ =	sdelay $0x3  }
0x34: {  	[smem:$0x3FBB] =	sst s10  }
0x35: {  	s10 =	sld [smem:$0x3FBA];
	_ =	sdelay $0x3  }
0x36: {  	p1 =	seq.s32 s10, $0x1;
	s10 =	sld [smem:$0x3FBB];
	_ =	sdelay $0x3  }
0x37: {  	[smem:$0x3FBB] =	sst s10  }
0x38: {  	s10 =	sld [smem:$0x3FBC]  }
0x39: {  	_ = 	snop;
	(pc) =	sbr.ind lr, $3  }
0x3a: {  	_ = 	snop  }
0x3b: {  	_ = 	snop  }
0x3c: {  	p2 =	seq.s32 s10, $0x1;
	s10 =	sld [smem:$0x3FBB]  }
0x3d: {  	_ =	shalt  }
0x3e: {  	_ =	shalt  }
0x3f: {  	_ =	shalt  }
0x40: {  	_ =	shalt  }
0x41: {  	_ =	shalt  }
0x42: {  	_ =	shalt  }
0x43: {  	_ =	shalt  }
0x44: {  	_ =	shalt  }
0x45: {  	_ =	shalt  }
0x46: {  	_ =	shalt  }
0x47: {  	_ =	shalt  }
0x48: {  	_ =	shalt  }
0x49: {  	_ =	shalt  }
0x4a: {  	_ =	shalt  }
0x4b: {  	_ =	shalt  }
0x4c: {  	_ =	shalt  }
0x4d: {  	_ =	shalt  }
0x4e: {  	_ =	shalt  }
0x4f: {  	_ =	shalt  }
0x50: {  	_ =	shalt  }
0x51: {  	_ =	shalt  }
0x52: {  	_ =	shalt  }
0x53: {  	_ =	shalt  }
0x54: {  	_ =	shalt  }
0x55: {  	_ =	shalt  }
0x56: {  	_ =	shalt  }
0x57: {  	_ =	shalt  }
0x58: {  	_ =	shalt  }
0x59: {  	_ =	shalt  }
0x5a: {  	_ =	shalt  }
0x5b: {  	_ =	shalt  }
0x5c: {  	_ =	shalt  }
0x5d: {  	_ =	shalt  }
0x5e: {  	_ =	shalt  }
0x5f: {  	_ =	shalt  }
0x60: {  	_ =	shalt  }
0x61: {  	_ =	shalt  }
0x62: {  	_ =	shalt  }
0x63: {  	_ =	shalt  }
0x64: {  	_ =	shalt  }
0x65: {  	_ =	shalt  }
0x66: {  	_ =	shalt  }
0x67: {  	_ =	shalt  }
0x68: {  	_ =	shalt  }
0x69: {  	_ =	shalt  }
0x6a: {  	_ =	shalt  }
0x6b: {  	_ =	shalt  }
0x6c: {  	_ =	shalt  }
0x6d: {  	_ =	shalt  }
0x6e: {  	_ =	shalt  }
0x6f: {  	_ =	shalt  }
0x70: {  	_ =	shalt  }
0x71: {  	_ =	shalt  }
0x72: {  	_ =	shalt  }
0x73: {  	_ =	shalt  }
0x74: {  	_ =	shalt  }
0x75: {  	_ =	shalt  }
0x76: {  	_ =	shalt  }
0x77: {  	_ =	shalt  }
0x78: {  	_ =	shalt  }
0x79: {  	_ =	shalt  }
0x7a: {  	_ =	shalt  }
0x7b: {  	_ =	shalt  }
0x7c: {  	_ =	shalt  }
0x7d: {  	_ =	shalt  }
0x7e: {  	_ =	shalt  }
0x7f: {  	_ =	shalt  }
0x80: {  	_ =	shalt  }
0x81: {  	_ =	shalt  }
0x82: {  	_ =	shalt  }
0x83: {  	_ =	shalt  }
0x84: {  	_ =	shalt  }
0x85: {  	_ =	shalt  }
0x86: {  	_ =	shalt  }
0x87: {  	_ =	shalt  }
.Lfunc_end0:
.L_simem_size_0:
called_computation_lowered:
.L_overlay_start_0:
0x88: {  	s2 =	sld [smem:$0x3FD9]  }
0x89: {  	s3 =	sld [smem:$0x3FFE];
	_ =	sdelay $0x1  }
0x8a: {  	s1 =	srdreg.scid  }
0x8b: {  	s0 =	sand.u32 $0x1, s1  }
0x8c: {  	s16 =	sshll.u32 s0, $0xA;
	s2 =	sadd.s32 s3, s2  }
0x8d: {  	s2 =	sadd.s32 s2, s16  }
0x8e: {  	[smem:$0x3FC7] =	sst s2  }
0x8f: {  	_ = 	snop  }
0x90: {  	(tm) =	ssettm $0x1  }
0x91: {  	s17 =	sld [smem:$0x3FFB];
	_ =	sdelay $0x3  }
0x92: {  	_ =	strace s17  }
0x93: {  	s2 =	sld [smem:$0x3FFC];
	_ =	sdelay $0x3  }
0x94: {  	_ =	strace s2  }
0x95: {  	s2 =	sld [smem:$0x3FFD];
	_ =	sdelay $0x3  }
0x96: {  	_ =	strace s2  }
0x97: {  	_ =	strace $0x8FFFFFFF  }
0x98: {  	s18 =	sld [smem:$0x3FDB];
	_ =	sdelay $0x1  }
0x99: {  	s19 =	simm.s32 $_scs_section_size  }
0x9a: {  	s4 =	simm.s32 $_size__tile_overlayer_lowered;
	s5 =	simm.s32 $_tile_overlayer_lowered  }
0x9b: {  	s22 =	simm.s32 $0x1BFF;
	s21 =	sshll.u32 s5, $0x1;
	s2 =	sadd.s32 s19, s18  }
0x9c: {  	s6 =	simm.s32 $0x0;
	s20 =	sshll.u32 s4, $0x1;
	s4 =	sadd.s32 s21, s2  }
0x9d: {  	[timem:s6], [sflag:s22] =	dma.local [hbm:s4], s20  }
0x9e: {  	_ =	swait.ge [sflag:s22], s20  }
0x9f: {  	s3 =	ssub.s32 $0x0, s20;
	[sflag:s22] =	ssyncset.done $0x0  }
0xa0: {  	[sflag:s22] =	ssyncadd.s32 s3;
	_ =	sdelay $0x1  }
0xa1: {  	s23 =	simm.s32 $0x1B8B  }
0xa2: {  	_ =	swait.ge [sflag:s23], $0x1  }
0xa3: {  	[sflag:s23] =	ssyncset.done $0x0  }
0xa4: {  	s25 =	simm.s32 $0x1B8E;
	s24 =	sld [smem:$0x3FFE];
	[sflag:s23] =	ssyncadd.s32 $0xFFFFFFFF  }
0xa5: {  	s26 =	simm.s32 $execute0_lowered;
	[smem:$0x3FD2] =	sst s25  }
0xa6: {  	s4 =	sshll.u32 s26, $0x1;
	_ =	strace $0x80000046;
	[dreg:$0x1] =	wrdreg $0xFFFFFFFF  }
0xa7: {  	s28 =	simm.s32 $_size_execute0_lowered;
	s2 =	sadd.s32 s2, s4;
	[dreg:$0x0] =	wrdreg $0x0  }
0xa8: {  	s4 =	sshll.u32 s28, $0x1;
	[dreg:$0x2] =	wrdreg s2  }
0xa9: {  	[dreg:$0x3] =	wrdreg s4  }
0xaa: {  	[dreg:$0x4] =	wrdreg $0xC0  }
0xab: {  	_ =	task [dreg:s6], $0x5FFFF  }
0xac: {  	[dreg:$0x1] =	wrdreg $0xFFFFFFFF  }
0xad: {  	[dreg:$0x0] =	wrdreg $0x60  }
0xae: {  	[dreg:$0x2] =	wrdreg s24  }
0xaf: {  	[dreg:$0x3] =	wrdreg $0x9  }
0xb0: {  	_ =	task.clear_ibuf [dreg:s6], $0x4FFFF;
	_ =	strace $0x90000046  }
0xb1: {  	s29 =	simm.s32 $0x9;
	_ =	strace $0x80000048  }
0xb2: {  	_ =	swait.ge [sflag:s29], $0x1  }
0xb3: {  	[sflag:s29] =	ssyncadd.s32 $0xFFFFFFFF  }
0xb4: {  	_ =	strace $0x90000048  }
0xb5: {  	_ =	sfence  }
0xb6: {  	s30 =	sld [smem:$0x0];
	_ =	sdelay $0x2  }
0xb7: {  	s31 =	sshll.u32 s1, $0xD;
	s1 =	sshrl.u32 s1, $0x2  }
0xb8: {  	s3 =	sand.u32 $0x4000, s31;
	s1 =	sadd.s32 s1, s30  }
0xb9: {  	s0 =	sor.u32 s3, s0;
	s1 =	sshll.u32 s1, $0x11  }
0xba: {  	s0 =	sor.u32 s1, s0  }
0xbb: {  	s0 =	sadd.s32 $0x8F2B, s0  }
0xbc: {  	[sflag:s0] =	ssyncadd.remote.s32 $0x1  }
0xbd: {  	_ =	sfence.sel $0xFFFF  }
0xbe: {  	[dreg:$0x0] =	wrdreg $0xFFFFFFFF;
	(pc) =	sbr.abs _section_cstart, $3  }
0xbf: {  	[dreg:$0x1] =	wrdreg $0xFFFFFFFF  }
0xc0: {  	_ =	task.clear_ibuf [dreg:s6], $0x2FFFF;
	_ =	strace $0x9FFFFFFF  }
0xc1: {  	(tm) =	ssettm $0x7FFFFFFF  }
tec
execute0_lowered:
.L_overlay_start_1:
0x0: {  	(tag) =	ssettag $0x1  }
0x1: {  	s0 =	srdreg.scid  }
0x2: {  	s3 =	sand.u32 $0x1, s0;
	s0 =	stileid.u32  }
0x3: {  	s2 =	sshll.u32 s3, $0x4;
	s4 =	ssub.s32 $0x0, s0  }
0x4: {  	p0 =	sne.s32 s2, s4  }
.Ltmp0:
0x5: {  	_ = 	snop;
	(pc) =	sbr.rel @p0 .LBB2_4-.Ltmp0, $3  }
0x6: {  	_ =	sdelay $0x1  }
0x7: {  	s5 =	rddreg [dreg:$0x0]  }
0x8: {  	s1 =	rddreg [dreg:$0x1];
	_ =	strace $0x80000047  }
0x9: {  	s2 =	sadd.s32 $0x600, s5;
	s6 =	ssub.s32 $0x2, s3;
	s4 =	simm.s32 $0x0  }
0xa: {  	[tilespmem:s4], [sflag:$0x1] =	stream.linear.gather [hbm4b:s2+s4], $0x10, $0x38;
	[tilespmem:$0x80] =	vst v63  }
0xb: {  	s7 =	sshrl.u32 s6, $0x1  }
0xc: {  	s6 =	ssub.s32 s6, s7  }
0xd: {  	s3 =	simm.s32 $0x1;
	s6 =	smax.u32 s6, $0x1  }
0xe: {  	_ =	swait.ge [sflag:s3], $0x10;
	p0 =	sne.s32 s6, $0x1  }
.Ltmp1:
0xf: {  	[sflag:s3] =	ssyncset.done $0x0;
	(pc) =	sbr.rel @!p0 .LBB2_3-.Ltmp1, $4  }
0x10: {  	s5 =	sadd.s32 $0x13D400, s5;
	[sflag:s3] =	ssyncadd.s32 $0xFFFFFFF0  }
0x11: {  	[hbm4b:s5+s4] =	stream.linear.scatter [tilespmem:s4], [sflag:$0x1], $0x10, $0x38;
	[tilespmem:$0x80] =	vst v63  }
0x12: {  	_ =	swait.ge [sflag:s3], $0x10  }
0x13: {  	s6 =	sadd.s32 $0xFFFFFFFF, s6;
	[sflag:s3] =	ssyncset.done $0x0  }
.LBB2_2:
0x14: {  	p0 =	sne.s32 s6, $0x1;
	s6 =	sadd.s32 $0xFFFFFFFF, s6;
	[sflag:s3] =	ssyncadd.s32 $0xFFFFFFF0  }
0x15: {  	[tilespmem:s4], [sflag:$0x1] =	stream.linear.gather [hbm4b:s2+s4], $0x10, $0x38;
	[tilespmem:$0x80] =	vst v63  }
0x16: {  	_ =	swait.ge [sflag:s3], $0x10  }
.Ltmp2:
0x17: {  	[sflag:s3] =	ssyncset.done $0x0;
	(pc) =	sbr.rel @p0 .LBB2_2-.Ltmp2, $4  }
0x18: {  	[sflag:s3] =	ssyncadd.s32 $0xFFFFFFF0  }
0x19: {  	[hbm4b:s5+s4] =	stream.linear.scatter [tilespmem:s4], [sflag:$0x1], $0x10, $0x38;
	[tilespmem:$0x80] =	vst v63  }
0x1a: {  	_ =	swait.ge [sflag:s3], $0x10  }
0x1b: {  	[sflag:s3] =	ssyncset.done $0x0  }
.LBB2_3:
0x1c: {  	[sflag:s3] =	ssyncadd.s32 $0xFFFFFFF0  }
.LBB2_4:
0x1d: {  	_ =	sfence.sel $0x180000  }
0x1e: {  	[bflag:$0x0] =	sbarrier.arrive $0xFFFF  }
0x1f: {  	p0 =	sne.s32 s0, $0x0;
	_ =	strace $0x90000047  }
0x20: {  	s0 =	sadd.s32 @!p0 $0x100000, s1;
	[bflag:$0x2] =	sbarrier.arrive $0xFFFF  }
0x21: {  	[sflag:s0] =	ssyncadd.tile.s32 @!p0 $0x1;
	_ =	shalt  }
.Lfunc_end2:
_tile_overlayer_lowered:
.L_overlay_start_2:
0x22: {  	(tag) =	ssettag $0x2  }
0x23: {  	s0 =	rddreg [dreg:$0x0];
	s2 =	stileid.u32  }
0x24: {  	s1 =	rddreg [dreg:$0x1];
	p0 =	sne.s32 s2, $0x0  }
0x25: {  	s3 =	rddreg [dreg:$0x2];
	[bflag:$0x3] =	sbarrier.arrive $0xFFFF;
	s2 =	simm.s32 @!p0 $0x1C01  }
0x26: {  	[timem:s3], [sflag:s2] =	dma.local @!p0 [hbm:s0], s1  }
0x27: {  	s0 =	simm.s32 @!p0 $0x1  }
0x28: {  	_ =	swait.ge @!p0 [sflag:s0], s1  }
0x29: {  	s1 =	ssub.s32 @!p0 $0x0, s1;
	[sflag:s0] =	ssyncset.done @!p0 $0x0  }
0x2a: {  	[sflag:s0] =	ssyncadd.s32 @!p0 s1  }
0x2b: {  	[bflag:$0x3] =	sbarrier.arrive $0xFFFF  }
0x2c: {  	_ =	shalt  }

</sc_bundles>
